<compile_context>
chip_gen: v7x
topology: tpu7x:2x2x1
jax: 0.10.2.dev20260603
libtpu: 0.0.44.dev20260713+nightly
codegen_flags: <defaults>
</compile_context>

<pallas_src>
import functools

import jax
import jax.numpy as jnp
from jax import lax
from jax.experimental import pallas as pl
from jax.experimental.pallas import tpu as pltpu
from jax.experimental.pallas import tpu_sc as plsc

N_NODES = 50000
N_EDGES = 1600000
E_PAD = 1638400

NC = 2
NS = 16
NW = NC * NS
CHUNK = 2048
CHUNK_S = 512
NPS = N_NODES // NS

HALF0_E = 104 * 8192
HALF1_E = 96 * 8192

_MESH = plsc.VectorSubcoreMesh(core_axis_name="c", subcore_axis_name="s")
_SC_PARAMS = pltpu.CompilerParams(use_tc_tiling_on_sc=False)

F32 = jnp.float32


def _make_gather(n_edges):
    epw = n_edges // NW

    @functools.partial(
        pl.kernel,
        mesh=_MESH,
        out_type=jax.ShapeDtypeStruct((2, n_edges, 16), F32),
        scratch_types=[
            pltpu.VMEM((CHUNK,), jnp.int32),
            pltpu.VMEM((CHUNK,), jnp.int32),
            pltpu.VMEM((CHUNK, 16), F32),
            pltpu.VMEM((CHUNK, 16), F32),
            pltpu.SemaphoreType.DMA,
            pltpu.SemaphoreType.DMA,
        ],
        compiler_params=_SC_PARAMS,
    )
    def _sc_gather2(table_hbm, start_hbm, end_hbm, out_hbm, idx_s, idx_e,
                    rows_s, rows_e, sem_s, sem_e):
        wid = lax.axis_index("s") * NC + lax.axis_index("c")
        base = wid * epw

        @pl.loop(0, epw, step=CHUNK)
        def _(off):
            b = base + off
            pltpu.sync_copy(start_hbm.at[pl.ds(b, CHUNK)], idx_s)
            pltpu.sync_copy(end_hbm.at[pl.ds(b, CHUNK)], idx_e)
            cp_s = pltpu.async_copy(table_hbm.at[idx_s], rows_s, sem_s)
            cp_e = pltpu.async_copy(table_hbm.at[idx_e], rows_e, sem_e)
            cp_s.wait()
            cp_e.wait()
            pltpu.sync_copy(rows_s, out_hbm.at[0, pl.ds(b, CHUNK)])
            pltpu.sync_copy(rows_e, out_hbm.at[1, pl.ds(b, CHUNK)])

    return _sc_gather2


_GATHER = {n: _make_gather(n) for n in (HALF0_E, HALF1_E)}


def _make_scatter(n_edges):
    epw = n_edges // NW

    @functools.partial(
        pl.kernel,
        mesh=_MESH,
        out_type=jax.ShapeDtypeStruct((NC, N_NODES, 32), F32),
        scratch_types=[
            pltpu.VMEM_SHARED((N_NODES, 32), F32),
            pltpu.VMEM((CHUNK_S,), jnp.int32),
            pltpu.VMEM((CHUNK_S, 32), F32),
        ],
        compiler_params=_SC_PARAMS,
    )
    def _sc_scatter_add(vals_hbm, end_hbm, zero_hbm, out_hbm, acc_sh, idx_v,
                        vals_v):
        c = lax.axis_index("c")
        s = lax.axis_index("s")
        wid = s * NC + c
        pltpu.sync_copy(zero_hbm.at[pl.ds(s * NPS, NPS)],
                        acc_sh.at[pl.ds(s * NPS, NPS)])
        plsc.subcore_barrier()
        base = wid * epw

        @pl.loop(0, epw, step=CHUNK_S)
        def _(off):
            b = base + off
            pltpu.sync_copy(end_hbm.at[pl.ds(b, CHUNK_S)], idx_v)
            pltpu.sync_copy(vals_hbm.at[pl.ds(b, CHUNK_S)], vals_v)
            pltpu.sync_copy(vals_v, acc_sh.at[idx_v], add=True)

        plsc.subcore_barrier()
        pltpu.sync_copy(acc_sh.at[pl.ds(s * NPS, NPS)],
                        out_hbm.at[c, pl.ds(s * NPS, NPS)])

    return _sc_scatter_add


_SCATTER = {n: _make_scatter(n) for n in (HALF0_E, HALF1_E)}


def _dot_bf16(a, w):
    return lax.dot_general(a, w, (((1,), (0,)), ((), ())),
                           preferred_element_type=F32)


def _dot(a, w):
    ah = a.astype(jnp.bfloat16)
    wh = w.astype(jnp.bfloat16)
    al = (a - ah.astype(F32)).astype(jnp.bfloat16)
    wl = (w - wh.astype(F32)).astype(jnp.bfloat16)
    return (_dot_bf16(ah, wl) + _dot_bf16(al, wh)) + _dot_bf16(ah, wh)


def _silu(x):
    return x * lax.logistic(x)


def _ln_silu(x, g, be):
    m = jnp.mean(x, axis=-1, keepdims=True)
    v = jnp.mean((x - m) ** 2, axis=-1, keepdims=True)
    return _silu((x - m) / jnp.sqrt(v + 1e-5) * g + be)


def _ln_silu_masked(x, g, be, d, width):
    lanes = lax.broadcasted_iota(jnp.int32, x.shape, 1)
    mask = lanes < d
    xm = jnp.where(mask, x, 0.0)
    m = jnp.sum(xm, axis=-1, keepdims=True) / d
    v = jnp.sum(jnp.where(mask, (x - m) ** 2, 0.0), axis=-1, keepdims=True) / d
    return _silu((x - m) / jnp.sqrt(v + 1e-5) * g + be)


BLK_E = 8192
BLK_N = 2000

_WSPEC2 = lambda r, c: pl.BlockSpec((r, c), lambda i: (0, 0))


def _ln_silu_t(y):
    m = jnp.mean(y, axis=0, keepdims=True)
    v = jnp.mean((y - m) ** 2, axis=0, keepdims=True)
    return _silu((y - m) / jnp.sqrt(v + 1e-5))


def _ln_silu_t_masked(y, d):
    rows = lax.broadcasted_iota(jnp.int32, y.shape, 0)
    mask = rows < d
    ym = jnp.where(mask, y, 0.0)
    m = jnp.sum(ym, axis=0, keepdims=True) / d
    v = jnp.sum(jnp.where(mask, (y - m) ** 2, 0.0), axis=0, keepdims=True) / d
    return _silu((y - m) / jnp.sqrt(v + 1e-5))


def _edge_msgex_t(act):
    ex = jnp.exp(act[16:17, :])
    rows = lax.broadcasted_iota(jnp.int32, act.shape, 0)
    full = act * ex
    return jnp.where(rows < 16, full, jnp.where(rows == 16, ex, 0.0))


def _unpack16_t(p):
    pt = p.T
    return jnp.concatenate(
        [pt[16 * j:16 * j + 16, :] for j in range(8)], axis=1)


def _pack_msgex(m, i):
    g = [m[:, j * (BLK_E // 8):(j + 1) * (BLK_E // 8)].T for j in range(8)]
    even = jnp.concatenate(g[:4], axis=1)
    odd = jnp.concatenate(g[4:], axis=1)
    out = jnp.stack([even, odd], axis=1).reshape(BLK_E // 4, 128)
    rows = lax.broadcasted_iota(jnp.int32, out.shape, 0) + i * (BLK_E // 4)
    return jnp.where(rows < N_EDGES // 4, out, 0.0)


def _make_edge_a_body(blk_base):
    def _edge_a_body(ps_ref, pe_ref, w1at_ref, w1bt_ref, w2t_ref, msgex_ref,
                     e16t_ref):
        hst = _unpack16_t(ps_ref[0])
        het = _unpack16_t(pe_ref[0])
        y = _dot(w1at_ref[...], hst) + _dot(w1bt_ref[...], het)
        y = _ln_silu_t(y)
        z = _dot(w2t_ref[...], y)
        act = _ln_silu_t_masked(z, 17)
        msgex_ref[...] = _pack_msgex(_edge_msgex_t(act),
                                     pl.program_id(0) + blk_base)
        e16t_ref[...] = act[:16, :]

    return _edge_a_body


def _make_edge_b_body(blk_base):
    def _edge_b_body(ps_ref, pe_ref, e16t_ref, w1at_ref, w1bt_ref, w1ct_ref,
                     w2t_ref, msgex_ref):
        hst = _unpack16_t(ps_ref[0])
        het = _unpack16_t(pe_ref[0])
        ept = e16t_ref[...]
        y = (_dot(w1at_ref[...], hst) + _dot(w1bt_ref[...], het)
             + _dot(w1ct_ref[...], ept))
        y = _ln_silu_t(y)
        z = _dot(w2t_ref[...], y)
        act = _ln_silu_t_masked(z, 17)
        msgex_ref[...] = _pack_msgex(_edge_msgex_t(act),
                                     pl.program_id(0) + blk_base)

    return _edge_b_body


def _enc_body(x_ref, w1_ref, w2_ref, pp_ref, v_ref):
    x = x_ref[...]
    w1 = w1_ref[...]
    pp = pp_ref[...]
    xh = x.astype(jnp.bfloat16).astype(F32)
    xl = (x - xh).astype(jnp.bfloat16).astype(F32)
    wh = w1.astype(jnp.bfloat16).astype(F32)
    wl = (w1 - wh).astype(jnp.bfloat16).astype(F32)

    def _pass(a, b):
        return ((a[:, 0:1] * b[0:1, :] + a[:, 1:2] * b[1:2, :])
                + a[:, 2:3] * b[2:3, :])

    y = (((_pass(xh, wl) + _pass(xl, wh)) + _pass(xh, wh)) + pp[0:1, :])
    y = _ln_silu(y, pp[1:2, :], pp[2:3, :])
    y = _dot(y, w2_ref[...]) + pp[3:4, :16]
    v_ref[...] = _ln_silu(y, pp[4:5, :16], pp[5:6, :16])


def _node_body(h_ref, p0_ref, p1_ref, p2_ref, p3_ref, w1_ref, w2_ref, pp_ref,
               out_ref):
    h = h_ref[...]
    sums = p0_ref[0] + p1_ref[0] + p2_ref[0] + p3_ref[0]
    agg = sums[:, :16] / (sums[:, 16:17] + 1e-16)
    w1 = w1_ref[...]
    pp = pp_ref[...]
    y = _dot(h, w1[:16]) + _dot(agg, w1[16:32]) + pp[0:1, :]
    y = _ln_silu(y, pp[1:2, :], pp[2:3, :])
    y = _dot(y, w2_ref[...]) + pp[3:4, :16]
    out_ref[...] = _ln_silu(y, pp[4:5, :16], pp[5:6, :16])


def _node_dec_body(h_ref, p0_ref, p1_ref, p2_ref, p3_ref, w1_ref, w2_ref,
                   pp_ref, dw1_ref, dw2_ref, dpp_ref, out_ref):
    h = h_ref[...]
    sums = p0_ref[0] + p1_ref[0] + p2_ref[0] + p3_ref[0]
    agg = sums[:, :16] / (sums[:, 16:17] + 1e-16)
    w1 = w1_ref[...]
    pp = pp_ref[...]
    y = _dot(h, w1[:16]) + _dot(agg, w1[16:32]) + pp[0:1, :]
    y = _ln_silu(y, pp[1:2, :], pp[2:3, :])
    y = _dot(y, w2_ref[...]) + pp[3:4, :16]
    h4 = _ln_silu(y, pp[4:5, :16], pp[5:6, :16])
    dpp = dpp_ref[...]
    z = _dot(h4, dw1_ref[...]) + dpp[0:1, :]
    z = _ln_silu(z, dpp[1:2, :], dpp[2:3, :])
    z = _dot(z, dw2_ref[...]) + dpp[3:4, :8]
    nrm = jnp.sqrt(jnp.sum(z * z, axis=-1, keepdims=True))
    out_ref[...] = z / jnp.maximum(nrm, 1e-12)


def _pack_params(layer, width, out_w):
    l1, l2 = layer
    rows = [
        jnp.pad(l1["b"], (0, width - l1["b"].shape[0])),
        jnp.pad(l1["g"], (0, width - l1["g"].shape[0])),
        jnp.pad(l1["be"], (0, width - l1["be"].shape[0])),
        jnp.pad(l2["b"], (0, width - l2["b"].shape[0])),
        jnp.pad(l2["g"], (0, width - l2["g"].shape[0])),
        jnp.pad(l2["be"], (0, width - l2["be"].shape[0])),
        jnp.zeros((width,), F32),
        jnp.zeros((width,), F32),
    ]
    return jnp.stack(rows)


def _edge_call(body, round_b, n_edges):
    grid = n_edges // BLK_E
    in_specs = [
        pl.BlockSpec((1, BLK_E // 8, 128), lambda i: (0, i, 0)),
        pl.BlockSpec((1, BLK_E // 8, 128), lambda i: (1, i, 0)),
    ]
    out_shapes = [jax.ShapeDtypeStruct((n_edges // 4, 128), F32)]
    out_specs = [pl.BlockSpec((BLK_E // 4, 128), lambda i: (i, 0))]
    if round_b:
        in_specs.append(pl.BlockSpec((16, BLK_E), lambda i: (0, i)))
        in_specs += [_WSPEC2(32, 16), _WSPEC2(32, 16), _WSPEC2(32, 16),
                     _WSPEC2(32, 32)]
    else:
        in_specs += [_WSPEC2(32, 16), _WSPEC2(32, 16), _WSPEC2(32, 32)]
        out_shapes.append(jax.ShapeDtypeStruct((16, n_edges), F32))
        out_specs.append(pl.BlockSpec((16, BLK_E), lambda i: (0, i)))
    if len(out_shapes) == 1:
        out_shapes, out_specs = out_shapes[0], out_specs[0]
    return pl.pallas_call(
        body, grid=grid, in_specs=in_specs, out_specs=out_specs,
        out_shape=out_shapes)


def _node_call(body, extra_dec):
    grid = N_NODES // BLK_N
    in_specs = [
        pl.BlockSpec((BLK_N, 16), lambda i: (i, 0)),
        pl.BlockSpec((1, BLK_N, 32), lambda i: (0, i, 0)),
        pl.BlockSpec((1, BLK_N, 32), lambda i: (1, i, 0)),
        pl.BlockSpec((1, BLK_N, 32), lambda i: (0, i, 0)),
        pl.BlockSpec((1, BLK_N, 32), lambda i: (1, i, 0)),
        _WSPEC2(32, 32), _WSPEC2(32, 16), _WSPEC2(8, 32),
    ]
    if extra_dec:
        in_specs += [_WSPEC2(16, 32), _WSPEC2(32, 8), _WSPEC2(8, 32)]
        out_shape = jax.ShapeDtypeStruct((N_NODES, 8), F32)
        out_spec = pl.BlockSpec((BLK_N, 8), lambda i: (i, 0))
    else:
        out_shape = jax.ShapeDtypeStruct((N_NODES, 16), F32)
        out_spec = pl.BlockSpec((BLK_N, 16), lambda i: (i, 0))
    return pl.pallas_call(body, grid=grid, in_specs=in_specs,
                          out_specs=out_spec, out_shape=out_shape)


def kernel(x, edge_index, params):
    enc = params["encoder"]
    ea, eb = params["edge_nets"][2], params["edge_nets"][3]
    na, nb = params["node_nets"][2], params["node_nets"][3]
    dec = params["decoder"]

    enc_w1 = jnp.pad(enc[0]["W"], ((0, 5), (0, 0)))
    enc_pp = _pack_params(enc, 32, 16)
    ea_w1at = ea[0]["W"][:16].T
    ea_w1bt = ea[0]["W"][16:32].T
    ea_w2t = jnp.pad(ea[1]["W"], ((0, 0), (0, 15))).T
    eb_w1at = eb[0]["W"][:16].T
    eb_w1bt = eb[0]["W"][16:32].T
    eb_w1ct = eb[0]["W"][32:48].T
    eb_w2t = jnp.pad(eb[1]["W"], ((0, 0), (0, 15))).T
    na_pp = _pack_params(na, 32, 16)
    nb_pp = _pack_params(nb, 32, 16)
    dec_pp = _pack_params(dec, 32, 8)

    zeros32 = jnp.zeros((N_NODES, 32), F32)
    pad = E_PAD - N_EDGES
    start_idx = jnp.pad(edge_index[0], (0, pad))
    end_idx = jnp.pad(edge_index[1], (0, pad))

    v = pl.pallas_call(
        _enc_body, grid=N_NODES // BLK_N,
        in_specs=[pl.BlockSpec((BLK_N, 3), lambda i: (i, 0)),
                  _WSPEC2(8, 32), _WSPEC2(32, 16), _WSPEC2(8, 32)],
        out_specs=pl.BlockSpec((BLK_N, 16), lambda i: (i, 0)),
        out_shape=jax.ShapeDtypeStruct((N_NODES, 16), F32),
    )(x, enc_w1, enc[1]["W"], enc_pp)

    halves = ((0, HALF0_E), (HALF0_E, HALF1_E))

    def _round_a(table):
        parts, e16ts = [], []
        for off, n in halves:
            s_idx = lax.dynamic_slice(start_idx, (off,), (n,))
            e_idx = lax.dynamic_slice(end_idx, (off,), (n,))
            gath = jnp.reshape(_GATHER[n](table, s_idx, e_idx),
                               (2, n // 8, 128))
            msgex, e16t = _edge_call(
                _make_edge_a_body(off // BLK_E), False, n)(
                gath, gath, ea_w1at, ea_w1bt, ea_w2t)
            parts.append(_SCATTER[n](jnp.reshape(msgex, (n, 32)),
                                     e_idx, zeros32))
            e16ts.append(e16t)
        return parts, e16ts

    def _round_b(table, e16ts):
        parts = []
        for (off, n), e16t in zip(halves, e16ts):
            s_idx = lax.dynamic_slice(start_idx, (off,), (n,))
            e_idx = lax.dynamic_slice(end_idx, (off,), (n,))
            gath = jnp.reshape(_GATHER[n](table, s_idx, e_idx),
                               (2, n // 8, 128))
            msgex = _edge_call(
                _make_edge_b_body(off // BLK_E), True, n)(
                gath, gath, e16t, eb_w1at, eb_w1bt, eb_w1ct, eb_w2t)
            parts.append(_SCATTER[n](jnp.reshape(msgex, (n, 32)),
                                     e_idx, zeros32))
        return parts

    parts_a, e16ts = _round_a(v)
    h3 = _node_call(_node_body, False)(
        v, parts_a[0], parts_a[0], parts_a[1], parts_a[1],
        na[0]["W"], na[1]["W"], na_pp)

    parts_b = _round_b(h3, e16ts)
    out = _node_call(_node_dec_body, True)(
        h3, parts_b[0], parts_b[0], parts_b[1], parts_b[1],
        nb[0]["W"], nb[1]["W"], nb_pp,
        dec[0]["W"], dec[1]["W"], dec_pp)
    return out

# --- scband reference (transcript-rebuilt; emitter-appended) ---
"""Pipeline reference for scband-egg-net-25039659335774 (READ-ONLY COPY).

The authoritative reference and input builder live on the scoring server;
editing this copy changes nothing except your own understanding.
"""

import jax
import jax.numpy as jnp
import numpy as np

N_NODES = 50000
N_EDGES = 1600000


def _init_mlp(key, dims):
    layers = []
    for i in range(len(dims) - 1):
        key, k = jax.random.split(key)
        W = jax.random.normal(k, (dims[i], dims[i + 1]), dtype=jnp.float32) / np.sqrt(dims[i])
        layers.append({"W": W, "b": jnp.zeros((dims[i + 1],), jnp.float32), "g": jnp.ones((dims[i + 1],), jnp.float32), "be": jnp.zeros((dims[i + 1],), jnp.float32)})
    return layers, key


def _mlp(layers, x, final_plain=False):
    n = len(layers)
    for i, p in enumerate(layers):
        x = x @ p["W"] + p["b"]
        if i == n - 1 and final_plain:
            continue
        m = jnp.mean(x, axis=-1, keepdims=True)
        v = jnp.mean((x - m) ** 2, axis=-1, keepdims=True)
        x = (x - m) / jnp.sqrt(v + 1e-5) * p["g"] + p["be"]
        x = jax.nn.silu(x)
    return x


def _segment_softmax(w, seg, num):
    m = jax.ops.segment_max(w, seg, num_segments=num)
    m = jax.lax.stop_gradient(jnp.where(jnp.isfinite(m), m, 0.0))
    ex = jnp.exp(w - m[seg])
    s = jax.ops.segment_sum(ex, seg, num_segments=num)
    return ex / (s[seg] + 1e-16)


def _forward(x, params, edge_index):
    start, end = edge_index[0], edge_index[1]
    N = x.shape[0]
    v = _mlp(params["encoder"], x)
    h = _mlp(params["node0"], v)
    for i in range(2):
        # recycle_node_representation=True: reset to encoder output each iter
        h = v
        e = None
        for j in range(2):
            idx = i * 2 + j
            if j == 0:
                ec = jnp.concatenate([h[start], h[end]], axis=-1)
            else:
                ec = jnp.concatenate([h[start], h[end], e], axis=-1)
            e = _mlp(params["edge_nets"][idx], ec)
            w = _segment_softmax(e[:, -1:], end, N)
            e = e[:, :-1]
            agg = jax.ops.segment_sum(e * w, end, num_segments=N)
            h = _mlp(params["node_nets"][idx], jnp.concatenate([h, agg], axis=1))
    out = _mlp(params["decoder"], h, final_plain=True)
    out = out / jnp.maximum(jnp.linalg.norm(out, axis=-1, keepdims=True), 1e-12)
    return out


def setup_inputs(seed: int = 0):
    key = jax.random.key(seed)
    kx, ke, key = jax.random.split(key, 3)
    x = jax.random.normal(kx, (N_NODES, 3), dtype=jnp.float32)
    edge_index = jax.random.randint(ke, (2, N_EDGES), 0, N_NODES, dtype=jnp.int32)
    enc, key = _init_mlp(key, [3, 32, 16])
    node0, key = _init_mlp(key, [16, 32, 16])
    edge_nets = []
    for idx in range(4):
        din = 32 if idx % 2 == 0 else 48
        net, key = _init_mlp(key, [din, 32, 17])
        edge_nets.append(net)
    node_nets = []
    for idx in range(4):
        net, key = _init_mlp(key, [32, 32, 16])
        node_nets.append(net)
    dec, key = _init_mlp(key, [16, 32, 8])
    params = {"encoder": enc, "node0": node0, "edge_nets": edge_nets, "node_nets": node_nets, "decoder": dec}
    return {"x": x, "edge_index": edge_index, "params": params}


def reference(x, edge_index, params):
    return _forward(x, params, edge_index)

if __name__ == "__main__":
    import jax
    _d = setup_inputs()
    print(jax.jit(kernel)(*tuple(_d.values())))

</pallas_src>

<mosaic_0001>
#map = affine_map<(d0, d1) -> (0, 0)>
#map1 = affine_map<(d0, d1) -> (0)>
#map2 = affine_map<(d0, d1) -> (0, 0, 0)>
module attributes {stable_mosaic.version = 14 : i64} {
  func.func @_sc_gather2(%arg0: i32, %arg1: i32, %arg2: memref<50000x16xf32, #tpu.memory_space<hbm>>, %arg3: memref<851968xi32, #tpu.memory_space<hbm>>, %arg4: memref<851968xi32, #tpu.memory_space<hbm>>, %arg5: memref<2x851968x16xf32, #tpu.memory_space<hbm>>, %arg6: memref<2048xi32, #tpu.memory_space<vmem>>, %arg7: memref<2048xi32, #tpu.memory_space<vmem>>, %arg8: memref<2048x16xf32, #tpu.memory_space<vmem>>, %arg9: memref<2048x16xf32, #tpu.memory_space<vmem>>, %arg10: memref<!tpu.dma_semaphore, #tpu.memory_space<semaphore_mem>>, %arg11: memref<!tpu.dma_semaphore, #tpu.memory_space<semaphore_mem>>) attributes {dimension_semantics = [#tpu.dimension_semantics<core_parallel>, #tpu.dimension_semantics<subcore_parallel>], iteration_bounds = array<i64: 2, 16>, scalar_prefetch = 0 : i64, scratch_operands = 6 : i64, tpu.core_type = #tpu.core_type<sc_vector_subcore>, window_params = [{transform_indices = #map}, {transform_indices = #map1}, {transform_indices = #map1}, {transform_indices = #map2}]} {
    %mul3A = arith.constant 2 : i32
    %mul3A_0 = arith.muli %arg1, %mul3A : i32
    %add3A = arith.addi %mul3A_0, %arg0 : i32
    %mul3A_1 = arith.constant 26624 : i32
    %mul3A_2 = arith.muli %add3A, %mul3A_1 : i32
    %scan3A = arith.constant 0 : i32
    %scan3A_3 = arith.constant 13 : i32
    %scan3A_4 = arith.addi %scan3A, %scan3A_3 : i32
    %scan3A_5 = arith.constant 1 : i32
    scf.for %scan3A_7 = %scan3A to %scan3A_4 step %scan3A_5  : i32 {
      %mul3A_8 = arith.constant 2048 : i32
      %mul3A_9 = arith.muli %scan3A_7, %mul3A_8 : i32
      %add3A_10 = arith.constant 0 : i32
      %add3A_11 = arith.addi %add3A_10, %mul3A_9 : i32
      %add3A_12 = arith.addi %mul3A_2, %add3A_11 : i32
      "tpu.region"() ({
        %run_scoped3A_24 = tpu.sem_alloc : memref<!tpu.dma_semaphore, #tpu.memory_space<semaphore_mem>>
        %dma_start3A_25 = tpu.memref_slice %arg3[%add3A_12] : memref<851968xi32, #tpu.memory_space<hbm>> -> memref<2048xi32, #tpu.memory_space<hbm>>
        %dma_start3A_26 = tpu.memref_slice %arg3[%add3A_12] : memref<851968xi32, #tpu.memory_space<hbm>> -> memref<2048xi32, #tpu.memory_space<hbm>>
        tpu.enqueue_dma source(%dma_start3A_26 : memref<2048xi32, #tpu.memory_space<hbm>>) target(%arg6 : memref<2048xi32, #tpu.memory_space<vmem>>) target_semaphore(%run_scoped3A_24 : memref<!tpu.dma_semaphore, #tpu.memory_space<semaphore_mem>>)
        %dma_wait3A_27 = tpu.memref_slice %arg3[%add3A_12] : memref<851968xi32, #tpu.memory_space<hbm>> -> memref<2048xi32, #tpu.memory_space<hbm>>
        %dma_wait3A_28 = tpu.memref_slice %arg3[%add3A_12] : memref<851968xi32, #tpu.memory_space<hbm>> -> memref<2048xi32, #tpu.memory_space<hbm>>
        tpu.wait_dma2 semaphore(%run_scoped3A_24 : memref<!tpu.dma_semaphore, #tpu.memory_space<semaphore_mem>>) src(%dma_wait3A_28 : memref<2048xi32, #tpu.memory_space<hbm>>) dst(%arg6 : memref<2048xi32, #tpu.memory_space<vmem>>)
        tpu.yield
      }) : () -> ()
      "tpu.region"() ({
        %run_scoped3A_24 = tpu.sem_alloc : memref<!tpu.dma_semaphore, #tpu.memory_space<semaphore_mem>>
        %dma_start3A_25 = tpu.memref_slice %arg4[%add3A_12] : memref<851968xi32, #tpu.memory_space<hbm>> -> memref<2048xi32, #tpu.memory_space<hbm>>
        %dma_start3A_26 = tpu.memref_slice %arg4[%add3A_12] : memref<851968xi32, #tpu.memory_space<hbm>> -> memref<2048xi32, #tpu.memory_space<hbm>>
        tpu.enqueue_dma source(%dma_start3A_26 : memref<2048xi32, #tpu.memory_space<hbm>>) target(%arg7 : memref<2048xi32, #tpu.memory_space<vmem>>) target_semaphore(%run_scoped3A_24 : memref<!tpu.dma_semaphore, #tpu.memory_space<semaphore_mem>>)
        %dma_wait3A_27 = tpu.memref_slice %arg4[%add3A_12] : memref<851968xi32, #tpu.memory_space<hbm>> -> memref<2048xi32, #tpu.memory_space<hbm>>
        %dma_wait3A_28 = tpu.memref_slice %arg4[%add3A_12] : memref<851968xi32, #tpu.memory_space<hbm>> -> memref<2048xi32, #tpu.memory_space<hbm>>
        tpu.wait_dma2 semaphore(%run_scoped3A_24 : memref<!tpu.dma_semaphore, #tpu.memory_space<semaphore_mem>>) src(%dma_wait3A_28 : memref<2048xi32, #tpu.memory_space<hbm>>) dst(%arg7 : memref<2048xi32, #tpu.memory_space<vmem>>)
        tpu.yield
      }) : () -> ()
      %dma_start3A = arith.constant 0 : i32
      %dma_start3A_13 = arith.constant 0 : i32
      %dma_start3A_14 = tpu.memref_slice %arg2[%dma_start3A, %dma_start3A_13] : memref<50000x16xf32, #tpu.memory_space<hbm>> -> memref<50000x16xf32, #tpu.memory_space<hbm>>
      tpu.enqueue_indirect_dma source(%dma_start3A_14 : memref<50000x16xf32, #tpu.memory_space<hbm>>) target(%arg8 : memref<2048x16xf32, #tpu.memory_space<vmem>>) offsets(%arg6 : memref<2048xi32, #tpu.memory_space<vmem>>) semaphore(%arg10 : memref<!tpu.dma_semaphore, #tpu.memory_space<semaphore_mem>>)
      %dma_start3A_15 = arith.constant 0 : i32
      %dma_start3A_16 = arith.constant 0 : i32
      %dma_start3A_17 = tpu.memref_slice %arg2[%dma_start3A_15, %dma_start3A_16] : memref<50000x16xf32, #tpu.memory_space<hbm>> -> memref<50000x16xf32, #tpu.memory_space<hbm>>
      tpu.enqueue_indirect_dma source(%dma_start3A_17 : memref<50000x16xf32, #tpu.memory_space<hbm>>) target(%arg9 : memref<2048x16xf32, #tpu.memory_space<vmem>>) offsets(%arg7 : memref<2048xi32, #tpu.memory_space<vmem>>) semaphore(%arg11 : memref<!tpu.dma_semaphore, #tpu.memory_space<semaphore_mem>>)
      %dma_wait3A = arith.constant 0 : i32
      %dma_wait3A_18 = arith.constant 0 : i32
      %dma_wait3A_19 = tpu.memref_slice %arg2[%dma_wait3A, %dma_wait3A_18] : memref<50000x16xf32, #tpu.memory_space<hbm>> -> memref<50000x16xf32, #tpu.memory_space<hbm>>
      tpu.wait_indirect_dma semaphore(%arg10 : memref<!tpu.dma_semaphore, #tpu.memory_space<semaphore_mem>>) src(%dma_wait3A_19 : memref<50000x16xf32, #tpu.memory_space<hbm>>) dst(%arg8 : memref<2048x16xf32, #tpu.memory_space<vmem>>)
      %dma_wait3A_20 = arith.constant 0 : i32
      %dma_wait3A_21 = arith.constant 0 : i32
      %dma_wait3A_22 = tpu.memref_slice %arg2[%dma_wait3A_20, %dma_wait3A_21] : memref<50000x16xf32, #tpu.memory_space<hbm>> -> memref<50000x16xf32, #tpu.memory_space<hbm>>
      tpu.wait_indirect_dma semaphore(%arg11 : memref<!tpu.dma_semaphore, #tpu.memory_space<semaphore_mem>>) src(%dma_wait3A_22 : memref<50000x16xf32, #tpu.memory_space<hbm>>) dst(%arg9 : memref<2048x16xf32, #tpu.memory_space<vmem>>)
      %run_scoped3A = arith.constant 0 : i32
      "tpu.region"() ({
        %run_scoped3A_24 = tpu.sem_alloc : memref<!tpu.dma_semaphore, #tpu.memory_space<semaphore_mem>>
        %dma_start3A_25 = arith.constant 0 : i32
        %dma_start3A_26 = tpu.memref_slice %arg5[%run_scoped3A, %add3A_12, %dma_start3A_25] : memref<2x851968x16xf32, #tpu.memory_space<hbm>> -> memref<1x2048x16xf32, #tpu.memory_space<hbm>>
        %dma_start3A_27 = tpu.memref_squeeze %dma_start3A_26 : memref<1x2048x16xf32, #tpu.memory_space<hbm>> -> memref<2048x16xf32, #tpu.memory_space<hbm>>
        %dma_start3A_28 = arith.constant 0 : i32
        %dma_start3A_29 = tpu.memref_slice %arg5[%run_scoped3A, %add3A_12, %dma_start3A_28] : memref<2x851968x16xf32, #tpu.memory_space<hbm>> -> memref<1x2048x16xf32, #tpu.memory_space<hbm>>
        %dma_start3A_30 = tpu.memref_squeeze %dma_start3A_29 : memref<1x2048x16xf32, #tpu.memory_space<hbm>> -> memref<2048x16xf32, #tpu.memory_space<hbm>>
        tpu.enqueue_dma source(%arg8 : memref<2048x16xf32, #tpu.memory_space<vmem>>) target(%dma_start3A_30 : memref<2048x16xf32, #tpu.memory_space<hbm>>) target_semaphore(%run_scoped3A_24 : memref<!tpu.dma_semaphore, #tpu.memory_space<semaphore_mem>>)
        %dma_wait3A_31 = arith.constant 0 : i32
        %dma_wait3A_32 = tpu.memref_slice %arg5[%run_scoped3A, %add3A_12, %dma_wait3A_31] : memref<2x851968x16xf32, #tpu.memory_space<hbm>> -> memref<1x2048x16xf32, #tpu.memory_space<hbm>>
        %dma_wait3A_33 = tpu.memref_squeeze %dma_wait3A_32 : memref<1x2048x16xf32, #tpu.memory_space<hbm>> -> memref<2048x16xf32, #tpu.memory_space<hbm>>
        %dma_wait3A_34 = arith.constant 0 : i32
        %dma_wait3A_35 = tpu.memref_slice %arg5[%run_scoped3A, %add3A_12, %dma_wait3A_34] : memref<2x851968x16xf32, #tpu.memory_space<hbm>> -> memref<1x2048x16xf32, #tpu.memory_space<hbm>>
        %dma_wait3A_36 = tpu.memref_squeeze %dma_wait3A_35 : memref<1x2048x16xf32, #tpu.memory_space<hbm>> -> memref<2048x16xf32, #tpu.memory_space<hbm>>
        tpu.wait_dma2 semaphore(%run_scoped3A_24 : memref<!tpu.dma_semaphore, #tpu.memory_space<semaphore_mem>>) src(%arg8 : memref<2048x16xf32, #tpu.memory_space<vmem>>) dst(%dma_wait3A_36 : memref<2048x16xf32, #tpu.memory_space<hbm>>)
        tpu.yield
      }) : () -> ()
      %run_scoped3A_23 = arith.constant 1 : i32
      "tpu.region"() ({
        %run_scoped3A_24 = tpu.sem_alloc : memref<!tpu.dma_semaphore, #tpu.memory_space<semaphore_mem>>
        %dma_start3A_25 = arith.constant 0 : i32
        %dma_start3A_26 = tpu.memref_slice %arg5[%run_scoped3A_23, %add3A_12, %dma_start3A_25] : memref<2x851968x16xf32, #tpu.memory_space<hbm>> -> memref<1x2048x16xf32, #tpu.memory_space<hbm>>
        %dma_start3A_27 = tpu.memref_squeeze %dma_start3A_26 : memref<1x2048x16xf32, #tpu.memory_space<hbm>> -> memref<2048x16xf32, #tpu.memory_space<hbm>>
        %dma_start3A_28 = arith.constant 0 : i32
        %dma_start3A_29 = tpu.memref_slice %arg5[%run_scoped3A_23, %add3A_12, %dma_start3A_28] : memref<2x851968x16xf32, #tpu.memory_space<hbm>> -> memref<1x2048x16xf32, #tpu.memory_space<hbm>>
        %dma_start3A_30 = tpu.memref_squeeze %dma_start3A_29 : memref<1x2048x16xf32, #tpu.memory_space<hbm>> -> memref<2048x16xf32, #tpu.memory_space<hbm>>
        tpu.enqueue_dma source(%arg9 : memref<2048x16xf32, #tpu.memory_space<vmem>>) target(%dma_start3A_30 : memref<2048x16xf32, #tpu.memory_space<hbm>>) target_semaphore(%run_scoped3A_24 : memref<!tpu.dma_semaphore, #tpu.memory_space<semaphore_mem>>)
        %dma_wait3A_31 = arith.constant 0 : i32
        %dma_wait3A_32 = tpu.memref_slice %arg5[%run_scoped3A_23, %add3A_12, %dma_wait3A_31] : memref<2x851968x16xf32, #tpu.memory_space<hbm>> -> memref<1x2048x16xf32, #tpu.memory_space<hbm>>
        %dma_wait3A_33 = tpu.memref_squeeze %dma_wait3A_32 : memref<1x2048x16xf32, #tpu.memory_space<hbm>> -> memref<2048x16xf32, #tpu.memory_space<hbm>>
        %dma_wait3A_34 = arith.constant 0 : i32
        %dma_wait3A_35 = tpu.memref_slice %arg5[%run_scoped3A_23, %add3A_12, %dma_wait3A_34] : memref<2x851968x16xf32, #tpu.memory_space<hbm>> -> memref<1x2048x16xf32, #tpu.memory_space<hbm>>
        %dma_wait3A_36 = tpu.memref_squeeze %dma_wait3A_35 : memref<1x2048x16xf32, #tpu.memory_space<hbm>> -> memref<2048x16xf32, #tpu.memory_space<hbm>>
        tpu.wait_dma2 semaphore(%run_scoped3A_24 : memref<!tpu.dma_semaphore, #tpu.memory_space<semaphore_mem>>) src(%arg9 : memref<2048x16xf32, #tpu.memory_space<vmem>>) dst(%dma_wait3A_36 : memref<2048x16xf32, #tpu.memory_space<hbm>>)
        tpu.yield
      }) : () -> ()
    }
    %scan3A_6 = arith.constant 13 : i32
    return
  }
}

#map = affine_map<(d0, d1) -> (0, 0)>
#map1 = affine_map<(d0, d1) -> (0)>
#map2 = affine_map<(d0, d1) -> (0, 0, 0)>
module attributes {stable_mosaic.version = 14 : i64} {
  func.func @_sc_scatter_add(%arg0: i32, %arg1: i32, %arg2: memref<851968x32xf32, #tpu.memory_space<hbm>>, %arg3: memref<851968xi32, #tpu.memory_space<hbm>>, %arg4: memref<50000x32xf32, #tpu.memory_space<hbm>>, %arg5: memref<2x50000x32xf32, #tpu.memory_space<hbm>>, %arg6: memref<50000x32xf32, #tpu.memory_space<vmem_shared>>, %arg7: memref<512xi32, #tpu.memory_space<vmem>>, %arg8: memref<512x32xf32, #tpu.memory_space<vmem>>) attributes {dimension_semantics = [#tpu.dimension_semantics<core_parallel>, #tpu.dimension_semantics<subcore_parallel>], iteration_bounds = array<i64: 2, 16>, scalar_prefetch = 0 : i64, scratch_operands = 3 : i64, tpu.core_type = #tpu.core_type<sc_vector_subcore>, window_params = [{transform_indices = #map}, {transform_indices = #map1}, {transform_indices = #map}, {transform_indices = #map2}]} {
    %mul3A = arith.constant 2 : i32
    %mul3A_0 = arith.muli %arg1, %mul3A : i32
    %add3A = arith.addi %mul3A_0, %arg0 : i32
    %mul3A_1 = arith.constant 3125 : i32
    %mul3A_2 = arith.muli %arg1, %mul3A_1 : i32
    %mul3A_3 = arith.constant 3125 : i32
    %mul3A_4 = arith.muli %arg1, %mul3A_3 : i32
    "tpu.region"() ({
      %run_scoped3A = tpu.sem_alloc : memref<!tpu.dma_semaphore, #tpu.memory_space<semaphore_mem>>
      %dma_start3A = arith.constant 0 : i32
      %dma_start3A_16 = tpu.memref_slice %arg6[%mul3A_4, %dma_start3A] : memref<50000x32xf32, #tpu.memory_space<vmem_shared>> -> memref<3125x32xf32, #tpu.memory_space<vmem_shared>>
      %dma_start3A_17 = arith.constant 0 : i32
      %dma_start3A_18 = tpu.memref_slice %arg4[%mul3A_2, %dma_start3A_17] : memref<50000x32xf32, #tpu.memory_space<hbm>> -> memref<3125x32xf32, #tpu.memory_space<hbm>>
      tpu.enqueue_dma source(%dma_start3A_18 : memref<3125x32xf32, #tpu.memory_space<hbm>>) target(%dma_start3A_16 : memref<3125x32xf32, #tpu.memory_space<vmem_shared>>) target_semaphore(%run_scoped3A : memref<!tpu.dma_semaphore, #tpu.memory_space<semaphore_mem>>)
      %dma_wait3A = arith.constant 0 : i32
      %dma_wait3A_19 = tpu.memref_slice %arg6[%mul3A_4, %dma_wait3A] : memref<50000x32xf32, #tpu.memory_space<vmem_shared>> -> memref<3125x32xf32, #tpu.memory_space<vmem_shared>>
      %dma_wait3A_20 = arith.constant 0 : i32
      %dma_wait3A_21 = tpu.memref_slice %arg4[%mul3A_2, %dma_wait3A_20] : memref<50000x32xf32, #tpu.memory_space<hbm>> -> memref<3125x32xf32, #tpu.memory_space<hbm>>
      tpu.wait_dma2 semaphore(%run_scoped3A : memref<!tpu.dma_semaphore, #tpu.memory_space<semaphore_mem>>) src(%dma_wait3A_21 : memref<3125x32xf32, #tpu.memory_space<hbm>>) dst(%dma_wait3A_19 : memref<3125x32xf32, #tpu.memory_space<vmem_shared>>)
      tpu.yield
    }) : () -> ()
    %barrier3A = arith.constant 0 : index
    tpu.barrier barrier_id(%barrier3A)
    %mul3A_5 = arith.constant 26624 : i32
    %mul3A_6 = arith.muli %add3A, %mul3A_5 : i32
    %scan3A = arith.constant 0 : i32
    %scan3A_7 = arith.constant 52 : i32
    %scan3A_8 = arith.addi %scan3A, %scan3A_7 : i32
    %scan3A_9 = arith.constant 1 : i32
    scf.for %scan3A_16 = %scan3A to %scan3A_8 step %scan3A_9  : i32 {
      %mul3A_17 = arith.constant 512 : i32
      %mul3A_18 = arith.muli %scan3A_16, %mul3A_17 : i32
      %add3A_19 = arith.constant 0 : i32
      %add3A_20 = arith.addi %add3A_19, %mul3A_18 : i32
      %add3A_21 = arith.addi %mul3A_6, %add3A_20 : i32
      "tpu.region"() ({
        %run_scoped3A = tpu.sem_alloc : memref<!tpu.dma_semaphore, #tpu.memory_space<semaphore_mem>>
        %dma_start3A = tpu.memref_slice %arg3[%add3A_21] : memref<851968xi32, #tpu.memory_space<hbm>> -> memref<512xi32, #tpu.memory_space<hbm>>
        %dma_start3A_22 = tpu.memref_slice %arg3[%add3A_21] : memref<851968xi32, #tpu.memory_space<hbm>> -> memref<512xi32, #tpu.memory_space<hbm>>
        tpu.enqueue_dma source(%dma_start3A_22 : memref<512xi32, #tpu.memory_space<hbm>>) target(%arg7 : memref<512xi32, #tpu.memory_space<vmem>>) target_semaphore(%run_scoped3A : memref<!tpu.dma_semaphore, #tpu.memory_space<semaphore_mem>>)
        %dma_wait3A = tpu.memref_slice %arg3[%add3A_21] : memref<851968xi32, #tpu.memory_space<hbm>> -> memref<512xi32, #tpu.memory_space<hbm>>
        %dma_wait3A_23 = tpu.memref_slice %arg3[%add3A_21] : memref<851968xi32, #tpu.memory_space<hbm>> -> memref<512xi32, #tpu.memory_space<hbm>>
        tpu.wait_dma2 semaphore(%run_scoped3A : memref<!tpu.dma_semaphore, #tpu.memory_space<semaphore_mem>>) src(%dma_wait3A_23 : memref<512xi32, #tpu.memory_space<hbm>>) dst(%arg7 : memref<512xi32, #tpu.memory_space<vmem>>)
        tpu.yield
      }) : () -> ()
      "tpu.region"() ({
        %run_scoped3A = tpu.sem_alloc : memref<!tpu.dma_semaphore, #tpu.memory_space<semaphore_mem>>
        %dma_start3A = arith.constant 0 : i32
        %dma_start3A_22 = tpu.memref_slice %arg2[%add3A_21, %dma_start3A] : memref<851968x32xf32, #tpu.memory_space<hbm>> -> memref<512x32xf32, #tpu.memory_space<hbm>>
        %dma_start3A_23 = arith.constant 0 : i32
        %dma_start3A_24 = tpu.memref_slice %arg2[%add3A_21, %dma_start3A_23] : memref<851968x32xf32, #tpu.memory_space<hbm>> -> memref<512x32xf32, #tpu.memory_space<hbm>>
        tpu.enqueue_dma source(%dma_start3A_24 : memref<512x32xf32, #tpu.memory_space<hbm>>) target(%arg8 : memref<512x32xf32, #tpu.memory_space<vmem>>) target_semaphore(%run_scoped3A : memref<!tpu.dma_semaphore, #tpu.memory_space<semaphore_mem>>)
        %dma_wait3A = arith.constant 0 : i32
        %dma_wait3A_25 = tpu.memref_slice %arg2[%add3A_21, %dma_wait3A] : memref<851968x32xf32, #tpu.memory_space<hbm>> -> memref<512x32xf32, #tpu.memory_space<hbm>>
        %dma_wait3A_26 = arith.constant 0 : i32
        %dma_wait3A_27 = tpu.memref_slice %arg2[%add3A_21, %dma_wait3A_26] : memref<851968x32xf32, #tpu.memory_space<hbm>> -> memref<512x32xf32, #tpu.memory_space<hbm>>
        tpu.wait_dma2 semaphore(%run_scoped3A : memref<!tpu.dma_semaphore, #tpu.memory_space<semaphore_mem>>) src(%dma_wait3A_27 : memref<512x32xf32, #tpu.memory_space<hbm>>) dst(%arg8 : memref<512x32xf32, #tpu.memory_space<vmem>>)
        tpu.yield
      }) : () -> ()
      "tpu.region"() ({
        %run_scoped3A = tpu.sem_alloc : memref<!tpu.dma_semaphore, #tpu.memory_space<semaphore_mem>>
        %dma_start3A = arith.constant 0 : i32
        %dma_start3A_22 = arith.constant 0 : i32
        %dma_start3A_23 = tpu.memref_slice %arg6[%dma_start3A, %dma_start3A_22] : memref<50000x32xf32, #tpu.memory_space<vmem_shared>> -> memref<50000x32xf32, #tpu.memory_space<vmem_shared>>
        tpu.enqueue_indirect_dma source(%arg8 : memref<512x32xf32, #tpu.memory_space<vmem>>) target(%dma_start3A_23 : memref<50000x32xf32, #tpu.memory_space<vmem_shared>>) offsets(%arg7 : memref<512xi32, #tpu.memory_space<vmem>>) semaphore(%run_scoped3A : memref<!tpu.dma_semaphore, #tpu.memory_space<semaphore_mem>>) {add = true}
        %dma_wait3A = arith.constant 0 : i32
        %dma_wait3A_24 = arith.constant 0 : i32
        %dma_wait3A_25 = tpu.memref_slice %arg6[%dma_wait3A, %dma_wait3A_24] : memref<50000x32xf32, #tpu.memory_space<vmem_shared>> -> memref<50000x32xf32, #tpu.memory_space<vmem_shared>>
        tpu.wait_indirect_dma semaphore(%run_scoped3A : memref<!tpu.dma_semaphore, #tpu.memory_space<semaphore_mem>>) src(%arg8 : memref<512x32xf32, #tpu.memory_space<vmem>>) dst(%dma_wait3A_25 : memref<50000x32xf32, #tpu.memory_space<vmem_shared>>)
        tpu.yield
      }) : () -> ()
    }
    %scan3A_10 = arith.constant 52 : i32
    %barrier3A_11 = arith.constant 0 : index
    tpu.barrier barrier_id(%barrier3A_11)
    %mul3A_12 = arith.constant 3125 : i32
    %mul3A_13 = arith.muli %arg1, %mul3A_12 : i32
    %mul3A_14 = arith.constant 3125 : i32
    %mul3A_15 = arith.muli %arg1, %mul3A_14 : i32
    "tpu.region"() ({
      %run_scoped3A = tpu.sem_alloc : memref<!tpu.dma_semaphore, #tpu.memory_space<semaphore_mem>>
      %dma_start3A = arith.constant 0 : i32
      %dma_start3A_16 = tpu.memref_slice %arg5[%arg0, %mul3A_15, %dma_start3A] : memref<2x50000x32xf32, #tpu.memory_space<hbm>> -> memref<1x3125x32xf32, #tpu.memory_space<hbm>>
      %dma_start3A_17 = tpu.memref_squeeze %dma_start3A_16 : memref<1x3125x32xf32, #tpu.memory_space<hbm>> -> memref<3125x32xf32, #tpu.memory_space<hbm>>
      %dma_start3A_18 = arith.constant 0 : i32
      %dma_start3A_19 = tpu.memref_slice %arg6[%mul3A_13, %dma_start3A_18] : memref<50000x32xf32, #tpu.memory_space<vmem_shared>> -> memref<3125x32xf32, #tpu.memory_space<vmem_shared>>
      tpu.enqueue_dma source(%dma_start3A_19 : memref<3125x32xf32, #tpu.memory_space<vmem_shared>>) target(%dma_start3A_17 : memref<3125x32xf32, #tpu.memory_space<hbm>>) target_semaphore(%run_scoped3A : memref<!tpu.dma_semaphore, #tpu.memory_space<semaphore_mem>>)
      %dma_wait3A = arith.constant 0 : i32
      %dma_wait3A_20 = tpu.memref_slice %arg5[%arg0, %mul3A_15, %dma_wait3A] : memref<2x50000x32xf32, #tpu.memory_space<hbm>> -> memref<1x3125x32xf32, #tpu.memory_space<hbm>>
      %dma_wait3A_21 = tpu.memref_squeeze %dma_wait3A_20 : memref<1x3125x32xf32, #tpu.memory_space<hbm>> -> memref<3125x32xf32, #tpu.memory_space<hbm>>
      %dma_wait3A_22 = arith.constant 0 : i32
      %dma_wait3A_23 = tpu.memref_slice %arg6[%mul3A_13, %dma_wait3A_22] : memref<50000x32xf32, #tpu.memory_space<vmem_shared>> -> memref<3125x32xf32, #tpu.memory_space<vmem_shared>>
      tpu.wait_dma2 semaphore(%run_scoped3A : memref<!tpu.dma_semaphore, #tpu.memory_space<semaphore_mem>>) src(%dma_wait3A_23 : memref<3125x32xf32, #tpu.memory_space<vmem_shared>>) dst(%dma_wait3A_21 : memref<3125x32xf32, #tpu.memory_space<hbm>>)
      tpu.yield
    }) : () -> ()
    return
  }
}

#map = affine_map<(d0, d1) -> (0, 0)>
#map1 = affine_map<(d0, d1) -> (0)>
#map2 = affine_map<(d0, d1) -> (0, 0, 0)>
module attributes {stable_mosaic.version = 14 : i64} {
  func.func @_sc_gather2(%arg0: i32, %arg1: i32, %arg2: memref<50000x16xf32, #tpu.memory_space<hbm>>, %arg3: memref<786432xi32, #tpu.memory_space<hbm>>, %arg4: memref<786432xi32, #tpu.memory_space<hbm>>, %arg5: memref<2x786432x16xf32, #tpu.memory_space<hbm>>, %arg6: memref<2048xi32, #tpu.memory_space<vmem>>, %arg7: memref<2048xi32, #tpu.memory_space<vmem>>, %arg8: memref<2048x16xf32, #tpu.memory_space<vmem>>, %arg9: memref<2048x16xf32, #tpu.memory_space<vmem>>, %arg10: memref<!tpu.dma_semaphore, #tpu.memory_space<semaphore_mem>>, %arg11: memref<!tpu.dma_semaphore, #tpu.memory_space<semaphore_mem>>) attributes {dimension_semantics = [#tpu.dimension_semantics<core_parallel>, #tpu.dimension_semantics<subcore_parallel>], iteration_bounds = array<i64: 2, 16>, scalar_prefetch = 0 : i64, scratch_operands = 6 : i64, tpu.core_type = #tpu.core_type<sc_vector_subcore>, window_params = [{transform_indices = #map}, {transform_indices = #map1}, {transform_indices = #map1}, {transform_indices = #map2}]} {
    %mul3A = arith.constant 2 : i32
    %mul3A_0 = arith.muli %arg1, %mul3A : i32
    %add3A = arith.addi %mul3A_0, %arg0 : i32
    %mul3A_1 = arith.constant 24576 : i32
    %mul3A_2 = arith.muli %add3A, %mul3A_1 : i32
    %scan3A = arith.constant 0 : i32
    %scan3A_3 = arith.constant 12 : i32
    %scan3A_4 = arith.addi %scan3A, %scan3A_3 : i32
    %scan3A_5 = arith.constant 1 : i32
    scf.for %scan3A_7 = %scan3A to %scan3A_4 step %scan3A_5  : i32 {
      %mul3A_8 = arith.constant 2048 : i32
      %mul3A_9 = arith.muli %scan3A_7, %mul3A_8 : i32
      %add3A_10 = arith.constant 0 : i32
      %add3A_11 = arith.addi %add3A_10, %mul3A_9 : i32
      %add3A_12 = arith.addi %mul3A_2, %add3A_11 : i32
      "tpu.region"() ({
        %run_scoped3A_24 = tpu.sem_alloc : memref<!tpu.dma_semaphore, #tpu.memory_space<semaphore_mem>>
        %dma_start3A_25 = tpu.memref_slice %arg3[%add3A_12] : memref<786432xi32, #tpu.memory_space<hbm>> -> memref<2048xi32, #tpu.memory_space<hbm>>
        %dma_start3A_26 = tpu.memref_slice %arg3[%add3A_12] : memref<786432xi32, #tpu.memory_space<hbm>> -> memref<2048xi32, #tpu.memory_space<hbm>>
        tpu.enqueue_dma source(%dma_start3A_26 : memref<2048xi32, #tpu.memory_space<hbm>>) target(%arg6 : memref<2048xi32, #tpu.memory_space<vmem>>) target_semaphore(%run_scoped3A_24 : memref<!tpu.dma_semaphore, #tpu.memory_space<semaphore_mem>>)
        %dma_wait3A_27 = tpu.memref_slice %arg3[%add3A_12] : memref<786432xi32, #tpu.memory_space<hbm>> -> memref<2048xi32, #tpu.memory_space<hbm>>
        %dma_wait3A_28 = tpu.memref_slice %arg3[%add3A_12] : memref<786432xi32, #tpu.memory_space<hbm>> -> memref<2048xi32, #tpu.memory_space<hbm>>
        tpu.wait_dma2 semaphore(%run_scoped3A_24 : memref<!tpu.dma_semaphore, #tpu.memory_space<semaphore_mem>>) src(%dma_wait3A_28 : memref<2048xi32, #tpu.memory_space<hbm>>) dst(%arg6 : memref<2048xi32, #tpu.memory_space<vmem>>)
        tpu.yield
      }) : () -> ()
      "tpu.region"() ({
        %run_scoped3A_24 = tpu.sem_alloc : memref<!tpu.dma_semaphore, #tpu.memory_space<semaphore_mem>>
        %dma_start3A_25 = tpu.memref_slice %arg4[%add3A_12] : memref<786432xi32, #tpu.memory_space<hbm>> -> memref<2048xi32, #tpu.memory_space<hbm>>
        %dma_start3A_26 = tpu.memref_slice %arg4[%add3A_12] : memref<786432xi32, #tpu.memory_space<hbm>> -> memref<2048xi32, #tpu.memory_space<hbm>>
        tpu.enqueue_dma source(%dma_start3A_26 : memref<2048xi32, #tpu.memory_space<hbm>>) target(%arg7 : memref<2048xi32, #tpu.memory_space<vmem>>) target_semaphore(%run_scoped3A_24 : memref<!tpu.dma_semaphore, #tpu.memory_space<semaphore_mem>>)
        %dma_wait3A_27 = tpu.memref_slice %arg4[%add3A_12] : memref<786432xi32, #tpu.memory_space<hbm>> -> memref<2048xi32, #tpu.memory_space<hbm>>
        %dma_wait3A_28 = tpu.memref_slice %arg4[%add3A_12] : memref<786432xi32, #tpu.memory_space<hbm>> -> memref<2048xi32, #tpu.memory_space<hbm>>
        tpu.wait_dma2 semaphore(%run_scoped3A_24 : memref<!tpu.dma_semaphore, #tpu.memory_space<semaphore_mem>>) src(%dma_wait3A_28 : memref<2048xi32, #tpu.memory_space<hbm>>) dst(%arg7 : memref<2048xi32, #tpu.memory_space<vmem>>)
        tpu.yield
      }) : () -> ()
      %dma_start3A = arith.constant 0 : i32
      %dma_start3A_13 = arith.constant 0 : i32
      %dma_start3A_14 = tpu.memref_slice %arg2[%dma_start3A, %dma_start3A_13] : memref<50000x16xf32, #tpu.memory_space<hbm>> -> memref<50000x16xf32, #tpu.memory_space<hbm>>
      tpu.enqueue_indirect_dma source(%dma_start3A_14 : memref<50000x16xf32, #tpu.memory_space<hbm>>) target(%arg8 : memref<2048x16xf32, #tpu.memory_space<vmem>>) offsets(%arg6 : memref<2048xi32, #tpu.memory_space<vmem>>) semaphore(%arg10 : memref<!tpu.dma_semaphore, #tpu.memory_space<semaphore_mem>>)
      %dma_start3A_15 = arith.constant 0 : i32
      %dma_start3A_16 = arith.constant 0 : i32
      %dma_start3A_17 = tpu.memref_slice %arg2[%dma_start3A_15, %dma_start3A_16] : memref<50000x16xf32, #tpu.memory_space<hbm>> -> memref<50000x16xf32, #tpu.memory_space<hbm>>
      tpu.enqueue_indirect_dma source(%dma_start3A_17 : memref<50000x16xf32, #tpu.memory_space<hbm>>) target(%arg9 : memref<2048x16xf32, #tpu.memory_space<vmem>>) offsets(%arg7 : memref<2048xi32, #tpu.memory_space<vmem>>) semaphore(%arg11 : memref<!tpu.dma_semaphore, #tpu.memory_space<semaphore_mem>>)
      %dma_wait3A = arith.constant 0 : i32
      %dma_wait3A_18 = arith.constant 0 : i32
      %dma_wait3A_19 = tpu.memref_slice %arg2[%dma_wait3A, %dma_wait3A_18] : memref<50000x16xf32, #tpu.memory_space<hbm>> -> memref<50000x16xf32, #tpu.memory_space<hbm>>
      tpu.wait_indirect_dma semaphore(%arg10 : memref<!tpu.dma_semaphore, #tpu.memory_space<semaphore_mem>>) src(%dma_wait3A_19 : memref<50000x16xf32, #tpu.memory_space<hbm>>) dst(%arg8 : memref<2048x16xf32, #tpu.memory_space<vmem>>)
      %dma_wait3A_20 = arith.constant 0 : i32
      %dma_wait3A_21 = arith.constant 0 : i32
      %dma_wait3A_22 = tpu.memref_slice %arg2[%dma_wait3A_20, %dma_wait3A_21] : memref<50000x16xf32, #tpu.memory_space<hbm>> -> memref<50000x16xf32, #tpu.memory_space<hbm>>
      tpu.wait_indirect_dma semaphore(%arg11 : memref<!tpu.dma_semaphore, #tpu.memory_space<semaphore_mem>>) src(%dma_wait3A_22 : memref<50000x16xf32, #tpu.memory_space<hbm>>) dst(%arg9 : memref<2048x16xf32, #tpu.memory_space<vmem>>)
      %run_scoped3A = arith.constant 0 : i32
      "tpu.region"() ({
        %run_scoped3A_24 = tpu.sem_alloc : memref<!tpu.dma_semaphore, #tpu.memory_space<semaphore_mem>>
        %dma_start3A_25 = arith.constant 0 : i32
        %dma_start3A_26 = tpu.memref_slice %arg5[%run_scoped3A, %add3A_12, %dma_start3A_25] : memref<2x786432x16xf32, #tpu.memory_space<hbm>> -> memref<1x2048x16xf32, #tpu.memory_space<hbm>>
        %dma_start3A_27 = tpu.memref_squeeze %dma_start3A_26 : memref<1x2048x16xf32, #tpu.memory_space<hbm>> -> memref<2048x16xf32, #tpu.memory_space<hbm>>
        %dma_start3A_28 = arith.constant 0 : i32
        %dma_start3A_29 = tpu.memref_slice %arg5[%run_scoped3A, %add3A_12, %dma_start3A_28] : memref<2x786432x16xf32, #tpu.memory_space<hbm>> -> memref<1x2048x16xf32, #tpu.memory_space<hbm>>
        %dma_start3A_30 = tpu.memref_squeeze %dma_start3A_29 : memref<1x2048x16xf32, #tpu.memory_space<hbm>> -> memref<2048x16xf32, #tpu.memory_space<hbm>>
        tpu.enqueue_dma source(%arg8 : memref<2048x16xf32, #tpu.memory_space<vmem>>) target(%dma_start3A_30 : memref<2048x16xf32, #tpu.memory_space<hbm>>) target_semaphore(%run_scoped3A_24 : memref<!tpu.dma_semaphore, #tpu.memory_space<semaphore_mem>>)
        %dma_wait3A_31 = arith.constant 0 : i32
        %dma_wait3A_32 = tpu.memref_slice %arg5[%run_scoped3A, %add3A_12, %dma_wait3A_31] : memref<2x786432x16xf32, #tpu.memory_space<hbm>> -> memref<1x2048x16xf32, #tpu.memory_space<hbm>>
        %dma_wait3A_33 = tpu.memref_squeeze %dma_wait3A_32 : memref<1x2048x16xf32, #tpu.memory_space<hbm>> -> memref<2048x16xf32, #tpu.memory_space<hbm>>
        %dma_wait3A_34 = arith.constant 0 : i32
        %dma_wait3A_35 = tpu.memref_slice %arg5[%run_scoped3A, %add3A_12, %dma_wait3A_34] : memref<2x786432x16xf32, #tpu.memory_space<hbm>> -> memref<1x2048x16xf32, #tpu.memory_space<hbm>>
        %dma_wait3A_36 = tpu.memref_squeeze %dma_wait3A_35 : memref<1x2048x16xf32, #tpu.memory_space<hbm>> -> memref<2048x16xf32, #tpu.memory_space<hbm>>
        tpu.wait_dma2 semaphore(%run_scoped3A_24 : memref<!tpu.dma_semaphore, #tpu.memory_space<semaphore_mem>>) src(%arg8 : memref<2048x16xf32, #tpu.memory_space<vmem>>) dst(%dma_wait3A_36 : memref<2048x16xf32, #tpu.memory_space<hbm>>)
        tpu.yield
      }) : () -> ()
      %run_scoped3A_23 = arith.constant 1 : i32
      "tpu.region"() ({
        %run_scoped3A_24 = tpu.sem_alloc : memref<!tpu.dma_semaphore, #tpu.memory_space<semaphore_mem>>
        %dma_start3A_25 = arith.constant 0 : i32
        %dma_start3A_26 = tpu.memref_slice %arg5[%run_scoped3A_23, %add3A_12, %dma_start3A_25] : memref<2x786432x16xf32, #tpu.memory_space<hbm>> -> memref<1x2048x16xf32, #tpu.memory_space<hbm>>
        %dma_start3A_27 = tpu.memref_squeeze %dma_start3A_26 : memref<1x2048x16xf32, #tpu.memory_space<hbm>> -> memref<2048x16xf32, #tpu.memory_space<hbm>>
        %dma_start3A_28 = arith.constant 0 : i32
        %dma_start3A_29 = tpu.memref_slice %arg5[%run_scoped3A_23, %add3A_12, %dma_start3A_28] : memref<2x786432x16xf32, #tpu.memory_space<hbm>> -> memref<1x2048x16xf32, #tpu.memory_space<hbm>>
        %dma_start3A_30 = tpu.memref_squeeze %dma_start3A_29 : memref<1x2048x16xf32, #tpu.memory_space<hbm>> -> memref<2048x16xf32, #tpu.memory_space<hbm>>
        tpu.enqueue_dma source(%arg9 : memref<2048x16xf32, #tpu.memory_space<vmem>>) target(%dma_start3A_30 : memref<2048x16xf32, #tpu.memory_space<hbm>>) target_semaphore(%run_scoped3A_24 : memref<!tpu.dma_semaphore, #tpu.memory_space<semaphore_mem>>)
        %dma_wait3A_31 = arith.constant 0 : i32
        %dma_wait3A_32 = tpu.memref_slice %arg5[%run_scoped3A_23, %add3A_12, %dma_wait3A_31] : memref<2x786432x16xf32, #tpu.memory_space<hbm>> -> memref<1x2048x16xf32, #tpu.memory_space<hbm>>
        %dma_wait3A_33 = tpu.memref_squeeze %dma_wait3A_32 : memref<1x2048x16xf32, #tpu.memory_space<hbm>> -> memref<2048x16xf32, #tpu.memory_space<hbm>>
        %dma_wait3A_34 = arith.constant 0 : i32
        %dma_wait3A_35 = tpu.memref_slice %arg5[%run_scoped3A_23, %add3A_12, %dma_wait3A_34] : memref<2x786432x16xf32, #tpu.memory_space<hbm>> -> memref<1x2048x16xf32, #tpu.memory_space<hbm>>
        %dma_wait3A_36 = tpu.memref_squeeze %dma_wait3A_35 : memref<1x2048x16xf32, #tpu.memory_space<hbm>> -> memref<2048x16xf32, #tpu.memory_space<hbm>>
        tpu.wait_dma2 semaphore(%run_scoped3A_24 : memref<!tpu.dma_semaphore, #tpu.memory_space<semaphore_mem>>) src(%arg9 : memref<2048x16xf32, #tpu.memory_space<vmem>>) dst(%dma_wait3A_36 : memref<2048x16xf32, #tpu.memory_space<hbm>>)
        tpu.yield
      }) : () -> ()
    }
    %scan3A_6 = arith.constant 12 : i32
    return
  }
}

#map = affine_map<(d0, d1) -> (0, 0)>
#map1 = affine_map<(d0, d1) -> (0)>
#map2 = affine_map<(d0, d1) -> (0, 0, 0)>
module attributes {stable_mosaic.version = 14 : i64} {
  func.func @_sc_scatter_add(%arg0: i32, %arg1: i32, %arg2: memref<786432x32xf32, #tpu.memory_space<hbm>>, %arg3: memref<786432xi32, #tpu.memory_space<hbm>>, %arg4: memref<50000x32xf32, #tpu.memory_space<hbm>>, %arg5: memref<2x50000x32xf32, #tpu.memory_space<hbm>>, %arg6: memref<50000x32xf32, #tpu.memory_space<vmem_shared>>, %arg7: memref<512xi32, #tpu.memory_space<vmem>>, %arg8: memref<512x32xf32, #tpu.memory_space<vmem>>) attributes {dimension_semantics = [#tpu.dimension_semantics<core_parallel>, #tpu.dimension_semantics<subcore_parallel>], iteration_bounds = array<i64: 2, 16>, scalar_prefetch = 0 : i64, scratch_operands = 3 : i64, tpu.core_type = #tpu.core_type<sc_vector_subcore>, window_params = [{transform_indices = #map}, {transform_indices = #map1}, {transform_indices = #map}, {transform_indices = #map2}]} {
    %mul3A = arith.constant 2 : i32
    %mul3A_0 = arith.muli %arg1, %mul3A : i32
    %add3A = arith.addi %mul3A_0, %arg0 : i32
    %mul3A_1 = arith.constant 3125 : i32
    %mul3A_2 = arith.muli %arg1, %mul3A_1 : i32
    %mul3A_3 = arith.constant 3125 : i32
    %mul3A_4 = arith.muli %arg1, %mul3A_3 : i32
    "tpu.region"() ({
      %run_scoped3A = tpu.sem_alloc : memref<!tpu.dma_semaphore, #tpu.memory_space<semaphore_mem>>
      %dma_start3A = arith.constant 0 : i32
      %dma_start3A_16 = tpu.memref_slice %arg6[%mul3A_4, %dma_start3A] : memref<50000x32xf32, #tpu.memory_space<vmem_shared>> -> memref<3125x32xf32, #tpu.memory_space<vmem_shared>>
      %dma_start3A_17 = arith.constant 0 : i32
      %dma_start3A_18 = tpu.memref_slice %arg4[%mul3A_2, %dma_start3A_17] : memref<50000x32xf32, #tpu.memory_space<hbm>> -> memref<3125x32xf32, #tpu.memory_space<hbm>>
      tpu.enqueue_dma source(%dma_start3A_18 : memref<3125x32xf32, #tpu.memory_space<hbm>>) target(%dma_start3A_16 : memref<3125x32xf32, #tpu.memory_space<vmem_shared>>) target_semaphore(%run_scoped3A : memref<!tpu.dma_semaphore, #tpu.memory_space<semaphore_mem>>)
      %dma_wait3A = arith.constant 0 : i32
      %dma_wait3A_19 = tpu.memref_slice %arg6[%mul3A_4, %dma_wait3A] : memref<50000x32xf32, #tpu.memory_space<vmem_shared>> -> memref<3125x32xf32, #tpu.memory_space<vmem_shared>>
      %dma_wait3A_20 = arith.constant 0 : i32
      %dma_wait3A_21 = tpu.memref_slice %arg4[%mul3A_2, %dma_wait3A_20] : memref<50000x32xf32, #tpu.memory_space<hbm>> -> memref<3125x32xf32, #tpu.memory_space<hbm>>
      tpu.wait_dma2 semaphore(%run_scoped3A : memref<!tpu.dma_semaphore, #tpu.memory_space<semaphore_mem>>) src(%dma_wait3A_21 : memref<3125x32xf32, #tpu.memory_space<hbm>>) dst(%dma_wait3A_19 : memref<3125x32xf32, #tpu.memory_space<vmem_shared>>)
      tpu.yield
    }) : () -> ()
    %barrier3A = arith.constant 0 : index
    tpu.barrier barrier_id(%barrier3A)
    %mul3A_5 = arith.constant 24576 : i32
    %mul3A_6 = arith.muli %add3A, %mul3A_5 : i32
    %scan3A = arith.constant 0 : i32
    %scan3A_7 = arith.constant 48 : i32
    %scan3A_8 = arith.addi %scan3A, %scan3A_7 : i32
    %scan3A_9 = arith.constant 1 : i32
    scf.for %scan3A_16 = %scan3A to %scan3A_8 step %scan3A_9  : i32 {
      %mul3A_17 = arith.constant 512 : i32
      %mul3A_18 = arith.muli %scan3A_16, %mul3A_17 : i32
      %add3A_19 = arith.constant 0 : i32
      %add3A_20 = arith.addi %add3A_19, %mul3A_18 : i32
      %add3A_21 = arith.addi %mul3A_6, %add3A_20 : i32
      "tpu.region"() ({
        %run_scoped3A = tpu.sem_alloc : memref<!tpu.dma_semaphore, #tpu.memory_space<semaphore_mem>>
        %dma_start3A = tpu.memref_slice %arg3[%add3A_21] : memref<786432xi32, #tpu.memory_space<hbm>> -> memref<512xi32, #tpu.memory_space<hbm>>
        %dma_start3A_22 = tpu.memref_slice %arg3[%add3A_21] : memref<786432xi32, #tpu.memory_space<hbm>> -> memref<512xi32, #tpu.memory_space<hbm>>
        tpu.enqueue_dma source(%dma_start3A_22 : memref<512xi32, #tpu.memory_space<hbm>>) target(%arg7 : memref<512xi32, #tpu.memory_space<vmem>>) target_semaphore(%run_scoped3A : memref<!tpu.dma_semaphore, #tpu.memory_space<semaphore_mem>>)
        %dma_wait3A = tpu.memref_slice %arg3[%add3A_21] : memref<786432xi32, #tpu.memory_space<hbm>> -> memref<512xi32, #tpu.memory_space<hbm>>
        %dma_wait3A_23 = tpu.memref_slice %arg3[%add3A_21] : memref<786432xi32, #tpu.memory_space<hbm>> -> memref<512xi32, #tpu.memory_space<hbm>>
        tpu.wait_dma2 semaphore(%run_scoped3A : memref<!tpu.dma_semaphore, #tpu.memory_space<semaphore_mem>>) src(%dma_wait3A_23 : memref<512xi32, #tpu.memory_space<hbm>>) dst(%arg7 : memref<512xi32, #tpu.memory_space<vmem>>)
        tpu.yield
      }) : () -> ()
      "tpu.region"() ({
        %run_scoped3A = tpu.sem_alloc : memref<!tpu.dma_semaphore, #tpu.memory_space<semaphore_mem>>
        %dma_start3A = arith.constant 0 : i32
        %dma_start3A_22 = tpu.memref_slice %arg2[%add3A_21, %dma_start3A] : memref<786432x32xf32, #tpu.memory_space<hbm>> -> memref<512x32xf32, #tpu.memory_space<hbm>>
        %dma_start3A_23 = arith.constant 0 : i32
        %dma_start3A_24 = tpu.memref_slice %arg2[%add3A_21, %dma_start3A_23] : memref<786432x32xf32, #tpu.memory_space<hbm>> -> memref<512x32xf32, #tpu.memory_space<hbm>>
        tpu.enqueue_dma source(%dma_start3A_24 : memref<512x32xf32, #tpu.memory_space<hbm>>) target(%arg8 : memref<512x32xf32, #tpu.memory_space<vmem>>) target_semaphore(%run_scoped3A : memref<!tpu.dma_semaphore, #tpu.memory_space<semaphore_mem>>)
        %dma_wait3A = arith.constant 0 : i32
        %dma_wait3A_25 = tpu.memref_slice %arg2[%add3A_21, %dma_wait3A] : memref<786432x32xf32, #tpu.memory_space<hbm>> -> memref<512x32xf32, #tpu.memory_space<hbm>>
        %dma_wait3A_26 = arith.constant 0 : i32
        %dma_wait3A_27 = tpu.memref_slice %arg2[%add3A_21, %dma_wait3A_26] : memref<786432x32xf32, #tpu.memory_space<hbm>> -> memref<512x32xf32, #tpu.memory_space<hbm>>
        tpu.wait_dma2 semaphore(%run_scoped3A : memref<!tpu.dma_semaphore, #tpu.memory_space<semaphore_mem>>) src(%dma_wait3A_27 : memref<512x32xf32, #tpu.memory_space<hbm>>) dst(%arg8 : memref<512x32xf32, #tpu.memory_space<vmem>>)
        tpu.yield
      }) : () -> ()
      "tpu.region"() ({
        %run_scoped3A = tpu.sem_alloc : memref<!tpu.dma_semaphore, #tpu.memory_space<semaphore_mem>>
        %dma_start3A = arith.constant 0 : i32
        %dma_start3A_22 = arith.constant 0 : i32
        %dma_start3A_23 = tpu.memref_slice %arg6[%dma_start3A, %dma_start3A_22] : memref<50000x32xf32, #tpu.memory_space<vmem_shared>> -> memref<50000x32xf32, #tpu.memory_space<vmem_shared>>
        tpu.enqueue_indirect_dma source(%arg8 : memref<512x32xf32, #tpu.memory_space<vmem>>) target(%dma_start3A_23 : memref<50000x32xf32, #tpu.memory_space<vmem_shared>>) offsets(%arg7 : memref<512xi32, #tpu.memory_space<vmem>>) semaphore(%run_scoped3A : memref<!tpu.dma_semaphore, #tpu.memory_space<semaphore_mem>>) {add = true}
        %dma_wait3A = arith.constant 0 : i32
        %dma_wait3A_24 = arith.constant 0 : i32
        %dma_wait3A_25 = tpu.memref_slice %arg6[%dma_wait3A, %dma_wait3A_24] : memref<50000x32xf32, #tpu.memory_space<vmem_shared>> -> memref<50000x32xf32, #tpu.memory_space<vmem_shared>>
        tpu.wait_indirect_dma semaphore(%run_scoped3A : memref<!tpu.dma_semaphore, #tpu.memory_space<semaphore_mem>>) src(%arg8 : memref<512x32xf32, #tpu.memory_space<vmem>>) dst(%dma_wait3A_25 : memref<50000x32xf32, #tpu.memory_space<vmem_shared>>)
        tpu.yield
      }) : () -> ()
    }
    %scan3A_10 = arith.constant 48 : i32
    %barrier3A_11 = arith.constant 0 : index
    tpu.barrier barrier_id(%barrier3A_11)
    %mul3A_12 = arith.constant 3125 : i32
    %mul3A_13 = arith.muli %arg1, %mul3A_12 : i32
    %mul3A_14 = arith.constant 3125 : i32
    %mul3A_15 = arith.muli %arg1, %mul3A_14 : i32
    "tpu.region"() ({
      %run_scoped3A = tpu.sem_alloc : memref<!tpu.dma_semaphore, #tpu.memory_space<semaphore_mem>>
      %dma_start3A = arith.constant 0 : i32
      %dma_start3A_16 = tpu.memref_slice %arg5[%arg0, %mul3A_15, %dma_start3A] : memref<2x50000x32xf32, #tpu.memory_space<hbm>> -> memref<1x3125x32xf32, #tpu.memory_space<hbm>>
      %dma_start3A_17 = tpu.memref_squeeze %dma_start3A_16 : memref<1x3125x32xf32, #tpu.memory_space<hbm>> -> memref<3125x32xf32, #tpu.memory_space<hbm>>
      %dma_start3A_18 = arith.constant 0 : i32
      %dma_start3A_19 = tpu.memref_slice %arg6[%mul3A_13, %dma_start3A_18] : memref<50000x32xf32, #tpu.memory_space<vmem_shared>> -> memref<3125x32xf32, #tpu.memory_space<vmem_shared>>
      tpu.enqueue_dma source(%dma_start3A_19 : memref<3125x32xf32, #tpu.memory_space<vmem_shared>>) target(%dma_start3A_17 : memref<3125x32xf32, #tpu.memory_space<hbm>>) target_semaphore(%run_scoped3A : memref<!tpu.dma_semaphore, #tpu.memory_space<semaphore_mem>>)
      %dma_wait3A = arith.constant 0 : i32
      %dma_wait3A_20 = tpu.memref_slice %arg5[%arg0, %mul3A_15, %dma_wait3A] : memref<2x50000x32xf32, #tpu.memory_space<hbm>> -> memref<1x3125x32xf32, #tpu.memory_space<hbm>>
      %dma_wait3A_21 = tpu.memref_squeeze %dma_wait3A_20 : memref<1x3125x32xf32, #tpu.memory_space<hbm>> -> memref<3125x32xf32, #tpu.memory_space<hbm>>
      %dma_wait3A_22 = arith.constant 0 : i32
      %dma_wait3A_23 = tpu.memref_slice %arg6[%mul3A_13, %dma_wait3A_22] : memref<50000x32xf32, #tpu.memory_space<vmem_shared>> -> memref<3125x32xf32, #tpu.memory_space<vmem_shared>>
      tpu.wait_dma2 semaphore(%run_scoped3A : memref<!tpu.dma_semaphore, #tpu.memory_space<semaphore_mem>>) src(%dma_wait3A_23 : memref<3125x32xf32, #tpu.memory_space<vmem_shared>>) dst(%dma_wait3A_21 : memref<3125x32xf32, #tpu.memory_space<hbm>>)
      tpu.yield
    }) : () -> ()
    return
  }
}

#map = affine_map<(d0, d1) -> (0, 0)>
#map1 = affine_map<(d0, d1) -> (0)>
#map2 = affine_map<(d0, d1) -> (0, 0, 0)>
module attributes {stable_mosaic.version = 14 : i64} {
  func.func @_sc_gather2(%arg0: i32, %arg1: i32, %arg2: memref<50000x16xf32, #tpu.memory_space<hbm>>, %arg3: memref<851968xi32, #tpu.memory_space<hbm>>, %arg4: memref<851968xi32, #tpu.memory_space<hbm>>, %arg5: memref<2x851968x16xf32, #tpu.memory_space<hbm>>, %arg6: memref<2048xi32, #tpu.memory_space<vmem>>, %arg7: memref<2048xi32, #tpu.memory_space<vmem>>, %arg8: memref<2048x16xf32, #tpu.memory_space<vmem>>, %arg9: memref<2048x16xf32, #tpu.memory_space<vmem>>, %arg10: memref<!tpu.dma_semaphore, #tpu.memory_space<semaphore_mem>>, %arg11: memref<!tpu.dma_semaphore, #tpu.memory_space<semaphore_mem>>) attributes {dimension_semantics = [#tpu.dimension_semantics<core_parallel>, #tpu.dimension_semantics<subcore_parallel>], iteration_bounds = array<i64: 2, 16>, scalar_prefetch = 0 : i64, scratch_operands = 6 : i64, tpu.core_type = #tpu.core_type<sc_vector_subcore>, window_params = [{transform_indices = #map}, {transform_indices = #map1}, {transform_indices = #map1}, {transform_indices = #map2}]} {
    %mul3A = arith.constant 2 : i32
    %mul3A_0 = arith.muli %arg1, %mul3A : i32
    %add3A = arith.addi %mul3A_0, %arg0 : i32
    %mul3A_1 = arith.constant 26624 : i32
    %mul3A_2 = arith.muli %add3A, %mul3A_1 : i32
    %scan3A = arith.constant 0 : i32
    %scan3A_3 = arith.constant 13 : i32
    %scan3A_4 = arith.addi %scan3A, %scan3A_3 : i32
    %scan3A_5 = arith.constant 1 : i32
    scf.for %scan3A_7 = %scan3A to %scan3A_4 step %scan3A_5  : i32 {
      %mul3A_8 = arith.constant 2048 : i32
      %mul3A_9 = arith.muli %scan3A_7, %mul3A_8 : i32
      %add3A_10 = arith.constant 0 : i32
      %add3A_11 = arith.addi %add3A_10, %mul3A_9 : i32
      %add3A_12 = arith.addi %mul3A_2, %add3A_11 : i32
      "tpu.region"() ({
        %run_scoped3A_24 = tpu.sem_alloc : memref<!tpu.dma_semaphore, #tpu.memory_space<semaphore_mem>>
        %dma_start3A_25 = tpu.memref_slice %arg3[%add3A_12] : memref<851968xi32, #tpu.memory_space<hbm>> -> memref<2048xi32, #tpu.memory_space<hbm>>
        %dma_start3A_26 = tpu.memref_slice %arg3[%add3A_12] : memref<851968xi32, #tpu.memory_space<hbm>> -> memref<2048xi32, #tpu.memory_space<hbm>>
        tpu.enqueue_dma source(%dma_start3A_26 : memref<2048xi32, #tpu.memory_space<hbm>>) target(%arg6 : memref<2048xi32, #tpu.memory_space<vmem>>) target_semaphore(%run_scoped3A_24 : memref<!tpu.dma_semaphore, #tpu.memory_space<semaphore_mem>>)
        %dma_wait3A_27 = tpu.memref_slice %arg3[%add3A_12] : memref<851968xi32, #tpu.memory_space<hbm>> -> memref<2048xi32, #tpu.memory_space<hbm>>
        %dma_wait3A_28 = tpu.memref_slice %arg3[%add3A_12] : memref<851968xi32, #tpu.memory_space<hbm>> -> memref<2048xi32, #tpu.memory_space<hbm>>
        tpu.wait_dma2 semaphore(%run_scoped3A_24 : memref<!tpu.dma_semaphore, #tpu.memory_space<semaphore_mem>>) src(%dma_wait3A_28 : memref<2048xi32, #tpu.memory_space<hbm>>) dst(%arg6 : memref<2048xi32, #tpu.memory_space<vmem>>)
        tpu.yield
      }) : () -> ()
      "tpu.region"() ({
        %run_scoped3A_24 = tpu.sem_alloc : memref<!tpu.dma_semaphore, #tpu.memory_space<semaphore_mem>>
        %dma_start3A_25 = tpu.memref_slice %arg4[%add3A_12] : memref<851968xi32, #tpu.memory_space<hbm>> -> memref<2048xi32, #tpu.memory_space<hbm>>
        %dma_start3A_26 = tpu.memref_slice %arg4[%add3A_12] : memref<851968xi32, #tpu.memory_space<hbm>> -> memref<2048xi32, #tpu.memory_space<hbm>>
        tpu.enqueue_dma source(%dma_start3A_26 : memref<2048xi32, #tpu.memory_space<hbm>>) target(%arg7 : memref<2048xi32, #tpu.memory_space<vmem>>) target_semaphore(%run_scoped3A_24 : memref<!tpu.dma_semaphore, #tpu.memory_space<semaphore_mem>>)
        %dma_wait3A_27 = tpu.memref_slice %arg4[%add3A_12] : memref<851968xi32, #tpu.memory_space<hbm>> -> memref<2048xi32, #tpu.memory_space<hbm>>
        %dma_wait3A_28 = tpu.memref_slice %arg4[%add3A_12] : memref<851968xi32, #tpu.memory_space<hbm>> -> memref<2048xi32, #tpu.memory_space<hbm>>
        tpu.wait_dma2 semaphore(%run_scoped3A_24 : memref<!tpu.dma_semaphore, #tpu.memory_space<semaphore_mem>>) src(%dma_wait3A_28 : memref<2048xi32, #tpu.memory_space<hbm>>) dst(%arg7 : memref<2048xi32, #tpu.memory_space<vmem>>)
        tpu.yield
      }) : () -> ()
      %dma_start3A = arith.constant 0 : i32
      %dma_start3A_13 = arith.constant 0 : i32
      %dma_start3A_14 = tpu.memref_slice %arg2[%dma_start3A, %dma_start3A_13] : memref<50000x16xf32, #tpu.memory_space<hbm>> -> memref<50000x16xf32, #tpu.memory_space<hbm>>
      tpu.enqueue_indirect_dma source(%dma_start3A_14 : memref<50000x16xf32, #tpu.memory_space<hbm>>) target(%arg8 : memref<2048x16xf32, #tpu.memory_space<vmem>>) offsets(%arg6 : memref<2048xi32, #tpu.memory_space<vmem>>) semaphore(%arg10 : memref<!tpu.dma_semaphore, #tpu.memory_space<semaphore_mem>>)
      %dma_start3A_15 = arith.constant 0 : i32
      %dma_start3A_16 = arith.constant 0 : i32
      %dma_start3A_17 = tpu.memref_slice %arg2[%dma_start3A_15, %dma_start3A_16] : memref<50000x16xf32, #tpu.memory_space<hbm>> -> memref<50000x16xf32, #tpu.memory_space<hbm>>
      tpu.enqueue_indirect_dma source(%dma_start3A_17 : memref<50000x16xf32, #tpu.memory_space<hbm>>) target(%arg9 : memref<2048x16xf32, #tpu.memory_space<vmem>>) offsets(%arg7 : memref<2048xi32, #tpu.memory_space<vmem>>) semaphore(%arg11 : memref<!tpu.dma_semaphore, #tpu.memory_space<semaphore_mem>>)
      %dma_wait3A = arith.constant 0 : i32
      %dma_wait3A_18 = arith.constant 0 : i32
      %dma_wait3A_19 = tpu.memref_slice %arg2[%dma_wait3A, %dma_wait3A_18] : memref<50000x16xf32, #tpu.memory_space<hbm>> -> memref<50000x16xf32, #tpu.memory_space<hbm>>
      tpu.wait_indirect_dma semaphore(%arg10 : memref<!tpu.dma_semaphore, #tpu.memory_space<semaphore_mem>>) src(%dma_wait3A_19 : memref<50000x16xf32, #tpu.memory_space<hbm>>) dst(%arg8 : memref<2048x16xf32, #tpu.memory_space<vmem>>)
      %dma_wait3A_20 = arith.constant 0 : i32
      %dma_wait3A_21 = arith.constant 0 : i32
      %dma_wait3A_22 = tpu.memref_slice %arg2[%dma_wait3A_20, %dma_wait3A_21] : memref<50000x16xf32, #tpu.memory_space<hbm>> -> memref<50000x16xf32, #tpu.memory_space<hbm>>
      tpu.wait_indirect_dma semaphore(%arg11 : memref<!tpu.dma_semaphore, #tpu.memory_space<semaphore_mem>>) src(%dma_wait3A_22 : memref<50000x16xf32, #tpu.memory_space<hbm>>) dst(%arg9 : memref<2048x16xf32, #tpu.memory_space<vmem>>)
      %run_scoped3A = arith.constant 0 : i32
      "tpu.region"() ({
        %run_scoped3A_24 = tpu.sem_alloc : memref<!tpu.dma_semaphore, #tpu.memory_space<semaphore_mem>>
        %dma_start3A_25 = arith.constant 0 : i32
        %dma_start3A_26 = tpu.memref_slice %arg5[%run_scoped3A, %add3A_12, %dma_start3A_25] : memref<2x851968x16xf32, #tpu.memory_space<hbm>> -> memref<1x2048x16xf32, #tpu.memory_space<hbm>>
        %dma_start3A_27 = tpu.memref_squeeze %dma_start3A_26 : memref<1x2048x16xf32, #tpu.memory_space<hbm>> -> memref<2048x16xf32, #tpu.memory_space<hbm>>
        %dma_start3A_28 = arith.constant 0 : i32
        %dma_start3A_29 = tpu.memref_slice %arg5[%run_scoped3A, %add3A_12, %dma_start3A_28] : memref<2x851968x16xf32, #tpu.memory_space<hbm>> -> memref<1x2048x16xf32, #tpu.memory_space<hbm>>
        %dma_start3A_30 = tpu.memref_squeeze %dma_start3A_29 : memref<1x2048x16xf32, #tpu.memory_space<hbm>> -> memref<2048x16xf32, #tpu.memory_space<hbm>>
        tpu.enqueue_dma source(%arg8 : memref<2048x16xf32, #tpu.memory_space<vmem>>) target(%dma_start3A_30 : memref<2048x16xf32, #tpu.memory_space<hbm>>) target_semaphore(%run_scoped3A_24 : memref<!tpu.dma_semaphore, #tpu.memory_space<semaphore_mem>>)
        %dma_wait3A_31 = arith.constant 0 : i32
        %dma_wait3A_32 = tpu.memref_slice %arg5[%run_scoped3A, %add3A_12, %dma_wait3A_31] : memref<2x851968x16xf32, #tpu.memory_space<hbm>> -> memref<1x2048x16xf32, #tpu.memory_space<hbm>>
        %dma_wait3A_33 = tpu.memref_squeeze %dma_wait3A_32 : memref<1x2048x16xf32, #tpu.memory_space<hbm>> -> memref<2048x16xf32, #tpu.memory_space<hbm>>
        %dma_wait3A_34 = arith.constant 0 : i32
        %dma_wait3A_35 = tpu.memref_slice %arg5[%run_scoped3A, %add3A_12, %dma_wait3A_34] : memref<2x851968x16xf32, #tpu.memory_space<hbm>> -> memref<1x2048x16xf32, #tpu.memory_space<hbm>>
        %dma_wait3A_36 = tpu.memref_squeeze %dma_wait3A_35 : memref<1x2048x16xf32, #tpu.memory_space<hbm>> -> memref<2048x16xf32, #tpu.memory_space<hbm>>
        tpu.wait_dma2 semaphore(%run_scoped3A_24 : memref<!tpu.dma_semaphore, #tpu.memory_space<semaphore_mem>>) src(%arg8 : memref<2048x16xf32, #tpu.memory_space<vmem>>) dst(%dma_wait3A_36 : memref<2048x16xf32, #tpu.memory_space<hbm>>)
        tpu.yield
      }) : () -> ()
      %run_scoped3A_23 = arith.constant 1 : i32
      "tpu.region"() ({
        %run_scoped3A_24 = tpu.sem_alloc : memref<!tpu.dma_semaphore, #tpu.memory_space<semaphore_mem>>
        %dma_start3A_25 = arith.constant 0 : i32
        %dma_start3A_26 = tpu.memref_slice %arg5[%run_scoped3A_23, %add3A_12, %dma_start3A_25] : memref<2x851968x16xf32, #tpu.memory_space<hbm>> -> memref<1x2048x16xf32, #tpu.memory_space<hbm>>
        %dma_start3A_27 = tpu.memref_squeeze %dma_start3A_26 : memref<1x2048x16xf32, #tpu.memory_space<hbm>> -> memref<2048x16xf32, #tpu.memory_space<hbm>>
        %dma_start3A_28 = arith.constant 0 : i32
        %dma_start3A_29 = tpu.memref_slice %arg5[%run_scoped3A_23, %add3A_12, %dma_start3A_28] : memref<2x851968x16xf32, #tpu.memory_space<hbm>> -> memref<1x2048x16xf32, #tpu.memory_space<hbm>>
        %dma_start3A_30 = tpu.memref_squeeze %dma_start3A_29 : memref<1x2048x16xf32, #tpu.memory_space<hbm>> -> memref<2048x16xf32, #tpu.memory_space<hbm>>
        tpu.enqueue_dma source(%arg9 : memref<2048x16xf32, #tpu.memory_space<vmem>>) target(%dma_start3A_30 : memref<2048x16xf32, #tpu.memory_space<hbm>>) target_semaphore(%run_scoped3A_24 : memref<!tpu.dma_semaphore, #tpu.memory_space<semaphore_mem>>)
        %dma_wait3A_31 = arith.constant 0 : i32
        %dma_wait3A_32 = tpu.memref_slice %arg5[%run_scoped3A_23, %add3A_12, %dma_wait3A_31] : memref<2x851968x16xf32, #tpu.memory_space<hbm>> -> memref<1x2048x16xf32, #tpu.memory_space<hbm>>
        %dma_wait3A_33 = tpu.memref_squeeze %dma_wait3A_32 : memref<1x2048x16xf32, #tpu.memory_space<hbm>> -> memref<2048x16xf32, #tpu.memory_space<hbm>>
        %dma_wait3A_34 = arith.constant 0 : i32
        %dma_wait3A_35 = tpu.memref_slice %arg5[%run_scoped3A_23, %add3A_12, %dma_wait3A_34] : memref<2x851968x16xf32, #tpu.memory_space<hbm>> -> memref<1x2048x16xf32, #tpu.memory_space<hbm>>
        %dma_wait3A_36 = tpu.memref_squeeze %dma_wait3A_35 : memref<1x2048x16xf32, #tpu.memory_space<hbm>> -> memref<2048x16xf32, #tpu.memory_space<hbm>>
        tpu.wait_dma2 semaphore(%run_scoped3A_24 : memref<!tpu.dma_semaphore, #tpu.memory_space<semaphore_mem>>) src(%arg9 : memref<2048x16xf32, #tpu.memory_space<vmem>>) dst(%dma_wait3A_36 : memref<2048x16xf32, #tpu.memory_space<hbm>>)
        tpu.yield
      }) : () -> ()
    }
    %scan3A_6 = arith.constant 13 : i32
    return
  }
}

#map = affine_map<(d0, d1) -> (0, 0)>
#map1 = affine_map<(d0, d1) -> (0)>
#map2 = affine_map<(d0, d1) -> (0, 0, 0)>
module attributes {stable_mosaic.version = 14 : i64} {
  func.func @_sc_gather2(%arg0: i32, %arg1: i32, %arg2: memref<50000x16xf32, #tpu.memory_space<hbm>>, %arg3: memref<786432xi32, #tpu.memory_space<hbm>>, %arg4: memref<786432xi32, #tpu.memory_space<hbm>>, %arg5: memref<2x786432x16xf32, #tpu.memory_space<hbm>>, %arg6: memref<2048xi32, #tpu.memory_space<vmem>>, %arg7: memref<2048xi32, #tpu.memory_space<vmem>>, %arg8: memref<2048x16xf32, #tpu.memory_space<vmem>>, %arg9: memref<2048x16xf32, #tpu.memory_space<vmem>>, %arg10: memref<!tpu.dma_semaphore, #tpu.memory_space<semaphore_mem>>, %arg11: memref<!tpu.dma_semaphore, #tpu.memory_space<semaphore_mem>>) attributes {dimension_semantics = [#tpu.dimension_semantics<core_parallel>, #tpu.dimension_semantics<subcore_parallel>], iteration_bounds = array<i64: 2, 16>, scalar_prefetch = 0 : i64, scratch_operands = 6 : i64, tpu.core_type = #tpu.core_type<sc_vector_subcore>, window_params = [{transform_indices = #map}, {transform_indices = #map1}, {transform_indices = #map1}, {transform_indices = #map2}]} {
    %mul3A = arith.constant 2 : i32
    %mul3A_0 = arith.muli %arg1, %mul3A : i32
    %add3A = arith.addi %mul3A_0, %arg0 : i32
    %mul3A_1 = arith.constant 24576 : i32
    %mul3A_2 = arith.muli %add3A, %mul3A_1 : i32
    %scan3A = arith.constant 0 : i32
    %scan3A_3 = arith.constant 12 : i32
    %scan3A_4 = arith.addi %scan3A, %scan3A_3 : i32
    %scan3A_5 = arith.constant 1 : i32
    scf.for %scan3A_7 = %scan3A to %scan3A_4 step %scan3A_5  : i32 {
      %mul3A_8 = arith.constant 2048 : i32
      %mul3A_9 = arith.muli %scan3A_7, %mul3A_8 : i32
      %add3A_10 = arith.constant 0 : i32
      %add3A_11 = arith.addi %add3A_10, %mul3A_9 : i32
      %add3A_12 = arith.addi %mul3A_2, %add3A_11 : i32
      "tpu.region"() ({
        %run_scoped3A_24 = tpu.sem_alloc : memref<!tpu.dma_semaphore, #tpu.memory_space<semaphore_mem>>
        %dma_start3A_25 = tpu.memref_slice %arg3[%add3A_12] : memref<786432xi32, #tpu.memory_space<hbm>> -> memref<2048xi32, #tpu.memory_space<hbm>>
        %dma_start3A_26 = tpu.memref_slice %arg3[%add3A_12] : memref<786432xi32, #tpu.memory_space<hbm>> -> memref<2048xi32, #tpu.memory_space<hbm>>
        tpu.enqueue_dma source(%dma_start3A_26 : memref<2048xi32, #tpu.memory_space<hbm>>) target(%arg6 : memref<2048xi32, #tpu.memory_space<vmem>>) target_semaphore(%run_scoped3A_24 : memref<!tpu.dma_semaphore, #tpu.memory_space<semaphore_mem>>)
        %dma_wait3A_27 = tpu.memref_slice %arg3[%add3A_12] : memref<786432xi32, #tpu.memory_space<hbm>> -> memref<2048xi32, #tpu.memory_space<hbm>>
        %dma_wait3A_28 = tpu.memref_slice %arg3[%add3A_12] : memref<786432xi32, #tpu.memory_space<hbm>> -> memref<2048xi32, #tpu.memory_space<hbm>>
        tpu.wait_dma2 semaphore(%run_scoped3A_24 : memref<!tpu.dma_semaphore, #tpu.memory_space<semaphore_mem>>) src(%dma_wait3A_28 : memref<2048xi32, #tpu.memory_space<hbm>>) dst(%arg6 : memref<2048xi32, #tpu.memory_space<vmem>>)
        tpu.yield
      }) : () -> ()
      "tpu.region"() ({
        %run_scoped3A_24 = tpu.sem_alloc : memref<!tpu.dma_semaphore, #tpu.memory_space<semaphore_mem>>
        %dma_start3A_25 = tpu.memref_slice %arg4[%add3A_12] : memref<786432xi32, #tpu.memory_space<hbm>> -> memref<2048xi32, #tpu.memory_space<hbm>>
        %dma_start3A_26 = tpu.memref_slice %arg4[%add3A_12] : memref<786432xi32, #tpu.memory_space<hbm>> -> memref<2048xi32, #tpu.memory_space<hbm>>
        tpu.enqueue_dma source(%dma_start3A_26 : memref<2048xi32, #tpu.memory_space<hbm>>) target(%arg7 : memref<2048xi32, #tpu.memory_space<vmem>>) target_semaphore(%run_scoped3A_24 : memref<!tpu.dma_semaphore, #tpu.memory_space<semaphore_mem>>)
        %dma_wait3A_27 = tpu.memref_slice %arg4[%add3A_12] : memref<786432xi32, #tpu.memory_space<hbm>> -> memref<2048xi32, #tpu.memory_space<hbm>>
        %dma_wait3A_28 = tpu.memref_slice %arg4[%add3A_12] : memref<786432xi32, #tpu.memory_space<hbm>> -> memref<2048xi32, #tpu.memory_space<hbm>>
        tpu.wait_dma2 semaphore(%run_scoped3A_24 : memref<!tpu.dma_semaphore, #tpu.memory_space<semaphore_mem>>) src(%dma_wait3A_28 : memref<2048xi32, #tpu.memory_space<hbm>>) dst(%arg7 : memref<2048xi32, #tpu.memory_space<vmem>>)
        tpu.yield
      }) : () -> ()
      %dma_start3A = arith.constant 0 : i32
      %dma_start3A_13 = arith.constant 0 : i32
      %dma_start3A_14 = tpu.memref_slice %arg2[%dma_start3A, %dma_start3A_13] : memref<50000x16xf32, #tpu.memory_space<hbm>> -> memref<50000x16xf32, #tpu.memory_space<hbm>>
      tpu.enqueue_indirect_dma source(%dma_start3A_14 : memref<50000x16xf32, #tpu.memory_space<hbm>>) target(%arg8 : memref<2048x16xf32, #tpu.memory_space<vmem>>) offsets(%arg6 : memref<2048xi32, #tpu.memory_space<vmem>>) semaphore(%arg10 : memref<!tpu.dma_semaphore, #tpu.memory_space<semaphore_mem>>)
      %dma_start3A_15 = arith.constant 0 : i32
      %dma_start3A_16 = arith.constant 0 : i32
      %dma_start3A_17 = tpu.memref_slice %arg2[%dma_start3A_15, %dma_start3A_16] : memref<50000x16xf32, #tpu.memory_space<hbm>> -> memref<50000x16xf32, #tpu.memory_space<hbm>>
      tpu.enqueue_indirect_dma source(%dma_start3A_17 : memref<50000x16xf32, #tpu.memory_space<hbm>>) target(%arg9 : memref<2048x16xf32, #tpu.memory_space<vmem>>) offsets(%arg7 : memref<2048xi32, #tpu.memory_space<vmem>>) semaphore(%arg11 : memref<!tpu.dma_semaphore, #tpu.memory_space<semaphore_mem>>)
      %dma_wait3A = arith.constant 0 : i32
      %dma_wait3A_18 = arith.constant 0 : i32
      %dma_wait3A_19 = tpu.memref_slice %arg2[%dma_wait3A, %dma_wait3A_18] : memref<50000x16xf32, #tpu.memory_space<hbm>> -> memref<50000x16xf32, #tpu.memory_space<hbm>>
      tpu.wait_indirect_dma semaphore(%arg10 : memref<!tpu.dma_semaphore, #tpu.memory_space<semaphore_mem>>) src(%dma_wait3A_19 : memref<50000x16xf32, #tpu.memory_space<hbm>>) dst(%arg8 : memref<2048x16xf32, #tpu.memory_space<vmem>>)
      %dma_wait3A_20 = arith.constant 0 : i32
      %dma_wait3A_21 = arith.constant 0 : i32
      %dma_wait3A_22 = tpu.memref_slice %arg2[%dma_wait3A_20, %dma_wait3A_21] : memref<50000x16xf32, #tpu.memory_space<hbm>> -> memref<50000x16xf32, #tpu.memory_space<hbm>>
      tpu.wait_indirect_dma semaphore(%arg11 : memref<!tpu.dma_semaphore, #tpu.memory_space<semaphore_mem>>) src(%dma_wait3A_22 : memref<50000x16xf32, #tpu.memory_space<hbm>>) dst(%arg9 : memref<2048x16xf32, #tpu.memory_space<vmem>>)
      %run_scoped3A = arith.constant 0 : i32
      "tpu.region"() ({
        %run_scoped3A_24 = tpu.sem_alloc : memref<!tpu.dma_semaphore, #tpu.memory_space<semaphore_mem>>
        %dma_start3A_25 = arith.constant 0 : i32
        %dma_start3A_26 = tpu.memref_slice %arg5[%run_scoped3A, %add3A_12, %dma_start3A_25] : memref<2x786432x16xf32, #tpu.memory_space<hbm>> -> memref<1x2048x16xf32, #tpu.memory_space<hbm>>
        %dma_start3A_27 = tpu.memref_squeeze %dma_start3A_26 : memref<1x2048x16xf32, #tpu.memory_space<hbm>> -> memref<2048x16xf32, #tpu.memory_space<hbm>>
        %dma_start3A_28 = arith.constant 0 : i32
        %dma_start3A_29 = tpu.memref_slice %arg5[%run_scoped3A, %add3A_12, %dma_start3A_28] : memref<2x786432x16xf32, #tpu.memory_space<hbm>> -> memref<1x2048x16xf32, #tpu.memory_space<hbm>>
        %dma_start3A_30 = tpu.memref_squeeze %dma_start3A_29 : memref<1x2048x16xf32, #tpu.memory_space<hbm>> -> memref<2048x16xf32, #tpu.memory_space<hbm>>
        tpu.enqueue_dma source(%arg8 : memref<2048x16xf32, #tpu.memory_space<vmem>>) target(%dma_start3A_30 : memref<2048x16xf32, #tpu.memory_space<hbm>>) target_semaphore(%run_scoped3A_24 : memref<!tpu.dma_semaphore, #tpu.memory_space<semaphore_mem>>)
        %dma_wait3A_31 = arith.constant 0 : i32
        %dma_wait3A_32 = tpu.memref_slice %arg5[%run_scoped3A, %add3A_12, %dma_wait3A_31] : memref<2x786432x16xf32, #tpu.memory_space<hbm>> -> memref<1x2048x16xf32, #tpu.memory_space<hbm>>
        %dma_wait3A_33 = tpu.memref_squeeze %dma_wait3A_32 : memref<1x2048x16xf32, #tpu.memory_space<hbm>> -> memref<2048x16xf32, #tpu.memory_space<hbm>>
        %dma_wait3A_34 = arith.constant 0 : i32
        %dma_wait3A_35 = tpu.memref_slice %arg5[%run_scoped3A, %add3A_12, %dma_wait3A_34] : memref<2x786432x16xf32, #tpu.memory_space<hbm>> -> memref<1x2048x16xf32, #tpu.memory_space<hbm>>
        %dma_wait3A_36 = tpu.memref_squeeze %dma_wait3A_35 : memref<1x2048x16xf32, #tpu.memory_space<hbm>> -> memref<2048x16xf32, #tpu.memory_space<hbm>>
        tpu.wait_dma2 semaphore(%run_scoped3A_24 : memref<!tpu.dma_semaphore, #tpu.memory_space<semaphore_mem>>) src(%arg8 : memref<2048x16xf32, #tpu.memory_space<vmem>>) dst(%dma_wait3A_36 : memref<2048x16xf32, #tpu.memory_space<hbm>>)
        tpu.yield
      }) : () -> ()
      %run_scoped3A_23 = arith.constant 1 : i32
      "tpu.region"() ({
        %run_scoped3A_24 = tpu.sem_alloc : memref<!tpu.dma_semaphore, #tpu.memory_space<semaphore_mem>>
        %dma_start3A_25 = arith.constant 0 : i32
        %dma_start3A_26 = tpu.memref_slice %arg5[%run_scoped3A_23, %add3A_12, %dma_start3A_25] : memref<2x786432x16xf32, #tpu.memory_space<hbm>> -> memref<1x2048x16xf32, #tpu.memory_space<hbm>>
        %dma_start3A_27 = tpu.memref_squeeze %dma_start3A_26 : memref<1x2048x16xf32, #tpu.memory_space<hbm>> -> memref<2048x16xf32, #tpu.memory_space<hbm>>
        %dma_start3A_28 = arith.constant 0 : i32
        %dma_start3A_29 = tpu.memref_slice %arg5[%run_scoped3A_23, %add3A_12, %dma_start3A_28] : memref<2x786432x16xf32, #tpu.memory_space<hbm>> -> memref<1x2048x16xf32, #tpu.memory_space<hbm>>
        %dma_start3A_30 = tpu.memref_squeeze %dma_start3A_29 : memref<1x2048x16xf32, #tpu.memory_space<hbm>> -> memref<2048x16xf32, #tpu.memory_space<hbm>>
        tpu.enqueue_dma source(%arg9 : memref<2048x16xf32, #tpu.memory_space<vmem>>) target(%dma_start3A_30 : memref<2048x16xf32, #tpu.memory_space<hbm>>) target_semaphore(%run_scoped3A_24 : memref<!tpu.dma_semaphore, #tpu.memory_space<semaphore_mem>>)
        %dma_wait3A_31 = arith.constant 0 : i32
        %dma_wait3A_32 = tpu.memref_slice %arg5[%run_scoped3A_23, %add3A_12, %dma_wait3A_31] : memref<2x786432x16xf32, #tpu.memory_space<hbm>> -> memref<1x2048x16xf32, #tpu.memory_space<hbm>>
        %dma_wait3A_33 = tpu.memref_squeeze %dma_wait3A_32 : memref<1x2048x16xf32, #tpu.memory_space<hbm>> -> memref<2048x16xf32, #tpu.memory_space<hbm>>
        %dma_wait3A_34 = arith.constant 0 : i32
        %dma_wait3A_35 = tpu.memref_slice %arg5[%run_scoped3A_23, %add3A_12, %dma_wait3A_34] : memref<2x786432x16xf32, #tpu.memory_space<hbm>> -> memref<1x2048x16xf32, #tpu.memory_space<hbm>>
        %dma_wait3A_36 = tpu.memref_squeeze %dma_wait3A_35 : memref<1x2048x16xf32, #tpu.memory_space<hbm>> -> memref<2048x16xf32, #tpu.memory_space<hbm>>
        tpu.wait_dma2 semaphore(%run_scoped3A_24 : memref<!tpu.dma_semaphore, #tpu.memory_space<semaphore_mem>>) src(%arg9 : memref<2048x16xf32, #tpu.memory_space<vmem>>) dst(%dma_wait3A_36 : memref<2048x16xf32, #tpu.memory_space<hbm>>)
        tpu.yield
      }) : () -> ()
    }
    %scan3A_6 = arith.constant 12 : i32
    return
  }
}

#map = affine_map<(d0, d1) -> (0, 0)>
#map1 = affine_map<(d0, d1) -> (0)>
#map2 = affine_map<(d0, d1) -> (0, 0, 0)>
module attributes {stable_mosaic.version = 14 : i64} {
  func.func @_sc_scatter_add(%arg0: i32, %arg1: i32, %arg2: memref<851968x32xf32, #tpu.memory_space<hbm>>, %arg3: memref<851968xi32, #tpu.memory_space<hbm>>, %arg4: memref<50000x32xf32, #tpu.memory_space<hbm>>, %arg5: memref<2x50000x32xf32, #tpu.memory_space<hbm>>, %arg6: memref<50000x32xf32, #tpu.memory_space<vmem_shared>>, %arg7: memref<512xi32, #tpu.memory_space<vmem>>, %arg8: memref<512x32xf32, #tpu.memory_space<vmem>>) attributes {dimension_semantics = [#tpu.dimension_semantics<core_parallel>, #tpu.dimension_semantics<subcore_parallel>], iteration_bounds = array<i64: 2, 16>, scalar_prefetch = 0 : i64, scratch_operands = 3 : i64, tpu.core_type = #tpu.core_type<sc_vector_subcore>, window_params = [{transform_indices = #map}, {transform_indices = #map1}, {transform_indices = #map}, {transform_indices = #map2}]} {
    %mul3A = arith.constant 2 : i32
    %mul3A_0 = arith.muli %arg1, %mul3A : i32
    %add3A = arith.addi %mul3A_0, %arg0 : i32
    %mul3A_1 = arith.constant 3125 : i32
    %mul3A_2 = arith.muli %arg1, %mul3A_1 : i32
    %mul3A_3 = arith.constant 3125 : i32
    %mul3A_4 = arith.muli %arg1, %mul3A_3 : i32
    "tpu.region"() ({
      %run_scoped3A = tpu.sem_alloc : memref<!tpu.dma_semaphore, #tpu.memory_space<semaphore_mem>>
      %dma_start3A = arith.constant 0 : i32
      %dma_start3A_16 = tpu.memref_slice %arg6[%mul3A_4, %dma_start3A] : memref<50000x32xf32, #tpu.memory_space<vmem_shared>> -> memref<3125x32xf32, #tpu.memory_space<vmem_shared>>
      %dma_start3A_17 = arith.constant 0 : i32
      %dma_start3A_18 = tpu.memref_slice %arg4[%mul3A_2, %dma_start3A_17] : memref<50000x32xf32, #tpu.memory_space<hbm>> -> memref<3125x32xf32, #tpu.memory_space<hbm>>
      tpu.enqueue_dma source(%dma_start3A_18 : memref<3125x32xf32, #tpu.memory_space<hbm>>) target(%dma_start3A_16 : memref<3125x32xf32, #tpu.memory_space<vmem_shared>>) target_semaphore(%run_scoped3A : memref<!tpu.dma_semaphore, #tpu.memory_space<semaphore_mem>>)
      %dma_wait3A = arith.constant 0 : i32
      %dma_wait3A_19 = tpu.memref_slice %arg6[%mul3A_4, %dma_wait3A] : memref<50000x32xf32, #tpu.memory_space<vmem_shared>> -> memref<3125x32xf32, #tpu.memory_space<vmem_shared>>
      %dma_wait3A_20 = arith.constant 0 : i32
      %dma_wait3A_21 = tpu.memref_slice %arg4[%mul3A_2, %dma_wait3A_20] : memref<50000x32xf32, #tpu.memory_space<hbm>> -> memref<3125x32xf32, #tpu.memory_space<hbm>>
      tpu.wait_dma2 semaphore(%run_scoped3A : memref<!tpu.dma_semaphore, #tpu.memory_space<semaphore_mem>>) src(%dma_wait3A_21 : memref<3125x32xf32, #tpu.memory_space<hbm>>) dst(%dma_wait3A_19 : memref<3125x32xf32, #tpu.memory_space<vmem_shared>>)
      tpu.yield
    }) : () -> ()
    %barrier3A = arith.constant 0 : index
    tpu.barrier barrier_id(%barrier3A)
    %mul3A_5 = arith.constant 26624 : i32
    %mul3A_6 = arith.muli %add3A, %mul3A_5 : i32
    %scan3A = arith.constant 0 : i32
    %scan3A_7 = arith.constant 52 : i32
    %scan3A_8 = arith.addi %scan3A, %scan3A_7 : i32
    %scan3A_9 = arith.constant 1 : i32
    scf.for %scan3A_16 = %scan3A to %scan3A_8 step %scan3A_9  : i32 {
      %mul3A_17 = arith.constant 512 : i32
      %mul3A_18 = arith.muli %scan3A_16, %mul3A_17 : i32
      %add3A_19 = arith.constant 0 : i32
      %add3A_20 = arith.addi %add3A_19, %mul3A_18 : i32
      %add3A_21 = arith.addi %mul3A_6, %add3A_20 : i32
      "tpu.region"() ({
        %run_scoped3A = tpu.sem_alloc : memref<!tpu.dma_semaphore, #tpu.memory_space<semaphore_mem>>
        %dma_start3A = tpu.memref_slice %arg3[%add3A_21] : memref<851968xi32, #tpu.memory_space<hbm>> -> memref<512xi32, #tpu.memory_space<hbm>>
        %dma_start3A_22 = tpu.memref_slice %arg3[%add3A_21] : memref<851968xi32, #tpu.memory_space<hbm>> -> memref<512xi32, #tpu.memory_space<hbm>>
        tpu.enqueue_dma source(%dma_start3A_22 : memref<512xi32, #tpu.memory_space<hbm>>) target(%arg7 : memref<512xi32, #tpu.memory_space<vmem>>) target_semaphore(%run_scoped3A : memref<!tpu.dma_semaphore, #tpu.memory_space<semaphore_mem>>)
        %dma_wait3A = tpu.memref_slice %arg3[%add3A_21] : memref<851968xi32, #tpu.memory_space<hbm>> -> memref<512xi32, #tpu.memory_space<hbm>>
        %dma_wait3A_23 = tpu.memref_slice %arg3[%add3A_21] : memref<851968xi32, #tpu.memory_space<hbm>> -> memref<512xi32, #tpu.memory_space<hbm>>
        tpu.wait_dma2 semaphore(%run_scoped3A : memref<!tpu.dma_semaphore, #tpu.memory_space<semaphore_mem>>) src(%dma_wait3A_23 : memref<512xi32, #tpu.memory_space<hbm>>) dst(%arg7 : memref<512xi32, #tpu.memory_space<vmem>>)
        tpu.yield
      }) : () -> ()
      "tpu.region"() ({
        %run_scoped3A = tpu.sem_alloc : memref<!tpu.dma_semaphore, #tpu.memory_space<semaphore_mem>>
        %dma_start3A = arith.constant 0 : i32
        %dma_start3A_22 = tpu.memref_slice %arg2[%add3A_21, %dma_start3A] : memref<851968x32xf32, #tpu.memory_space<hbm>> -> memref<512x32xf32, #tpu.memory_space<hbm>>
        %dma_start3A_23 = arith.constant 0 : i32
        %dma_start3A_24 = tpu.memref_slice %arg2[%add3A_21, %dma_start3A_23] : memref<851968x32xf32, #tpu.memory_space<hbm>> -> memref<512x32xf32, #tpu.memory_space<hbm>>
        tpu.enqueue_dma source(%dma_start3A_24 : memref<512x32xf32, #tpu.memory_space<hbm>>) target(%arg8 : memref<512x32xf32, #tpu.memory_space<vmem>>) target_semaphore(%run_scoped3A : memref<!tpu.dma_semaphore, #tpu.memory_space<semaphore_mem>>)
        %dma_wait3A = arith.constant 0 : i32
        %dma_wait3A_25 = tpu.memref_slice %arg2[%add3A_21, %dma_wait3A] : memref<851968x32xf32, #tpu.memory_space<hbm>> -> memref<512x32xf32, #tpu.memory_space<hbm>>
        %dma_wait3A_26 = arith.constant 0 : i32
        %dma_wait3A_27 = tpu.memref_slice %arg2[%add3A_21, %dma_wait3A_26] : memref<851968x32xf32, #tpu.memory_space<hbm>> -> memref<512x32xf32, #tpu.memory_space<hbm>>
        tpu.wait_dma2 semaphore(%run_scoped3A : memref<!tpu.dma_semaphore, #tpu.memory_space<semaphore_mem>>) src(%dma_wait3A_27 : memref<512x32xf32, #tpu.memory_space<hbm>>) dst(%arg8 : memref<512x32xf32, #tpu.memory_space<vmem>>)
        tpu.yield
      }) : () -> ()
      "tpu.region"() ({
        %run_scoped3A = tpu.sem_alloc : memref<!tpu.dma_semaphore, #tpu.memory_space<semaphore_mem>>
        %dma_start3A = arith.constant 0 : i32
        %dma_start3A_22 = arith.constant 0 : i32
        %dma_start3A_23 = tpu.memref_slice %arg6[%dma_start3A, %dma_start3A_22] : memref<50000x32xf32, #tpu.memory_space<vmem_shared>> -> memref<50000x32xf32, #tpu.memory_space<vmem_shared>>
        tpu.enqueue_indirect_dma source(%arg8 : memref<512x32xf32, #tpu.memory_space<vmem>>) target(%dma_start3A_23 : memref<50000x32xf32, #tpu.memory_space<vmem_shared>>) offsets(%arg7 : memref<512xi32, #tpu.memory_space<vmem>>) semaphore(%run_scoped3A : memref<!tpu.dma_semaphore, #tpu.memory_space<semaphore_mem>>) {add = true}
        %dma_wait3A = arith.constant 0 : i32
        %dma_wait3A_24 = arith.constant 0 : i32
        %dma_wait3A_25 = tpu.memref_slice %arg6[%dma_wait3A, %dma_wait3A_24] : memref<50000x32xf32, #tpu.memory_space<vmem_shared>> -> memref<50000x32xf32, #tpu.memory_space<vmem_shared>>
        tpu.wait_indirect_dma semaphore(%run_scoped3A : memref<!tpu.dma_semaphore, #tpu.memory_space<semaphore_mem>>) src(%arg8 : memref<512x32xf32, #tpu.memory_space<vmem>>) dst(%dma_wait3A_25 : memref<50000x32xf32, #tpu.memory_space<vmem_shared>>)
        tpu.yield
      }) : () -> ()
    }
    %scan3A_10 = arith.constant 52 : i32
    %barrier3A_11 = arith.constant 0 : index
    tpu.barrier barrier_id(%barrier3A_11)
    %mul3A_12 = arith.constant 3125 : i32
    %mul3A_13 = arith.muli %arg1, %mul3A_12 : i32
    %mul3A_14 = arith.constant 3125 : i32
    %mul3A_15 = arith.muli %arg1, %mul3A_14 : i32
    "tpu.region"() ({
      %run_scoped3A = tpu.sem_alloc : memref<!tpu.dma_semaphore, #tpu.memory_space<semaphore_mem>>
      %dma_start3A = arith.constant 0 : i32
      %dma_start3A_16 = tpu.memref_slice %arg5[%arg0, %mul3A_15, %dma_start3A] : memref<2x50000x32xf32, #tpu.memory_space<hbm>> -> memref<1x3125x32xf32, #tpu.memory_space<hbm>>
      %dma_start3A_17 = tpu.memref_squeeze %dma_start3A_16 : memref<1x3125x32xf32, #tpu.memory_space<hbm>> -> memref<3125x32xf32, #tpu.memory_space<hbm>>
      %dma_start3A_18 = arith.constant 0 : i32
      %dma_start3A_19 = tpu.memref_slice %arg6[%mul3A_13, %dma_start3A_18] : memref<50000x32xf32, #tpu.memory_space<vmem_shared>> -> memref<3125x32xf32, #tpu.memory_space<vmem_shared>>
      tpu.enqueue_dma source(%dma_start3A_19 : memref<3125x32xf32, #tpu.memory_space<vmem_shared>>) target(%dma_start3A_17 : memref<3125x32xf32, #tpu.memory_space<hbm>>) target_semaphore(%run_scoped3A : memref<!tpu.dma_semaphore, #tpu.memory_space<semaphore_mem>>)
      %dma_wait3A = arith.constant 0 : i32
      %dma_wait3A_20 = tpu.memref_slice %arg5[%arg0, %mul3A_15, %dma_wait3A] : memref<2x50000x32xf32, #tpu.memory_space<hbm>> -> memref<1x3125x32xf32, #tpu.memory_space<hbm>>
      %dma_wait3A_21 = tpu.memref_squeeze %dma_wait3A_20 : memref<1x3125x32xf32, #tpu.memory_space<hbm>> -> memref<3125x32xf32, #tpu.memory_space<hbm>>
      %dma_wait3A_22 = arith.constant 0 : i32
      %dma_wait3A_23 = tpu.memref_slice %arg6[%mul3A_13, %dma_wait3A_22] : memref<50000x32xf32, #tpu.memory_space<vmem_shared>> -> memref<3125x32xf32, #tpu.memory_space<vmem_shared>>
      tpu.wait_dma2 semaphore(%run_scoped3A : memref<!tpu.dma_semaphore, #tpu.memory_space<semaphore_mem>>) src(%dma_wait3A_23 : memref<3125x32xf32, #tpu.memory_space<vmem_shared>>) dst(%dma_wait3A_21 : memref<3125x32xf32, #tpu.memory_space<hbm>>)
      tpu.yield
    }) : () -> ()
    return
  }
}

#map = affine_map<(d0, d1) -> (0, 0)>
#map1 = affine_map<(d0, d1) -> (0)>
#map2 = affine_map<(d0, d1) -> (0, 0, 0)>
module attributes {stable_mosaic.version = 14 : i64} {
  func.func @_sc_scatter_add(%arg0: i32, %arg1: i32, %arg2: memref<786432x32xf32, #tpu.memory_space<hbm>>, %arg3: memref<786432xi32, #tpu.memory_space<hbm>>, %arg4: memref<50000x32xf32, #tpu.memory_space<hbm>>, %arg5: memref<2x50000x32xf32, #tpu.memory_space<hbm>>, %arg6: memref<50000x32xf32, #tpu.memory_space<vmem_shared>>, %arg7: memref<512xi32, #tpu.memory_space<vmem>>, %arg8: memref<512x32xf32, #tpu.memory_space<vmem>>) attributes {dimension_semantics = [#tpu.dimension_semantics<core_parallel>, #tpu.dimension_semantics<subcore_parallel>], iteration_bounds = array<i64: 2, 16>, scalar_prefetch = 0 : i64, scratch_operands = 3 : i64, tpu.core_type = #tpu.core_type<sc_vector_subcore>, window_params = [{transform_indices = #map}, {transform_indices = #map1}, {transform_indices = #map}, {transform_indices = #map2}]} {
    %mul3A = arith.constant 2 : i32
    %mul3A_0 = arith.muli %arg1, %mul3A : i32
    %add3A = arith.addi %mul3A_0, %arg0 : i32
    %mul3A_1 = arith.constant 3125 : i32
    %mul3A_2 = arith.muli %arg1, %mul3A_1 : i32
    %mul3A_3 = arith.constant 3125 : i32
    %mul3A_4 = arith.muli %arg1, %mul3A_3 : i32
    "tpu.region"() ({
      %run_scoped3A = tpu.sem_alloc : memref<!tpu.dma_semaphore, #tpu.memory_space<semaphore_mem>>
      %dma_start3A = arith.constant 0 : i32
      %dma_start3A_16 = tpu.memref_slice %arg6[%mul3A_4, %dma_start3A] : memref<50000x32xf32, #tpu.memory_space<vmem_shared>> -> memref<3125x32xf32, #tpu.memory_space<vmem_shared>>
      %dma_start3A_17 = arith.constant 0 : i32
      %dma_start3A_18 = tpu.memref_slice %arg4[%mul3A_2, %dma_start3A_17] : memref<50000x32xf32, #tpu.memory_space<hbm>> -> memref<3125x32xf32, #tpu.memory_space<hbm>>
      tpu.enqueue_dma source(%dma_start3A_18 : memref<3125x32xf32, #tpu.memory_space<hbm>>) target(%dma_start3A_16 : memref<3125x32xf32, #tpu.memory_space<vmem_shared>>) target_semaphore(%run_scoped3A : memref<!tpu.dma_semaphore, #tpu.memory_space<semaphore_mem>>)
      %dma_wait3A = arith.constant 0 : i32
      %dma_wait3A_19 = tpu.memref_slice %arg6[%mul3A_4, %dma_wait3A] : memref<50000x32xf32, #tpu.memory_space<vmem_shared>> -> memref<3125x32xf32, #tpu.memory_space<vmem_shared>>
      %dma_wait3A_20 = arith.constant 0 : i32
      %dma_wait3A_21 = tpu.memref_slice %arg4[%mul3A_2, %dma_wait3A_20] : memref<50000x32xf32, #tpu.memory_space<hbm>> -> memref<3125x32xf32, #tpu.memory_space<hbm>>
      tpu.wait_dma2 semaphore(%run_scoped3A : memref<!tpu.dma_semaphore, #tpu.memory_space<semaphore_mem>>) src(%dma_wait3A_21 : memref<3125x32xf32, #tpu.memory_space<hbm>>) dst(%dma_wait3A_19 : memref<3125x32xf32, #tpu.memory_space<vmem_shared>>)
      tpu.yield
    }) : () -> ()
    %barrier3A = arith.constant 0 : index
    tpu.barrier barrier_id(%barrier3A)
    %mul3A_5 = arith.constant 24576 : i32
    %mul3A_6 = arith.muli %add3A, %mul3A_5 : i32
    %scan3A = arith.constant 0 : i32
    %scan3A_7 = arith.constant 48 : i32
    %scan3A_8 = arith.addi %scan3A, %scan3A_7 : i32
    %scan3A_9 = arith.constant 1 : i32
    scf.for %scan3A_16 = %scan3A to %scan3A_8 step %scan3A_9  : i32 {
      %mul3A_17 = arith.constant 512 : i32
      %mul3A_18 = arith.muli %scan3A_16, %mul3A_17 : i32
      %add3A_19 = arith.constant 0 : i32
      %add3A_20 = arith.addi %add3A_19, %mul3A_18 : i32
      %add3A_21 = arith.addi %mul3A_6, %add3A_20 : i32
      "tpu.region"() ({
        %run_scoped3A = tpu.sem_alloc : memref<!tpu.dma_semaphore, #tpu.memory_space<semaphore_mem>>
        %dma_start3A = tpu.memref_slice %arg3[%add3A_21] : memref<786432xi32, #tpu.memory_space<hbm>> -> memref<512xi32, #tpu.memory_space<hbm>>
        %dma_start3A_22 = tpu.memref_slice %arg3[%add3A_21] : memref<786432xi32, #tpu.memory_space<hbm>> -> memref<512xi32, #tpu.memory_space<hbm>>
        tpu.enqueue_dma source(%dma_start3A_22 : memref<512xi32, #tpu.memory_space<hbm>>) target(%arg7 : memref<512xi32, #tpu.memory_space<vmem>>) target_semaphore(%run_scoped3A : memref<!tpu.dma_semaphore, #tpu.memory_space<semaphore_mem>>)
        %dma_wait3A = tpu.memref_slice %arg3[%add3A_21] : memref<786432xi32, #tpu.memory_space<hbm>> -> memref<512xi32, #tpu.memory_space<hbm>>
        %dma_wait3A_23 = tpu.memref_slice %arg3[%add3A_21] : memref<786432xi32, #tpu.memory_space<hbm>> -> memref<512xi32, #tpu.memory_space<hbm>>
        tpu.wait_dma2 semaphore(%run_scoped3A : memref<!tpu.dma_semaphore, #tpu.memory_space<semaphore_mem>>) src(%dma_wait3A_23 : memref<512xi32, #tpu.memory_space<hbm>>) dst(%arg7 : memref<512xi32, #tpu.memory_space<vmem>>)
        tpu.yield
      }) : () -> ()
      "tpu.region"() ({
        %run_scoped3A = tpu.sem_alloc : memref<!tpu.dma_semaphore, #tpu.memory_space<semaphore_mem>>
        %dma_start3A = arith.constant 0 : i32
        %dma_start3A_22 = tpu.memref_slice %arg2[%add3A_21, %dma_start3A] : memref<786432x32xf32, #tpu.memory_space<hbm>> -> memref<512x32xf32, #tpu.memory_space<hbm>>
        %dma_start3A_23 = arith.constant 0 : i32
        %dma_start3A_24 = tpu.memref_slice %arg2[%add3A_21, %dma_start3A_23] : memref<786432x32xf32, #tpu.memory_space<hbm>> -> memref<512x32xf32, #tpu.memory_space<hbm>>
        tpu.enqueue_dma source(%dma_start3A_24 : memref<512x32xf32, #tpu.memory_space<hbm>>) target(%arg8 : memref<512x32xf32, #tpu.memory_space<vmem>>) target_semaphore(%run_scoped3A : memref<!tpu.dma_semaphore, #tpu.memory_space<semaphore_mem>>)
        %dma_wait3A = arith.constant 0 : i32
        %dma_wait3A_25 = tpu.memref_slice %arg2[%add3A_21, %dma_wait3A] : memref<786432x32xf32, #tpu.memory_space<hbm>> -> memref<512x32xf32, #tpu.memory_space<hbm>>
        %dma_wait3A_26 = arith.constant 0 : i32
        %dma_wait3A_27 = tpu.memref_slice %arg2[%add3A_21, %dma_wait3A_26] : memref<786432x32xf32, #tpu.memory_space<hbm>> -> memref<512x32xf32, #tpu.memory_space<hbm>>
        tpu.wait_dma2 semaphore(%run_scoped3A : memref<!tpu.dma_semaphore, #tpu.memory_space<semaphore_mem>>) src(%dma_wait3A_27 : memref<512x32xf32, #tpu.memory_space<hbm>>) dst(%arg8 : memref<512x32xf32, #tpu.memory_space<vmem>>)
        tpu.yield
      }) : () -> ()
      "tpu.region"() ({
        %run_scoped3A = tpu.sem_alloc : memref<!tpu.dma_semaphore, #tpu.memory_space<semaphore_mem>>
        %dma_start3A = arith.constant 0 : i32
        %dma_start3A_22 = arith.constant 0 : i32
        %dma_start3A_23 = tpu.memref_slice %arg6[%dma_start3A, %dma_start3A_22] : memref<50000x32xf32, #tpu.memory_space<vmem_shared>> -> memref<50000x32xf32, #tpu.memory_space<vmem_shared>>
        tpu.enqueue_indirect_dma source(%arg8 : memref<512x32xf32, #tpu.memory_space<vmem>>) target(%dma_start3A_23 : memref<50000x32xf32, #tpu.memory_space<vmem_shared>>) offsets(%arg7 : memref<512xi32, #tpu.memory_space<vmem>>) semaphore(%run_scoped3A : memref<!tpu.dma_semaphore, #tpu.memory_space<semaphore_mem>>) {add = true}
        %dma_wait3A = arith.constant 0 : i32
        %dma_wait3A_24 = arith.constant 0 : i32
        %dma_wait3A_25 = tpu.memref_slice %arg6[%dma_wait3A, %dma_wait3A_24] : memref<50000x32xf32, #tpu.memory_space<vmem_shared>> -> memref<50000x32xf32, #tpu.memory_space<vmem_shared>>
        tpu.wait_indirect_dma semaphore(%run_scoped3A : memref<!tpu.dma_semaphore, #tpu.memory_space<semaphore_mem>>) src(%arg8 : memref<512x32xf32, #tpu.memory_space<vmem>>) dst(%dma_wait3A_25 : memref<50000x32xf32, #tpu.memory_space<vmem_shared>>)
        tpu.yield
      }) : () -> ()
    }
    %scan3A_10 = arith.constant 48 : i32
    %barrier3A_11 = arith.constant 0 : index
    tpu.barrier barrier_id(%barrier3A_11)
    %mul3A_12 = arith.constant 3125 : i32
    %mul3A_13 = arith.muli %arg1, %mul3A_12 : i32
    %mul3A_14 = arith.constant 3125 : i32
    %mul3A_15 = arith.muli %arg1, %mul3A_14 : i32
    "tpu.region"() ({
      %run_scoped3A = tpu.sem_alloc : memref<!tpu.dma_semaphore, #tpu.memory_space<semaphore_mem>>
      %dma_start3A = arith.constant 0 : i32
      %dma_start3A_16 = tpu.memref_slice %arg5[%arg0, %mul3A_15, %dma_start3A] : memref<2x50000x32xf32, #tpu.memory_space<hbm>> -> memref<1x3125x32xf32, #tpu.memory_space<hbm>>
      %dma_start3A_17 = tpu.memref_squeeze %dma_start3A_16 : memref<1x3125x32xf32, #tpu.memory_space<hbm>> -> memref<3125x32xf32, #tpu.memory_space<hbm>>
      %dma_start3A_18 = arith.constant 0 : i32
      %dma_start3A_19 = tpu.memref_slice %arg6[%mul3A_13, %dma_start3A_18] : memref<50000x32xf32, #tpu.memory_space<vmem_shared>> -> memref<3125x32xf32, #tpu.memory_space<vmem_shared>>
      tpu.enqueue_dma source(%dma_start3A_19 : memref<3125x32xf32, #tpu.memory_space<vmem_shared>>) target(%dma_start3A_17 : memref<3125x32xf32, #tpu.memory_space<hbm>>) target_semaphore(%run_scoped3A : memref<!tpu.dma_semaphore, #tpu.memory_space<semaphore_mem>>)
      %dma_wait3A = arith.constant 0 : i32
      %dma_wait3A_20 = tpu.memref_slice %arg5[%arg0, %mul3A_15, %dma_wait3A] : memref<2x50000x32xf32, #tpu.memory_space<hbm>> -> memref<1x3125x32xf32, #tpu.memory_space<hbm>>
      %dma_wait3A_21 = tpu.memref_squeeze %dma_wait3A_20 : memref<1x3125x32xf32, #tpu.memory_space<hbm>> -> memref<3125x32xf32, #tpu.memory_space<hbm>>
      %dma_wait3A_22 = arith.constant 0 : i32
      %dma_wait3A_23 = tpu.memref_slice %arg6[%mul3A_13, %dma_wait3A_22] : memref<50000x32xf32, #tpu.memory_space<vmem_shared>> -> memref<3125x32xf32, #tpu.memory_space<vmem_shared>>
      tpu.wait_dma2 semaphore(%run_scoped3A : memref<!tpu.dma_semaphore, #tpu.memory_space<semaphore_mem>>) src(%dma_wait3A_23 : memref<3125x32xf32, #tpu.memory_space<vmem_shared>>) dst(%dma_wait3A_21 : memref<3125x32xf32, #tpu.memory_space<hbm>>)
      tpu.yield
    }) : () -> ()
    return
  }
}

module attributes {stable_mosaic.version = 14 : i64} {
  func.func @_enc_body(%arg0: i32, %arg1: memref<2000x3xf32, #tpu.memory_space<vmem>>, %arg2: memref<8x32xf32, #tpu.memory_space<vmem>>, %arg3: memref<32x16xf32, #tpu.memory_space<vmem>>, %arg4: memref<8x32xf32, #tpu.memory_space<vmem>>, %arg5: memref<2000x16xf32, #tpu.memory_space<vmem>>) attributes {dimension_semantics = [#tpu.dimension_semantics<arbitrary>], iteration_bounds = array<i64: 25>, scalar_prefetch = 0 : i64, scratch_operands = 0 : i64, tpu.core_type = #tpu.core_type<tc>, window_params = [{transform_indices = @transform_0, window_bounds = array<i64: 2000, 3>}, {pipeline_mode = #tpu.pipeline_mode<synchronous>, transform_indices = @transform_1, window_bounds = array<i64: 8, 32>}, {pipeline_mode = #tpu.pipeline_mode<synchronous>, transform_indices = @transform_2, window_bounds = array<i64: 32, 16>}, {pipeline_mode = #tpu.pipeline_mode<synchronous>, transform_indices = @transform_3, window_bounds = array<i64: 8, 32>}, {transform_indices = @transform_4, window_bounds = array<i64: 2000, 16>}]} {
    %get3A = arith.constant 0 : index
    %get3A_0 = arith.constant 0 : index
    %get3A_1 = vector.load %arg1[%get3A, %get3A_0] : memref<2000x3xf32, #tpu.memory_space<vmem>>, vector<2000x3xf32>
    %get3A_2 = arith.constant 0 : index
    %get3A_3 = arith.constant 0 : index
    %get3A_4 = vector.load %arg2[%get3A_2, %get3A_3] : memref<8x32xf32, #tpu.memory_space<vmem>>, vector<8x32xf32>
    %get3A_5 = arith.constant 0 : index
    %get3A_6 = arith.constant 0 : index
    %get3A_7 = vector.load %arg4[%get3A_5, %get3A_6] : memref<8x32xf32, #tpu.memory_space<vmem>>, vector<8x32xf32>
    %convert_element_type3A = arith.truncf %get3A_1 : vector<2000x3xf32> to vector<2000x3xbf16>
    %convert_element_type3A_8 = arith.extf %convert_element_type3A : vector<2000x3xbf16> to vector<2000x3xf32>
    %sub3A = arith.subf %get3A_1, %convert_element_type3A_8 : vector<2000x3xf32>
    %convert_element_type3A_9 = arith.truncf %sub3A : vector<2000x3xf32> to vector<2000x3xbf16>
    %convert_element_type3A_10 = arith.extf %convert_element_type3A_9 : vector<2000x3xbf16> to vector<2000x3xf32>
    %convert_element_type3A_11 = arith.truncf %get3A_4 : vector<8x32xf32> to vector<8x32xbf16>
    %convert_element_type3A_12 = arith.extf %convert_element_type3A_11 : vector<8x32xbf16> to vector<8x32xf32>
    %sub3A_13 = arith.subf %get3A_4, %convert_element_type3A_12 : vector<8x32xf32>
    %convert_element_type3A_14 = arith.truncf %sub3A_13 : vector<8x32xf32> to vector<8x32xbf16>
    %convert_element_type3A_15 = arith.extf %convert_element_type3A_14 : vector<8x32xbf16> to vector<8x32xf32>
    %slice3A = vector.extract_strided_slice %convert_element_type3A_8 {offsets = [0, 0], sizes = [2000, 1], strides = [1, 1]} : vector<2000x3xf32> to vector<2000x1xf32>
    %slice3A_16 = vector.extract_strided_slice %convert_element_type3A_15 {offsets = [0, 0], sizes = [1, 32], strides = [1, 1]} : vector<8x32xf32> to vector<1x32xf32>
    %mul3A = vector.broadcast %slice3A : vector<2000x1xf32> to vector<2000x32xf32>
    %mul3A_17 = vector.broadcast %slice3A_16 : vector<1x32xf32> to vector<2000x32xf32>
    %mul3A_18 = arith.mulf %mul3A, %mul3A_17 : vector<2000x32xf32>
    %slice3A_19 = vector.extract_strided_slice %convert_element_type3A_8 {offsets = [0, 1], sizes = [2000, 1], strides = [1, 1]} : vector<2000x3xf32> to vector<2000x1xf32>
    %slice3A_20 = vector.extract_strided_slice %convert_element_type3A_15 {offsets = [1, 0], sizes = [1, 32], strides = [1, 1]} : vector<8x32xf32> to vector<1x32xf32>
    %mul3A_21 = vector.broadcast %slice3A_19 : vector<2000x1xf32> to vector<2000x32xf32>
    %mul3A_22 = vector.broadcast %slice3A_20 : vector<1x32xf32> to vector<2000x32xf32>
    %mul3A_23 = arith.mulf %mul3A_21, %mul3A_22 : vector<2000x32xf32>
    %add3A = arith.addf %mul3A_18, %mul3A_23 : vector<2000x32xf32>
    %slice3A_24 = vector.extract_strided_slice %convert_element_type3A_8 {offsets = [0, 2], sizes = [2000, 1], strides = [1, 1]} : vector<2000x3xf32> to vector<2000x1xf32>
    %slice3A_25 = vector.extract_strided_slice %convert_element_type3A_15 {offsets = [2, 0], sizes = [1, 32], strides = [1, 1]} : vector<8x32xf32> to vector<1x32xf32>
    %mul3A_26 = vector.broadcast %slice3A_24 : vector<2000x1xf32> to vector<2000x32xf32>
    %mul3A_27 = vector.broadcast %slice3A_25 : vector<1x32xf32> to vector<2000x32xf32>
    %mul3A_28 = arith.mulf %mul3A_26, %mul3A_27 : vector<2000x32xf32>
    %add3A_29 = arith.addf %add3A, %mul3A_28 : vector<2000x32xf32>
    %slice3A_30 = vector.extract_strided_slice %convert_element_type3A_10 {offsets = [0, 0], sizes = [2000, 1], strides = [1, 1]} : vector<2000x3xf32> to vector<2000x1xf32>
    %slice3A_31 = vector.extract_strided_slice %convert_element_type3A_12 {offsets = [0, 0], sizes = [1, 32], strides = [1, 1]} : vector<8x32xf32> to vector<1x32xf32>
    %mul3A_32 = vector.broadcast %slice3A_30 : vector<2000x1xf32> to vector<2000x32xf32>
    %mul3A_33 = vector.broadcast %slice3A_31 : vector<1x32xf32> to vector<2000x32xf32>
    %mul3A_34 = arith.mulf %mul3A_32, %mul3A_33 : vector<2000x32xf32>
    %slice3A_35 = vector.extract_strided_slice %convert_element_type3A_10 {offsets = [0, 1], sizes = [2000, 1], strides = [1, 1]} : vector<2000x3xf32> to vector<2000x1xf32>
    %slice3A_36 = vector.extract_strided_slice %convert_element_type3A_12 {offsets = [1, 0], sizes = [1, 32], strides = [1, 1]} : vector<8x32xf32> to vector<1x32xf32>
    %mul3A_37 = vector.broadcast %slice3A_35 : vector<2000x1xf32> to vector<2000x32xf32>
    %mul3A_38 = vector.broadcast %slice3A_36 : vector<1x32xf32> to vector<2000x32xf32>
    %mul3A_39 = arith.mulf %mul3A_37, %mul3A_38 : vector<2000x32xf32>
    %add3A_40 = arith.addf %mul3A_34, %mul3A_39 : vector<2000x32xf32>
    %slice3A_41 = vector.extract_strided_slice %convert_element_type3A_10 {offsets = [0, 2], sizes = [2000, 1], strides = [1, 1]} : vector<2000x3xf32> to vector<2000x1xf32>
    %slice3A_42 = vector.extract_strided_slice %convert_element_type3A_12 {offsets = [2, 0], sizes = [1, 32], strides = [1, 1]} : vector<8x32xf32> to vector<1x32xf32>
    %mul3A_43 = vector.broadcast %slice3A_41 : vector<2000x1xf32> to vector<2000x32xf32>
    %mul3A_44 = vector.broadcast %slice3A_42 : vector<1x32xf32> to vector<2000x32xf32>
    %mul3A_45 = arith.mulf %mul3A_43, %mul3A_44 : vector<2000x32xf32>
    %add3A_46 = arith.addf %add3A_40, %mul3A_45 : vector<2000x32xf32>
    %add3A_47 = arith.addf %add3A_29, %add3A_46 : vector<2000x32xf32>
    %slice3A_48 = vector.extract_strided_slice %convert_element_type3A_8 {offsets = [0, 0], sizes = [2000, 1], strides = [1, 1]} : vector<2000x3xf32> to vector<2000x1xf32>
    %slice3A_49 = vector.extract_strided_slice %convert_element_type3A_12 {offsets = [0, 0], sizes = [1, 32], strides = [1, 1]} : vector<8x32xf32> to vector<1x32xf32>
    %mul3A_50 = vector.broadcast %slice3A_48 : vector<2000x1xf32> to vector<2000x32xf32>
    %mul3A_51 = vector.broadcast %slice3A_49 : vector<1x32xf32> to vector<2000x32xf32>
    %mul3A_52 = arith.mulf %mul3A_50, %mul3A_51 : vector<2000x32xf32>
    %slice3A_53 = vector.extract_strided_slice %convert_element_type3A_8 {offsets = [0, 1], sizes = [2000, 1], strides = [1, 1]} : vector<2000x3xf32> to vector<2000x1xf32>
    %slice3A_54 = vector.extract_strided_slice %convert_element_type3A_12 {offsets = [1, 0], sizes = [1, 32], strides = [1, 1]} : vector<8x32xf32> to vector<1x32xf32>
    %mul3A_55 = vector.broadcast %slice3A_53 : vector<2000x1xf32> to vector<2000x32xf32>
    %mul3A_56 = vector.broadcast %slice3A_54 : vector<1x32xf32> to vector<2000x32xf32>
    %mul3A_57 = arith.mulf %mul3A_55, %mul3A_56 : vector<2000x32xf32>
    %add3A_58 = arith.addf %mul3A_52, %mul3A_57 : vector<2000x32xf32>
    %slice3A_59 = vector.extract_strided_slice %convert_element_type3A_8 {offsets = [0, 2], sizes = [2000, 1], strides = [1, 1]} : vector<2000x3xf32> to vector<2000x1xf32>
    %slice3A_60 = vector.extract_strided_slice %convert_element_type3A_12 {offsets = [2, 0], sizes = [1, 32], strides = [1, 1]} : vector<8x32xf32> to vector<1x32xf32>
    %mul3A_61 = vector.broadcast %slice3A_59 : vector<2000x1xf32> to vector<2000x32xf32>
    %mul3A_62 = vector.broadcast %slice3A_60 : vector<1x32xf32> to vector<2000x32xf32>
    %mul3A_63 = arith.mulf %mul3A_61, %mul3A_62 : vector<2000x32xf32>
    %add3A_64 = arith.addf %add3A_58, %mul3A_63 : vector<2000x32xf32>
    %add3A_65 = arith.addf %add3A_47, %add3A_64 : vector<2000x32xf32>
    %slice3A_66 = vector.extract_strided_slice %get3A_7 {offsets = [0, 0], sizes = [1, 32], strides = [1, 1]} : vector<8x32xf32> to vector<1x32xf32>
    %add3A_67 = vector.broadcast %slice3A_66 : vector<1x32xf32> to vector<2000x32xf32>
    %add3A_68 = arith.addf %add3A_65, %add3A_67 : vector<2000x32xf32>
    %slice3A_69 = vector.extract_strided_slice %get3A_7 {offsets = [1, 0], sizes = [1, 32], strides = [1, 1]} : vector<8x32xf32> to vector<1x32xf32>
    %slice3A_70 = vector.extract_strided_slice %get3A_7 {offsets = [2, 0], sizes = [1, 32], strides = [1, 1]} : vector<8x32xf32> to vector<1x32xf32>
    %reduce_sum3A = arith.constant dense<0.000000e+00> : vector<2000xf32>
    %reduce_sum3A_71 = vector.multi_reduction <add>, %add3A_68, %reduce_sum3A [1] : vector<2000x32xf32> to vector<2000xf32>
    %broadcast_in_dim3A = vector.shape_cast %reduce_sum3A_71 : vector<2000xf32> to vector<2000x1xf32>
    %div3A = arith.constant 3.200000e+01 : f32
    %div3A_72 = vector.broadcast %div3A : f32 to vector<2000x1xf32>
    %div3A_73 = arith.divf %broadcast_in_dim3A, %div3A_72 : vector<2000x1xf32>
    %sub3A_74 = vector.broadcast %div3A_73 : vector<2000x1xf32> to vector<2000x32xf32>
    %sub3A_75 = arith.subf %add3A_68, %sub3A_74 : vector<2000x32xf32>
    %integer_pow3A = arith.mulf %sub3A_75, %sub3A_75 : vector<2000x32xf32>
    %reduce_sum3A_76 = arith.constant dense<0.000000e+00> : vector<2000xf32>
    %reduce_sum3A_77 = vector.multi_reduction <add>, %integer_pow3A, %reduce_sum3A_76 [1] : vector<2000x32xf32> to vector<2000xf32>
    %broadcast_in_dim3A_78 = vector.shape_cast %reduce_sum3A_77 : vector<2000xf32> to vector<2000x1xf32>
    %div3A_79 = arith.constant 3.200000e+01 : f32
    %div3A_80 = vector.broadcast %div3A_79 : f32 to vector<2000x1xf32>
    %div3A_81 = arith.divf %broadcast_in_dim3A_78, %div3A_80 : vector<2000x1xf32>
    %sub3A_82 = vector.broadcast %div3A_73 : vector<2000x1xf32> to vector<2000x32xf32>
    %sub3A_83 = arith.subf %add3A_68, %sub3A_82 : vector<2000x32xf32>
    %add3A_84 = arith.constant 9.99999974E-6 : f32
    %add3A_85 = vector.broadcast %add3A_84 : f32 to vector<2000x1xf32>
    %add3A_86 = arith.addf %div3A_81, %add3A_85 : vector<2000x1xf32>
    %sqrt3A = math.sqrt %add3A_86 : vector<2000x1xf32>
    %div3A_87 = vector.broadcast %sqrt3A : vector<2000x1xf32> to vector<2000x32xf32>
    %div3A_88 = arith.divf %sub3A_83, %div3A_87 : vector<2000x32xf32>
    %mul3A_89 = vector.broadcast %slice3A_69 : vector<1x32xf32> to vector<2000x32xf32>
    %mul3A_90 = arith.mulf %div3A_88, %mul3A_89 : vector<2000x32xf32>
    %add3A_91 = vector.broadcast %slice3A_70 : vector<1x32xf32> to vector<2000x32xf32>
    %add3A_92 = arith.addf %mul3A_90, %add3A_91 : vector<2000x32xf32>
    %logistic3A = arith.negf %add3A_92 : vector<2000x32xf32>
    %logistic3A_93 = math.exp %logistic3A : vector<2000x32xf32>
    %logistic3A_94 = arith.constant 1.000000e+00 : f32
    %logistic3A_95 = vector.broadcast %logistic3A_94 : f32 to vector<2000x32xf32>
    %logistic3A_96 = arith.addf %logistic3A_95, %logistic3A_93 : vector<2000x32xf32>
    %logistic3A_97 = arith.divf %logistic3A_95, %logistic3A_96 : vector<2000x32xf32>
    %mul3A_98 = arith.mulf %add3A_92, %logistic3A_97 : vector<2000x32xf32>
    %get3A_99 = arith.constant 0 : index
    %get3A_100 = arith.constant 0 : index
    %get3A_101 = vector.load %arg3[%get3A_99, %get3A_100] : memref<32x16xf32, #tpu.memory_space<vmem>>, vector<32x16xf32>
    %convert_element_type3A_102 = arith.truncf %mul3A_98 : vector<2000x32xf32> to vector<2000x32xbf16>
    %convert_element_type3A_103 = arith.truncf %get3A_101 : vector<32x16xf32> to vector<32x16xbf16>
    %convert_element_type3A_104 = arith.extf %convert_element_type3A_102 : vector<2000x32xbf16> to vector<2000x32xf32>
    %sub3A_105 = arith.subf %mul3A_98, %convert_element_type3A_104 : vector<2000x32xf32>
    %convert_element_type3A_106 = arith.truncf %sub3A_105 : vector<2000x32xf32> to vector<2000x32xbf16>
    %convert_element_type3A_107 = arith.extf %convert_element_type3A_103 : vector<32x16xbf16> to vector<32x16xf32>
    %sub3A_108 = arith.subf %get3A_101, %convert_element_type3A_107 : vector<32x16xf32>
    %convert_element_type3A_109 = arith.truncf %sub3A_108 : vector<32x16xf32> to vector<32x16xbf16>
    %dot_general3A = arith.constant dense<0.000000e+00> : vector<2000x16xf32>
    %dot_general3A_110 = tpu.matmul %convert_element_type3A_102, %convert_element_type3A_109, %dot_general3A {dimension_numbers = #tpu.dot_dimension_numbers<[1], [0], [0], [1], [0, 0, 1, 1], [], []>, transpose_lhs_hint = false} : vector<2000x32xbf16>, vector<32x16xbf16>, vector<2000x16xf32> -> vector<2000x16xf32>
    %dot_general3A_111 = arith.constant dense<0.000000e+00> : vector<2000x16xf32>
    %dot_general3A_112 = tpu.matmul %convert_element_type3A_106, %convert_element_type3A_103, %dot_general3A_111 {dimension_numbers = #tpu.dot_dimension_numbers<[1], [0], [0], [1], [0, 0, 1, 1], [], []>, transpose_lhs_hint = false} : vector<2000x32xbf16>, vector<32x16xbf16>, vector<2000x16xf32> -> vector<2000x16xf32>
    %add3A_113 = arith.addf %dot_general3A_110, %dot_general3A_112 : vector<2000x16xf32>
    %dot_general3A_114 = arith.constant dense<0.000000e+00> : vector<2000x16xf32>
    %dot_general3A_115 = tpu.matmul %convert_element_type3A_102, %convert_element_type3A_103, %dot_general3A_114 {dimension_numbers = #tpu.dot_dimension_numbers<[1], [0], [0], [1], [0, 0, 1, 1], [], []>, transpose_lhs_hint = false} : vector<2000x32xbf16>, vector<32x16xbf16>, vector<2000x16xf32> -> vector<2000x16xf32>
    %add3A_116 = arith.addf %add3A_113, %dot_general3A_115 : vector<2000x16xf32>
    %slice3A_117 = vector.extract_strided_slice %get3A_7 {offsets = [3, 0], sizes = [1, 16], strides = [1, 1]} : vector<8x32xf32> to vector<1x16xf32>
    %add3A_118 = vector.broadcast %slice3A_117 : vector<1x16xf32> to vector<2000x16xf32>
    %add3A_119 = arith.addf %add3A_116, %add3A_118 : vector<2000x16xf32>
    %slice3A_120 = vector.extract_strided_slice %get3A_7 {offsets = [4, 0], sizes = [1, 16], strides = [1, 1]} : vector<8x32xf32> to vector<1x16xf32>
    %slice3A_121 = vector.extract_strided_slice %get3A_7 {offsets = [5, 0], sizes = [1, 16], strides = [1, 1]} : vector<8x32xf32> to vector<1x16xf32>
    %reduce_sum3A_122 = arith.constant dense<0.000000e+00> : vector<2000xf32>
    %reduce_sum3A_123 = vector.multi_reduction <add>, %add3A_119, %reduce_sum3A_122 [1] : vector<2000x16xf32> to vector<2000xf32>
    %broadcast_in_dim3A_124 = vector.shape_cast %reduce_sum3A_123 : vector<2000xf32> to vector<2000x1xf32>
    %div3A_125 = arith.constant 1.600000e+01 : f32
    %div3A_126 = vector.broadcast %div3A_125 : f32 to vector<2000x1xf32>
    %div3A_127 = arith.divf %broadcast_in_dim3A_124, %div3A_126 : vector<2000x1xf32>
    %sub3A_128 = vector.broadcast %div3A_127 : vector<2000x1xf32> to vector<2000x16xf32>
    %sub3A_129 = arith.subf %add3A_119, %sub3A_128 : vector<2000x16xf32>
    %integer_pow3A_130 = arith.mulf %sub3A_129, %sub3A_129 : vector<2000x16xf32>
    %reduce_sum3A_131 = arith.constant dense<0.000000e+00> : vector<2000xf32>
    %reduce_sum3A_132 = vector.multi_reduction <add>, %integer_pow3A_130, %reduce_sum3A_131 [1] : vector<2000x16xf32> to vector<2000xf32>
    %broadcast_in_dim3A_133 = vector.shape_cast %reduce_sum3A_132 : vector<2000xf32> to vector<2000x1xf32>
    %div3A_134 = arith.constant 1.600000e+01 : f32
    %div3A_135 = vector.broadcast %div3A_134 : f32 to vector<2000x1xf32>
    %div3A_136 = arith.divf %broadcast_in_dim3A_133, %div3A_135 : vector<2000x1xf32>
    %sub3A_137 = vector.broadcast %div3A_127 : vector<2000x1xf32> to vector<2000x16xf32>
    %sub3A_138 = arith.subf %add3A_119, %sub3A_137 : vector<2000x16xf32>
    %add3A_139 = arith.constant 9.99999974E-6 : f32
    %add3A_140 = vector.broadcast %add3A_139 : f32 to vector<2000x1xf32>
    %add3A_141 = arith.addf %div3A_136, %add3A_140 : vector<2000x1xf32>
    %sqrt3A_142 = math.sqrt %add3A_141 : vector<2000x1xf32>
    %div3A_143 = vector.broadcast %sqrt3A_142 : vector<2000x1xf32> to vector<2000x16xf32>
    %div3A_144 = arith.divf %sub3A_138, %div3A_143 : vector<2000x16xf32>
    %mul3A_145 = vector.broadcast %slice3A_120 : vector<1x16xf32> to vector<2000x16xf32>
    %mul3A_146 = arith.mulf %div3A_144, %mul3A_145 : vector<2000x16xf32>
    %add3A_147 = vector.broadcast %slice3A_121 : vector<1x16xf32> to vector<2000x16xf32>
    %add3A_148 = arith.addf %mul3A_146, %add3A_147 : vector<2000x16xf32>
    %logistic3A_149 = arith.negf %add3A_148 : vector<2000x16xf32>
    %logistic3A_150 = math.exp %logistic3A_149 : vector<2000x16xf32>
    %logistic3A_151 = arith.constant 1.000000e+00 : f32
    %logistic3A_152 = vector.broadcast %logistic3A_151 : f32 to vector<2000x16xf32>
    %logistic3A_153 = arith.addf %logistic3A_152, %logistic3A_150 : vector<2000x16xf32>
    %logistic3A_154 = arith.divf %logistic3A_152, %logistic3A_153 : vector<2000x16xf32>
    %mul3A_155 = arith.mulf %add3A_148, %logistic3A_154 : vector<2000x16xf32>
    %swap3A = arith.constant 0 : index
    %swap3A_156 = arith.constant 0 : index
    %swap3A_157 = vector.load %arg5[%swap3A, %swap3A_156] : memref<2000x16xf32, #tpu.memory_space<vmem>>, vector<2000x16xf32>
    tpu.vector_store %arg5[%swap3A, %swap3A_156], %mul3A_155 {strides = array<i32>} : memref<2000x16xf32, #tpu.memory_space<vmem>>, vector<2000x16xf32>,
    return
  }
  func.func @transform_0(%arg0: i32) -> (i32, i32) {
    %c0_i32 = arith.constant 0 : i32
    %c0_i32_0 = arith.constant 0 : i32
    return %arg0, %c0_i32 : i32, i32
  }
  func.func @transform_1(%arg0: i32) -> (i32, i32) {
    %c0_i32 = arith.constant 0 : i32
    %c0_i32_0 = arith.constant 0 : i32
    %c0_i32_1 = arith.constant 0 : i32
    return %c0_i32, %c0_i32_0 : i32, i32
  }
  func.func @transform_2(%arg0: i32) -> (i32, i32) {
    %c0_i32 = arith.constant 0 : i32
    %c0_i32_0 = arith.constant 0 : i32
    %c0_i32_1 = arith.constant 0 : i32
    return %c0_i32, %c0_i32_0 : i32, i32
  }
  func.func @transform_3(%arg0: i32) -> (i32, i32) {
    %c0_i32 = arith.constant 0 : i32
    %c0_i32_0 = arith.constant 0 : i32
    %c0_i32_1 = arith.constant 0 : i32
    return %c0_i32, %c0_i32_0 : i32, i32
  }
  func.func @transform_4(%arg0: i32) -> (i32, i32) {
    %c0_i32 = arith.constant 0 : i32
    %c0_i32_0 = arith.constant 0 : i32
    return %arg0, %c0_i32 : i32, i32
  }
}

module attributes {stable_mosaic.version = 14 : i64} {
  func.func @_edge_a_body(%arg0: i32, %arg1: memref<1x1024x128xf32, #tpu.memory_space<vmem>>, %arg2: memref<1x1024x128xf32, #tpu.memory_space<vmem>>, %arg3: memref<32x16xf32, #tpu.memory_space<vmem>>, %arg4: memref<32x16xf32, #tpu.memory_space<vmem>>, %arg5: memref<32x32xf32, #tpu.memory_space<vmem>>, %arg6: memref<2048x128xf32, #tpu.memory_space<vmem>>, %arg7: memref<16x8192xf32, #tpu.memory_space<vmem>>) attributes {dimension_semantics = [#tpu.dimension_semantics<arbitrary>], iteration_bounds = array<i64: 104>, scalar_prefetch = 0 : i64, scratch_operands = 0 : i64, tpu.core_type = #tpu.core_type<tc>, window_params = [{transform_indices = @transform_0, window_bounds = array<i64: 1, 1024, 128>}, {transform_indices = @transform_1, window_bounds = array<i64: 1, 1024, 128>}, {pipeline_mode = #tpu.pipeline_mode<synchronous>, transform_indices = @transform_2, window_bounds = array<i64: 32, 16>}, {pipeline_mode = #tpu.pipeline_mode<synchronous>, transform_indices = @transform_3, window_bounds = array<i64: 32, 16>}, {pipeline_mode = #tpu.pipeline_mode<synchronous>, transform_indices = @transform_4, window_bounds = array<i64: 32, 32>}, {transform_indices = @transform_5, window_bounds = array<i64: 2048, 128>}, {transform_indices = @transform_6, window_bounds = array<i64: 16, 8192>}]} {
    %get3A = arith.constant 0 : index
    %get3A_0 = arith.constant 0 : index
    %get3A_1 = arith.constant 0 : index
    %get3A_2 = vector.load %arg1[%get3A, %get3A_0, %get3A_1] : memref<1x1024x128xf32, #tpu.memory_space<vmem>>, vector<1x1024x128xf32>
    %get3A_3 = vector.shape_cast %get3A_2 : vector<1x1024x128xf32> to vector<1024x128xf32>
    %transpose3A = tpu.transpose %get3A_3, [1, 0] : vector<1024x128xf32> -> vector<128x1024xf32>
    %slice3A = vector.extract_strided_slice %transpose3A {offsets = [0, 0], sizes = [16, 1024], strides = [1, 1]} : vector<128x1024xf32> to vector<16x1024xf32>
    %slice3A_4 = vector.extract_strided_slice %transpose3A {offsets = [16, 0], sizes = [16, 1024], strides = [1, 1]} : vector<128x1024xf32> to vector<16x1024xf32>
    %slice3A_5 = vector.extract_strided_slice %transpose3A {offsets = [32, 0], sizes = [16, 1024], strides = [1, 1]} : vector<128x1024xf32> to vector<16x1024xf32>
    %slice3A_6 = vector.extract_strided_slice %transpose3A {offsets = [48, 0], sizes = [16, 1024], strides = [1, 1]} : vector<128x1024xf32> to vector<16x1024xf32>
    %slice3A_7 = vector.extract_strided_slice %transpose3A {offsets = [64, 0], sizes = [16, 1024], strides = [1, 1]} : vector<128x1024xf32> to vector<16x1024xf32>
    %slice3A_8 = vector.extract_strided_slice %transpose3A {offsets = [80, 0], sizes = [16, 1024], strides = [1, 1]} : vector<128x1024xf32> to vector<16x1024xf32>
    %slice3A_9 = vector.extract_strided_slice %transpose3A {offsets = [96, 0], sizes = [16, 1024], strides = [1, 1]} : vector<128x1024xf32> to vector<16x1024xf32>
    %slice3A_10 = vector.extract_strided_slice %transpose3A {offsets = [112, 0], sizes = [16, 1024], strides = [1, 1]} : vector<128x1024xf32> to vector<16x1024xf32>
    %concatenate3A = tpu.concatenate %slice3A, %slice3A_4, %slice3A_5, %slice3A_6, %slice3A_7, %slice3A_8, %slice3A_9, %slice3A_10 in 1 : vector<16x1024xf32>, vector<16x1024xf32>, vector<16x1024xf32>, vector<16x1024xf32>, vector<16x1024xf32>, vector<16x1024xf32>, vector<16x1024xf32>, vector<16x1024xf32> -> vector<16x8192xf32>
    %get3A_11 = arith.constant 0 : index
    %get3A_12 = arith.constant 0 : index
    %get3A_13 = arith.constant 0 : index
    %get3A_14 = vector.load %arg2[%get3A_11, %get3A_12, %get3A_13] : memref<1x1024x128xf32, #tpu.memory_space<vmem>>, vector<1x1024x128xf32>
    %get3A_15 = vector.shape_cast %get3A_14 : vector<1x1024x128xf32> to vector<1024x128xf32>
    %transpose3A_16 = tpu.transpose %get3A_15, [1, 0] : vector<1024x128xf32> -> vector<128x1024xf32>
    %slice3A_17 = vector.extract_strided_slice %transpose3A_16 {offsets = [0, 0], sizes = [16, 1024], strides = [1, 1]} : vector<128x1024xf32> to vector<16x1024xf32>
    %slice3A_18 = vector.extract_strided_slice %transpose3A_16 {offsets = [16, 0], sizes = [16, 1024], strides = [1, 1]} : vector<128x1024xf32> to vector<16x1024xf32>
    %slice3A_19 = vector.extract_strided_slice %transpose3A_16 {offsets = [32, 0], sizes = [16, 1024], strides = [1, 1]} : vector<128x1024xf32> to vector<16x1024xf32>
    %slice3A_20 = vector.extract_strided_slice %transpose3A_16 {offsets = [48, 0], sizes = [16, 1024], strides = [1, 1]} : vector<128x1024xf32> to vector<16x1024xf32>
    %slice3A_21 = vector.extract_strided_slice %transpose3A_16 {offsets = [64, 0], sizes = [16, 1024], strides = [1, 1]} : vector<128x1024xf32> to vector<16x1024xf32>
    %slice3A_22 = vector.extract_strided_slice %transpose3A_16 {offsets = [80, 0], sizes = [16, 1024], strides = [1, 1]} : vector<128x1024xf32> to vector<16x1024xf32>
    %slice3A_23 = vector.extract_strided_slice %transpose3A_16 {offsets = [96, 0], sizes = [16, 1024], strides = [1, 1]} : vector<128x1024xf32> to vector<16x1024xf32>
    %slice3A_24 = vector.extract_strided_slice %transpose3A_16 {offsets = [112, 0], sizes = [16, 1024], strides = [1, 1]} : vector<128x1024xf32> to vector<16x1024xf32>
    %concatenate3A_25 = tpu.concatenate %slice3A_17, %slice3A_18, %slice3A_19, %slice3A_20, %slice3A_21, %slice3A_22, %slice3A_23, %slice3A_24 in 1 : vector<16x1024xf32>, vector<16x1024xf32>, vector<16x1024xf32>, vector<16x1024xf32>, vector<16x1024xf32>, vector<16x1024xf32>, vector<16x1024xf32>, vector<16x1024xf32> -> vector<16x8192xf32>
    %get3A_26 = arith.constant 0 : index
    %get3A_27 = arith.constant 0 : index
    %get3A_28 = vector.load %arg3[%get3A_26, %get3A_27] : memref<32x16xf32, #tpu.memory_space<vmem>>, vector<32x16xf32>
    %convert_element_type3A = arith.truncf %get3A_28 : vector<32x16xf32> to vector<32x16xbf16>
    %convert_element_type3A_29 = arith.truncf %concatenate3A : vector<16x8192xf32> to vector<16x8192xbf16>
    %convert_element_type3A_30 = arith.extf %convert_element_type3A : vector<32x16xbf16> to vector<32x16xf32>
    %sub3A = arith.subf %get3A_28, %convert_element_type3A_30 : vector<32x16xf32>
    %convert_element_type3A_31 = arith.truncf %sub3A : vector<32x16xf32> to vector<32x16xbf16>
    %convert_element_type3A_32 = arith.extf %convert_element_type3A_29 : vector<16x8192xbf16> to vector<16x8192xf32>
    %sub3A_33 = arith.subf %concatenate3A, %convert_element_type3A_32 : vector<16x8192xf32>
    %convert_element_type3A_34 = arith.truncf %sub3A_33 : vector<16x8192xf32> to vector<16x8192xbf16>
    %dot_general3A = arith.constant dense<0.000000e+00> : vector<32x8192xf32>
    %dot_general3A_35 = tpu.matmul %convert_element_type3A, %convert_element_type3A_34, %dot_general3A {dimension_numbers = #tpu.dot_dimension_numbers<[1], [0], [0], [1], [0, 0, 1, 1], [], []>, transpose_lhs_hint = false} : vector<32x16xbf16>, vector<16x8192xbf16>, vector<32x8192xf32> -> vector<32x8192xf32>
    %dot_general3A_36 = arith.constant dense<0.000000e+00> : vector<32x8192xf32>
    %dot_general3A_37 = tpu.matmul %convert_element_type3A_31, %convert_element_type3A_29, %dot_general3A_36 {dimension_numbers = #tpu.dot_dimension_numbers<[1], [0], [0], [1], [0, 0, 1, 1], [], []>, transpose_lhs_hint = false} : vector<32x16xbf16>, vector<16x8192xbf16>, vector<32x8192xf32> -> vector<32x8192xf32>
    %add3A = arith.addf %dot_general3A_35, %dot_general3A_37 : vector<32x8192xf32>
    %dot_general3A_38 = arith.constant dense<0.000000e+00> : vector<32x8192xf32>
    %dot_general3A_39 = tpu.matmul %convert_element_type3A, %convert_element_type3A_29, %dot_general3A_38 {dimension_numbers = #tpu.dot_dimension_numbers<[1], [0], [0], [1], [0, 0, 1, 1], [], []>, transpose_lhs_hint = false} : vector<32x16xbf16>, vector<16x8192xbf16>, vector<32x8192xf32> -> vector<32x8192xf32>
    %add3A_40 = arith.addf %add3A, %dot_general3A_39 : vector<32x8192xf32>
    %get3A_41 = arith.constant 0 : index
    %get3A_42 = arith.constant 0 : index
    %get3A_43 = vector.load %arg4[%get3A_41, %get3A_42] : memref<32x16xf32, #tpu.memory_space<vmem>>, vector<32x16xf32>
    %convert_element_type3A_44 = arith.truncf %get3A_43 : vector<32x16xf32> to vector<32x16xbf16>
    %convert_element_type3A_45 = arith.truncf %concatenate3A_25 : vector<16x8192xf32> to vector<16x8192xbf16>
    %convert_element_type3A_46 = arith.extf %convert_element_type3A_44 : vector<32x16xbf16> to vector<32x16xf32>
    %sub3A_47 = arith.subf %get3A_43, %convert_element_type3A_46 : vector<32x16xf32>
    %convert_element_type3A_48 = arith.truncf %sub3A_47 : vector<32x16xf32> to vector<32x16xbf16>
    %convert_element_type3A_49 = arith.extf %convert_element_type3A_45 : vector<16x8192xbf16> to vector<16x8192xf32>
    %sub3A_50 = arith.subf %concatenate3A_25, %convert_element_type3A_49 : vector<16x8192xf32>
    %convert_element_type3A_51 = arith.truncf %sub3A_50 : vector<16x8192xf32> to vector<16x8192xbf16>
    %dot_general3A_52 = arith.constant dense<0.000000e+00> : vector<32x8192xf32>
    %dot_general3A_53 = tpu.matmul %convert_element_type3A_44, %convert_element_type3A_51, %dot_general3A_52 {dimension_numbers = #tpu.dot_dimension_numbers<[1], [0], [0], [1], [0, 0, 1, 1], [], []>, transpose_lhs_hint = false} : vector<32x16xbf16>, vector<16x8192xbf16>, vector<32x8192xf32> -> vector<32x8192xf32>
    %dot_general3A_54 = arith.constant dense<0.000000e+00> : vector<32x8192xf32>
    %dot_general3A_55 = tpu.matmul %convert_element_type3A_48, %convert_element_type3A_45, %dot_general3A_54 {dimension_numbers = #tpu.dot_dimension_numbers<[1], [0], [0], [1], [0, 0, 1, 1], [], []>, transpose_lhs_hint = false} : vector<32x16xbf16>, vector<16x8192xbf16>, vector<32x8192xf32> -> vector<32x8192xf32>
    %add3A_56 = arith.addf %dot_general3A_53, %dot_general3A_55 : vector<32x8192xf32>
    %dot_general3A_57 = arith.constant dense<0.000000e+00> : vector<32x8192xf32>
    %dot_general3A_58 = tpu.matmul %convert_element_type3A_44, %convert_element_type3A_45, %dot_general3A_57 {dimension_numbers = #tpu.dot_dimension_numbers<[1], [0], [0], [1], [0, 0, 1, 1], [], []>, transpose_lhs_hint = false} : vector<32x16xbf16>, vector<16x8192xbf16>, vector<32x8192xf32> -> vector<32x8192xf32>
    %add3A_59 = arith.addf %add3A_56, %dot_general3A_58 : vector<32x8192xf32>
    %add3A_60 = arith.addf %add3A_40, %add3A_59 : vector<32x8192xf32>
    %reduce_sum3A = arith.constant dense<0.000000e+00> : vector<8192xf32>
    %reduce_sum3A_61 = vector.multi_reduction <add>, %add3A_60, %reduce_sum3A [0] : vector<32x8192xf32> to vector<8192xf32>
    %broadcast_in_dim3A = vector.shape_cast %reduce_sum3A_61 : vector<8192xf32> to vector<1x8192xf32>
    %div3A = arith.constant 3.200000e+01 : f32
    %div3A_62 = vector.broadcast %div3A : f32 to vector<1x8192xf32>
    %div3A_63 = arith.divf %broadcast_in_dim3A, %div3A_62 : vector<1x8192xf32>
    %sub3A_64 = vector.broadcast %div3A_63 : vector<1x8192xf32> to vector<32x8192xf32>
    %sub3A_65 = arith.subf %add3A_60, %sub3A_64 : vector<32x8192xf32>
    %integer_pow3A = arith.mulf %sub3A_65, %sub3A_65 : vector<32x8192xf32>
    %reduce_sum3A_66 = arith.constant dense<0.000000e+00> : vector<8192xf32>
    %reduce_sum3A_67 = vector.multi_reduction <add>, %integer_pow3A, %reduce_sum3A_66 [0] : vector<32x8192xf32> to vector<8192xf32>
    %broadcast_in_dim3A_68 = vector.shape_cast %reduce_sum3A_67 : vector<8192xf32> to vector<1x8192xf32>
    %div3A_69 = arith.constant 3.200000e+01 : f32
    %div3A_70 = vector.broadcast %div3A_69 : f32 to vector<1x8192xf32>
    %div3A_71 = arith.divf %broadcast_in_dim3A_68, %div3A_70 : vector<1x8192xf32>
    %sub3A_72 = vector.broadcast %div3A_63 : vector<1x8192xf32> to vector<32x8192xf32>
    %sub3A_73 = arith.subf %add3A_60, %sub3A_72 : vector<32x8192xf32>
    %add3A_74 = arith.constant 9.99999974E-6 : f32
    %add3A_75 = vector.broadcast %add3A_74 : f32 to vector<1x8192xf32>
    %add3A_76 = arith.addf %div3A_71, %add3A_75 : vector<1x8192xf32>
    %sqrt3A = math.sqrt %add3A_76 : vector<1x8192xf32>
    %div3A_77 = vector.broadcast %sqrt3A : vector<1x8192xf32> to vector<32x8192xf32>
    %div3A_78 = arith.divf %sub3A_73, %div3A_77 : vector<32x8192xf32>
    %logistic3A = arith.negf %div3A_78 : vector<32x8192xf32>
    %logistic3A_79 = math.exp %logistic3A : vector<32x8192xf32>
    %logistic3A_80 = arith.constant 1.000000e+00 : f32
    %logistic3A_81 = vector.broadcast %logistic3A_80 : f32 to vector<32x8192xf32>
    %logistic3A_82 = arith.addf %logistic3A_81, %logistic3A_79 : vector<32x8192xf32>
    %logistic3A_83 = arith.divf %logistic3A_81, %logistic3A_82 : vector<32x8192xf32>
    %mul3A = arith.mulf %div3A_78, %logistic3A_83 : vector<32x8192xf32>
    %get3A_84 = arith.constant 0 : index
    %get3A_85 = arith.constant 0 : index
    %get3A_86 = vector.load %arg5[%get3A_84, %get3A_85] : memref<32x32xf32, #tpu.memory_space<vmem>>, vector<32x32xf32>
    %convert_element_type3A_87 = arith.truncf %get3A_86 : vector<32x32xf32> to vector<32x32xbf16>
    %convert_element_type3A_88 = arith.truncf %mul3A : vector<32x8192xf32> to vector<32x8192xbf16>
    %convert_element_type3A_89 = arith.extf %convert_element_type3A_87 : vector<32x32xbf16> to vector<32x32xf32>
    %sub3A_90 = arith.subf %get3A_86, %convert_element_type3A_89 : vector<32x32xf32>
    %convert_element_type3A_91 = arith.truncf %sub3A_90 : vector<32x32xf32> to vector<32x32xbf16>
    %convert_element_type3A_92 = arith.extf %convert_element_type3A_88 : vector<32x8192xbf16> to vector<32x8192xf32>
    %sub3A_93 = arith.subf %mul3A, %convert_element_type3A_92 : vector<32x8192xf32>
    %convert_element_type3A_94 = arith.truncf %sub3A_93 : vector<32x8192xf32> to vector<32x8192xbf16>
    %dot_general3A_95 = arith.constant dense<0.000000e+00> : vector<32x8192xf32>
    %dot_general3A_96 = tpu.matmul %convert_element_type3A_87, %convert_element_type3A_94, %dot_general3A_95 {dimension_numbers = #tpu.dot_dimension_numbers<[1], [0], [0], [1], [0, 0, 1, 1], [], []>, transpose_lhs_hint = false} : vector<32x32xbf16>, vector<32x8192xbf16>, vector<32x8192xf32> -> vector<32x8192xf32>
    %dot_general3A_97 = arith.constant dense<0.000000e+00> : vector<32x8192xf32>
    %dot_general3A_98 = tpu.matmul %convert_element_type3A_91, %convert_element_type3A_88, %dot_general3A_97 {dimension_numbers = #tpu.dot_dimension_numbers<[1], [0], [0], [1], [0, 0, 1, 1], [], []>, transpose_lhs_hint = false} : vector<32x32xbf16>, vector<32x8192xbf16>, vector<32x8192xf32> -> vector<32x8192xf32>
    %add3A_99 = arith.addf %dot_general3A_96, %dot_general3A_98 : vector<32x8192xf32>
    %dot_general3A_100 = arith.constant dense<0.000000e+00> : vector<32x8192xf32>
    %dot_general3A_101 = tpu.matmul %convert_element_type3A_87, %convert_element_type3A_88, %dot_general3A_100 {dimension_numbers = #tpu.dot_dimension_numbers<[1], [0], [0], [1], [0, 0, 1, 1], [], []>, transpose_lhs_hint = false} : vector<32x32xbf16>, vector<32x8192xbf16>, vector<32x8192xf32> -> vector<32x8192xf32>
    %add3A_102 = arith.addf %add3A_99, %dot_general3A_101 : vector<32x8192xf32>
    %iota3A = tpu.iota {dimensions = array<i32: 0>} : vector<32x8192xi32>
    %lt3A = arith.constant 17 : i32
    %lt3A_103 = vector.broadcast %lt3A : i32 to vector<32x8192xi32>
    %lt3A_104 = arith.cmpi slt, %iota3A, %lt3A_103 : vector<32x8192xi32>
    %jit3A = arith.constant 0.000000e+00 : f32
    %broadcast_in_dim3A_105 = vector.broadcast %jit3A : f32 to vector<32x8192xf32>
    %select_n3A = arith.select %lt3A_104, %add3A_102, %broadcast_in_dim3A_105 : vector<32x8192xi1>, vector<32x8192xf32>
    %reduce_sum3A_106 = arith.constant dense<0.000000e+00> : vector<8192xf32>
    %reduce_sum3A_107 = vector.multi_reduction <add>, %select_n3A, %reduce_sum3A_106 [0] : vector<32x8192xf32> to vector<8192xf32>
    %broadcast_in_dim3A_108 = vector.shape_cast %reduce_sum3A_107 : vector<8192xf32> to vector<1x8192xf32>
    %div3A_109 = arith.constant 1.700000e+01 : f32
    %div3A_110 = vector.broadcast %div3A_109 : f32 to vector<1x8192xf32>
    %div3A_111 = arith.divf %broadcast_in_dim3A_108, %div3A_110 : vector<1x8192xf32>
    %sub3A_112 = vector.broadcast %div3A_111 : vector<1x8192xf32> to vector<32x8192xf32>
    %sub3A_113 = arith.subf %add3A_102, %sub3A_112 : vector<32x8192xf32>
    %integer_pow3A_114 = arith.mulf %sub3A_113, %sub3A_113 : vector<32x8192xf32>
    %jit3A_115 = arith.constant 0.000000e+00 : f32
    %broadcast_in_dim3A_116 = vector.broadcast %jit3A_115 : f32 to vector<32x8192xf32>
    %select_n3A_117 = arith.select %lt3A_104, %integer_pow3A_114, %broadcast_in_dim3A_116 : vector<32x8192xi1>, vector<32x8192xf32>
    %reduce_sum3A_118 = arith.constant dense<0.000000e+00> : vector<8192xf32>
    %reduce_sum3A_119 = vector.multi_reduction <add>, %select_n3A_117, %reduce_sum3A_118 [0] : vector<32x8192xf32> to vector<8192xf32>
    %broadcast_in_dim3A_120 = vector.shape_cast %reduce_sum3A_119 : vector<8192xf32> to vector<1x8192xf32>
    %div3A_121 = arith.constant 1.700000e+01 : f32
    %div3A_122 = vector.broadcast %div3A_121 : f32 to vector<1x8192xf32>
    %div3A_123 = arith.divf %broadcast_in_dim3A_120, %div3A_122 : vector<1x8192xf32>
    %sub3A_124 = vector.broadcast %div3A_111 : vector<1x8192xf32> to vector<32x8192xf32>
    %sub3A_125 = arith.subf %add3A_102, %sub3A_124 : vector<32x8192xf32>
    %add3A_126 = arith.constant 9.99999974E-6 : f32
    %add3A_127 = vector.broadcast %add3A_126 : f32 to vector<1x8192xf32>
    %add3A_128 = arith.addf %div3A_123, %add3A_127 : vector<1x8192xf32>
    %sqrt3A_129 = math.sqrt %add3A_128 : vector<1x8192xf32>
    %div3A_130 = vector.broadcast %sqrt3A_129 : vector<1x8192xf32> to vector<32x8192xf32>
    %div3A_131 = arith.divf %sub3A_125, %div3A_130 : vector<32x8192xf32>
    %logistic3A_132 = arith.negf %div3A_131 : vector<32x8192xf32>
    %logistic3A_133 = math.exp %logistic3A_132 : vector<32x8192xf32>
    %logistic3A_134 = arith.constant 1.000000e+00 : f32
    %logistic3A_135 = vector.broadcast %logistic3A_134 : f32 to vector<32x8192xf32>
    %logistic3A_136 = arith.addf %logistic3A_135, %logistic3A_133 : vector<32x8192xf32>
    %logistic3A_137 = arith.divf %logistic3A_135, %logistic3A_136 : vector<32x8192xf32>
    %mul3A_138 = arith.mulf %div3A_131, %logistic3A_137 : vector<32x8192xf32>
    %slice3A_139 = vector.extract_strided_slice %mul3A_138 {offsets = [16, 0], sizes = [1, 8192], strides = [1, 1]} : vector<32x8192xf32> to vector<1x8192xf32>
    %exp3A = math.exp %slice3A_139 : vector<1x8192xf32>
    %iota3A_140 = tpu.iota {dimensions = array<i32: 0>} : vector<32x8192xi32>
    %mul3A_141 = vector.broadcast %exp3A : vector<1x8192xf32> to vector<32x8192xf32>
    %mul3A_142 = arith.mulf %mul3A_138, %mul3A_141 : vector<32x8192xf32>
    %lt3A_143 = arith.constant 16 : i32
    %lt3A_144 = vector.broadcast %lt3A_143 : i32 to vector<32x8192xi32>
    %lt3A_145 = arith.cmpi slt, %iota3A_140, %lt3A_144 : vector<32x8192xi32>
    %eq3A = arith.constant 16 : i32
    %eq3A_146 = vector.broadcast %eq3A : i32 to vector<32x8192xi32>
    %eq3A_147 = arith.cmpi eq, %iota3A_140, %eq3A_146 : vector<32x8192xi32>
    %jit3A_148 = arith.constant 0.000000e+00 : f32
    %broadcast_in_dim3A_149 = vector.shape_cast %exp3A : vector<1x8192xf32> to vector<1x8192xf32>
    %broadcast_in_dim3A_150 = vector.broadcast %broadcast_in_dim3A_149 : vector<1x8192xf32> to vector<32x8192xf32>
    %broadcast_in_dim3A_151 = vector.broadcast %jit3A_148 : f32 to vector<32x8192xf32>
    %select_n3A_152 = arith.select %eq3A_147, %broadcast_in_dim3A_150, %broadcast_in_dim3A_151 : vector<32x8192xi1>, vector<32x8192xf32>
    %select_n3A_153 = arith.select %lt3A_145, %mul3A_142, %select_n3A_152 : vector<32x8192xi1>, vector<32x8192xf32>
    %add3A_154 = arith.constant 0 : i32
    %add3A_155 = arith.addi %arg0, %add3A_154 : i32
    %slice3A_156 = vector.extract_strided_slice %select_n3A_153 {offsets = [0, 0], sizes = [32, 1024], strides = [1, 1]} : vector<32x8192xf32> to vector<32x1024xf32>
    %transpose3A_157 = tpu.transpose %slice3A_156, [1, 0] : vector<32x1024xf32> -> vector<1024x32xf32>
    %slice3A_158 = vector.extract_strided_slice %select_n3A_153 {offsets = [0, 1024], sizes = [32, 1024], strides = [1, 1]} : vector<32x8192xf32> to vector<32x1024xf32>
    %transpose3A_159 = tpu.transpose %slice3A_158, [1, 0] : vector<32x1024xf32> -> vector<1024x32xf32>
    %slice3A_160 = vector.extract_strided_slice %select_n3A_153 {offsets = [0, 2048], sizes = [32, 1024], strides = [1, 1]} : vector<32x8192xf32> to vector<32x1024xf32>
    %transpose3A_161 = tpu.transpose %slice3A_160, [1, 0] : vector<32x1024xf32> -> vector<1024x32xf32>
    %slice3A_162 = vector.extract_strided_slice %select_n3A_153 {offsets = [0, 3072], sizes = [32, 1024], strides = [1, 1]} : vector<32x8192xf32> to vector<32x1024xf32>
    %transpose3A_163 = tpu.transpose %slice3A_162, [1, 0] : vector<32x1024xf32> -> vector<1024x32xf32>
    %slice3A_164 = vector.extract_strided_slice %select_n3A_153 {offsets = [0, 4096], sizes = [32, 1024], strides = [1, 1]} : vector<32x8192xf32> to vector<32x1024xf32>
    %transpose3A_165 = tpu.transpose %slice3A_164, [1, 0] : vector<32x1024xf32> -> vector<1024x32xf32>
    %slice3A_166 = vector.extract_strided_slice %select_n3A_153 {offsets = [0, 5120], sizes = [32, 1024], strides = [1, 1]} : vector<32x8192xf32> to vector<32x1024xf32>
    %transpose3A_167 = tpu.transpose %slice3A_166, [1, 0] : vector<32x1024xf32> -> vector<1024x32xf32>
    %slice3A_168 = vector.extract_strided_slice %select_n3A_153 {offsets = [0, 6144], sizes = [32, 1024], strides = [1, 1]} : vector<32x8192xf32> to vector<32x1024xf32>
    %transpose3A_169 = tpu.transpose %slice3A_168, [1, 0] : vector<32x1024xf32> -> vector<1024x32xf32>
    %slice3A_170 = vector.extract_strided_slice %select_n3A_153 {offsets = [0, 7168], sizes = [32, 1024], strides = [1, 1]} : vector<32x8192xf32> to vector<32x1024xf32>
    %transpose3A_171 = tpu.transpose %slice3A_170, [1, 0] : vector<32x1024xf32> -> vector<1024x32xf32>
    %concatenate3A_172 = tpu.concatenate %transpose3A_157, %transpose3A_159, %transpose3A_161, %transpose3A_163 in 1 : vector<1024x32xf32>, vector<1024x32xf32>, vector<1024x32xf32>, vector<1024x32xf32> -> vector<1024x128xf32>
    %concatenate3A_173 = tpu.concatenate %transpose3A_165, %transpose3A_167, %transpose3A_169, %transpose3A_171 in 1 : vector<1024x32xf32>, vector<1024x32xf32>, vector<1024x32xf32>, vector<1024x32xf32> -> vector<1024x128xf32>
    %stack3A = vector.shape_cast %concatenate3A_172 : vector<1024x128xf32> to vector<1024x1x128xf32>
    %stack3A_174 = vector.shape_cast %concatenate3A_173 : vector<1024x128xf32> to vector<1024x1x128xf32>
    %stack3A_175 = tpu.concatenate %stack3A, %stack3A_174 in 1 : vector<1024x1x128xf32>, vector<1024x1x128xf32> -> vector<1024x2x128xf32>
    %reshape3A = vector.shape_cast %stack3A_175 : vector<1024x2x128xf32> to vector<2048x128xf32>
    %iota3A_176 = tpu.iota {dimensions = array<i32: 0>} : vector<2048x128xi32>
    %mul3A_177 = arith.constant 2048 : i32
    %mul3A_178 = arith.muli %add3A_155, %mul3A_177 : i32
    %add3A_179 = vector.broadcast %mul3A_178 : i32 to vector<2048x128xi32>
    %add3A_180 = arith.addi %iota3A_176, %add3A_179 : vector<2048x128xi32>
    %lt3A_181 = arith.constant 400000 : i32
    %lt3A_182 = vector.broadcast %lt3A_181 : i32 to vector<2048x128xi32>
    %lt3A_183 = arith.cmpi slt, %add3A_180, %lt3A_182 : vector<2048x128xi32>
    %jit3A_184 = arith.constant 0.000000e+00 : f32
    %broadcast_in_dim3A_185 = vector.broadcast %jit3A_184 : f32 to vector<2048x128xf32>
    %select_n3A_186 = arith.select %lt3A_183, %reshape3A, %broadcast_in_dim3A_185 : vector<2048x128xi1>, vector<2048x128xf32>
    %swap3A = arith.constant 0 : index
    %swap3A_187 = arith.constant 0 : index
    %swap3A_188 = vector.load %arg6[%swap3A, %swap3A_187] : memref<2048x128xf32, #tpu.memory_space<vmem>>, vector<2048x128xf32>
    tpu.vector_store %arg6[%swap3A, %swap3A_187], %select_n3A_186 {strides = array<i32>} : memref<2048x128xf32, #tpu.memory_space<vmem>>, vector<2048x128xf32>,
    %slice3A_189 = vector.extract_strided_slice %mul3A_138 {offsets = [0, 0], sizes = [16, 8192], strides = [1, 1]} : vector<32x8192xf32> to vector<16x8192xf32>
    %swap3A_190 = arith.constant 0 : index
    %swap3A_191 = arith.constant 0 : index
    %swap3A_192 = vector.load %arg7[%swap3A_190, %swap3A_191] : memref<16x8192xf32, #tpu.memory_space<vmem>>, vector<16x8192xf32>
    tpu.vector_store %arg7[%swap3A_190, %swap3A_191], %slice3A_189 {strides = array<i32>} : memref<16x8192xf32, #tpu.memory_space<vmem>>, vector<16x8192xf32>,
    return
  }
  func.func @transform_0(%arg0: i32) -> (i32, i32, i32) {
    %c0_i32 = arith.constant 0 : i32
    %c0_i32_0 = arith.constant 0 : i32
    %c0_i32_1 = arith.constant 0 : i32
    return %c0_i32, %arg0, %c0_i32_0 : i32, i32, i32
  }
  func.func @transform_1(%arg0: i32) -> (i32, i32, i32) {
    %c1_i32 = arith.constant 1 : i32
    %c0_i32 = arith.constant 0 : i32
    %c0_i32_0 = arith.constant 0 : i32
    return %c1_i32, %arg0, %c0_i32 : i32, i32, i32
  }
  func.func @transform_2(%arg0: i32) -> (i32, i32) {
    %c0_i32 = arith.constant 0 : i32
    %c0_i32_0 = arith.constant 0 : i32
    %c0_i32_1 = arith.constant 0 : i32
    return %c0_i32, %c0_i32_0 : i32, i32
  }
  func.func @transform_3(%arg0: i32) -> (i32, i32) {
    %c0_i32 = arith.constant 0 : i32
    %c0_i32_0 = arith.constant 0 : i32
    %c0_i32_1 = arith.constant 0 : i32
    return %c0_i32, %c0_i32_0 : i32, i32
  }
  func.func @transform_4(%arg0: i32) -> (i32, i32) {
    %c0_i32 = arith.constant 0 : i32
    %c0_i32_0 = arith.constant 0 : i32
    %c0_i32_1 = arith.constant 0 : i32
    return %c0_i32, %c0_i32_0 : i32, i32
  }
  func.func @transform_5(%arg0: i32) -> (i32, i32) {
    %c0_i32 = arith.constant 0 : i32
    %c0_i32_0 = arith.constant 0 : i32
    return %arg0, %c0_i32 : i32, i32
  }
  func.func @transform_6(%arg0: i32) -> (i32, i32) {
    %c0_i32 = arith.constant 0 : i32
    %c0_i32_0 = arith.constant 0 : i32
    return %c0_i32, %arg0 : i32, i32
  }
}

module attributes {stable_mosaic.version = 14 : i64} {
  func.func @_edge_a_body(%arg0: i32, %arg1: memref<1x1024x128xf32, #tpu.memory_space<vmem>>, %arg2: memref<1x1024x128xf32, #tpu.memory_space<vmem>>, %arg3: memref<32x16xf32, #tpu.memory_space<vmem>>, %arg4: memref<32x16xf32, #tpu.memory_space<vmem>>, %arg5: memref<32x32xf32, #tpu.memory_space<vmem>>, %arg6: memref<2048x128xf32, #tpu.memory_space<vmem>>, %arg7: memref<16x8192xf32, #tpu.memory_space<vmem>>) attributes {dimension_semantics = [#tpu.dimension_semantics<arbitrary>], iteration_bounds = array<i64: 96>, scalar_prefetch = 0 : i64, scratch_operands = 0 : i64, tpu.core_type = #tpu.core_type<tc>, window_params = [{transform_indices = @transform_0, window_bounds = array<i64: 1, 1024, 128>}, {transform_indices = @transform_1, window_bounds = array<i64: 1, 1024, 128>}, {pipeline_mode = #tpu.pipeline_mode<synchronous>, transform_indices = @transform_2, window_bounds = array<i64: 32, 16>}, {pipeline_mode = #tpu.pipeline_mode<synchronous>, transform_indices = @transform_3, window_bounds = array<i64: 32, 16>}, {pipeline_mode = #tpu.pipeline_mode<synchronous>, transform_indices = @transform_4, window_bounds = array<i64: 32, 32>}, {transform_indices = @transform_5, window_bounds = array<i64: 2048, 128>}, {transform_indices = @transform_6, window_bounds = array<i64: 16, 8192>}]} {
    %get3A = arith.constant 0 : index
    %get3A_0 = arith.constant 0 : index
    %get3A_1 = arith.constant 0 : index
    %get3A_2 = vector.load %arg1[%get3A, %get3A_0, %get3A_1] : memref<1x1024x128xf32, #tpu.memory_space<vmem>>, vector<1x1024x128xf32>
    %get3A_3 = vector.shape_cast %get3A_2 : vector<1x1024x128xf32> to vector<1024x128xf32>
    %transpose3A = tpu.transpose %get3A_3, [1, 0] : vector<1024x128xf32> -> vector<128x1024xf32>
    %slice3A = vector.extract_strided_slice %transpose3A {offsets = [0, 0], sizes = [16, 1024], strides = [1, 1]} : vector<128x1024xf32> to vector<16x1024xf32>
    %slice3A_4 = vector.extract_strided_slice %transpose3A {offsets = [16, 0], sizes = [16, 1024], strides = [1, 1]} : vector<128x1024xf32> to vector<16x1024xf32>
    %slice3A_5 = vector.extract_strided_slice %transpose3A {offsets = [32, 0], sizes = [16, 1024], strides = [1, 1]} : vector<128x1024xf32> to vector<16x1024xf32>
    %slice3A_6 = vector.extract_strided_slice %transpose3A {offsets = [48, 0], sizes = [16, 1024], strides = [1, 1]} : vector<128x1024xf32> to vector<16x1024xf32>
    %slice3A_7 = vector.extract_strided_slice %transpose3A {offsets = [64, 0], sizes = [16, 1024], strides = [1, 1]} : vector<128x1024xf32> to vector<16x1024xf32>
    %slice3A_8 = vector.extract_strided_slice %transpose3A {offsets = [80, 0], sizes = [16, 1024], strides = [1, 1]} : vector<128x1024xf32> to vector<16x1024xf32>
    %slice3A_9 = vector.extract_strided_slice %transpose3A {offsets = [96, 0], sizes = [16, 1024], strides = [1, 1]} : vector<128x1024xf32> to vector<16x1024xf32>
    %slice3A_10 = vector.extract_strided_slice %transpose3A {offsets = [112, 0], sizes = [16, 1024], strides = [1, 1]} : vector<128x1024xf32> to vector<16x1024xf32>
    %concatenate3A = tpu.concatenate %slice3A, %slice3A_4, %slice3A_5, %slice3A_6, %slice3A_7, %slice3A_8, %slice3A_9, %slice3A_10 in 1 : vector<16x1024xf32>, vector<16x1024xf32>, vector<16x1024xf32>, vector<16x1024xf32>, vector<16x1024xf32>, vector<16x1024xf32>, vector<16x1024xf32>, vector<16x1024xf32> -> vector<16x8192xf32>
    %get3A_11 = arith.constant 0 : index
    %get3A_12 = arith.constant 0 : index
    %get3A_13 = arith.constant 0 : index
    %get3A_14 = vector.load %arg2[%get3A_11, %get3A_12, %get3A_13] : memref<1x1024x128xf32, #tpu.memory_space<vmem>>, vector<1x1024x128xf32>
    %get3A_15 = vector.shape_cast %get3A_14 : vector<1x1024x128xf32> to vector<1024x128xf32>
    %transpose3A_16 = tpu.transpose %get3A_15, [1, 0] : vector<1024x128xf32> -> vector<128x1024xf32>
    %slice3A_17 = vector.extract_strided_slice %transpose3A_16 {offsets = [0, 0], sizes = [16, 1024], strides = [1, 1]} : vector<128x1024xf32> to vector<16x1024xf32>
    %slice3A_18 = vector.extract_strided_slice %transpose3A_16 {offsets = [16, 0], sizes = [16, 1024], strides = [1, 1]} : vector<128x1024xf32> to vector<16x1024xf32>
    %slice3A_19 = vector.extract_strided_slice %transpose3A_16 {offsets = [32, 0], sizes = [16, 1024], strides = [1, 1]} : vector<128x1024xf32> to vector<16x1024xf32>
    %slice3A_20 = vector.extract_strided_slice %transpose3A_16 {offsets = [48, 0], sizes = [16, 1024], strides = [1, 1]} : vector<128x1024xf32> to vector<16x1024xf32>
    %slice3A_21 = vector.extract_strided_slice %transpose3A_16 {offsets = [64, 0], sizes = [16, 1024], strides = [1, 1]} : vector<128x1024xf32> to vector<16x1024xf32>
    %slice3A_22 = vector.extract_strided_slice %transpose3A_16 {offsets = [80, 0], sizes = [16, 1024], strides = [1, 1]} : vector<128x1024xf32> to vector<16x1024xf32>
    %slice3A_23 = vector.extract_strided_slice %transpose3A_16 {offsets = [96, 0], sizes = [16, 1024], strides = [1, 1]} : vector<128x1024xf32> to vector<16x1024xf32>
    %slice3A_24 = vector.extract_strided_slice %transpose3A_16 {offsets = [112, 0], sizes = [16, 1024], strides = [1, 1]} : vector<128x1024xf32> to vector<16x1024xf32>
    %concatenate3A_25 = tpu.concatenate %slice3A_17, %slice3A_18, %slice3A_19, %slice3A_20, %slice3A_21, %slice3A_22, %slice3A_23, %slice3A_24 in 1 : vector<16x1024xf32>, vector<16x1024xf32>, vector<16x1024xf32>, vector<16x1024xf32>, vector<16x1024xf32>, vector<16x1024xf32>, vector<16x1024xf32>, vector<16x1024xf32> -> vector<16x8192xf32>
    %get3A_26 = arith.constant 0 : index
    %get3A_27 = arith.constant 0 : index
    %get3A_28 = vector.load %arg3[%get3A_26, %get3A_27] : memref<32x16xf32, #tpu.memory_space<vmem>>, vector<32x16xf32>
    %convert_element_type3A = arith.truncf %get3A_28 : vector<32x16xf32> to vector<32x16xbf16>
    %convert_element_type3A_29 = arith.truncf %concatenate3A : vector<16x8192xf32> to vector<16x8192xbf16>
    %convert_element_type3A_30 = arith.extf %convert_element_type3A : vector<32x16xbf16> to vector<32x16xf32>
    %sub3A = arith.subf %get3A_28, %convert_element_type3A_30 : vector<32x16xf32>
    %convert_element_type3A_31 = arith.truncf %sub3A : vector<32x16xf32> to vector<32x16xbf16>
    %convert_element_type3A_32 = arith.extf %convert_element_type3A_29 : vector<16x8192xbf16> to vector<16x8192xf32>
    %sub3A_33 = arith.subf %concatenate3A, %convert_element_type3A_32 : vector<16x8192xf32>
    %convert_element_type3A_34 = arith.truncf %sub3A_33 : vector<16x8192xf32> to vector<16x8192xbf16>
    %dot_general3A = arith.constant dense<0.000000e+00> : vector<32x8192xf32>
    %dot_general3A_35 = tpu.matmul %convert_element_type3A, %convert_element_type3A_34, %dot_general3A {dimension_numbers = #tpu.dot_dimension_numbers<[1], [0], [0], [1], [0, 0, 1, 1], [], []>, transpose_lhs_hint = false} : vector<32x16xbf16>, vector<16x8192xbf16>, vector<32x8192xf32> -> vector<32x8192xf32>
    %dot_general3A_36 = arith.constant dense<0.000000e+00> : vector<32x8192xf32>
    %dot_general3A_37 = tpu.matmul %convert_element_type3A_31, %convert_element_type3A_29, %dot_general3A_36 {dimension_numbers = #tpu.dot_dimension_numbers<[1], [0], [0], [1], [0, 0, 1, 1], [], []>, transpose_lhs_hint = false} : vector<32x16xbf16>, vector<16x8192xbf16>, vector<32x8192xf32> -> vector<32x8192xf32>
    %add3A = arith.addf %dot_general3A_35, %dot_general3A_37 : vector<32x8192xf32>
    %dot_general3A_38 = arith.constant dense<0.000000e+00> : vector<32x8192xf32>
    %dot_general3A_39 = tpu.matmul %convert_element_type3A, %convert_element_type3A_29, %dot_general3A_38 {dimension_numbers = #tpu.dot_dimension_numbers<[1], [0], [0], [1], [0, 0, 1, 1], [], []>, transpose_lhs_hint = false} : vector<32x16xbf16>, vector<16x8192xbf16>, vector<32x8192xf32> -> vector<32x8192xf32>
    %add3A_40 = arith.addf %add3A, %dot_general3A_39 : vector<32x8192xf32>
    %get3A_41 = arith.constant 0 : index
    %get3A_42 = arith.constant 0 : index
    %get3A_43 = vector.load %arg4[%get3A_41, %get3A_42] : memref<32x16xf32, #tpu.memory_space<vmem>>, vector<32x16xf32>
    %convert_element_type3A_44 = arith.truncf %get3A_43 : vector<32x16xf32> to vector<32x16xbf16>
    %convert_element_type3A_45 = arith.truncf %concatenate3A_25 : vector<16x8192xf32> to vector<16x8192xbf16>
    %convert_element_type3A_46 = arith.extf %convert_element_type3A_44 : vector<32x16xbf16> to vector<32x16xf32>
    %sub3A_47 = arith.subf %get3A_43, %convert_element_type3A_46 : vector<32x16xf32>
    %convert_element_type3A_48 = arith.truncf %sub3A_47 : vector<32x16xf32> to vector<32x16xbf16>
    %convert_element_type3A_49 = arith.extf %convert_element_type3A_45 : vector<16x8192xbf16> to vector<16x8192xf32>
    %sub3A_50 = arith.subf %concatenate3A_25, %convert_element_type3A_49 : vector<16x8192xf32>
    %convert_element_type3A_51 = arith.truncf %sub3A_50 : vector<16x8192xf32> to vector<16x8192xbf16>
    %dot_general3A_52 = arith.constant dense<0.000000e+00> : vector<32x8192xf32>
    %dot_general3A_53 = tpu.matmul %convert_element_type3A_44, %convert_element_type3A_51, %dot_general3A_52 {dimension_numbers = #tpu.dot_dimension_numbers<[1], [0], [0], [1], [0, 0, 1, 1], [], []>, transpose_lhs_hint = false} : vector<32x16xbf16>, vector<16x8192xbf16>, vector<32x8192xf32> -> vector<32x8192xf32>
    %dot_general3A_54 = arith.constant dense<0.000000e+00> : vector<32x8192xf32>
    %dot_general3A_55 = tpu.matmul %convert_element_type3A_48, %convert_element_type3A_45, %dot_general3A_54 {dimension_numbers = #tpu.dot_dimension_numbers<[1], [0], [0], [1], [0, 0, 1, 1], [], []>, transpose_lhs_hint = false} : vector<32x16xbf16>, vector<16x8192xbf16>, vector<32x8192xf32> -> vector<32x8192xf32>
    %add3A_56 = arith.addf %dot_general3A_53, %dot_general3A_55 : vector<32x8192xf32>
    %dot_general3A_57 = arith.constant dense<0.000000e+00> : vector<32x8192xf32>
    %dot_general3A_58 = tpu.matmul %convert_element_type3A_44, %convert_element_type3A_45, %dot_general3A_57 {dimension_numbers = #tpu.dot_dimension_numbers<[1], [0], [0], [1], [0, 0, 1, 1], [], []>, transpose_lhs_hint = false} : vector<32x16xbf16>, vector<16x8192xbf16>, vector<32x8192xf32> -> vector<32x8192xf32>
    %add3A_59 = arith.addf %add3A_56, %dot_general3A_58 : vector<32x8192xf32>
    %add3A_60 = arith.addf %add3A_40, %add3A_59 : vector<32x8192xf32>
    %reduce_sum3A = arith.constant dense<0.000000e+00> : vector<8192xf32>
    %reduce_sum3A_61 = vector.multi_reduction <add>, %add3A_60, %reduce_sum3A [0] : vector<32x8192xf32> to vector<8192xf32>
    %broadcast_in_dim3A = vector.shape_cast %reduce_sum3A_61 : vector<8192xf32> to vector<1x8192xf32>
    %div3A = arith.constant 3.200000e+01 : f32
    %div3A_62 = vector.broadcast %div3A : f32 to vector<1x8192xf32>
    %div3A_63 = arith.divf %broadcast_in_dim3A, %div3A_62 : vector<1x8192xf32>
    %sub3A_64 = vector.broadcast %div3A_63 : vector<1x8192xf32> to vector<32x8192xf32>
    %sub3A_65 = arith.subf %add3A_60, %sub3A_64 : vector<32x8192xf32>
    %integer_pow3A = arith.mulf %sub3A_65, %sub3A_65 : vector<32x8192xf32>
    %reduce_sum3A_66 = arith.constant dense<0.000000e+00> : vector<8192xf32>
    %reduce_sum3A_67 = vector.multi_reduction <add>, %integer_pow3A, %reduce_sum3A_66 [0] : vector<32x8192xf32> to vector<8192xf32>
    %broadcast_in_dim3A_68 = vector.shape_cast %reduce_sum3A_67 : vector<8192xf32> to vector<1x8192xf32>
    %div3A_69 = arith.constant 3.200000e+01 : f32
    %div3A_70 = vector.broadcast %div3A_69 : f32 to vector<1x8192xf32>
    %div3A_71 = arith.divf %broadcast_in_dim3A_68, %div3A_70 : vector<1x8192xf32>
    %sub3A_72 = vector.broadcast %div3A_63 : vector<1x8192xf32> to vector<32x8192xf32>
    %sub3A_73 = arith.subf %add3A_60, %sub3A_72 : vector<32x8192xf32>
    %add3A_74 = arith.constant 9.99999974E-6 : f32
    %add3A_75 = vector.broadcast %add3A_74 : f32 to vector<1x8192xf32>
    %add3A_76 = arith.addf %div3A_71, %add3A_75 : vector<1x8192xf32>
    %sqrt3A = math.sqrt %add3A_76 : vector<1x8192xf32>
    %div3A_77 = vector.broadcast %sqrt3A : vector<1x8192xf32> to vector<32x8192xf32>
    %div3A_78 = arith.divf %sub3A_73, %div3A_77 : vector<32x8192xf32>
    %logistic3A = arith.negf %div3A_78 : vector<32x8192xf32>
    %logistic3A_79 = math.exp %logistic3A : vector<32x8192xf32>
    %logistic3A_80 = arith.constant 1.000000e+00 : f32
    %logistic3A_81 = vector.broadcast %logistic3A_80 : f32 to vector<32x8192xf32>
    %logistic3A_82 = arith.addf %logistic3A_81, %logistic3A_79 : vector<32x8192xf32>
    %logistic3A_83 = arith.divf %logistic3A_81, %logistic3A_82 : vector<32x8192xf32>
    %mul3A = arith.mulf %div3A_78, %logistic3A_83 : vector<32x8192xf32>
    %get3A_84 = arith.constant 0 : index
    %get3A_85 = arith.constant 0 : index
    %get3A_86 = vector.load %arg5[%get3A_84, %get3A_85] : memref<32x32xf32, #tpu.memory_space<vmem>>, vector<32x32xf32>
    %convert_element_type3A_87 = arith.truncf %get3A_86 : vector<32x32xf32> to vector<32x32xbf16>
    %convert_element_type3A_88 = arith.truncf %mul3A : vector<32x8192xf32> to vector<32x8192xbf16>
    %convert_element_type3A_89 = arith.extf %convert_element_type3A_87 : vector<32x32xbf16> to vector<32x32xf32>
    %sub3A_90 = arith.subf %get3A_86, %convert_element_type3A_89 : vector<32x32xf32>
    %convert_element_type3A_91 = arith.truncf %sub3A_90 : vector<32x32xf32> to vector<32x32xbf16>
    %convert_element_type3A_92 = arith.extf %convert_element_type3A_88 : vector<32x8192xbf16> to vector<32x8192xf32>
    %sub3A_93 = arith.subf %mul3A, %convert_element_type3A_92 : vector<32x8192xf32>
    %convert_element_type3A_94 = arith.truncf %sub3A_93 : vector<32x8192xf32> to vector<32x8192xbf16>
    %dot_general3A_95 = arith.constant dense<0.000000e+00> : vector<32x8192xf32>
    %dot_general3A_96 = tpu.matmul %convert_element_type3A_87, %convert_element_type3A_94, %dot_general3A_95 {dimension_numbers = #tpu.dot_dimension_numbers<[1], [0], [0], [1], [0, 0, 1, 1], [], []>, transpose_lhs_hint = false} : vector<32x32xbf16>, vector<32x8192xbf16>, vector<32x8192xf32> -> vector<32x8192xf32>
    %dot_general3A_97 = arith.constant dense<0.000000e+00> : vector<32x8192xf32>
    %dot_general3A_98 = tpu.matmul %convert_element_type3A_91, %convert_element_type3A_88, %dot_general3A_97 {dimension_numbers = #tpu.dot_dimension_numbers<[1], [0], [0], [1], [0, 0, 1, 1], [], []>, transpose_lhs_hint = false} : vector<32x32xbf16>, vector<32x8192xbf16>, vector<32x8192xf32> -> vector<32x8192xf32>
    %add3A_99 = arith.addf %dot_general3A_96, %dot_general3A_98 : vector<32x8192xf32>
    %dot_general3A_100 = arith.constant dense<0.000000e+00> : vector<32x8192xf32>
    %dot_general3A_101 = tpu.matmul %convert_element_type3A_87, %convert_element_type3A_88, %dot_general3A_100 {dimension_numbers = #tpu.dot_dimension_numbers<[1], [0], [0], [1], [0, 0, 1, 1], [], []>, transpose_lhs_hint = false} : vector<32x32xbf16>, vector<32x8192xbf16>, vector<32x8192xf32> -> vector<32x8192xf32>
    %add3A_102 = arith.addf %add3A_99, %dot_general3A_101 : vector<32x8192xf32>
    %iota3A = tpu.iota {dimensions = array<i32: 0>} : vector<32x8192xi32>
    %lt3A = arith.constant 17 : i32
    %lt3A_103 = vector.broadcast %lt3A : i32 to vector<32x8192xi32>
    %lt3A_104 = arith.cmpi slt, %iota3A, %lt3A_103 : vector<32x8192xi32>
    %jit3A = arith.constant 0.000000e+00 : f32
    %broadcast_in_dim3A_105 = vector.broadcast %jit3A : f32 to vector<32x8192xf32>
    %select_n3A = arith.select %lt3A_104, %add3A_102, %broadcast_in_dim3A_105 : vector<32x8192xi1>, vector<32x8192xf32>
    %reduce_sum3A_106 = arith.constant dense<0.000000e+00> : vector<8192xf32>
    %reduce_sum3A_107 = vector.multi_reduction <add>, %select_n3A, %reduce_sum3A_106 [0] : vector<32x8192xf32> to vector<8192xf32>
    %broadcast_in_dim3A_108 = vector.shape_cast %reduce_sum3A_107 : vector<8192xf32> to vector<1x8192xf32>
    %div3A_109 = arith.constant 1.700000e+01 : f32
    %div3A_110 = vector.broadcast %div3A_109 : f32 to vector<1x8192xf32>
    %div3A_111 = arith.divf %broadcast_in_dim3A_108, %div3A_110 : vector<1x8192xf32>
    %sub3A_112 = vector.broadcast %div3A_111 : vector<1x8192xf32> to vector<32x8192xf32>
    %sub3A_113 = arith.subf %add3A_102, %sub3A_112 : vector<32x8192xf32>
    %integer_pow3A_114 = arith.mulf %sub3A_113, %sub3A_113 : vector<32x8192xf32>
    %jit3A_115 = arith.constant 0.000000e+00 : f32
    %broadcast_in_dim3A_116 = vector.broadcast %jit3A_115 : f32 to vector<32x8192xf32>
    %select_n3A_117 = arith.select %lt3A_104, %integer_pow3A_114, %broadcast_in_dim3A_116 : vector<32x8192xi1>, vector<32x8192xf32>
    %reduce_sum3A_118 = arith.constant dense<0.000000e+00> : vector<8192xf32>
    %reduce_sum3A_119 = vector.multi_reduction <add>, %select_n3A_117, %reduce_sum3A_118 [0] : vector<32x8192xf32> to vector<8192xf32>
    %broadcast_in_dim3A_120 = vector.shape_cast %reduce_sum3A_119 : vector<8192xf32> to vector<1x8192xf32>
    %div3A_121 = arith.constant 1.700000e+01 : f32
    %div3A_122 = vector.broadcast %div3A_121 : f32 to vector<1x8192xf32>
    %div3A_123 = arith.divf %broadcast_in_dim3A_120, %div3A_122 : vector<1x8192xf32>
    %sub3A_124 = vector.broadcast %div3A_111 : vector<1x8192xf32> to vector<32x8192xf32>
    %sub3A_125 = arith.subf %add3A_102, %sub3A_124 : vector<32x8192xf32>
    %add3A_126 = arith.constant 9.99999974E-6 : f32
    %add3A_127 = vector.broadcast %add3A_126 : f32 to vector<1x8192xf32>
    %add3A_128 = arith.addf %div3A_123, %add3A_127 : vector<1x8192xf32>
    %sqrt3A_129 = math.sqrt %add3A_128 : vector<1x8192xf32>
    %div3A_130 = vector.broadcast %sqrt3A_129 : vector<1x8192xf32> to vector<32x8192xf32>
    %div3A_131 = arith.divf %sub3A_125, %div3A_130 : vector<32x8192xf32>
    %logistic3A_132 = arith.negf %div3A_131 : vector<32x8192xf32>
    %logistic3A_133 = math.exp %logistic3A_132 : vector<32x8192xf32>
    %logistic3A_134 = arith.constant 1.000000e+00 : f32
    %logistic3A_135 = vector.broadcast %logistic3A_134 : f32 to vector<32x8192xf32>
    %logistic3A_136 = arith.addf %logistic3A_135, %logistic3A_133 : vector<32x8192xf32>
    %logistic3A_137 = arith.divf %logistic3A_135, %logistic3A_136 : vector<32x8192xf32>
    %mul3A_138 = arith.mulf %div3A_131, %logistic3A_137 : vector<32x8192xf32>
    %slice3A_139 = vector.extract_strided_slice %mul3A_138 {offsets = [16, 0], sizes = [1, 8192], strides = [1, 1]} : vector<32x8192xf32> to vector<1x8192xf32>
    %exp3A = math.exp %slice3A_139 : vector<1x8192xf32>
    %iota3A_140 = tpu.iota {dimensions = array<i32: 0>} : vector<32x8192xi32>
    %mul3A_141 = vector.broadcast %exp3A : vector<1x8192xf32> to vector<32x8192xf32>
    %mul3A_142 = arith.mulf %mul3A_138, %mul3A_141 : vector<32x8192xf32>
    %lt3A_143 = arith.constant 16 : i32
    %lt3A_144 = vector.broadcast %lt3A_143 : i32 to vector<32x8192xi32>
    %lt3A_145 = arith.cmpi slt, %iota3A_140, %lt3A_144 : vector<32x8192xi32>
    %eq3A = arith.constant 16 : i32
    %eq3A_146 = vector.broadcast %eq3A : i32 to vector<32x8192xi32>
    %eq3A_147 = arith.cmpi eq, %iota3A_140, %eq3A_146 : vector<32x8192xi32>
    %jit3A_148 = arith.constant 0.000000e+00 : f32
    %broadcast_in_dim3A_149 = vector.shape_cast %exp3A : vector<1x8192xf32> to vector<1x8192xf32>
    %broadcast_in_dim3A_150 = vector.broadcast %broadcast_in_dim3A_149 : vector<1x8192xf32> to vector<32x8192xf32>
    %broadcast_in_dim3A_151 = vector.broadcast %jit3A_148 : f32 to vector<32x8192xf32>
    %select_n3A_152 = arith.select %eq3A_147, %broadcast_in_dim3A_150, %broadcast_in_dim3A_151 : vector<32x8192xi1>, vector<32x8192xf32>
    %select_n3A_153 = arith.select %lt3A_145, %mul3A_142, %select_n3A_152 : vector<32x8192xi1>, vector<32x8192xf32>
    %add3A_154 = arith.constant 104 : i32
    %add3A_155 = arith.addi %arg0, %add3A_154 : i32
    %slice3A_156 = vector.extract_strided_slice %select_n3A_153 {offsets = [0, 0], sizes = [32, 1024], strides = [1, 1]} : vector<32x8192xf32> to vector<32x1024xf32>
    %transpose3A_157 = tpu.transpose %slice3A_156, [1, 0] : vector<32x1024xf32> -> vector<1024x32xf32>
    %slice3A_158 = vector.extract_strided_slice %select_n3A_153 {offsets = [0, 1024], sizes = [32, 1024], strides = [1, 1]} : vector<32x8192xf32> to vector<32x1024xf32>
    %transpose3A_159 = tpu.transpose %slice3A_158, [1, 0] : vector<32x1024xf32> -> vector<1024x32xf32>
    %slice3A_160 = vector.extract_strided_slice %select_n3A_153 {offsets = [0, 2048], sizes = [32, 1024], strides = [1, 1]} : vector<32x8192xf32> to vector<32x1024xf32>
    %transpose3A_161 = tpu.transpose %slice3A_160, [1, 0] : vector<32x1024xf32> -> vector<1024x32xf32>
    %slice3A_162 = vector.extract_strided_slice %select_n3A_153 {offsets = [0, 3072], sizes = [32, 1024], strides = [1, 1]} : vector<32x8192xf32> to vector<32x1024xf32>
    %transpose3A_163 = tpu.transpose %slice3A_162, [1, 0] : vector<32x1024xf32> -> vector<1024x32xf32>
    %slice3A_164 = vector.extract_strided_slice %select_n3A_153 {offsets = [0, 4096], sizes = [32, 1024], strides = [1, 1]} : vector<32x8192xf32> to vector<32x1024xf32>
    %transpose3A_165 = tpu.transpose %slice3A_164, [1, 0] : vector<32x1024xf32> -> vector<1024x32xf32>
    %slice3A_166 = vector.extract_strided_slice %select_n3A_153 {offsets = [0, 5120], sizes = [32, 1024], strides = [1, 1]} : vector<32x8192xf32> to vector<32x1024xf32>
    %transpose3A_167 = tpu.transpose %slice3A_166, [1, 0] : vector<32x1024xf32> -> vector<1024x32xf32>
    %slice3A_168 = vector.extract_strided_slice %select_n3A_153 {offsets = [0, 6144], sizes = [32, 1024], strides = [1, 1]} : vector<32x8192xf32> to vector<32x1024xf32>
    %transpose3A_169 = tpu.transpose %slice3A_168, [1, 0] : vector<32x1024xf32> -> vector<1024x32xf32>
    %slice3A_170 = vector.extract_strided_slice %select_n3A_153 {offsets = [0, 7168], sizes = [32, 1024], strides = [1, 1]} : vector<32x8192xf32> to vector<32x1024xf32>
    %transpose3A_171 = tpu.transpose %slice3A_170, [1, 0] : vector<32x1024xf32> -> vector<1024x32xf32>
    %concatenate3A_172 = tpu.concatenate %transpose3A_157, %transpose3A_159, %transpose3A_161, %transpose3A_163 in 1 : vector<1024x32xf32>, vector<1024x32xf32>, vector<1024x32xf32>, vector<1024x32xf32> -> vector<1024x128xf32>
    %concatenate3A_173 = tpu.concatenate %transpose3A_165, %transpose3A_167, %transpose3A_169, %transpose3A_171 in 1 : vector<1024x32xf32>, vector<1024x32xf32>, vector<1024x32xf32>, vector<1024x32xf32> -> vector<1024x128xf32>
    %stack3A = vector.shape_cast %concatenate3A_172 : vector<1024x128xf32> to vector<1024x1x128xf32>
    %stack3A_174 = vector.shape_cast %concatenate3A_173 : vector<1024x128xf32> to vector<1024x1x128xf32>
    %stack3A_175 = tpu.concatenate %stack3A, %stack3A_174 in 1 : vector<1024x1x128xf32>, vector<1024x1x128xf32> -> vector<1024x2x128xf32>
    %reshape3A = vector.shape_cast %stack3A_175 : vector<1024x2x128xf32> to vector<2048x128xf32>
    %iota3A_176 = tpu.iota {dimensions = array<i32: 0>} : vector<2048x128xi32>
    %mul3A_177 = arith.constant 2048 : i32
    %mul3A_178 = arith.muli %add3A_155, %mul3A_177 : i32
    %add3A_179 = vector.broadcast %mul3A_178 : i32 to vector<2048x128xi32>
    %add3A_180 = arith.addi %iota3A_176, %add3A_179 : vector<2048x128xi32>
    %lt3A_181 = arith.constant 400000 : i32
    %lt3A_182 = vector.broadcast %lt3A_181 : i32 to vector<2048x128xi32>
    %lt3A_183 = arith.cmpi slt, %add3A_180, %lt3A_182 : vector<2048x128xi32>
    %jit3A_184 = arith.constant 0.000000e+00 : f32
    %broadcast_in_dim3A_185 = vector.broadcast %jit3A_184 : f32 to vector<2048x128xf32>
    %select_n3A_186 = arith.select %lt3A_183, %reshape3A, %broadcast_in_dim3A_185 : vector<2048x128xi1>, vector<2048x128xf32>
    %swap3A = arith.constant 0 : index
    %swap3A_187 = arith.constant 0 : index
    %swap3A_188 = vector.load %arg6[%swap3A, %swap3A_187] : memref<2048x128xf32, #tpu.memory_space<vmem>>, vector<2048x128xf32>
    tpu.vector_store %arg6[%swap3A, %swap3A_187], %select_n3A_186 {strides = array<i32>} : memref<2048x128xf32, #tpu.memory_space<vmem>>, vector<2048x128xf32>,
    %slice3A_189 = vector.extract_strided_slice %mul3A_138 {offsets = [0, 0], sizes = [16, 8192], strides = [1, 1]} : vector<32x8192xf32> to vector<16x8192xf32>
    %swap3A_190 = arith.constant 0 : index
    %swap3A_191 = arith.constant 0 : index
    %swap3A_192 = vector.load %arg7[%swap3A_190, %swap3A_191] : memref<16x8192xf32, #tpu.memory_space<vmem>>, vector<16x8192xf32>
    tpu.vector_store %arg7[%swap3A_190, %swap3A_191], %slice3A_189 {strides = array<i32>} : memref<16x8192xf32, #tpu.memory_space<vmem>>, vector<16x8192xf32>,
    return
  }
  func.func @transform_0(%arg0: i32) -> (i32, i32, i32) {
    %c0_i32 = arith.constant 0 : i32
    %c0_i32_0 = arith.constant 0 : i32
    %c0_i32_1 = arith.constant 0 : i32
    return %c0_i32, %arg0, %c0_i32_0 : i32, i32, i32
  }
  func.func @transform_1(%arg0: i32) -> (i32, i32, i32) {
    %c1_i32 = arith.constant 1 : i32
    %c0_i32 = arith.constant 0 : i32
    %c0_i32_0 = arith.constant 0 : i32
    return %c1_i32, %arg0, %c0_i32 : i32, i32, i32
  }
  func.func @transform_2(%arg0: i32) -> (i32, i32) {
    %c0_i32 = arith.constant 0 : i32
    %c0_i32_0 = arith.constant 0 : i32
    %c0_i32_1 = arith.constant 0 : i32
    return %c0_i32, %c0_i32_0 : i32, i32
  }
  func.func @transform_3(%arg0: i32) -> (i32, i32) {
    %c0_i32 = arith.constant 0 : i32
    %c0_i32_0 = arith.constant 0 : i32
    %c0_i32_1 = arith.constant 0 : i32
    return %c0_i32, %c0_i32_0 : i32, i32
  }
  func.func @transform_4(%arg0: i32) -> (i32, i32) {
    %c0_i32 = arith.constant 0 : i32
    %c0_i32_0 = arith.constant 0 : i32
    %c0_i32_1 = arith.constant 0 : i32
    return %c0_i32, %c0_i32_0 : i32, i32
  }
  func.func @transform_5(%arg0: i32) -> (i32, i32) {
    %c0_i32 = arith.constant 0 : i32
    %c0_i32_0 = arith.constant 0 : i32
    return %arg0, %c0_i32 : i32, i32
  }
  func.func @transform_6(%arg0: i32) -> (i32, i32) {
    %c0_i32 = arith.constant 0 : i32
    %c0_i32_0 = arith.constant 0 : i32
    return %c0_i32, %arg0 : i32, i32
  }
}

module attributes {stable_mosaic.version = 14 : i64} {
  func.func @_node_body(%arg0: i32, %arg1: memref<2000x16xf32, #tpu.memory_space<vmem>>, %arg2: memref<1x2000x32xf32, #tpu.memory_space<vmem>>, %arg3: memref<1x2000x32xf32, #tpu.memory_space<vmem>>, %arg4: memref<1x2000x32xf32, #tpu.memory_space<vmem>>, %arg5: memref<1x2000x32xf32, #tpu.memory_space<vmem>>, %arg6: memref<32x32xf32, #tpu.memory_space<vmem>>, %arg7: memref<32x16xf32, #tpu.memory_space<vmem>>, %arg8: memref<8x32xf32, #tpu.memory_space<vmem>>, %arg9: memref<2000x16xf32, #tpu.memory_space<vmem>>) attributes {dimension_semantics = [#tpu.dimension_semantics<arbitrary>], iteration_bounds = array<i64: 25>, scalar_prefetch = 0 : i64, scratch_operands = 0 : i64, tpu.core_type = #tpu.core_type<tc>, window_params = [{transform_indices = @transform_0, window_bounds = array<i64: 2000, 16>}, {transform_indices = @transform_1, window_bounds = array<i64: 1, 2000, 32>}, {transform_indices = @transform_2, window_bounds = array<i64: 1, 2000, 32>}, {transform_indices = @transform_3, window_bounds = array<i64: 1, 2000, 32>}, {transform_indices = @transform_4, window_bounds = array<i64: 1, 2000, 32>}, {pipeline_mode = #tpu.pipeline_mode<synchronous>, transform_indices = @transform_5, window_bounds = array<i64: 32, 32>}, {pipeline_mode = #tpu.pipeline_mode<synchronous>, transform_indices = @transform_6, window_bounds = array<i64: 32, 16>}, {pipeline_mode = #tpu.pipeline_mode<synchronous>, transform_indices = @transform_7, window_bounds = array<i64: 8, 32>}, {transform_indices = @transform_8, window_bounds = array<i64: 2000, 16>}]} {
    %get3A = arith.constant 0 : index
    %get3A_0 = arith.constant 0 : index
    %get3A_1 = vector.load %arg1[%get3A, %get3A_0] : memref<2000x16xf32, #tpu.memory_space<vmem>>, vector<2000x16xf32>
    %get3A_2 = arith.constant 0 : index
    %get3A_3 = arith.constant 0 : index
    %get3A_4 = arith.constant 0 : index
    %get3A_5 = vector.load %arg2[%get3A_2, %get3A_3, %get3A_4] : memref<1x2000x32xf32, #tpu.memory_space<vmem>>, vector<1x2000x32xf32>
    %get3A_6 = vector.shape_cast %get3A_5 : vector<1x2000x32xf32> to vector<2000x32xf32>
    %get3A_7 = arith.constant 0 : index
    %get3A_8 = arith.constant 0 : index
    %get3A_9 = arith.constant 0 : index
    %get3A_10 = vector.load %arg3[%get3A_7, %get3A_8, %get3A_9] : memref<1x2000x32xf32, #tpu.memory_space<vmem>>, vector<1x2000x32xf32>
    %get3A_11 = vector.shape_cast %get3A_10 : vector<1x2000x32xf32> to vector<2000x32xf32>
    %add3A = arith.addf %get3A_6, %get3A_11 : vector<2000x32xf32>
    %get3A_12 = arith.constant 0 : index
    %get3A_13 = arith.constant 0 : index
    %get3A_14 = arith.constant 0 : index
    %get3A_15 = vector.load %arg4[%get3A_12, %get3A_13, %get3A_14] : memref<1x2000x32xf32, #tpu.memory_space<vmem>>, vector<1x2000x32xf32>
    %get3A_16 = vector.shape_cast %get3A_15 : vector<1x2000x32xf32> to vector<2000x32xf32>
    %add3A_17 = arith.addf %add3A, %get3A_16 : vector<2000x32xf32>
    %get3A_18 = arith.constant 0 : index
    %get3A_19 = arith.constant 0 : index
    %get3A_20 = arith.constant 0 : index
    %get3A_21 = vector.load %arg5[%get3A_18, %get3A_19, %get3A_20] : memref<1x2000x32xf32, #tpu.memory_space<vmem>>, vector<1x2000x32xf32>
    %get3A_22 = vector.shape_cast %get3A_21 : vector<1x2000x32xf32> to vector<2000x32xf32>
    %add3A_23 = arith.addf %add3A_17, %get3A_22 : vector<2000x32xf32>
    %slice3A = vector.extract_strided_slice %add3A_23 {offsets = [0, 0], sizes = [2000, 16], strides = [1, 1]} : vector<2000x32xf32> to vector<2000x16xf32>
    %slice3A_24 = vector.extract_strided_slice %add3A_23 {offsets = [0, 16], sizes = [2000, 1], strides = [1, 1]} : vector<2000x32xf32> to vector<2000x1xf32>
    %add3A_25 = arith.constant 1.000000e-16 : f32
    %add3A_26 = vector.broadcast %add3A_25 : f32 to vector<2000x1xf32>
    %add3A_27 = arith.addf %slice3A_24, %add3A_26 : vector<2000x1xf32>
    %div3A = vector.broadcast %add3A_27 : vector<2000x1xf32> to vector<2000x16xf32>
    %div3A_28 = arith.divf %slice3A, %div3A : vector<2000x16xf32>
    %get3A_29 = arith.constant 0 : index
    %get3A_30 = arith.constant 0 : index
    %get3A_31 = vector.load %arg6[%get3A_29, %get3A_30] : memref<32x32xf32, #tpu.memory_space<vmem>>, vector<32x32xf32>
    %get3A_32 = arith.constant 0 : index
    %get3A_33 = arith.constant 0 : index
    %get3A_34 = vector.load %arg8[%get3A_32, %get3A_33] : memref<8x32xf32, #tpu.memory_space<vmem>>, vector<8x32xf32>
    %slice3A_35 = vector.extract_strided_slice %get3A_31 {offsets = [0, 0], sizes = [16, 32], strides = [1, 1]} : vector<32x32xf32> to vector<16x32xf32>
    %convert_element_type3A = arith.truncf %get3A_1 : vector<2000x16xf32> to vector<2000x16xbf16>
    %convert_element_type3A_36 = arith.truncf %slice3A_35 : vector<16x32xf32> to vector<16x32xbf16>
    %convert_element_type3A_37 = arith.extf %convert_element_type3A : vector<2000x16xbf16> to vector<2000x16xf32>
    %sub3A = arith.subf %get3A_1, %convert_element_type3A_37 : vector<2000x16xf32>
    %convert_element_type3A_38 = arith.truncf %sub3A : vector<2000x16xf32> to vector<2000x16xbf16>
    %convert_element_type3A_39 = arith.extf %convert_element_type3A_36 : vector<16x32xbf16> to vector<16x32xf32>
    %sub3A_40 = arith.subf %slice3A_35, %convert_element_type3A_39 : vector<16x32xf32>
    %convert_element_type3A_41 = arith.truncf %sub3A_40 : vector<16x32xf32> to vector<16x32xbf16>
    %dot_general3A = arith.constant dense<0.000000e+00> : vector<2000x32xf32>
    %dot_general3A_42 = tpu.matmul %convert_element_type3A, %convert_element_type3A_41, %dot_general3A {dimension_numbers = #tpu.dot_dimension_numbers<[1], [0], [0], [1], [0, 0, 1, 1], [], []>, transpose_lhs_hint = false} : vector<2000x16xbf16>, vector<16x32xbf16>, vector<2000x32xf32> -> vector<2000x32xf32>
    %dot_general3A_43 = arith.constant dense<0.000000e+00> : vector<2000x32xf32>
    %dot_general3A_44 = tpu.matmul %convert_element_type3A_38, %convert_element_type3A_36, %dot_general3A_43 {dimension_numbers = #tpu.dot_dimension_numbers<[1], [0], [0], [1], [0, 0, 1, 1], [], []>, transpose_lhs_hint = false} : vector<2000x16xbf16>, vector<16x32xbf16>, vector<2000x32xf32> -> vector<2000x32xf32>
    %add3A_45 = arith.addf %dot_general3A_42, %dot_general3A_44 : vector<2000x32xf32>
    %dot_general3A_46 = arith.constant dense<0.000000e+00> : vector<2000x32xf32>
    %dot_general3A_47 = tpu.matmul %convert_element_type3A, %convert_element_type3A_36, %dot_general3A_46 {dimension_numbers = #tpu.dot_dimension_numbers<[1], [0], [0], [1], [0, 0, 1, 1], [], []>, transpose_lhs_hint = false} : vector<2000x16xbf16>, vector<16x32xbf16>, vector<2000x32xf32> -> vector<2000x32xf32>
    %add3A_48 = arith.addf %add3A_45, %dot_general3A_47 : vector<2000x32xf32>
    %slice3A_49 = vector.extract_strided_slice %get3A_31 {offsets = [16, 0], sizes = [16, 32], strides = [1, 1]} : vector<32x32xf32> to vector<16x32xf32>
    %convert_element_type3A_50 = arith.truncf %div3A_28 : vector<2000x16xf32> to vector<2000x16xbf16>
    %convert_element_type3A_51 = arith.truncf %slice3A_49 : vector<16x32xf32> to vector<16x32xbf16>
    %convert_element_type3A_52 = arith.extf %convert_element_type3A_50 : vector<2000x16xbf16> to vector<2000x16xf32>
    %sub3A_53 = arith.subf %div3A_28, %convert_element_type3A_52 : vector<2000x16xf32>
    %convert_element_type3A_54 = arith.truncf %sub3A_53 : vector<2000x16xf32> to vector<2000x16xbf16>
    %convert_element_type3A_55 = arith.extf %convert_element_type3A_51 : vector<16x32xbf16> to vector<16x32xf32>
    %sub3A_56 = arith.subf %slice3A_49, %convert_element_type3A_55 : vector<16x32xf32>
    %convert_element_type3A_57 = arith.truncf %sub3A_56 : vector<16x32xf32> to vector<16x32xbf16>
    %dot_general3A_58 = arith.constant dense<0.000000e+00> : vector<2000x32xf32>
    %dot_general3A_59 = tpu.matmul %convert_element_type3A_50, %convert_element_type3A_57, %dot_general3A_58 {dimension_numbers = #tpu.dot_dimension_numbers<[1], [0], [0], [1], [0, 0, 1, 1], [], []>, transpose_lhs_hint = false} : vector<2000x16xbf16>, vector<16x32xbf16>, vector<2000x32xf32> -> vector<2000x32xf32>
    %dot_general3A_60 = arith.constant dense<0.000000e+00> : vector<2000x32xf32>
    %dot_general3A_61 = tpu.matmul %convert_element_type3A_54, %convert_element_type3A_51, %dot_general3A_60 {dimension_numbers = #tpu.dot_dimension_numbers<[1], [0], [0], [1], [0, 0, 1, 1], [], []>, transpose_lhs_hint = false} : vector<2000x16xbf16>, vector<16x32xbf16>, vector<2000x32xf32> -> vector<2000x32xf32>
    %add3A_62 = arith.addf %dot_general3A_59, %dot_general3A_61 : vector<2000x32xf32>
    %dot_general3A_63 = arith.constant dense<0.000000e+00> : vector<2000x32xf32>
    %dot_general3A_64 = tpu.matmul %convert_element_type3A_50, %convert_element_type3A_51, %dot_general3A_63 {dimension_numbers = #tpu.dot_dimension_numbers<[1], [0], [0], [1], [0, 0, 1, 1], [], []>, transpose_lhs_hint = false} : vector<2000x16xbf16>, vector<16x32xbf16>, vector<2000x32xf32> -> vector<2000x32xf32>
    %add3A_65 = arith.addf %add3A_62, %dot_general3A_64 : vector<2000x32xf32>
    %add3A_66 = arith.addf %add3A_48, %add3A_65 : vector<2000x32xf32>
    %slice3A_67 = vector.extract_strided_slice %get3A_34 {offsets = [0, 0], sizes = [1, 32], strides = [1, 1]} : vector<8x32xf32> to vector<1x32xf32>
    %add3A_68 = vector.broadcast %slice3A_67 : vector<1x32xf32> to vector<2000x32xf32>
    %add3A_69 = arith.addf %add3A_66, %add3A_68 : vector<2000x32xf32>
    %slice3A_70 = vector.extract_strided_slice %get3A_34 {offsets = [1, 0], sizes = [1, 32], strides = [1, 1]} : vector<8x32xf32> to vector<1x32xf32>
    %slice3A_71 = vector.extract_strided_slice %get3A_34 {offsets = [2, 0], sizes = [1, 32], strides = [1, 1]} : vector<8x32xf32> to vector<1x32xf32>
    %reduce_sum3A = arith.constant dense<0.000000e+00> : vector<2000xf32>
    %reduce_sum3A_72 = vector.multi_reduction <add>, %add3A_69, %reduce_sum3A [1] : vector<2000x32xf32> to vector<2000xf32>
    %broadcast_in_dim3A = vector.shape_cast %reduce_sum3A_72 : vector<2000xf32> to vector<2000x1xf32>
    %div3A_73 = arith.constant 3.200000e+01 : f32
    %div3A_74 = vector.broadcast %div3A_73 : f32 to vector<2000x1xf32>
    %div3A_75 = arith.divf %broadcast_in_dim3A, %div3A_74 : vector<2000x1xf32>
    %sub3A_76 = vector.broadcast %div3A_75 : vector<2000x1xf32> to vector<2000x32xf32>
    %sub3A_77 = arith.subf %add3A_69, %sub3A_76 : vector<2000x32xf32>
    %integer_pow3A = arith.mulf %sub3A_77, %sub3A_77 : vector<2000x32xf32>
    %reduce_sum3A_78 = arith.constant dense<0.000000e+00> : vector<2000xf32>
    %reduce_sum3A_79 = vector.multi_reduction <add>, %integer_pow3A, %reduce_sum3A_78 [1] : vector<2000x32xf32> to vector<2000xf32>
    %broadcast_in_dim3A_80 = vector.shape_cast %reduce_sum3A_79 : vector<2000xf32> to vector<2000x1xf32>
    %div3A_81 = arith.constant 3.200000e+01 : f32
    %div3A_82 = vector.broadcast %div3A_81 : f32 to vector<2000x1xf32>
    %div3A_83 = arith.divf %broadcast_in_dim3A_80, %div3A_82 : vector<2000x1xf32>
    %sub3A_84 = vector.broadcast %div3A_75 : vector<2000x1xf32> to vector<2000x32xf32>
    %sub3A_85 = arith.subf %add3A_69, %sub3A_84 : vector<2000x32xf32>
    %add3A_86 = arith.constant 9.99999974E-6 : f32
    %add3A_87 = vector.broadcast %add3A_86 : f32 to vector<2000x1xf32>
    %add3A_88 = arith.addf %div3A_83, %add3A_87 : vector<2000x1xf32>
    %sqrt3A = math.sqrt %add3A_88 : vector<2000x1xf32>
    %div3A_89 = vector.broadcast %sqrt3A : vector<2000x1xf32> to vector<2000x32xf32>
    %div3A_90 = arith.divf %sub3A_85, %div3A_89 : vector<2000x32xf32>
    %mul3A = vector.broadcast %slice3A_70 : vector<1x32xf32> to vector<2000x32xf32>
    %mul3A_91 = arith.mulf %div3A_90, %mul3A : vector<2000x32xf32>
    %add3A_92 = vector.broadcast %slice3A_71 : vector<1x32xf32> to vector<2000x32xf32>
    %add3A_93 = arith.addf %mul3A_91, %add3A_92 : vector<2000x32xf32>
    %logistic3A = arith.negf %add3A_93 : vector<2000x32xf32>
    %logistic3A_94 = math.exp %logistic3A : vector<2000x32xf32>
    %logistic3A_95 = arith.constant 1.000000e+00 : f32
    %logistic3A_96 = vector.broadcast %logistic3A_95 : f32 to vector<2000x32xf32>
    %logistic3A_97 = arith.addf %logistic3A_96, %logistic3A_94 : vector<2000x32xf32>
    %logistic3A_98 = arith.divf %logistic3A_96, %logistic3A_97 : vector<2000x32xf32>
    %mul3A_99 = arith.mulf %add3A_93, %logistic3A_98 : vector<2000x32xf32>
    %get3A_100 = arith.constant 0 : index
    %get3A_101 = arith.constant 0 : index
    %get3A_102 = vector.load %arg7[%get3A_100, %get3A_101] : memref<32x16xf32, #tpu.memory_space<vmem>>, vector<32x16xf32>
    %convert_element_type3A_103 = arith.truncf %mul3A_99 : vector<2000x32xf32> to vector<2000x32xbf16>
    %convert_element_type3A_104 = arith.truncf %get3A_102 : vector<32x16xf32> to vector<32x16xbf16>
    %convert_element_type3A_105 = arith.extf %convert_element_type3A_103 : vector<2000x32xbf16> to vector<2000x32xf32>
    %sub3A_106 = arith.subf %mul3A_99, %convert_element_type3A_105 : vector<2000x32xf32>
    %convert_element_type3A_107 = arith.truncf %sub3A_106 : vector<2000x32xf32> to vector<2000x32xbf16>
    %convert_element_type3A_108 = arith.extf %convert_element_type3A_104 : vector<32x16xbf16> to vector<32x16xf32>
    %sub3A_109 = arith.subf %get3A_102, %convert_element_type3A_108 : vector<32x16xf32>
    %convert_element_type3A_110 = arith.truncf %sub3A_109 : vector<32x16xf32> to vector<32x16xbf16>
    %dot_general3A_111 = arith.constant dense<0.000000e+00> : vector<2000x16xf32>
    %dot_general3A_112 = tpu.matmul %convert_element_type3A_103, %convert_element_type3A_110, %dot_general3A_111 {dimension_numbers = #tpu.dot_dimension_numbers<[1], [0], [0], [1], [0, 0, 1, 1], [], []>, transpose_lhs_hint = false} : vector<2000x32xbf16>, vector<32x16xbf16>, vector<2000x16xf32> -> vector<2000x16xf32>
    %dot_general3A_113 = arith.constant dense<0.000000e+00> : vector<2000x16xf32>
    %dot_general3A_114 = tpu.matmul %convert_element_type3A_107, %convert_element_type3A_104, %dot_general3A_113 {dimension_numbers = #tpu.dot_dimension_numbers<[1], [0], [0], [1], [0, 0, 1, 1], [], []>, transpose_lhs_hint = false} : vector<2000x32xbf16>, vector<32x16xbf16>, vector<2000x16xf32> -> vector<2000x16xf32>
    %add3A_115 = arith.addf %dot_general3A_112, %dot_general3A_114 : vector<2000x16xf32>
    %dot_general3A_116 = arith.constant dense<0.000000e+00> : vector<2000x16xf32>
    %dot_general3A_117 = tpu.matmul %convert_element_type3A_103, %convert_element_type3A_104, %dot_general3A_116 {dimension_numbers = #tpu.dot_dimension_numbers<[1], [0], [0], [1], [0, 0, 1, 1], [], []>, transpose_lhs_hint = false} : vector<2000x32xbf16>, vector<32x16xbf16>, vector<2000x16xf32> -> vector<2000x16xf32>
    %add3A_118 = arith.addf %add3A_115, %dot_general3A_117 : vector<2000x16xf32>
    %slice3A_119 = vector.extract_strided_slice %get3A_34 {offsets = [3, 0], sizes = [1, 16], strides = [1, 1]} : vector<8x32xf32> to vector<1x16xf32>
    %add3A_120 = vector.broadcast %slice3A_119 : vector<1x16xf32> to vector<2000x16xf32>
    %add3A_121 = arith.addf %add3A_118, %add3A_120 : vector<2000x16xf32>
    %slice3A_122 = vector.extract_strided_slice %get3A_34 {offsets = [4, 0], sizes = [1, 16], strides = [1, 1]} : vector<8x32xf32> to vector<1x16xf32>
    %slice3A_123 = vector.extract_strided_slice %get3A_34 {offsets = [5, 0], sizes = [1, 16], strides = [1, 1]} : vector<8x32xf32> to vector<1x16xf32>
    %reduce_sum3A_124 = arith.constant dense<0.000000e+00> : vector<2000xf32>
    %reduce_sum3A_125 = vector.multi_reduction <add>, %add3A_121, %reduce_sum3A_124 [1] : vector<2000x16xf32> to vector<2000xf32>
    %broadcast_in_dim3A_126 = vector.shape_cast %reduce_sum3A_125 : vector<2000xf32> to vector<2000x1xf32>
    %div3A_127 = arith.constant 1.600000e+01 : f32
    %div3A_128 = vector.broadcast %div3A_127 : f32 to vector<2000x1xf32>
    %div3A_129 = arith.divf %broadcast_in_dim3A_126, %div3A_128 : vector<2000x1xf32>
    %sub3A_130 = vector.broadcast %div3A_129 : vector<2000x1xf32> to vector<2000x16xf32>
    %sub3A_131 = arith.subf %add3A_121, %sub3A_130 : vector<2000x16xf32>
    %integer_pow3A_132 = arith.mulf %sub3A_131, %sub3A_131 : vector<2000x16xf32>
    %reduce_sum3A_133 = arith.constant dense<0.000000e+00> : vector<2000xf32>
    %reduce_sum3A_134 = vector.multi_reduction <add>, %integer_pow3A_132, %reduce_sum3A_133 [1] : vector<2000x16xf32> to vector<2000xf32>
    %broadcast_in_dim3A_135 = vector.shape_cast %reduce_sum3A_134 : vector<2000xf32> to vector<2000x1xf32>
    %div3A_136 = arith.constant 1.600000e+01 : f32
    %div3A_137 = vector.broadcast %div3A_136 : f32 to vector<2000x1xf32>
    %div3A_138 = arith.divf %broadcast_in_dim3A_135, %div3A_137 : vector<2000x1xf32>
    %sub3A_139 = vector.broadcast %div3A_129 : vector<2000x1xf32> to vector<2000x16xf32>
    %sub3A_140 = arith.subf %add3A_121, %sub3A_139 : vector<2000x16xf32>
    %add3A_141 = arith.constant 9.99999974E-6 : f32
    %add3A_142 = vector.broadcast %add3A_141 : f32 to vector<2000x1xf32>
    %add3A_143 = arith.addf %div3A_138, %add3A_142 : vector<2000x1xf32>
    %sqrt3A_144 = math.sqrt %add3A_143 : vector<2000x1xf32>
    %div3A_145 = vector.broadcast %sqrt3A_144 : vector<2000x1xf32> to vector<2000x16xf32>
    %div3A_146 = arith.divf %sub3A_140, %div3A_145 : vector<2000x16xf32>
    %mul3A_147 = vector.broadcast %slice3A_122 : vector<1x16xf32> to vector<2000x16xf32>
    %mul3A_148 = arith.mulf %div3A_146, %mul3A_147 : vector<2000x16xf32>
    %add3A_149 = vector.broadcast %slice3A_123 : vector<1x16xf32> to vector<2000x16xf32>
    %add3A_150 = arith.addf %mul3A_148, %add3A_149 : vector<2000x16xf32>
    %logistic3A_151 = arith.negf %add3A_150 : vector<2000x16xf32>
    %logistic3A_152 = math.exp %logistic3A_151 : vector<2000x16xf32>
    %logistic3A_153 = arith.constant 1.000000e+00 : f32
    %logistic3A_154 = vector.broadcast %logistic3A_153 : f32 to vector<2000x16xf32>
    %logistic3A_155 = arith.addf %logistic3A_154, %logistic3A_152 : vector<2000x16xf32>
    %logistic3A_156 = arith.divf %logistic3A_154, %logistic3A_155 : vector<2000x16xf32>
    %mul3A_157 = arith.mulf %add3A_150, %logistic3A_156 : vector<2000x16xf32>
    %swap3A = arith.constant 0 : index
    %swap3A_158 = arith.constant 0 : index
    %swap3A_159 = vector.load %arg9[%swap3A, %swap3A_158] : memref<2000x16xf32, #tpu.memory_space<vmem>>, vector<2000x16xf32>
    tpu.vector_store %arg9[%swap3A, %swap3A_158], %mul3A_157 {strides = array<i32>} : memref<2000x16xf32, #tpu.memory_space<vmem>>, vector<2000x16xf32>,
    return
  }
  func.func @transform_0(%arg0: i32) -> (i32, i32) {
    %c0_i32 = arith.constant 0 : i32
    %c0_i32_0 = arith.constant 0 : i32
    return %arg0, %c0_i32 : i32, i32
  }
  func.func @transform_1(%arg0: i32) -> (i32, i32, i32) {
    %c0_i32 = arith.constant 0 : i32
    %c0_i32_0 = arith.constant 0 : i32
    %c0_i32_1 = arith.constant 0 : i32
    return %c0_i32, %arg0, %c0_i32_0 : i32, i32, i32
  }
  func.func @transform_2(%arg0: i32) -> (i32, i32, i32) {
    %c1_i32 = arith.constant 1 : i32
    %c0_i32 = arith.constant 0 : i32
    %c0_i32_0 = arith.constant 0 : i32
    return %c1_i32, %arg0, %c0_i32 : i32, i32, i32
  }
  func.func @transform_3(%arg0: i32) -> (i32, i32, i32) {
    %c0_i32 = arith.constant 0 : i32
    %c0_i32_0 = arith.constant 0 : i32
    %c0_i32_1 = arith.constant 0 : i32
    return %c0_i32, %arg0, %c0_i32_0 : i32, i32, i32
  }
  func.func @transform_4(%arg0: i32) -> (i32, i32, i32) {
    %c1_i32 = arith.constant 1 : i32
    %c0_i32 = arith.constant 0 : i32
    %c0_i32_0 = arith.constant 0 : i32
    return %c1_i32, %arg0, %c0_i32 : i32, i32, i32
  }
  func.func @transform_5(%arg0: i32) -> (i32, i32) {
    %c0_i32 = arith.constant 0 : i32
    %c0_i32_0 = arith.constant 0 : i32
    %c0_i32_1 = arith.constant 0 : i32
    return %c0_i32, %c0_i32_0 : i32, i32
  }
  func.func @transform_6(%arg0: i32) -> (i32, i32) {
    %c0_i32 = arith.constant 0 : i32
    %c0_i32_0 = arith.constant 0 : i32
    %c0_i32_1 = arith.constant 0 : i32
    return %c0_i32, %c0_i32_0 : i32, i32
  }
  func.func @transform_7(%arg0: i32) -> (i32, i32) {
    %c0_i32 = arith.constant 0 : i32
    %c0_i32_0 = arith.constant 0 : i32
    %c0_i32_1 = arith.constant 0 : i32
    return %c0_i32, %c0_i32_0 : i32, i32
  }
  func.func @transform_8(%arg0: i32) -> (i32, i32) {
    %c0_i32 = arith.constant 0 : i32
    %c0_i32_0 = arith.constant 0 : i32
    return %arg0, %c0_i32 : i32, i32
  }
}

module attributes {stable_mosaic.version = 14 : i64} {
  func.func @_edge_b_body(%arg0: i32, %arg1: memref<1x1024x128xf32, #tpu.memory_space<vmem>>, %arg2: memref<1x1024x128xf32, #tpu.memory_space<vmem>>, %arg3: memref<16x8192xf32, #tpu.memory_space<vmem>>, %arg4: memref<32x16xf32, #tpu.memory_space<vmem>>, %arg5: memref<32x16xf32, #tpu.memory_space<vmem>>, %arg6: memref<32x16xf32, #tpu.memory_space<vmem>>, %arg7: memref<32x32xf32, #tpu.memory_space<vmem>>, %arg8: memref<2048x128xf32, #tpu.memory_space<vmem>>) attributes {dimension_semantics = [#tpu.dimension_semantics<arbitrary>], iteration_bounds = array<i64: 104>, scalar_prefetch = 0 : i64, scratch_operands = 0 : i64, tpu.core_type = #tpu.core_type<tc>, window_params = [{transform_indices = @transform_0, window_bounds = array<i64: 1, 1024, 128>}, {transform_indices = @transform_1, window_bounds = array<i64: 1, 1024, 128>}, {transform_indices = @transform_2, window_bounds = array<i64: 16, 8192>}, {pipeline_mode = #tpu.pipeline_mode<synchronous>, transform_indices = @transform_3, window_bounds = array<i64: 32, 16>}, {pipeline_mode = #tpu.pipeline_mode<synchronous>, transform_indices = @transform_4, window_bounds = array<i64: 32, 16>}, {pipeline_mode = #tpu.pipeline_mode<synchronous>, transform_indices = @transform_5, window_bounds = array<i64: 32, 16>}, {pipeline_mode = #tpu.pipeline_mode<synchronous>, transform_indices = @transform_6, window_bounds = array<i64: 32, 32>}, {transform_indices = @transform_7, window_bounds = array<i64: 2048, 128>}]} {
    %get3A = arith.constant 0 : index
    %get3A_0 = arith.constant 0 : index
    %get3A_1 = arith.constant 0 : index
    %get3A_2 = vector.load %arg1[%get3A, %get3A_0, %get3A_1] : memref<1x1024x128xf32, #tpu.memory_space<vmem>>, vector<1x1024x128xf32>
    %get3A_3 = vector.shape_cast %get3A_2 : vector<1x1024x128xf32> to vector<1024x128xf32>
    %transpose3A = tpu.transpose %get3A_3, [1, 0] : vector<1024x128xf32> -> vector<128x1024xf32>
    %slice3A = vector.extract_strided_slice %transpose3A {offsets = [0, 0], sizes = [16, 1024], strides = [1, 1]} : vector<128x1024xf32> to vector<16x1024xf32>
    %slice3A_4 = vector.extract_strided_slice %transpose3A {offsets = [16, 0], sizes = [16, 1024], strides = [1, 1]} : vector<128x1024xf32> to vector<16x1024xf32>
    %slice3A_5 = vector.extract_strided_slice %transpose3A {offsets = [32, 0], sizes = [16, 1024], strides = [1, 1]} : vector<128x1024xf32> to vector<16x1024xf32>
    %slice3A_6 = vector.extract_strided_slice %transpose3A {offsets = [48, 0], sizes = [16, 1024], strides = [1, 1]} : vector<128x1024xf32> to vector<16x1024xf32>
    %slice3A_7 = vector.extract_strided_slice %transpose3A {offsets = [64, 0], sizes = [16, 1024], strides = [1, 1]} : vector<128x1024xf32> to vector<16x1024xf32>
    %slice3A_8 = vector.extract_strided_slice %transpose3A {offsets = [80, 0], sizes = [16, 1024], strides = [1, 1]} : vector<128x1024xf32> to vector<16x1024xf32>
    %slice3A_9 = vector.extract_strided_slice %transpose3A {offsets = [96, 0], sizes = [16, 1024], strides = [1, 1]} : vector<128x1024xf32> to vector<16x1024xf32>
    %slice3A_10 = vector.extract_strided_slice %transpose3A {offsets = [112, 0], sizes = [16, 1024], strides = [1, 1]} : vector<128x1024xf32> to vector<16x1024xf32>
    %concatenate3A = tpu.concatenate %slice3A, %slice3A_4, %slice3A_5, %slice3A_6, %slice3A_7, %slice3A_8, %slice3A_9, %slice3A_10 in 1 : vector<16x1024xf32>, vector<16x1024xf32>, vector<16x1024xf32>, vector<16x1024xf32>, vector<16x1024xf32>, vector<16x1024xf32>, vector<16x1024xf32>, vector<16x1024xf32> -> vector<16x8192xf32>
    %get3A_11 = arith.constant 0 : index
    %get3A_12 = arith.constant 0 : index
    %get3A_13 = arith.constant 0 : index
    %get3A_14 = vector.load %arg2[%get3A_11, %get3A_12, %get3A_13] : memref<1x1024x128xf32, #tpu.memory_space<vmem>>, vector<1x1024x128xf32>
    %get3A_15 = vector.shape_cast %get3A_14 : vector<1x1024x128xf32> to vector<1024x128xf32>
    %transpose3A_16 = tpu.transpose %get3A_15, [1, 0] : vector<1024x128xf32> -> vector<128x1024xf32>
    %slice3A_17 = vector.extract_strided_slice %transpose3A_16 {offsets = [0, 0], sizes = [16, 1024], strides = [1, 1]} : vector<128x1024xf32> to vector<16x1024xf32>
    %slice3A_18 = vector.extract_strided_slice %transpose3A_16 {offsets = [16, 0], sizes = [16, 1024], strides = [1, 1]} : vector<128x1024xf32> to vector<16x1024xf32>
    %slice3A_19 = vector.extract_strided_slice %transpose3A_16 {offsets = [32, 0], sizes = [16, 1024], strides = [1, 1]} : vector<128x1024xf32> to vector<16x1024xf32>
    %slice3A_20 = vector.extract_strided_slice %transpose3A_16 {offsets = [48, 0], sizes = [16, 1024], strides = [1, 1]} : vector<128x1024xf32> to vector<16x1024xf32>
    %slice3A_21 = vector.extract_strided_slice %transpose3A_16 {offsets = [64, 0], sizes = [16, 1024], strides = [1, 1]} : vector<128x1024xf32> to vector<16x1024xf32>
    %slice3A_22 = vector.extract_strided_slice %transpose3A_16 {offsets = [80, 0], sizes = [16, 1024], strides = [1, 1]} : vector<128x1024xf32> to vector<16x1024xf32>
    %slice3A_23 = vector.extract_strided_slice %transpose3A_16 {offsets = [96, 0], sizes = [16, 1024], strides = [1, 1]} : vector<128x1024xf32> to vector<16x1024xf32>
    %slice3A_24 = vector.extract_strided_slice %transpose3A_16 {offsets = [112, 0], sizes = [16, 1024], strides = [1, 1]} : vector<128x1024xf32> to vector<16x1024xf32>
    %concatenate3A_25 = tpu.concatenate %slice3A_17, %slice3A_18, %slice3A_19, %slice3A_20, %slice3A_21, %slice3A_22, %slice3A_23, %slice3A_24 in 1 : vector<16x1024xf32>, vector<16x1024xf32>, vector<16x1024xf32>, vector<16x1024xf32>, vector<16x1024xf32>, vector<16x1024xf32>, vector<16x1024xf32>, vector<16x1024xf32> -> vector<16x8192xf32>
    %get3A_26 = arith.constant 0 : index
    %get3A_27 = arith.constant 0 : index
    %get3A_28 = vector.load %arg3[%get3A_26, %get3A_27] : memref<16x8192xf32, #tpu.memory_space<vmem>>, vector<16x8192xf32>
    %get3A_29 = arith.constant 0 : index
    %get3A_30 = arith.constant 0 : index
    %get3A_31 = vector.load %arg4[%get3A_29, %get3A_30] : memref<32x16xf32, #tpu.memory_space<vmem>>, vector<32x16xf32>
    %convert_element_type3A = arith.truncf %get3A_31 : vector<32x16xf32> to vector<32x16xbf16>
    %convert_element_type3A_32 = arith.truncf %concatenate3A : vector<16x8192xf32> to vector<16x8192xbf16>
    %convert_element_type3A_33 = arith.extf %convert_element_type3A : vector<32x16xbf16> to vector<32x16xf32>
    %sub3A = arith.subf %get3A_31, %convert_element_type3A_33 : vector<32x16xf32>
    %convert_element_type3A_34 = arith.truncf %sub3A : vector<32x16xf32> to vector<32x16xbf16>
    %convert_element_type3A_35 = arith.extf %convert_element_type3A_32 : vector<16x8192xbf16> to vector<16x8192xf32>
    %sub3A_36 = arith.subf %concatenate3A, %convert_element_type3A_35 : vector<16x8192xf32>
    %convert_element_type3A_37 = arith.truncf %sub3A_36 : vector<16x8192xf32> to vector<16x8192xbf16>
    %dot_general3A = arith.constant dense<0.000000e+00> : vector<32x8192xf32>
    %dot_general3A_38 = tpu.matmul %convert_element_type3A, %convert_element_type3A_37, %dot_general3A {dimension_numbers = #tpu.dot_dimension_numbers<[1], [0], [0], [1], [0, 0, 1, 1], [], []>, transpose_lhs_hint = false} : vector<32x16xbf16>, vector<16x8192xbf16>, vector<32x8192xf32> -> vector<32x8192xf32>
    %dot_general3A_39 = arith.constant dense<0.000000e+00> : vector<32x8192xf32>
    %dot_general3A_40 = tpu.matmul %convert_element_type3A_34, %convert_element_type3A_32, %dot_general3A_39 {dimension_numbers = #tpu.dot_dimension_numbers<[1], [0], [0], [1], [0, 0, 1, 1], [], []>, transpose_lhs_hint = false} : vector<32x16xbf16>, vector<16x8192xbf16>, vector<32x8192xf32> -> vector<32x8192xf32>
    %add3A = arith.addf %dot_general3A_38, %dot_general3A_40 : vector<32x8192xf32>
    %dot_general3A_41 = arith.constant dense<0.000000e+00> : vector<32x8192xf32>
    %dot_general3A_42 = tpu.matmul %convert_element_type3A, %convert_element_type3A_32, %dot_general3A_41 {dimension_numbers = #tpu.dot_dimension_numbers<[1], [0], [0], [1], [0, 0, 1, 1], [], []>, transpose_lhs_hint = false} : vector<32x16xbf16>, vector<16x8192xbf16>, vector<32x8192xf32> -> vector<32x8192xf32>
    %add3A_43 = arith.addf %add3A, %dot_general3A_42 : vector<32x8192xf32>
    %get3A_44 = arith.constant 0 : index
    %get3A_45 = arith.constant 0 : index
    %get3A_46 = vector.load %arg5[%get3A_44, %get3A_45] : memref<32x16xf32, #tpu.memory_space<vmem>>, vector<32x16xf32>
    %convert_element_type3A_47 = arith.truncf %get3A_46 : vector<32x16xf32> to vector<32x16xbf16>
    %convert_element_type3A_48 = arith.truncf %concatenate3A_25 : vector<16x8192xf32> to vector<16x8192xbf16>
    %convert_element_type3A_49 = arith.extf %convert_element_type3A_47 : vector<32x16xbf16> to vector<32x16xf32>
    %sub3A_50 = arith.subf %get3A_46, %convert_element_type3A_49 : vector<32x16xf32>
    %convert_element_type3A_51 = arith.truncf %sub3A_50 : vector<32x16xf32> to vector<32x16xbf16>
    %convert_element_type3A_52 = arith.extf %convert_element_type3A_48 : vector<16x8192xbf16> to vector<16x8192xf32>
    %sub3A_53 = arith.subf %concatenate3A_25, %convert_element_type3A_52 : vector<16x8192xf32>
    %convert_element_type3A_54 = arith.truncf %sub3A_53 : vector<16x8192xf32> to vector<16x8192xbf16>
    %dot_general3A_55 = arith.constant dense<0.000000e+00> : vector<32x8192xf32>
    %dot_general3A_56 = tpu.matmul %convert_element_type3A_47, %convert_element_type3A_54, %dot_general3A_55 {dimension_numbers = #tpu.dot_dimension_numbers<[1], [0], [0], [1], [0, 0, 1, 1], [], []>, transpose_lhs_hint = false} : vector<32x16xbf16>, vector<16x8192xbf16>, vector<32x8192xf32> -> vector<32x8192xf32>
    %dot_general3A_57 = arith.constant dense<0.000000e+00> : vector<32x8192xf32>
    %dot_general3A_58 = tpu.matmul %convert_element_type3A_51, %convert_element_type3A_48, %dot_general3A_57 {dimension_numbers = #tpu.dot_dimension_numbers<[1], [0], [0], [1], [0, 0, 1, 1], [], []>, transpose_lhs_hint = false} : vector<32x16xbf16>, vector<16x8192xbf16>, vector<32x8192xf32> -> vector<32x8192xf32>
    %add3A_59 = arith.addf %dot_general3A_56, %dot_general3A_58 : vector<32x8192xf32>
    %dot_general3A_60 = arith.constant dense<0.000000e+00> : vector<32x8192xf32>
    %dot_general3A_61 = tpu.matmul %convert_element_type3A_47, %convert_element_type3A_48, %dot_general3A_60 {dimension_numbers = #tpu.dot_dimension_numbers<[1], [0], [0], [1], [0, 0, 1, 1], [], []>, transpose_lhs_hint = false} : vector<32x16xbf16>, vector<16x8192xbf16>, vector<32x8192xf32> -> vector<32x8192xf32>
    %add3A_62 = arith.addf %add3A_59, %dot_general3A_61 : vector<32x8192xf32>
    %add3A_63 = arith.addf %add3A_43, %add3A_62 : vector<32x8192xf32>
    %get3A_64 = arith.constant 0 : index
    %get3A_65 = arith.constant 0 : index
    %get3A_66 = vector.load %arg6[%get3A_64, %get3A_65] : memref<32x16xf32, #tpu.memory_space<vmem>>, vector<32x16xf32>
    %convert_element_type3A_67 = arith.truncf %get3A_66 : vector<32x16xf32> to vector<32x16xbf16>
    %convert_element_type3A_68 = arith.truncf %get3A_28 : vector<16x8192xf32> to vector<16x8192xbf16>
    %convert_element_type3A_69 = arith.extf %convert_element_type3A_67 : vector<32x16xbf16> to vector<32x16xf32>
    %sub3A_70 = arith.subf %get3A_66, %convert_element_type3A_69 : vector<32x16xf32>
    %convert_element_type3A_71 = arith.truncf %sub3A_70 : vector<32x16xf32> to vector<32x16xbf16>
    %convert_element_type3A_72 = arith.extf %convert_element_type3A_68 : vector<16x8192xbf16> to vector<16x8192xf32>
    %sub3A_73 = arith.subf %get3A_28, %convert_element_type3A_72 : vector<16x8192xf32>
    %convert_element_type3A_74 = arith.truncf %sub3A_73 : vector<16x8192xf32> to vector<16x8192xbf16>
    %dot_general3A_75 = arith.constant dense<0.000000e+00> : vector<32x8192xf32>
    %dot_general3A_76 = tpu.matmul %convert_element_type3A_67, %convert_element_type3A_74, %dot_general3A_75 {dimension_numbers = #tpu.dot_dimension_numbers<[1], [0], [0], [1], [0, 0, 1, 1], [], []>, transpose_lhs_hint = false} : vector<32x16xbf16>, vector<16x8192xbf16>, vector<32x8192xf32> -> vector<32x8192xf32>
    %dot_general3A_77 = arith.constant dense<0.000000e+00> : vector<32x8192xf32>
    %dot_general3A_78 = tpu.matmul %convert_element_type3A_71, %convert_element_type3A_68, %dot_general3A_77 {dimension_numbers = #tpu.dot_dimension_numbers<[1], [0], [0], [1], [0, 0, 1, 1], [], []>, transpose_lhs_hint = false} : vector<32x16xbf16>, vector<16x8192xbf16>, vector<32x8192xf32> -> vector<32x8192xf32>
    %add3A_79 = arith.addf %dot_general3A_76, %dot_general3A_78 : vector<32x8192xf32>
    %dot_general3A_80 = arith.constant dense<0.000000e+00> : vector<32x8192xf32>
    %dot_general3A_81 = tpu.matmul %convert_element_type3A_67, %convert_element_type3A_68, %dot_general3A_80 {dimension_numbers = #tpu.dot_dimension_numbers<[1], [0], [0], [1], [0, 0, 1, 1], [], []>, transpose_lhs_hint = false} : vector<32x16xbf16>, vector<16x8192xbf16>, vector<32x8192xf32> -> vector<32x8192xf32>
    %add3A_82 = arith.addf %add3A_79, %dot_general3A_81 : vector<32x8192xf32>
    %add3A_83 = arith.addf %add3A_63, %add3A_82 : vector<32x8192xf32>
    %reduce_sum3A = arith.constant dense<0.000000e+00> : vector<8192xf32>
    %reduce_sum3A_84 = vector.multi_reduction <add>, %add3A_83, %reduce_sum3A [0] : vector<32x8192xf32> to vector<8192xf32>
    %broadcast_in_dim3A = vector.shape_cast %reduce_sum3A_84 : vector<8192xf32> to vector<1x8192xf32>
    %div3A = arith.constant 3.200000e+01 : f32
    %div3A_85 = vector.broadcast %div3A : f32 to vector<1x8192xf32>
    %div3A_86 = arith.divf %broadcast_in_dim3A, %div3A_85 : vector<1x8192xf32>
    %sub3A_87 = vector.broadcast %div3A_86 : vector<1x8192xf32> to vector<32x8192xf32>
    %sub3A_88 = arith.subf %add3A_83, %sub3A_87 : vector<32x8192xf32>
    %integer_pow3A = arith.mulf %sub3A_88, %sub3A_88 : vector<32x8192xf32>
    %reduce_sum3A_89 = arith.constant dense<0.000000e+00> : vector<8192xf32>
    %reduce_sum3A_90 = vector.multi_reduction <add>, %integer_pow3A, %reduce_sum3A_89 [0] : vector<32x8192xf32> to vector<8192xf32>
    %broadcast_in_dim3A_91 = vector.shape_cast %reduce_sum3A_90 : vector<8192xf32> to vector<1x8192xf32>
    %div3A_92 = arith.constant 3.200000e+01 : f32
    %div3A_93 = vector.broadcast %div3A_92 : f32 to vector<1x8192xf32>
    %div3A_94 = arith.divf %broadcast_in_dim3A_91, %div3A_93 : vector<1x8192xf32>
    %sub3A_95 = vector.broadcast %div3A_86 : vector<1x8192xf32> to vector<32x8192xf32>
    %sub3A_96 = arith.subf %add3A_83, %sub3A_95 : vector<32x8192xf32>
    %add3A_97 = arith.constant 9.99999974E-6 : f32
    %add3A_98 = vector.broadcast %add3A_97 : f32 to vector<1x8192xf32>
    %add3A_99 = arith.addf %div3A_94, %add3A_98 : vector<1x8192xf32>
    %sqrt3A = math.sqrt %add3A_99 : vector<1x8192xf32>
    %div3A_100 = vector.broadcast %sqrt3A : vector<1x8192xf32> to vector<32x8192xf32>
    %div3A_101 = arith.divf %sub3A_96, %div3A_100 : vector<32x8192xf32>
    %logistic3A = arith.negf %div3A_101 : vector<32x8192xf32>
    %logistic3A_102 = math.exp %logistic3A : vector<32x8192xf32>
    %logistic3A_103 = arith.constant 1.000000e+00 : f32
    %logistic3A_104 = vector.broadcast %logistic3A_103 : f32 to vector<32x8192xf32>
    %logistic3A_105 = arith.addf %logistic3A_104, %logistic3A_102 : vector<32x8192xf32>
    %logistic3A_106 = arith.divf %logistic3A_104, %logistic3A_105 : vector<32x8192xf32>
    %mul3A = arith.mulf %div3A_101, %logistic3A_106 : vector<32x8192xf32>
    %get3A_107 = arith.constant 0 : index
    %get3A_108 = arith.constant 0 : index
    %get3A_109 = vector.load %arg7[%get3A_107, %get3A_108] : memref<32x32xf32, #tpu.memory_space<vmem>>, vector<32x32xf32>
    %convert_element_type3A_110 = arith.truncf %get3A_109 : vector<32x32xf32> to vector<32x32xbf16>
    %convert_element_type3A_111 = arith.truncf %mul3A : vector<32x8192xf32> to vector<32x8192xbf16>
    %convert_element_type3A_112 = arith.extf %convert_element_type3A_110 : vector<32x32xbf16> to vector<32x32xf32>
    %sub3A_113 = arith.subf %get3A_109, %convert_element_type3A_112 : vector<32x32xf32>
    %convert_element_type3A_114 = arith.truncf %sub3A_113 : vector<32x32xf32> to vector<32x32xbf16>
    %convert_element_type3A_115 = arith.extf %convert_element_type3A_111 : vector<32x8192xbf16> to vector<32x8192xf32>
    %sub3A_116 = arith.subf %mul3A, %convert_element_type3A_115 : vector<32x8192xf32>
    %convert_element_type3A_117 = arith.truncf %sub3A_116 : vector<32x8192xf32> to vector<32x8192xbf16>
    %dot_general3A_118 = arith.constant dense<0.000000e+00> : vector<32x8192xf32>
    %dot_general3A_119 = tpu.matmul %convert_element_type3A_110, %convert_element_type3A_117, %dot_general3A_118 {dimension_numbers = #tpu.dot_dimension_numbers<[1], [0], [0], [1], [0, 0, 1, 1], [], []>, transpose_lhs_hint = false} : vector<32x32xbf16>, vector<32x8192xbf16>, vector<32x8192xf32> -> vector<32x8192xf32>
    %dot_general3A_120 = arith.constant dense<0.000000e+00> : vector<32x8192xf32>
    %dot_general3A_121 = tpu.matmul %convert_element_type3A_114, %convert_element_type3A_111, %dot_general3A_120 {dimension_numbers = #tpu.dot_dimension_numbers<[1], [0], [0], [1], [0, 0, 1, 1], [], []>, transpose_lhs_hint = false} : vector<32x32xbf16>, vector<32x8192xbf16>, vector<32x8192xf32> -> vector<32x8192xf32>
    %add3A_122 = arith.addf %dot_general3A_119, %dot_general3A_121 : vector<32x8192xf32>
    %dot_general3A_123 = arith.constant dense<0.000000e+00> : vector<32x8192xf32>
    %dot_general3A_124 = tpu.matmul %convert_element_type3A_110, %convert_element_type3A_111, %dot_general3A_123 {dimension_numbers = #tpu.dot_dimension_numbers<[1], [0], [0], [1], [0, 0, 1, 1], [], []>, transpose_lhs_hint = false} : vector<32x32xbf16>, vector<32x8192xbf16>, vector<32x8192xf32> -> vector<32x8192xf32>
    %add3A_125 = arith.addf %add3A_122, %dot_general3A_124 : vector<32x8192xf32>
    %iota3A = tpu.iota {dimensions = array<i32: 0>} : vector<32x8192xi32>
    %lt3A = arith.constant 17 : i32
    %lt3A_126 = vector.broadcast %lt3A : i32 to vector<32x8192xi32>
    %lt3A_127 = arith.cmpi slt, %iota3A, %lt3A_126 : vector<32x8192xi32>
    %jit3A = arith.constant 0.000000e+00 : f32
    %broadcast_in_dim3A_128 = vector.broadcast %jit3A : f32 to vector<32x8192xf32>
    %select_n3A = arith.select %lt3A_127, %add3A_125, %broadcast_in_dim3A_128 : vector<32x8192xi1>, vector<32x8192xf32>
    %reduce_sum3A_129 = arith.constant dense<0.000000e+00> : vector<8192xf32>
    %reduce_sum3A_130 = vector.multi_reduction <add>, %select_n3A, %reduce_sum3A_129 [0] : vector<32x8192xf32> to vector<8192xf32>
    %broadcast_in_dim3A_131 = vector.shape_cast %reduce_sum3A_130 : vector<8192xf32> to vector<1x8192xf32>
    %div3A_132 = arith.constant 1.700000e+01 : f32
    %div3A_133 = vector.broadcast %div3A_132 : f32 to vector<1x8192xf32>
    %div3A_134 = arith.divf %broadcast_in_dim3A_131, %div3A_133 : vector<1x8192xf32>
    %sub3A_135 = vector.broadcast %div3A_134 : vector<1x8192xf32> to vector<32x8192xf32>
    %sub3A_136 = arith.subf %add3A_125, %sub3A_135 : vector<32x8192xf32>
    %integer_pow3A_137 = arith.mulf %sub3A_136, %sub3A_136 : vector<32x8192xf32>
    %jit3A_138 = arith.constant 0.000000e+00 : f32
    %broadcast_in_dim3A_139 = vector.broadcast %jit3A_138 : f32 to vector<32x8192xf32>
    %select_n3A_140 = arith.select %lt3A_127, %integer_pow3A_137, %broadcast_in_dim3A_139 : vector<32x8192xi1>, vector<32x8192xf32>
    %reduce_sum3A_141 = arith.constant dense<0.000000e+00> : vector<8192xf32>
    %reduce_sum3A_142 = vector.multi_reduction <add>, %select_n3A_140, %reduce_sum3A_141 [0] : vector<32x8192xf32> to vector<8192xf32>
    %broadcast_in_dim3A_143 = vector.shape_cast %reduce_sum3A_142 : vector<8192xf32> to vector<1x8192xf32>
    %div3A_144 = arith.constant 1.700000e+01 : f32
    %div3A_145 = vector.broadcast %div3A_144 : f32 to vector<1x8192xf32>
    %div3A_146 = arith.divf %broadcast_in_dim3A_143, %div3A_145 : vector<1x8192xf32>
    %sub3A_147 = vector.broadcast %div3A_134 : vector<1x8192xf32> to vector<32x8192xf32>
    %sub3A_148 = arith.subf %add3A_125, %sub3A_147 : vector<32x8192xf32>
    %add3A_149 = arith.constant 9.99999974E-6 : f32
    %add3A_150 = vector.broadcast %add3A_149 : f32 to vector<1x8192xf32>
    %add3A_151 = arith.addf %div3A_146, %add3A_150 : vector<1x8192xf32>
    %sqrt3A_152 = math.sqrt %add3A_151 : vector<1x8192xf32>
    %div3A_153 = vector.broadcast %sqrt3A_152 : vector<1x8192xf32> to vector<32x8192xf32>
    %div3A_154 = arith.divf %sub3A_148, %div3A_153 : vector<32x8192xf32>
    %logistic3A_155 = arith.negf %div3A_154 : vector<32x8192xf32>
    %logistic3A_156 = math.exp %logistic3A_155 : vector<32x8192xf32>
    %logistic3A_157 = arith.constant 1.000000e+00 : f32
    %logistic3A_158 = vector.broadcast %logistic3A_157 : f32 to vector<32x8192xf32>
    %logistic3A_159 = arith.addf %logistic3A_158, %logistic3A_156 : vector<32x8192xf32>
    %logistic3A_160 = arith.divf %logistic3A_158, %logistic3A_159 : vector<32x8192xf32>
    %mul3A_161 = arith.mulf %div3A_154, %logistic3A_160 : vector<32x8192xf32>
    %slice3A_162 = vector.extract_strided_slice %mul3A_161 {offsets = [16, 0], sizes = [1, 8192], strides = [1, 1]} : vector<32x8192xf32> to vector<1x8192xf32>
    %exp3A = math.exp %slice3A_162 : vector<1x8192xf32>
    %iota3A_163 = tpu.iota {dimensions = array<i32: 0>} : vector<32x8192xi32>
    %mul3A_164 = vector.broadcast %exp3A : vector<1x8192xf32> to vector<32x8192xf32>
    %mul3A_165 = arith.mulf %mul3A_161, %mul3A_164 : vector<32x8192xf32>
    %lt3A_166 = arith.constant 16 : i32
    %lt3A_167 = vector.broadcast %lt3A_166 : i32 to vector<32x8192xi32>
    %lt3A_168 = arith.cmpi slt, %iota3A_163, %lt3A_167 : vector<32x8192xi32>
    %eq3A = arith.constant 16 : i32
    %eq3A_169 = vector.broadcast %eq3A : i32 to vector<32x8192xi32>
    %eq3A_170 = arith.cmpi eq, %iota3A_163, %eq3A_169 : vector<32x8192xi32>
    %jit3A_171 = arith.constant 0.000000e+00 : f32
    %broadcast_in_dim3A_172 = vector.shape_cast %exp3A : vector<1x8192xf32> to vector<1x8192xf32>
    %broadcast_in_dim3A_173 = vector.broadcast %broadcast_in_dim3A_172 : vector<1x8192xf32> to vector<32x8192xf32>
    %broadcast_in_dim3A_174 = vector.broadcast %jit3A_171 : f32 to vector<32x8192xf32>
    %select_n3A_175 = arith.select %eq3A_170, %broadcast_in_dim3A_173, %broadcast_in_dim3A_174 : vector<32x8192xi1>, vector<32x8192xf32>
    %select_n3A_176 = arith.select %lt3A_168, %mul3A_165, %select_n3A_175 : vector<32x8192xi1>, vector<32x8192xf32>
    %add3A_177 = arith.constant 0 : i32
    %add3A_178 = arith.addi %arg0, %add3A_177 : i32
    %slice3A_179 = vector.extract_strided_slice %select_n3A_176 {offsets = [0, 0], sizes = [32, 1024], strides = [1, 1]} : vector<32x8192xf32> to vector<32x1024xf32>
    %transpose3A_180 = tpu.transpose %slice3A_179, [1, 0] : vector<32x1024xf32> -> vector<1024x32xf32>
    %slice3A_181 = vector.extract_strided_slice %select_n3A_176 {offsets = [0, 1024], sizes = [32, 1024], strides = [1, 1]} : vector<32x8192xf32> to vector<32x1024xf32>
    %transpose3A_182 = tpu.transpose %slice3A_181, [1, 0] : vector<32x1024xf32> -> vector<1024x32xf32>
    %slice3A_183 = vector.extract_strided_slice %select_n3A_176 {offsets = [0, 2048], sizes = [32, 1024], strides = [1, 1]} : vector<32x8192xf32> to vector<32x1024xf32>
    %transpose3A_184 = tpu.transpose %slice3A_183, [1, 0] : vector<32x1024xf32> -> vector<1024x32xf32>
    %slice3A_185 = vector.extract_strided_slice %select_n3A_176 {offsets = [0, 3072], sizes = [32, 1024], strides = [1, 1]} : vector<32x8192xf32> to vector<32x1024xf32>
    %transpose3A_186 = tpu.transpose %slice3A_185, [1, 0] : vector<32x1024xf32> -> vector<1024x32xf32>
    %slice3A_187 = vector.extract_strided_slice %select_n3A_176 {offsets = [0, 4096], sizes = [32, 1024], strides = [1, 1]} : vector<32x8192xf32> to vector<32x1024xf32>
    %transpose3A_188 = tpu.transpose %slice3A_187, [1, 0] : vector<32x1024xf32> -> vector<1024x32xf32>
    %slice3A_189 = vector.extract_strided_slice %select_n3A_176 {offsets = [0, 5120], sizes = [32, 1024], strides = [1, 1]} : vector<32x8192xf32> to vector<32x1024xf32>
    %transpose3A_190 = tpu.transpose %slice3A_189, [1, 0] : vector<32x1024xf32> -> vector<1024x32xf32>
    %slice3A_191 = vector.extract_strided_slice %select_n3A_176 {offsets = [0, 6144], sizes = [32, 1024], strides = [1, 1]} : vector<32x8192xf32> to vector<32x1024xf32>
    %transpose3A_192 = tpu.transpose %slice3A_191, [1, 0] : vector<32x1024xf32> -> vector<1024x32xf32>
    %slice3A_193 = vector.extract_strided_slice %select_n3A_176 {offsets = [0, 7168], sizes = [32, 1024], strides = [1, 1]} : vector<32x8192xf32> to vector<32x1024xf32>
    %transpose3A_194 = tpu.transpose %slice3A_193, [1, 0] : vector<32x1024xf32> -> vector<1024x32xf32>
    %concatenate3A_195 = tpu.concatenate %transpose3A_180, %transpose3A_182, %transpose3A_184, %transpose3A_186 in 1 : vector<1024x32xf32>, vector<1024x32xf32>, vector<1024x32xf32>, vector<1024x32xf32> -> vector<1024x128xf32>
    %concatenate3A_196 = tpu.concatenate %transpose3A_188, %transpose3A_190, %transpose3A_192, %transpose3A_194 in 1 : vector<1024x32xf32>, vector<1024x32xf32>, vector<1024x32xf32>, vector<1024x32xf32> -> vector<1024x128xf32>
    %stack3A = vector.shape_cast %concatenate3A_195 : vector<1024x128xf32> to vector<1024x1x128xf32>
    %stack3A_197 = vector.shape_cast %concatenate3A_196 : vector<1024x128xf32> to vector<1024x1x128xf32>
    %stack3A_198 = tpu.concatenate %stack3A, %stack3A_197 in 1 : vector<1024x1x128xf32>, vector<1024x1x128xf32> -> vector<1024x2x128xf32>
    %reshape3A = vector.shape_cast %stack3A_198 : vector<1024x2x128xf32> to vector<2048x128xf32>
    %iota3A_199 = tpu.iota {dimensions = array<i32: 0>} : vector<2048x128xi32>
    %mul3A_200 = arith.constant 2048 : i32
    %mul3A_201 = arith.muli %add3A_178, %mul3A_200 : i32
    %add3A_202 = vector.broadcast %mul3A_201 : i32 to vector<2048x128xi32>
    %add3A_203 = arith.addi %iota3A_199, %add3A_202 : vector<2048x128xi32>
    %lt3A_204 = arith.constant 400000 : i32
    %lt3A_205 = vector.broadcast %lt3A_204 : i32 to vector<2048x128xi32>
    %lt3A_206 = arith.cmpi slt, %add3A_203, %lt3A_205 : vector<2048x128xi32>
    %jit3A_207 = arith.constant 0.000000e+00 : f32
    %broadcast_in_dim3A_208 = vector.broadcast %jit3A_207 : f32 to vector<2048x128xf32>
    %select_n3A_209 = arith.select %lt3A_206, %reshape3A, %broadcast_in_dim3A_208 : vector<2048x128xi1>, vector<2048x128xf32>
    %swap3A = arith.constant 0 : index
    %swap3A_210 = arith.constant 0 : index
    %swap3A_211 = vector.load %arg8[%swap3A, %swap3A_210] : memref<2048x128xf32, #tpu.memory_space<vmem>>, vector<2048x128xf32>
    tpu.vector_store %arg8[%swap3A, %swap3A_210], %select_n3A_209 {strides = array<i32>} : memref<2048x128xf32, #tpu.memory_space<vmem>>, vector<2048x128xf32>,
    return
  }
  func.func @transform_0(%arg0: i32) -> (i32, i32, i32) {
    %c0_i32 = arith.constant 0 : i32
    %c0_i32_0 = arith.constant 0 : i32
    %c0_i32_1 = arith.constant 0 : i32
    return %c0_i32, %arg0, %c0_i32_0 : i32, i32, i32
  }
  func.func @transform_1(%arg0: i32) -> (i32, i32, i32) {
    %c1_i32 = arith.constant 1 : i32
    %c0_i32 = arith.constant 0 : i32
    %c0_i32_0 = arith.constant 0 : i32
    return %c1_i32, %arg0, %c0_i32 : i32, i32, i32
  }
  func.func @transform_2(%arg0: i32) -> (i32, i32) {
    %c0_i32 = arith.constant 0 : i32
    %c0_i32_0 = arith.constant 0 : i32
    return %c0_i32, %arg0 : i32, i32
  }
  func.func @transform_3(%arg0: i32) -> (i32, i32) {
    %c0_i32 = arith.constant 0 : i32
    %c0_i32_0 = arith.constant 0 : i32
    %c0_i32_1 = arith.constant 0 : i32
    return %c0_i32, %c0_i32_0 : i32, i32
  }
  func.func @transform_4(%arg0: i32) -> (i32, i32) {
    %c0_i32 = arith.constant 0 : i32
    %c0_i32_0 = arith.constant 0 : i32
    %c0_i32_1 = arith.constant 0 : i32
    return %c0_i32, %c0_i32_0 : i32, i32
  }
  func.func @transform_5(%arg0: i32) -> (i32, i32) {
    %c0_i32 = arith.constant 0 : i32
    %c0_i32_0 = arith.constant 0 : i32
    %c0_i32_1 = arith.constant 0 : i32
    return %c0_i32, %c0_i32_0 : i32, i32
  }
  func.func @transform_6(%arg0: i32) -> (i32, i32) {
    %c0_i32 = arith.constant 0 : i32
    %c0_i32_0 = arith.constant 0 : i32
    %c0_i32_1 = arith.constant 0 : i32
    return %c0_i32, %c0_i32_0 : i32, i32
  }
  func.func @transform_7(%arg0: i32) -> (i32, i32) {
    %c0_i32 = arith.constant 0 : i32
    %c0_i32_0 = arith.constant 0 : i32
    return %arg0, %c0_i32 : i32, i32
  }
}

module attributes {stable_mosaic.version = 14 : i64} {
  func.func @_edge_b_body(%arg0: i32, %arg1: memref<1x1024x128xf32, #tpu.memory_space<vmem>>, %arg2: memref<1x1024x128xf32, #tpu.memory_space<vmem>>, %arg3: memref<16x8192xf32, #tpu.memory_space<vmem>>, %arg4: memref<32x16xf32, #tpu.memory_space<vmem>>, %arg5: memref<32x16xf32, #tpu.memory_space<vmem>>, %arg6: memref<32x16xf32, #tpu.memory_space<vmem>>, %arg7: memref<32x32xf32, #tpu.memory_space<vmem>>, %arg8: memref<2048x128xf32, #tpu.memory_space<vmem>>) attributes {dimension_semantics = [#tpu.dimension_semantics<arbitrary>], iteration_bounds = array<i64: 96>, scalar_prefetch = 0 : i64, scratch_operands = 0 : i64, tpu.core_type = #tpu.core_type<tc>, window_params = [{transform_indices = @transform_0, window_bounds = array<i64: 1, 1024, 128>}, {transform_indices = @transform_1, window_bounds = array<i64: 1, 1024, 128>}, {transform_indices = @transform_2, window_bounds = array<i64: 16, 8192>}, {pipeline_mode = #tpu.pipeline_mode<synchronous>, transform_indices = @transform_3, window_bounds = array<i64: 32, 16>}, {pipeline_mode = #tpu.pipeline_mode<synchronous>, transform_indices = @transform_4, window_bounds = array<i64: 32, 16>}, {pipeline_mode = #tpu.pipeline_mode<synchronous>, transform_indices = @transform_5, window_bounds = array<i64: 32, 16>}, {pipeline_mode = #tpu.pipeline_mode<synchronous>, transform_indices = @transform_6, window_bounds = array<i64: 32, 32>}, {transform_indices = @transform_7, window_bounds = array<i64: 2048, 128>}]} {
    %get3A = arith.constant 0 : index
    %get3A_0 = arith.constant 0 : index
    %get3A_1 = arith.constant 0 : index
    %get3A_2 = vector.load %arg1[%get3A, %get3A_0, %get3A_1] : memref<1x1024x128xf32, #tpu.memory_space<vmem>>, vector<1x1024x128xf32>
    %get3A_3 = vector.shape_cast %get3A_2 : vector<1x1024x128xf32> to vector<1024x128xf32>
    %transpose3A = tpu.transpose %get3A_3, [1, 0] : vector<1024x128xf32> -> vector<128x1024xf32>
    %slice3A = vector.extract_strided_slice %transpose3A {offsets = [0, 0], sizes = [16, 1024], strides = [1, 1]} : vector<128x1024xf32> to vector<16x1024xf32>
    %slice3A_4 = vector.extract_strided_slice %transpose3A {offsets = [16, 0], sizes = [16, 1024], strides = [1, 1]} : vector<128x1024xf32> to vector<16x1024xf32>
    %slice3A_5 = vector.extract_strided_slice %transpose3A {offsets = [32, 0], sizes = [16, 1024], strides = [1, 1]} : vector<128x1024xf32> to vector<16x1024xf32>
    %slice3A_6 = vector.extract_strided_slice %transpose3A {offsets = [48, 0], sizes = [16, 1024], strides = [1, 1]} : vector<128x1024xf32> to vector<16x1024xf32>
    %slice3A_7 = vector.extract_strided_slice %transpose3A {offsets = [64, 0], sizes = [16, 1024], strides = [1, 1]} : vector<128x1024xf32> to vector<16x1024xf32>
    %slice3A_8 = vector.extract_strided_slice %transpose3A {offsets = [80, 0], sizes = [16, 1024], strides = [1, 1]} : vector<128x1024xf32> to vector<16x1024xf32>
    %slice3A_9 = vector.extract_strided_slice %transpose3A {offsets = [96, 0], sizes = [16, 1024], strides = [1, 1]} : vector<128x1024xf32> to vector<16x1024xf32>
    %slice3A_10 = vector.extract_strided_slice %transpose3A {offsets = [112, 0], sizes = [16, 1024], strides = [1, 1]} : vector<128x1024xf32> to vector<16x1024xf32>
    %concatenate3A = tpu.concatenate %slice3A, %slice3A_4, %slice3A_5, %slice3A_6, %slice3A_7, %slice3A_8, %slice3A_9, %slice3A_10 in 1 : vector<16x1024xf32>, vector<16x1024xf32>, vector<16x1024xf32>, vector<16x1024xf32>, vector<16x1024xf32>, vector<16x1024xf32>, vector<16x1024xf32>, vector<16x1024xf32> -> vector<16x8192xf32>
    %get3A_11 = arith.constant 0 : index
    %get3A_12 = arith.constant 0 : index
    %get3A_13 = arith.constant 0 : index
    %get3A_14 = vector.load %arg2[%get3A_11, %get3A_12, %get3A_13] : memref<1x1024x128xf32, #tpu.memory_space<vmem>>, vector<1x1024x128xf32>
    %get3A_15 = vector.shape_cast %get3A_14 : vector<1x1024x128xf32> to vector<1024x128xf32>
    %transpose3A_16 = tpu.transpose %get3A_15, [1, 0] : vector<1024x128xf32> -> vector<128x1024xf32>
    %slice3A_17 = vector.extract_strided_slice %transpose3A_16 {offsets = [0, 0], sizes = [16, 1024], strides = [1, 1]} : vector<128x1024xf32> to vector<16x1024xf32>
    %slice3A_18 = vector.extract_strided_slice %transpose3A_16 {offsets = [16, 0], sizes = [16, 1024], strides = [1, 1]} : vector<128x1024xf32> to vector<16x1024xf32>
    %slice3A_19 = vector.extract_strided_slice %transpose3A_16 {offsets = [32, 0], sizes = [16, 1024], strides = [1, 1]} : vector<128x1024xf32> to vector<16x1024xf32>
    %slice3A_20 = vector.extract_strided_slice %transpose3A_16 {offsets = [48, 0], sizes = [16, 1024], strides = [1, 1]} : vector<128x1024xf32> to vector<16x1024xf32>
    %slice3A_21 = vector.extract_strided_slice %transpose3A_16 {offsets = [64, 0], sizes = [16, 1024], strides = [1, 1]} : vector<128x1024xf32> to vector<16x1024xf32>
    %slice3A_22 = vector.extract_strided_slice %transpose3A_16 {offsets = [80, 0], sizes = [16, 1024], strides = [1, 1]} : vector<128x1024xf32> to vector<16x1024xf32>
    %slice3A_23 = vector.extract_strided_slice %transpose3A_16 {offsets = [96, 0], sizes = [16, 1024], strides = [1, 1]} : vector<128x1024xf32> to vector<16x1024xf32>
    %slice3A_24 = vector.extract_strided_slice %transpose3A_16 {offsets = [112, 0], sizes = [16, 1024], strides = [1, 1]} : vector<128x1024xf32> to vector<16x1024xf32>
    %concatenate3A_25 = tpu.concatenate %slice3A_17, %slice3A_18, %slice3A_19, %slice3A_20, %slice3A_21, %slice3A_22, %slice3A_23, %slice3A_24 in 1 : vector<16x1024xf32>, vector<16x1024xf32>, vector<16x1024xf32>, vector<16x1024xf32>, vector<16x1024xf32>, vector<16x1024xf32>, vector<16x1024xf32>, vector<16x1024xf32> -> vector<16x8192xf32>
    %get3A_26 = arith.constant 0 : index
    %get3A_27 = arith.constant 0 : index
    %get3A_28 = vector.load %arg3[%get3A_26, %get3A_27] : memref<16x8192xf32, #tpu.memory_space<vmem>>, vector<16x8192xf32>
    %get3A_29 = arith.constant 0 : index
    %get3A_30 = arith.constant 0 : index
    %get3A_31 = vector.load %arg4[%get3A_29, %get3A_30] : memref<32x16xf32, #tpu.memory_space<vmem>>, vector<32x16xf32>
    %convert_element_type3A = arith.truncf %get3A_31 : vector<32x16xf32> to vector<32x16xbf16>
    %convert_element_type3A_32 = arith.truncf %concatenate3A : vector<16x8192xf32> to vector<16x8192xbf16>
    %convert_element_type3A_33 = arith.extf %convert_element_type3A : vector<32x16xbf16> to vector<32x16xf32>
    %sub3A = arith.subf %get3A_31, %convert_element_type3A_33 : vector<32x16xf32>
    %convert_element_type3A_34 = arith.truncf %sub3A : vector<32x16xf32> to vector<32x16xbf16>
    %convert_element_type3A_35 = arith.extf %convert_element_type3A_32 : vector<16x8192xbf16> to vector<16x8192xf32>
    %sub3A_36 = arith.subf %concatenate3A, %convert_element_type3A_35 : vector<16x8192xf32>
    %convert_element_type3A_37 = arith.truncf %sub3A_36 : vector<16x8192xf32> to vector<16x8192xbf16>
    %dot_general3A = arith.constant dense<0.000000e+00> : vector<32x8192xf32>
    %dot_general3A_38 = tpu.matmul %convert_element_type3A, %convert_element_type3A_37, %dot_general3A {dimension_numbers = #tpu.dot_dimension_numbers<[1], [0], [0], [1], [0, 0, 1, 1], [], []>, transpose_lhs_hint = false} : vector<32x16xbf16>, vector<16x8192xbf16>, vector<32x8192xf32> -> vector<32x8192xf32>
    %dot_general3A_39 = arith.constant dense<0.000000e+00> : vector<32x8192xf32>
    %dot_general3A_40 = tpu.matmul %convert_element_type3A_34, %convert_element_type3A_32, %dot_general3A_39 {dimension_numbers = #tpu.dot_dimension_numbers<[1], [0], [0], [1], [0, 0, 1, 1], [], []>, transpose_lhs_hint = false} : vector<32x16xbf16>, vector<16x8192xbf16>, vector<32x8192xf32> -> vector<32x8192xf32>
    %add3A = arith.addf %dot_general3A_38, %dot_general3A_40 : vector<32x8192xf32>
    %dot_general3A_41 = arith.constant dense<0.000000e+00> : vector<32x8192xf32>
    %dot_general3A_42 = tpu.matmul %convert_element_type3A, %convert_element_type3A_32, %dot_general3A_41 {dimension_numbers = #tpu.dot_dimension_numbers<[1], [0], [0], [1], [0, 0, 1, 1], [], []>, transpose_lhs_hint = false} : vector<32x16xbf16>, vector<16x8192xbf16>, vector<32x8192xf32> -> vector<32x8192xf32>
    %add3A_43 = arith.addf %add3A, %dot_general3A_42 : vector<32x8192xf32>
    %get3A_44 = arith.constant 0 : index
    %get3A_45 = arith.constant 0 : index
    %get3A_46 = vector.load %arg5[%get3A_44, %get3A_45] : memref<32x16xf32, #tpu.memory_space<vmem>>, vector<32x16xf32>
    %convert_element_type3A_47 = arith.truncf %get3A_46 : vector<32x16xf32> to vector<32x16xbf16>
    %convert_element_type3A_48 = arith.truncf %concatenate3A_25 : vector<16x8192xf32> to vector<16x8192xbf16>
    %convert_element_type3A_49 = arith.extf %convert_element_type3A_47 : vector<32x16xbf16> to vector<32x16xf32>
    %sub3A_50 = arith.subf %get3A_46, %convert_element_type3A_49 : vector<32x16xf32>
    %convert_element_type3A_51 = arith.truncf %sub3A_50 : vector<32x16xf32> to vector<32x16xbf16>
    %convert_element_type3A_52 = arith.extf %convert_element_type3A_48 : vector<16x8192xbf16> to vector<16x8192xf32>
    %sub3A_53 = arith.subf %concatenate3A_25, %convert_element_type3A_52 : vector<16x8192xf32>
    %convert_element_type3A_54 = arith.truncf %sub3A_53 : vector<16x8192xf32> to vector<16x8192xbf16>
    %dot_general3A_55 = arith.constant dense<0.000000e+00> : vector<32x8192xf32>
    %dot_general3A_56 = tpu.matmul %convert_element_type3A_47, %convert_element_type3A_54, %dot_general3A_55 {dimension_numbers = #tpu.dot_dimension_numbers<[1], [0], [0], [1], [0, 0, 1, 1], [], []>, transpose_lhs_hint = false} : vector<32x16xbf16>, vector<16x8192xbf16>, vector<32x8192xf32> -> vector<32x8192xf32>
    %dot_general3A_57 = arith.constant dense<0.000000e+00> : vector<32x8192xf32>
    %dot_general3A_58 = tpu.matmul %convert_element_type3A_51, %convert_element_type3A_48, %dot_general3A_57 {dimension_numbers = #tpu.dot_dimension_numbers<[1], [0], [0], [1], [0, 0, 1, 1], [], []>, transpose_lhs_hint = false} : vector<32x16xbf16>, vector<16x8192xbf16>, vector<32x8192xf32> -> vector<32x8192xf32>
    %add3A_59 = arith.addf %dot_general3A_56, %dot_general3A_58 : vector<32x8192xf32>
    %dot_general3A_60 = arith.constant dense<0.000000e+00> : vector<32x8192xf32>
    %dot_general3A_61 = tpu.matmul %convert_element_type3A_47, %convert_element_type3A_48, %dot_general3A_60 {dimension_numbers = #tpu.dot_dimension_numbers<[1], [0], [0], [1], [0, 0, 1, 1], [], []>, transpose_lhs_hint = false} : vector<32x16xbf16>, vector<16x8192xbf16>, vector<32x8192xf32> -> vector<32x8192xf32>
    %add3A_62 = arith.addf %add3A_59, %dot_general3A_61 : vector<32x8192xf32>
    %add3A_63 = arith.addf %add3A_43, %add3A_62 : vector<32x8192xf32>
    %get3A_64 = arith.constant 0 : index
    %get3A_65 = arith.constant 0 : index
    %get3A_66 = vector.load %arg6[%get3A_64, %get3A_65] : memref<32x16xf32, #tpu.memory_space<vmem>>, vector<32x16xf32>
    %convert_element_type3A_67 = arith.truncf %get3A_66 : vector<32x16xf32> to vector<32x16xbf16>
    %convert_element_type3A_68 = arith.truncf %get3A_28 : vector<16x8192xf32> to vector<16x8192xbf16>
    %convert_element_type3A_69 = arith.extf %convert_element_type3A_67 : vector<32x16xbf16> to vector<32x16xf32>
    %sub3A_70 = arith.subf %get3A_66, %convert_element_type3A_69 : vector<32x16xf32>
    %convert_element_type3A_71 = arith.truncf %sub3A_70 : vector<32x16xf32> to vector<32x16xbf16>
    %convert_element_type3A_72 = arith.extf %convert_element_type3A_68 : vector<16x8192xbf16> to vector<16x8192xf32>
    %sub3A_73 = arith.subf %get3A_28, %convert_element_type3A_72 : vector<16x8192xf32>
    %convert_element_type3A_74 = arith.truncf %sub3A_73 : vector<16x8192xf32> to vector<16x8192xbf16>
    %dot_general3A_75 = arith.constant dense<0.000000e+00> : vector<32x8192xf32>
    %dot_general3A_76 = tpu.matmul %convert_element_type3A_67, %convert_element_type3A_74, %dot_general3A_75 {dimension_numbers = #tpu.dot_dimension_numbers<[1], [0], [0], [1], [0, 0, 1, 1], [], []>, transpose_lhs_hint = false} : vector<32x16xbf16>, vector<16x8192xbf16>, vector<32x8192xf32> -> vector<32x8192xf32>
    %dot_general3A_77 = arith.constant dense<0.000000e+00> : vector<32x8192xf32>
    %dot_general3A_78 = tpu.matmul %convert_element_type3A_71, %convert_element_type3A_68, %dot_general3A_77 {dimension_numbers = #tpu.dot_dimension_numbers<[1], [0], [0], [1], [0, 0, 1, 1], [], []>, transpose_lhs_hint = false} : vector<32x16xbf16>, vector<16x8192xbf16>, vector<32x8192xf32> -> vector<32x8192xf32>
    %add3A_79 = arith.addf %dot_general3A_76, %dot_general3A_78 : vector<32x8192xf32>
    %dot_general3A_80 = arith.constant dense<0.000000e+00> : vector<32x8192xf32>
    %dot_general3A_81 = tpu.matmul %convert_element_type3A_67, %convert_element_type3A_68, %dot_general3A_80 {dimension_numbers = #tpu.dot_dimension_numbers<[1], [0], [0], [1], [0, 0, 1, 1], [], []>, transpose_lhs_hint = false} : vector<32x16xbf16>, vector<16x8192xbf16>, vector<32x8192xf32> -> vector<32x8192xf32>
    %add3A_82 = arith.addf %add3A_79, %dot_general3A_81 : vector<32x8192xf32>
    %add3A_83 = arith.addf %add3A_63, %add3A_82 : vector<32x8192xf32>
    %reduce_sum3A = arith.constant dense<0.000000e+00> : vector<8192xf32>
    %reduce_sum3A_84 = vector.multi_reduction <add>, %add3A_83, %reduce_sum3A [0] : vector<32x8192xf32> to vector<8192xf32>
    %broadcast_in_dim3A = vector.shape_cast %reduce_sum3A_84 : vector<8192xf32> to vector<1x8192xf32>
    %div3A = arith.constant 3.200000e+01 : f32
    %div3A_85 = vector.broadcast %div3A : f32 to vector<1x8192xf32>
    %div3A_86 = arith.divf %broadcast_in_dim3A, %div3A_85 : vector<1x8192xf32>
    %sub3A_87 = vector.broadcast %div3A_86 : vector<1x8192xf32> to vector<32x8192xf32>
    %sub3A_88 = arith.subf %add3A_83, %sub3A_87 : vector<32x8192xf32>
    %integer_pow3A = arith.mulf %sub3A_88, %sub3A_88 : vector<32x8192xf32>
    %reduce_sum3A_89 = arith.constant dense<0.000000e+00> : vector<8192xf32>
    %reduce_sum3A_90 = vector.multi_reduction <add>, %integer_pow3A, %reduce_sum3A_89 [0] : vector<32x8192xf32> to vector<8192xf32>
    %broadcast_in_dim3A_91 = vector.shape_cast %reduce_sum3A_90 : vector<8192xf32> to vector<1x8192xf32>
    %div3A_92 = arith.constant 3.200000e+01 : f32
    %div3A_93 = vector.broadcast %div3A_92 : f32 to vector<1x8192xf32>
    %div3A_94 = arith.divf %broadcast_in_dim3A_91, %div3A_93 : vector<1x8192xf32>
    %sub3A_95 = vector.broadcast %div3A_86 : vector<1x8192xf32> to vector<32x8192xf32>
    %sub3A_96 = arith.subf %add3A_83, %sub3A_95 : vector<32x8192xf32>
    %add3A_97 = arith.constant 9.99999974E-6 : f32
    %add3A_98 = vector.broadcast %add3A_97 : f32 to vector<1x8192xf32>
    %add3A_99 = arith.addf %div3A_94, %add3A_98 : vector<1x8192xf32>
    %sqrt3A = math.sqrt %add3A_99 : vector<1x8192xf32>
    %div3A_100 = vector.broadcast %sqrt3A : vector<1x8192xf32> to vector<32x8192xf32>
    %div3A_101 = arith.divf %sub3A_96, %div3A_100 : vector<32x8192xf32>
    %logistic3A = arith.negf %div3A_101 : vector<32x8192xf32>
    %logistic3A_102 = math.exp %logistic3A : vector<32x8192xf32>
    %logistic3A_103 = arith.constant 1.000000e+00 : f32
    %logistic3A_104 = vector.broadcast %logistic3A_103 : f32 to vector<32x8192xf32>
    %logistic3A_105 = arith.addf %logistic3A_104, %logistic3A_102 : vector<32x8192xf32>
    %logistic3A_106 = arith.divf %logistic3A_104, %logistic3A_105 : vector<32x8192xf32>
    %mul3A = arith.mulf %div3A_101, %logistic3A_106 : vector<32x8192xf32>
    %get3A_107 = arith.constant 0 : index
    %get3A_108 = arith.constant 0 : index
    %get3A_109 = vector.load %arg7[%get3A_107, %get3A_108] : memref<32x32xf32, #tpu.memory_space<vmem>>, vector<32x32xf32>
    %convert_element_type3A_110 = arith.truncf %get3A_109 : vector<32x32xf32> to vector<32x32xbf16>
    %convert_element_type3A_111 = arith.truncf %mul3A : vector<32x8192xf32> to vector<32x8192xbf16>
    %convert_element_type3A_112 = arith.extf %convert_element_type3A_110 : vector<32x32xbf16> to vector<32x32xf32>
    %sub3A_113 = arith.subf %get3A_109, %convert_element_type3A_112 : vector<32x32xf32>
    %convert_element_type3A_114 = arith.truncf %sub3A_113 : vector<32x32xf32> to vector<32x32xbf16>
    %convert_element_type3A_115 = arith.extf %convert_element_type3A_111 : vector<32x8192xbf16> to vector<32x8192xf32>
    %sub3A_116 = arith.subf %mul3A, %convert_element_type3A_115 : vector<32x8192xf32>
    %convert_element_type3A_117 = arith.truncf %sub3A_116 : vector<32x8192xf32> to vector<32x8192xbf16>
    %dot_general3A_118 = arith.constant dense<0.000000e+00> : vector<32x8192xf32>
    %dot_general3A_119 = tpu.matmul %convert_element_type3A_110, %convert_element_type3A_117, %dot_general3A_118 {dimension_numbers = #tpu.dot_dimension_numbers<[1], [0], [0], [1], [0, 0, 1, 1], [], []>, transpose_lhs_hint = false} : vector<32x32xbf16>, vector<32x8192xbf16>, vector<32x8192xf32> -> vector<32x8192xf32>
    %dot_general3A_120 = arith.constant dense<0.000000e+00> : vector<32x8192xf32>
    %dot_general3A_121 = tpu.matmul %convert_element_type3A_114, %convert_element_type3A_111, %dot_general3A_120 {dimension_numbers = #tpu.dot_dimension_numbers<[1], [0], [0], [1], [0, 0, 1, 1], [], []>, transpose_lhs_hint = false} : vector<32x32xbf16>, vector<32x8192xbf16>, vector<32x8192xf32> -> vector<32x8192xf32>
    %add3A_122 = arith.addf %dot_general3A_119, %dot_general3A_121 : vector<32x8192xf32>
    %dot_general3A_123 = arith.constant dense<0.000000e+00> : vector<32x8192xf32>
    %dot_general3A_124 = tpu.matmul %convert_element_type3A_110, %convert_element_type3A_111, %dot_general3A_123 {dimension_numbers = #tpu.dot_dimension_numbers<[1], [0], [0], [1], [0, 0, 1, 1], [], []>, transpose_lhs_hint = false} : vector<32x32xbf16>, vector<32x8192xbf16>, vector<32x8192xf32> -> vector<32x8192xf32>
    %add3A_125 = arith.addf %add3A_122, %dot_general3A_124 : vector<32x8192xf32>
    %iota3A = tpu.iota {dimensions = array<i32: 0>} : vector<32x8192xi32>
    %lt3A = arith.constant 17 : i32
    %lt3A_126 = vector.broadcast %lt3A : i32 to vector<32x8192xi32>
    %lt3A_127 = arith.cmpi slt, %iota3A, %lt3A_126 : vector<32x8192xi32>
    %jit3A = arith.constant 0.000000e+00 : f32
    %broadcast_in_dim3A_128 = vector.broadcast %jit3A : f32 to vector<32x8192xf32>
    %select_n3A = arith.select %lt3A_127, %add3A_125, %broadcast_in_dim3A_128 : vector<32x8192xi1>, vector<32x8192xf32>
    %reduce_sum3A_129 = arith.constant dense<0.000000e+00> : vector<8192xf32>
    %reduce_sum3A_130 = vector.multi_reduction <add>, %select_n3A, %reduce_sum3A_129 [0] : vector<32x8192xf32> to vector<8192xf32>
    %broadcast_in_dim3A_131 = vector.shape_cast %reduce_sum3A_130 : vector<8192xf32> to vector<1x8192xf32>
    %div3A_132 = arith.constant 1.700000e+01 : f32
    %div3A_133 = vector.broadcast %div3A_132 : f32 to vector<1x8192xf32>
    %div3A_134 = arith.divf %broadcast_in_dim3A_131, %div3A_133 : vector<1x8192xf32>
    %sub3A_135 = vector.broadcast %div3A_134 : vector<1x8192xf32> to vector<32x8192xf32>
    %sub3A_136 = arith.subf %add3A_125, %sub3A_135 : vector<32x8192xf32>
    %integer_pow3A_137 = arith.mulf %sub3A_136, %sub3A_136 : vector<32x8192xf32>
    %jit3A_138 = arith.constant 0.000000e+00 : f32
    %broadcast_in_dim3A_139 = vector.broadcast %jit3A_138 : f32 to vector<32x8192xf32>
    %select_n3A_140 = arith.select %lt3A_127, %integer_pow3A_137, %broadcast_in_dim3A_139 : vector<32x8192xi1>, vector<32x8192xf32>
    %reduce_sum3A_141 = arith.constant dense<0.000000e+00> : vector<8192xf32>
    %reduce_sum3A_142 = vector.multi_reduction <add>, %select_n3A_140, %reduce_sum3A_141 [0] : vector<32x8192xf32> to vector<8192xf32>
    %broadcast_in_dim3A_143 = vector.shape_cast %reduce_sum3A_142 : vector<8192xf32> to vector<1x8192xf32>
    %div3A_144 = arith.constant 1.700000e+01 : f32
    %div3A_145 = vector.broadcast %div3A_144 : f32 to vector<1x8192xf32>
    %div3A_146 = arith.divf %broadcast_in_dim3A_143, %div3A_145 : vector<1x8192xf32>
    %sub3A_147 = vector.broadcast %div3A_134 : vector<1x8192xf32> to vector<32x8192xf32>
    %sub3A_148 = arith.subf %add3A_125, %sub3A_147 : vector<32x8192xf32>
    %add3A_149 = arith.constant 9.99999974E-6 : f32
    %add3A_150 = vector.broadcast %add3A_149 : f32 to vector<1x8192xf32>
    %add3A_151 = arith.addf %div3A_146, %add3A_150 : vector<1x8192xf32>
    %sqrt3A_152 = math.sqrt %add3A_151 : vector<1x8192xf32>
    %div3A_153 = vector.broadcast %sqrt3A_152 : vector<1x8192xf32> to vector<32x8192xf32>
    %div3A_154 = arith.divf %sub3A_148, %div3A_153 : vector<32x8192xf32>
    %logistic3A_155 = arith.negf %div3A_154 : vector<32x8192xf32>
    %logistic3A_156 = math.exp %logistic3A_155 : vector<32x8192xf32>
    %logistic3A_157 = arith.constant 1.000000e+00 : f32
    %logistic3A_158 = vector.broadcast %logistic3A_157 : f32 to vector<32x8192xf32>
    %logistic3A_159 = arith.addf %logistic3A_158, %logistic3A_156 : vector<32x8192xf32>
    %logistic3A_160 = arith.divf %logistic3A_158, %logistic3A_159 : vector<32x8192xf32>
    %mul3A_161 = arith.mulf %div3A_154, %logistic3A_160 : vector<32x8192xf32>
    %slice3A_162 = vector.extract_strided_slice %mul3A_161 {offsets = [16, 0], sizes = [1, 8192], strides = [1, 1]} : vector<32x8192xf32> to vector<1x8192xf32>
    %exp3A = math.exp %slice3A_162 : vector<1x8192xf32>
    %iota3A_163 = tpu.iota {dimensions = array<i32: 0>} : vector<32x8192xi32>
    %mul3A_164 = vector.broadcast %exp3A : vector<1x8192xf32> to vector<32x8192xf32>
    %mul3A_165 = arith.mulf %mul3A_161, %mul3A_164 : vector<32x8192xf32>
    %lt3A_166 = arith.constant 16 : i32
    %lt3A_167 = vector.broadcast %lt3A_166 : i32 to vector<32x8192xi32>
    %lt3A_168 = arith.cmpi slt, %iota3A_163, %lt3A_167 : vector<32x8192xi32>
    %eq3A = arith.constant 16 : i32
    %eq3A_169 = vector.broadcast %eq3A : i32 to vector<32x8192xi32>
    %eq3A_170 = arith.cmpi eq, %iota3A_163, %eq3A_169 : vector<32x8192xi32>
    %jit3A_171 = arith.constant 0.000000e+00 : f32
    %broadcast_in_dim3A_172 = vector.shape_cast %exp3A : vector<1x8192xf32> to vector<1x8192xf32>
    %broadcast_in_dim3A_173 = vector.broadcast %broadcast_in_dim3A_172 : vector<1x8192xf32> to vector<32x8192xf32>
    %broadcast_in_dim3A_174 = vector.broadcast %jit3A_171 : f32 to vector<32x8192xf32>
    %select_n3A_175 = arith.select %eq3A_170, %broadcast_in_dim3A_173, %broadcast_in_dim3A_174 : vector<32x8192xi1>, vector<32x8192xf32>
    %select_n3A_176 = arith.select %lt3A_168, %mul3A_165, %select_n3A_175 : vector<32x8192xi1>, vector<32x8192xf32>
    %add3A_177 = arith.constant 104 : i32
    %add3A_178 = arith.addi %arg0, %add3A_177 : i32
    %slice3A_179 = vector.extract_strided_slice %select_n3A_176 {offsets = [0, 0], sizes = [32, 1024], strides = [1, 1]} : vector<32x8192xf32> to vector<32x1024xf32>
    %transpose3A_180 = tpu.transpose %slice3A_179, [1, 0] : vector<32x1024xf32> -> vector<1024x32xf32>
    %slice3A_181 = vector.extract_strided_slice %select_n3A_176 {offsets = [0, 1024], sizes = [32, 1024], strides = [1, 1]} : vector<32x8192xf32> to vector<32x1024xf32>
    %transpose3A_182 = tpu.transpose %slice3A_181, [1, 0] : vector<32x1024xf32> -> vector<1024x32xf32>
    %slice3A_183 = vector.extract_strided_slice %select_n3A_176 {offsets = [0, 2048], sizes = [32, 1024], strides = [1, 1]} : vector<32x8192xf32> to vector<32x1024xf32>
    %transpose3A_184 = tpu.transpose %slice3A_183, [1, 0] : vector<32x1024xf32> -> vector<1024x32xf32>
    %slice3A_185 = vector.extract_strided_slice %select_n3A_176 {offsets = [0, 3072], sizes = [32, 1024], strides = [1, 1]} : vector<32x8192xf32> to vector<32x1024xf32>
    %transpose3A_186 = tpu.transpose %slice3A_185, [1, 0] : vector<32x1024xf32> -> vector<1024x32xf32>
    %slice3A_187 = vector.extract_strided_slice %select_n3A_176 {offsets = [0, 4096], sizes = [32, 1024], strides = [1, 1]} : vector<32x8192xf32> to vector<32x1024xf32>
    %transpose3A_188 = tpu.transpose %slice3A_187, [1, 0] : vector<32x1024xf32> -> vector<1024x32xf32>
    %slice3A_189 = vector.extract_strided_slice %select_n3A_176 {offsets = [0, 5120], sizes = [32, 1024], strides = [1, 1]} : vector<32x8192xf32> to vector<32x1024xf32>
    %transpose3A_190 = tpu.transpose %slice3A_189, [1, 0] : vector<32x1024xf32> -> vector<1024x32xf32>
    %slice3A_191 = vector.extract_strided_slice %select_n3A_176 {offsets = [0, 6144], sizes = [32, 1024], strides = [1, 1]} : vector<32x8192xf32> to vector<32x1024xf32>
    %transpose3A_192 = tpu.transpose %slice3A_191, [1, 0] : vector<32x1024xf32> -> vector<1024x32xf32>
    %slice3A_193 = vector.extract_strided_slice %select_n3A_176 {offsets = [0, 7168], sizes = [32, 1024], strides = [1, 1]} : vector<32x8192xf32> to vector<32x1024xf32>
    %transpose3A_194 = tpu.transpose %slice3A_193, [1, 0] : vector<32x1024xf32> -> vector<1024x32xf32>
    %concatenate3A_195 = tpu.concatenate %transpose3A_180, %transpose3A_182, %transpose3A_184, %transpose3A_186 in 1 : vector<1024x32xf32>, vector<1024x32xf32>, vector<1024x32xf32>, vector<1024x32xf32> -> vector<1024x128xf32>
    %concatenate3A_196 = tpu.concatenate %transpose3A_188, %transpose3A_190, %transpose3A_192, %transpose3A_194 in 1 : vector<1024x32xf32>, vector<1024x32xf32>, vector<1024x32xf32>, vector<1024x32xf32> -> vector<1024x128xf32>
    %stack3A = vector.shape_cast %concatenate3A_195 : vector<1024x128xf32> to vector<1024x1x128xf32>
    %stack3A_197 = vector.shape_cast %concatenate3A_196 : vector<1024x128xf32> to vector<1024x1x128xf32>
    %stack3A_198 = tpu.concatenate %stack3A, %stack3A_197 in 1 : vector<1024x1x128xf32>, vector<1024x1x128xf32> -> vector<1024x2x128xf32>
    %reshape3A = vector.shape_cast %stack3A_198 : vector<1024x2x128xf32> to vector<2048x128xf32>
    %iota3A_199 = tpu.iota {dimensions = array<i32: 0>} : vector<2048x128xi32>
    %mul3A_200 = arith.constant 2048 : i32
    %mul3A_201 = arith.muli %add3A_178, %mul3A_200 : i32
    %add3A_202 = vector.broadcast %mul3A_201 : i32 to vector<2048x128xi32>
    %add3A_203 = arith.addi %iota3A_199, %add3A_202 : vector<2048x128xi32>
    %lt3A_204 = arith.constant 400000 : i32
    %lt3A_205 = vector.broadcast %lt3A_204 : i32 to vector<2048x128xi32>
    %lt3A_206 = arith.cmpi slt, %add3A_203, %lt3A_205 : vector<2048x128xi32>
    %jit3A_207 = arith.constant 0.000000e+00 : f32
    %broadcast_in_dim3A_208 = vector.broadcast %jit3A_207 : f32 to vector<2048x128xf32>
    %select_n3A_209 = arith.select %lt3A_206, %reshape3A, %broadcast_in_dim3A_208 : vector<2048x128xi1>, vector<2048x128xf32>
    %swap3A = arith.constant 0 : index
    %swap3A_210 = arith.constant 0 : index
    %swap3A_211 = vector.load %arg8[%swap3A, %swap3A_210] : memref<2048x128xf32, #tpu.memory_space<vmem>>, vector<2048x128xf32>
    tpu.vector_store %arg8[%swap3A, %swap3A_210], %select_n3A_209 {strides = array<i32>} : memref<2048x128xf32, #tpu.memory_space<vmem>>, vector<2048x128xf32>,
    return
  }
  func.func @transform_0(%arg0: i32) -> (i32, i32, i32) {
    %c0_i32 = arith.constant 0 : i32
    %c0_i32_0 = arith.constant 0 : i32
    %c0_i32_1 = arith.constant 0 : i32
    return %c0_i32, %arg0, %c0_i32_0 : i32, i32, i32
  }
  func.func @transform_1(%arg0: i32) -> (i32, i32, i32) {
    %c1_i32 = arith.constant 1 : i32
    %c0_i32 = arith.constant 0 : i32
    %c0_i32_0 = arith.constant 0 : i32
    return %c1_i32, %arg0, %c0_i32 : i32, i32, i32
  }
  func.func @transform_2(%arg0: i32) -> (i32, i32) {
    %c0_i32 = arith.constant 0 : i32
    %c0_i32_0 = arith.constant 0 : i32
    return %c0_i32, %arg0 : i32, i32
  }
  func.func @transform_3(%arg0: i32) -> (i32, i32) {
    %c0_i32 = arith.constant 0 : i32
    %c0_i32_0 = arith.constant 0 : i32
    %c0_i32_1 = arith.constant 0 : i32
    return %c0_i32, %c0_i32_0 : i32, i32
  }
  func.func @transform_4(%arg0: i32) -> (i32, i32) {
    %c0_i32 = arith.constant 0 : i32
    %c0_i32_0 = arith.constant 0 : i32
    %c0_i32_1 = arith.constant 0 : i32
    return %c0_i32, %c0_i32_0 : i32, i32
  }
  func.func @transform_5(%arg0: i32) -> (i32, i32) {
    %c0_i32 = arith.constant 0 : i32
    %c0_i32_0 = arith.constant 0 : i32
    %c0_i32_1 = arith.constant 0 : i32
    return %c0_i32, %c0_i32_0 : i32, i32
  }
  func.func @transform_6(%arg0: i32) -> (i32, i32) {
    %c0_i32 = arith.constant 0 : i32
    %c0_i32_0 = arith.constant 0 : i32
    %c0_i32_1 = arith.constant 0 : i32
    return %c0_i32, %c0_i32_0 : i32, i32
  }
  func.func @transform_7(%arg0: i32) -> (i32, i32) {
    %c0_i32 = arith.constant 0 : i32
    %c0_i32_0 = arith.constant 0 : i32
    return %arg0, %c0_i32 : i32, i32
  }
}

module attributes {stable_mosaic.version = 14 : i64} {
  func.func @_node_dec_body(%arg0: i32, %arg1: memref<2000x16xf32, #tpu.memory_space<vmem>>, %arg2: memref<1x2000x32xf32, #tpu.memory_space<vmem>>, %arg3: memref<1x2000x32xf32, #tpu.memory_space<vmem>>, %arg4: memref<1x2000x32xf32, #tpu.memory_space<vmem>>, %arg5: memref<1x2000x32xf32, #tpu.memory_space<vmem>>, %arg6: memref<32x32xf32, #tpu.memory_space<vmem>>, %arg7: memref<32x16xf32, #tpu.memory_space<vmem>>, %arg8: memref<8x32xf32, #tpu.memory_space<vmem>>, %arg9: memref<16x32xf32, #tpu.memory_space<vmem>>, %arg10: memref<32x8xf32, #tpu.memory_space<vmem>>, %arg11: memref<8x32xf32, #tpu.memory_space<vmem>>, %arg12: memref<2000x8xf32, #tpu.memory_space<vmem>>) attributes {dimension_semantics = [#tpu.dimension_semantics<arbitrary>], iteration_bounds = array<i64: 25>, scalar_prefetch = 0 : i64, scratch_operands = 0 : i64, tpu.core_type = #tpu.core_type<tc>, window_params = [{transform_indices = @transform_0, window_bounds = array<i64: 2000, 16>}, {transform_indices = @transform_1, window_bounds = array<i64: 1, 2000, 32>}, {transform_indices = @transform_2, window_bounds = array<i64: 1, 2000, 32>}, {transform_indices = @transform_3, window_bounds = array<i64: 1, 2000, 32>}, {transform_indices = @transform_4, window_bounds = array<i64: 1, 2000, 32>}, {pipeline_mode = #tpu.pipeline_mode<synchronous>, transform_indices = @transform_5, window_bounds = array<i64: 32, 32>}, {pipeline_mode = #tpu.pipeline_mode<synchronous>, transform_indices = @transform_6, window_bounds = array<i64: 32, 16>}, {pipeline_mode = #tpu.pipeline_mode<synchronous>, transform_indices = @transform_7, window_bounds = array<i64: 8, 32>}, {pipeline_mode = #tpu.pipeline_mode<synchronous>, transform_indices = @transform_8, window_bounds = array<i64: 16, 32>}, {pipeline_mode = #tpu.pipeline_mode<synchronous>, transform_indices = @transform_9, window_bounds = array<i64: 32, 8>}, {pipeline_mode = #tpu.pipeline_mode<synchronous>, transform_indices = @transform_10, window_bounds = array<i64: 8, 32>}, {transform_indices = @transform_11, window_bounds = array<i64: 2000, 8>}]} {
    %get3A = arith.constant 0 : index
    %get3A_0 = arith.constant 0 : index
    %get3A_1 = vector.load %arg1[%get3A, %get3A_0] : memref<2000x16xf32, #tpu.memory_space<vmem>>, vector<2000x16xf32>
    %get3A_2 = arith.constant 0 : index
    %get3A_3 = arith.constant 0 : index
    %get3A_4 = arith.constant 0 : index
    %get3A_5 = vector.load %arg2[%get3A_2, %get3A_3, %get3A_4] : memref<1x2000x32xf32, #tpu.memory_space<vmem>>, vector<1x2000x32xf32>
    %get3A_6 = vector.shape_cast %get3A_5 : vector<1x2000x32xf32> to vector<2000x32xf32>
    %get3A_7 = arith.constant 0 : index
    %get3A_8 = arith.constant 0 : index
    %get3A_9 = arith.constant 0 : index
    %get3A_10 = vector.load %arg3[%get3A_7, %get3A_8, %get3A_9] : memref<1x2000x32xf32, #tpu.memory_space<vmem>>, vector<1x2000x32xf32>
    %get3A_11 = vector.shape_cast %get3A_10 : vector<1x2000x32xf32> to vector<2000x32xf32>
    %add3A = arith.addf %get3A_6, %get3A_11 : vector<2000x32xf32>
    %get3A_12 = arith.constant 0 : index
    %get3A_13 = arith.constant 0 : index
    %get3A_14 = arith.constant 0 : index
    %get3A_15 = vector.load %arg4[%get3A_12, %get3A_13, %get3A_14] : memref<1x2000x32xf32, #tpu.memory_space<vmem>>, vector<1x2000x32xf32>
    %get3A_16 = vector.shape_cast %get3A_15 : vector<1x2000x32xf32> to vector<2000x32xf32>
    %add3A_17 = arith.addf %add3A, %get3A_16 : vector<2000x32xf32>
    %get3A_18 = arith.constant 0 : index
    %get3A_19 = arith.constant 0 : index
    %get3A_20 = arith.constant 0 : index
    %get3A_21 = vector.load %arg5[%get3A_18, %get3A_19, %get3A_20] : memref<1x2000x32xf32, #tpu.memory_space<vmem>>, vector<1x2000x32xf32>
    %get3A_22 = vector.shape_cast %get3A_21 : vector<1x2000x32xf32> to vector<2000x32xf32>
    %add3A_23 = arith.addf %add3A_17, %get3A_22 : vector<2000x32xf32>
    %slice3A = vector.extract_strided_slice %add3A_23 {offsets = [0, 0], sizes = [2000, 16], strides = [1, 1]} : vector<2000x32xf32> to vector<2000x16xf32>
    %slice3A_24 = vector.extract_strided_slice %add3A_23 {offsets = [0, 16], sizes = [2000, 1], strides = [1, 1]} : vector<2000x32xf32> to vector<2000x1xf32>
    %add3A_25 = arith.constant 1.000000e-16 : f32
    %add3A_26 = vector.broadcast %add3A_25 : f32 to vector<2000x1xf32>
    %add3A_27 = arith.addf %slice3A_24, %add3A_26 : vector<2000x1xf32>
    %div3A = vector.broadcast %add3A_27 : vector<2000x1xf32> to vector<2000x16xf32>
    %div3A_28 = arith.divf %slice3A, %div3A : vector<2000x16xf32>
    %get3A_29 = arith.constant 0 : index
    %get3A_30 = arith.constant 0 : index
    %get3A_31 = vector.load %arg6[%get3A_29, %get3A_30] : memref<32x32xf32, #tpu.memory_space<vmem>>, vector<32x32xf32>
    %get3A_32 = arith.constant 0 : index
    %get3A_33 = arith.constant 0 : index
    %get3A_34 = vector.load %arg8[%get3A_32, %get3A_33] : memref<8x32xf32, #tpu.memory_space<vmem>>, vector<8x32xf32>
    %slice3A_35 = vector.extract_strided_slice %get3A_31 {offsets = [0, 0], sizes = [16, 32], strides = [1, 1]} : vector<32x32xf32> to vector<16x32xf32>
    %convert_element_type3A = arith.truncf %get3A_1 : vector<2000x16xf32> to vector<2000x16xbf16>
    %convert_element_type3A_36 = arith.truncf %slice3A_35 : vector<16x32xf32> to vector<16x32xbf16>
    %convert_element_type3A_37 = arith.extf %convert_element_type3A : vector<2000x16xbf16> to vector<2000x16xf32>
    %sub3A = arith.subf %get3A_1, %convert_element_type3A_37 : vector<2000x16xf32>
    %convert_element_type3A_38 = arith.truncf %sub3A : vector<2000x16xf32> to vector<2000x16xbf16>
    %convert_element_type3A_39 = arith.extf %convert_element_type3A_36 : vector<16x32xbf16> to vector<16x32xf32>
    %sub3A_40 = arith.subf %slice3A_35, %convert_element_type3A_39 : vector<16x32xf32>
    %convert_element_type3A_41 = arith.truncf %sub3A_40 : vector<16x32xf32> to vector<16x32xbf16>
    %dot_general3A = arith.constant dense<0.000000e+00> : vector<2000x32xf32>
    %dot_general3A_42 = tpu.matmul %convert_element_type3A, %convert_element_type3A_41, %dot_general3A {dimension_numbers = #tpu.dot_dimension_numbers<[1], [0], [0], [1], [0, 0, 1, 1], [], []>, transpose_lhs_hint = false} : vector<2000x16xbf16>, vector<16x32xbf16>, vector<2000x32xf32> -> vector<2000x32xf32>
    %dot_general3A_43 = arith.constant dense<0.000000e+00> : vector<2000x32xf32>
    %dot_general3A_44 = tpu.matmul %convert_element_type3A_38, %convert_element_type3A_36, %dot_general3A_43 {dimension_numbers = #tpu.dot_dimension_numbers<[1], [0], [0], [1], [0, 0, 1, 1], [], []>, transpose_lhs_hint = false} : vector<2000x16xbf16>, vector<16x32xbf16>, vector<2000x32xf32> -> vector<2000x32xf32>
    %add3A_45 = arith.addf %dot_general3A_42, %dot_general3A_44 : vector<2000x32xf32>
    %dot_general3A_46 = arith.constant dense<0.000000e+00> : vector<2000x32xf32>
    %dot_general3A_47 = tpu.matmul %convert_element_type3A, %convert_element_type3A_36, %dot_general3A_46 {dimension_numbers = #tpu.dot_dimension_numbers<[1], [0], [0], [1], [0, 0, 1, 1], [], []>, transpose_lhs_hint = false} : vector<2000x16xbf16>, vector<16x32xbf16>, vector<2000x32xf32> -> vector<2000x32xf32>
    %add3A_48 = arith.addf %add3A_45, %dot_general3A_47 : vector<2000x32xf32>
    %slice3A_49 = vector.extract_strided_slice %get3A_31 {offsets = [16, 0], sizes = [16, 32], strides = [1, 1]} : vector<32x32xf32> to vector<16x32xf32>
    %convert_element_type3A_50 = arith.truncf %div3A_28 : vector<2000x16xf32> to vector<2000x16xbf16>
    %convert_element_type3A_51 = arith.truncf %slice3A_49 : vector<16x32xf32> to vector<16x32xbf16>
    %convert_element_type3A_52 = arith.extf %convert_element_type3A_50 : vector<2000x16xbf16> to vector<2000x16xf32>
    %sub3A_53 = arith.subf %div3A_28, %convert_element_type3A_52 : vector<2000x16xf32>
    %convert_element_type3A_54 = arith.truncf %sub3A_53 : vector<2000x16xf32> to vector<2000x16xbf16>
    %convert_element_type3A_55 = arith.extf %convert_element_type3A_51 : vector<16x32xbf16> to vector<16x32xf32>
    %sub3A_56 = arith.subf %slice3A_49, %convert_element_type3A_55 : vector<16x32xf32>
    %convert_element_type3A_57 = arith.truncf %sub3A_56 : vector<16x32xf32> to vector<16x32xbf16>
    %dot_general3A_58 = arith.constant dense<0.000000e+00> : vector<2000x32xf32>
    %dot_general3A_59 = tpu.matmul %convert_element_type3A_50, %convert_element_type3A_57, %dot_general3A_58 {dimension_numbers = #tpu.dot_dimension_numbers<[1], [0], [0], [1], [0, 0, 1, 1], [], []>, transpose_lhs_hint = false} : vector<2000x16xbf16>, vector<16x32xbf16>, vector<2000x32xf32> -> vector<2000x32xf32>
    %dot_general3A_60 = arith.constant dense<0.000000e+00> : vector<2000x32xf32>
    %dot_general3A_61 = tpu.matmul %convert_element_type3A_54, %convert_element_type3A_51, %dot_general3A_60 {dimension_numbers = #tpu.dot_dimension_numbers<[1], [0], [0], [1], [0, 0, 1, 1], [], []>, transpose_lhs_hint = false} : vector<2000x16xbf16>, vector<16x32xbf16>, vector<2000x32xf32> -> vector<2000x32xf32>
    %add3A_62 = arith.addf %dot_general3A_59, %dot_general3A_61 : vector<2000x32xf32>
    %dot_general3A_63 = arith.constant dense<0.000000e+00> : vector<2000x32xf32>
    %dot_general3A_64 = tpu.matmul %convert_element_type3A_50, %convert_element_type3A_51, %dot_general3A_63 {dimension_numbers = #tpu.dot_dimension_numbers<[1], [0], [0], [1], [0, 0, 1, 1], [], []>, transpose_lhs_hint = false} : vector<2000x16xbf16>, vector<16x32xbf16>, vector<2000x32xf32> -> vector<2000x32xf32>
    %add3A_65 = arith.addf %add3A_62, %dot_general3A_64 : vector<2000x32xf32>
    %add3A_66 = arith.addf %add3A_48, %add3A_65 : vector<2000x32xf32>
    %slice3A_67 = vector.extract_strided_slice %get3A_34 {offsets = [0, 0], sizes = [1, 32], strides = [1, 1]} : vector<8x32xf32> to vector<1x32xf32>
    %add3A_68 = vector.broadcast %slice3A_67 : vector<1x32xf32> to vector<2000x32xf32>
    %add3A_69 = arith.addf %add3A_66, %add3A_68 : vector<2000x32xf32>
    %slice3A_70 = vector.extract_strided_slice %get3A_34 {offsets = [1, 0], sizes = [1, 32], strides = [1, 1]} : vector<8x32xf32> to vector<1x32xf32>
    %slice3A_71 = vector.extract_strided_slice %get3A_34 {offsets = [2, 0], sizes = [1, 32], strides = [1, 1]} : vector<8x32xf32> to vector<1x32xf32>
    %reduce_sum3A = arith.constant dense<0.000000e+00> : vector<2000xf32>
    %reduce_sum3A_72 = vector.multi_reduction <add>, %add3A_69, %reduce_sum3A [1] : vector<2000x32xf32> to vector<2000xf32>
    %broadcast_in_dim3A = vector.shape_cast %reduce_sum3A_72 : vector<2000xf32> to vector<2000x1xf32>
    %div3A_73 = arith.constant 3.200000e+01 : f32
    %div3A_74 = vector.broadcast %div3A_73 : f32 to vector<2000x1xf32>
    %div3A_75 = arith.divf %broadcast_in_dim3A, %div3A_74 : vector<2000x1xf32>
    %sub3A_76 = vector.broadcast %div3A_75 : vector<2000x1xf32> to vector<2000x32xf32>
    %sub3A_77 = arith.subf %add3A_69, %sub3A_76 : vector<2000x32xf32>
    %integer_pow3A = arith.mulf %sub3A_77, %sub3A_77 : vector<2000x32xf32>
    %reduce_sum3A_78 = arith.constant dense<0.000000e+00> : vector<2000xf32>
    %reduce_sum3A_79 = vector.multi_reduction <add>, %integer_pow3A, %reduce_sum3A_78 [1] : vector<2000x32xf32> to vector<2000xf32>
    %broadcast_in_dim3A_80 = vector.shape_cast %reduce_sum3A_79 : vector<2000xf32> to vector<2000x1xf32>
    %div3A_81 = arith.constant 3.200000e+01 : f32
    %div3A_82 = vector.broadcast %div3A_81 : f32 to vector<2000x1xf32>
    %div3A_83 = arith.divf %broadcast_in_dim3A_80, %div3A_82 : vector<2000x1xf32>
    %sub3A_84 = vector.broadcast %div3A_75 : vector<2000x1xf32> to vector<2000x32xf32>
    %sub3A_85 = arith.subf %add3A_69, %sub3A_84 : vector<2000x32xf32>
    %add3A_86 = arith.constant 9.99999974E-6 : f32
    %add3A_87 = vector.broadcast %add3A_86 : f32 to vector<2000x1xf32>
    %add3A_88 = arith.addf %div3A_83, %add3A_87 : vector<2000x1xf32>
    %sqrt3A = math.sqrt %add3A_88 : vector<2000x1xf32>
    %div3A_89 = vector.broadcast %sqrt3A : vector<2000x1xf32> to vector<2000x32xf32>
    %div3A_90 = arith.divf %sub3A_85, %div3A_89 : vector<2000x32xf32>
    %mul3A = vector.broadcast %slice3A_70 : vector<1x32xf32> to vector<2000x32xf32>
    %mul3A_91 = arith.mulf %div3A_90, %mul3A : vector<2000x32xf32>
    %add3A_92 = vector.broadcast %slice3A_71 : vector<1x32xf32> to vector<2000x32xf32>
    %add3A_93 = arith.addf %mul3A_91, %add3A_92 : vector<2000x32xf32>
    %logistic3A = arith.negf %add3A_93 : vector<2000x32xf32>
    %logistic3A_94 = math.exp %logistic3A : vector<2000x32xf32>
    %logistic3A_95 = arith.constant 1.000000e+00 : f32
    %logistic3A_96 = vector.broadcast %logistic3A_95 : f32 to vector<2000x32xf32>
    %logistic3A_97 = arith.addf %logistic3A_96, %logistic3A_94 : vector<2000x32xf32>
    %logistic3A_98 = arith.divf %logistic3A_96, %logistic3A_97 : vector<2000x32xf32>
    %mul3A_99 = arith.mulf %add3A_93, %logistic3A_98 : vector<2000x32xf32>
    %get3A_100 = arith.constant 0 : index
    %get3A_101 = arith.constant 0 : index
    %get3A_102 = vector.load %arg7[%get3A_100, %get3A_101] : memref<32x16xf32, #tpu.memory_space<vmem>>, vector<32x16xf32>
    %convert_element_type3A_103 = arith.truncf %mul3A_99 : vector<2000x32xf32> to vector<2000x32xbf16>
    %convert_element_type3A_104 = arith.truncf %get3A_102 : vector<32x16xf32> to vector<32x16xbf16>
    %convert_element_type3A_105 = arith.extf %convert_element_type3A_103 : vector<2000x32xbf16> to vector<2000x32xf32>
    %sub3A_106 = arith.subf %mul3A_99, %convert_element_type3A_105 : vector<2000x32xf32>
    %convert_element_type3A_107 = arith.truncf %sub3A_106 : vector<2000x32xf32> to vector<2000x32xbf16>
    %convert_element_type3A_108 = arith.extf %convert_element_type3A_104 : vector<32x16xbf16> to vector<32x16xf32>
    %sub3A_109 = arith.subf %get3A_102, %convert_element_type3A_108 : vector<32x16xf32>
    %convert_element_type3A_110 = arith.truncf %sub3A_109 : vector<32x16xf32> to vector<32x16xbf16>
    %dot_general3A_111 = arith.constant dense<0.000000e+00> : vector<2000x16xf32>
    %dot_general3A_112 = tpu.matmul %convert_element_type3A_103, %convert_element_type3A_110, %dot_general3A_111 {dimension_numbers = #tpu.dot_dimension_numbers<[1], [0], [0], [1], [0, 0, 1, 1], [], []>, transpose_lhs_hint = false} : vector<2000x32xbf16>, vector<32x16xbf16>, vector<2000x16xf32> -> vector<2000x16xf32>
    %dot_general3A_113 = arith.constant dense<0.000000e+00> : vector<2000x16xf32>
    %dot_general3A_114 = tpu.matmul %convert_element_type3A_107, %convert_element_type3A_104, %dot_general3A_113 {dimension_numbers = #tpu.dot_dimension_numbers<[1], [0], [0], [1], [0, 0, 1, 1], [], []>, transpose_lhs_hint = false} : vector<2000x32xbf16>, vector<32x16xbf16>, vector<2000x16xf32> -> vector<2000x16xf32>
    %add3A_115 = arith.addf %dot_general3A_112, %dot_general3A_114 : vector<2000x16xf32>
    %dot_general3A_116 = arith.constant dense<0.000000e+00> : vector<2000x16xf32>
    %dot_general3A_117 = tpu.matmul %convert_element_type3A_103, %convert_element_type3A_104, %dot_general3A_116 {dimension_numbers = #tpu.dot_dimension_numbers<[1], [0], [0], [1], [0, 0, 1, 1], [], []>, transpose_lhs_hint = false} : vector<2000x32xbf16>, vector<32x16xbf16>, vector<2000x16xf32> -> vector<2000x16xf32>
    %add3A_118 = arith.addf %add3A_115, %dot_general3A_117 : vector<2000x16xf32>
    %slice3A_119 = vector.extract_strided_slice %get3A_34 {offsets = [3, 0], sizes = [1, 16], strides = [1, 1]} : vector<8x32xf32> to vector<1x16xf32>
    %add3A_120 = vector.broadcast %slice3A_119 : vector<1x16xf32> to vector<2000x16xf32>
    %add3A_121 = arith.addf %add3A_118, %add3A_120 : vector<2000x16xf32>
    %slice3A_122 = vector.extract_strided_slice %get3A_34 {offsets = [4, 0], sizes = [1, 16], strides = [1, 1]} : vector<8x32xf32> to vector<1x16xf32>
    %slice3A_123 = vector.extract_strided_slice %get3A_34 {offsets = [5, 0], sizes = [1, 16], strides = [1, 1]} : vector<8x32xf32> to vector<1x16xf32>
    %reduce_sum3A_124 = arith.constant dense<0.000000e+00> : vector<2000xf32>
    %reduce_sum3A_125 = vector.multi_reduction <add>, %add3A_121, %reduce_sum3A_124 [1] : vector<2000x16xf32> to vector<2000xf32>
    %broadcast_in_dim3A_126 = vector.shape_cast %reduce_sum3A_125 : vector<2000xf32> to vector<2000x1xf32>
    %div3A_127 = arith.constant 1.600000e+01 : f32
    %div3A_128 = vector.broadcast %div3A_127 : f32 to vector<2000x1xf32>
    %div3A_129 = arith.divf %broadcast_in_dim3A_126, %div3A_128 : vector<2000x1xf32>
    %sub3A_130 = vector.broadcast %div3A_129 : vector<2000x1xf32> to vector<2000x16xf32>
    %sub3A_131 = arith.subf %add3A_121, %sub3A_130 : vector<2000x16xf32>
    %integer_pow3A_132 = arith.mulf %sub3A_131, %sub3A_131 : vector<2000x16xf32>
    %reduce_sum3A_133 = arith.constant dense<0.000000e+00> : vector<2000xf32>
    %reduce_sum3A_134 = vector.multi_reduction <add>, %integer_pow3A_132, %reduce_sum3A_133 [1] : vector<2000x16xf32> to vector<2000xf32>
    %broadcast_in_dim3A_135 = vector.shape_cast %reduce_sum3A_134 : vector<2000xf32> to vector<2000x1xf32>
    %div3A_136 = arith.constant 1.600000e+01 : f32
    %div3A_137 = vector.broadcast %div3A_136 : f32 to vector<2000x1xf32>
    %div3A_138 = arith.divf %broadcast_in_dim3A_135, %div3A_137 : vector<2000x1xf32>
    %sub3A_139 = vector.broadcast %div3A_129 : vector<2000x1xf32> to vector<2000x16xf32>
    %sub3A_140 = arith.subf %add3A_121, %sub3A_139 : vector<2000x16xf32>
    %add3A_141 = arith.constant 9.99999974E-6 : f32
    %add3A_142 = vector.broadcast %add3A_141 : f32 to vector<2000x1xf32>
    %add3A_143 = arith.addf %div3A_138, %add3A_142 : vector<2000x1xf32>
    %sqrt3A_144 = math.sqrt %add3A_143 : vector<2000x1xf32>
    %div3A_145 = vector.broadcast %sqrt3A_144 : vector<2000x1xf32> to vector<2000x16xf32>
    %div3A_146 = arith.divf %sub3A_140, %div3A_145 : vector<2000x16xf32>
    %mul3A_147 = vector.broadcast %slice3A_122 : vector<1x16xf32> to vector<2000x16xf32>
    %mul3A_148 = arith.mulf %div3A_146, %mul3A_147 : vector<2000x16xf32>
    %add3A_149 = vector.broadcast %slice3A_123 : vector<1x16xf32> to vector<2000x16xf32>
    %add3A_150 = arith.addf %mul3A_148, %add3A_149 : vector<2000x16xf32>
    %logistic3A_151 = arith.negf %add3A_150 : vector<2000x16xf32>
    %logistic3A_152 = math.exp %logistic3A_151 : vector<2000x16xf32>
    %logistic3A_153 = arith.constant 1.000000e+00 : f32
    %logistic3A_154 = vector.broadcast %logistic3A_153 : f32 to vector<2000x16xf32>
    %logistic3A_155 = arith.addf %logistic3A_154, %logistic3A_152 : vector<2000x16xf32>
    %logistic3A_156 = arith.divf %logistic3A_154, %logistic3A_155 : vector<2000x16xf32>
    %mul3A_157 = arith.mulf %add3A_150, %logistic3A_156 : vector<2000x16xf32>
    %get3A_158 = arith.constant 0 : index
    %get3A_159 = arith.constant 0 : index
    %get3A_160 = vector.load %arg11[%get3A_158, %get3A_159] : memref<8x32xf32, #tpu.memory_space<vmem>>, vector<8x32xf32>
    %get3A_161 = arith.constant 0 : index
    %get3A_162 = arith.constant 0 : index
    %get3A_163 = vector.load %arg9[%get3A_161, %get3A_162] : memref<16x32xf32, #tpu.memory_space<vmem>>, vector<16x32xf32>
    %convert_element_type3A_164 = arith.truncf %mul3A_157 : vector<2000x16xf32> to vector<2000x16xbf16>
    %convert_element_type3A_165 = arith.truncf %get3A_163 : vector<16x32xf32> to vector<16x32xbf16>
    %convert_element_type3A_166 = arith.extf %convert_element_type3A_164 : vector<2000x16xbf16> to vector<2000x16xf32>
    %sub3A_167 = arith.subf %mul3A_157, %convert_element_type3A_166 : vector<2000x16xf32>
    %convert_element_type3A_168 = arith.truncf %sub3A_167 : vector<2000x16xf32> to vector<2000x16xbf16>
    %convert_element_type3A_169 = arith.extf %convert_element_type3A_165 : vector<16x32xbf16> to vector<16x32xf32>
    %sub3A_170 = arith.subf %get3A_163, %convert_element_type3A_169 : vector<16x32xf32>
    %convert_element_type3A_171 = arith.truncf %sub3A_170 : vector<16x32xf32> to vector<16x32xbf16>
    %dot_general3A_172 = arith.constant dense<0.000000e+00> : vector<2000x32xf32>
    %dot_general3A_173 = tpu.matmul %convert_element_type3A_164, %convert_element_type3A_171, %dot_general3A_172 {dimension_numbers = #tpu.dot_dimension_numbers<[1], [0], [0], [1], [0, 0, 1, 1], [], []>, transpose_lhs_hint = false} : vector<2000x16xbf16>, vector<16x32xbf16>, vector<2000x32xf32> -> vector<2000x32xf32>
    %dot_general3A_174 = arith.constant dense<0.000000e+00> : vector<2000x32xf32>
    %dot_general3A_175 = tpu.matmul %convert_element_type3A_168, %convert_element_type3A_165, %dot_general3A_174 {dimension_numbers = #tpu.dot_dimension_numbers<[1], [0], [0], [1], [0, 0, 1, 1], [], []>, transpose_lhs_hint = false} : vector<2000x16xbf16>, vector<16x32xbf16>, vector<2000x32xf32> -> vector<2000x32xf32>
    %add3A_176 = arith.addf %dot_general3A_173, %dot_general3A_175 : vector<2000x32xf32>
    %dot_general3A_177 = arith.constant dense<0.000000e+00> : vector<2000x32xf32>
    %dot_general3A_178 = tpu.matmul %convert_element_type3A_164, %convert_element_type3A_165, %dot_general3A_177 {dimension_numbers = #tpu.dot_dimension_numbers<[1], [0], [0], [1], [0, 0, 1, 1], [], []>, transpose_lhs_hint = false} : vector<2000x16xbf16>, vector<16x32xbf16>, vector<2000x32xf32> -> vector<2000x32xf32>
    %add3A_179 = arith.addf %add3A_176, %dot_general3A_178 : vector<2000x32xf32>
    %slice3A_180 = vector.extract_strided_slice %get3A_160 {offsets = [0, 0], sizes = [1, 32], strides = [1, 1]} : vector<8x32xf32> to vector<1x32xf32>
    %add3A_181 = vector.broadcast %slice3A_180 : vector<1x32xf32> to vector<2000x32xf32>
    %add3A_182 = arith.addf %add3A_179, %add3A_181 : vector<2000x32xf32>
    %slice3A_183 = vector.extract_strided_slice %get3A_160 {offsets = [1, 0], sizes = [1, 32], strides = [1, 1]} : vector<8x32xf32> to vector<1x32xf32>
    %slice3A_184 = vector.extract_strided_slice %get3A_160 {offsets = [2, 0], sizes = [1, 32], strides = [1, 1]} : vector<8x32xf32> to vector<1x32xf32>
    %reduce_sum3A_185 = arith.constant dense<0.000000e+00> : vector<2000xf32>
    %reduce_sum3A_186 = vector.multi_reduction <add>, %add3A_182, %reduce_sum3A_185 [1] : vector<2000x32xf32> to vector<2000xf32>
    %broadcast_in_dim3A_187 = vector.shape_cast %reduce_sum3A_186 : vector<2000xf32> to vector<2000x1xf32>
    %div3A_188 = arith.constant 3.200000e+01 : f32
    %div3A_189 = vector.broadcast %div3A_188 : f32 to vector<2000x1xf32>
    %div3A_190 = arith.divf %broadcast_in_dim3A_187, %div3A_189 : vector<2000x1xf32>
    %sub3A_191 = vector.broadcast %div3A_190 : vector<2000x1xf32> to vector<2000x32xf32>
    %sub3A_192 = arith.subf %add3A_182, %sub3A_191 : vector<2000x32xf32>
    %integer_pow3A_193 = arith.mulf %sub3A_192, %sub3A_192 : vector<2000x32xf32>
    %reduce_sum3A_194 = arith.constant dense<0.000000e+00> : vector<2000xf32>
    %reduce_sum3A_195 = vector.multi_reduction <add>, %integer_pow3A_193, %reduce_sum3A_194 [1] : vector<2000x32xf32> to vector<2000xf32>
    %broadcast_in_dim3A_196 = vector.shape_cast %reduce_sum3A_195 : vector<2000xf32> to vector<2000x1xf32>
    %div3A_197 = arith.constant 3.200000e+01 : f32
    %div3A_198 = vector.broadcast %div3A_197 : f32 to vector<2000x1xf32>
    %div3A_199 = arith.divf %broadcast_in_dim3A_196, %div3A_198 : vector<2000x1xf32>
    %sub3A_200 = vector.broadcast %div3A_190 : vector<2000x1xf32> to vector<2000x32xf32>
    %sub3A_201 = arith.subf %add3A_182, %sub3A_200 : vector<2000x32xf32>
    %add3A_202 = arith.constant 9.99999974E-6 : f32
    %add3A_203 = vector.broadcast %add3A_202 : f32 to vector<2000x1xf32>
    %add3A_204 = arith.addf %div3A_199, %add3A_203 : vector<2000x1xf32>
    %sqrt3A_205 = math.sqrt %add3A_204 : vector<2000x1xf32>
    %div3A_206 = vector.broadcast %sqrt3A_205 : vector<2000x1xf32> to vector<2000x32xf32>
    %div3A_207 = arith.divf %sub3A_201, %div3A_206 : vector<2000x32xf32>
    %mul3A_208 = vector.broadcast %slice3A_183 : vector<1x32xf32> to vector<2000x32xf32>
    %mul3A_209 = arith.mulf %div3A_207, %mul3A_208 : vector<2000x32xf32>
    %add3A_210 = vector.broadcast %slice3A_184 : vector<1x32xf32> to vector<2000x32xf32>
    %add3A_211 = arith.addf %mul3A_209, %add3A_210 : vector<2000x32xf32>
    %logistic3A_212 = arith.negf %add3A_211 : vector<2000x32xf32>
    %logistic3A_213 = math.exp %logistic3A_212 : vector<2000x32xf32>
    %logistic3A_214 = arith.constant 1.000000e+00 : f32
    %logistic3A_215 = vector.broadcast %logistic3A_214 : f32 to vector<2000x32xf32>
    %logistic3A_216 = arith.addf %logistic3A_215, %logistic3A_213 : vector<2000x32xf32>
    %logistic3A_217 = arith.divf %logistic3A_215, %logistic3A_216 : vector<2000x32xf32>
    %mul3A_218 = arith.mulf %add3A_211, %logistic3A_217 : vector<2000x32xf32>
    %get3A_219 = arith.constant 0 : index
    %get3A_220 = arith.constant 0 : index
    %get3A_221 = vector.load %arg10[%get3A_219, %get3A_220] : memref<32x8xf32, #tpu.memory_space<vmem>>, vector<32x8xf32>
    %convert_element_type3A_222 = arith.truncf %mul3A_218 : vector<2000x32xf32> to vector<2000x32xbf16>
    %convert_element_type3A_223 = arith.truncf %get3A_221 : vector<32x8xf32> to vector<32x8xbf16>
    %convert_element_type3A_224 = arith.extf %convert_element_type3A_222 : vector<2000x32xbf16> to vector<2000x32xf32>
    %sub3A_225 = arith.subf %mul3A_218, %convert_element_type3A_224 : vector<2000x32xf32>
    %convert_element_type3A_226 = arith.truncf %sub3A_225 : vector<2000x32xf32> to vector<2000x32xbf16>
    %convert_element_type3A_227 = arith.extf %convert_element_type3A_223 : vector<32x8xbf16> to vector<32x8xf32>
    %sub3A_228 = arith.subf %get3A_221, %convert_element_type3A_227 : vector<32x8xf32>
    %convert_element_type3A_229 = arith.truncf %sub3A_228 : vector<32x8xf32> to vector<32x8xbf16>
    %dot_general3A_230 = arith.constant dense<0.000000e+00> : vector<2000x8xf32>
    %dot_general3A_231 = tpu.matmul %convert_element_type3A_222, %convert_element_type3A_229, %dot_general3A_230 {dimension_numbers = #tpu.dot_dimension_numbers<[1], [0], [0], [1], [0, 0, 1, 1], [], []>, transpose_lhs_hint = false} : vector<2000x32xbf16>, vector<32x8xbf16>, vector<2000x8xf32> -> vector<2000x8xf32>
    %dot_general3A_232 = arith.constant dense<0.000000e+00> : vector<2000x8xf32>
    %dot_general3A_233 = tpu.matmul %convert_element_type3A_226, %convert_element_type3A_223, %dot_general3A_232 {dimension_numbers = #tpu.dot_dimension_numbers<[1], [0], [0], [1], [0, 0, 1, 1], [], []>, transpose_lhs_hint = false} : vector<2000x32xbf16>, vector<32x8xbf16>, vector<2000x8xf32> -> vector<2000x8xf32>
    %add3A_234 = arith.addf %dot_general3A_231, %dot_general3A_233 : vector<2000x8xf32>
    %dot_general3A_235 = arith.constant dense<0.000000e+00> : vector<2000x8xf32>
    %dot_general3A_236 = tpu.matmul %convert_element_type3A_222, %convert_element_type3A_223, %dot_general3A_235 {dimension_numbers = #tpu.dot_dimension_numbers<[1], [0], [0], [1], [0, 0, 1, 1], [], []>, transpose_lhs_hint = false} : vector<2000x32xbf16>, vector<32x8xbf16>, vector<2000x8xf32> -> vector<2000x8xf32>
    %add3A_237 = arith.addf %add3A_234, %dot_general3A_236 : vector<2000x8xf32>
    %slice3A_238 = vector.extract_strided_slice %get3A_160 {offsets = [3, 0], sizes = [1, 8], strides = [1, 1]} : vector<8x32xf32> to vector<1x8xf32>
    %add3A_239 = vector.broadcast %slice3A_238 : vector<1x8xf32> to vector<2000x8xf32>
    %add3A_240 = arith.addf %add3A_237, %add3A_239 : vector<2000x8xf32>
    %mul3A_241 = arith.mulf %add3A_240, %add3A_240 : vector<2000x8xf32>
    %reduce_sum3A_242 = arith.constant dense<0.000000e+00> : vector<2000xf32>
    %reduce_sum3A_243 = vector.multi_reduction <add>, %mul3A_241, %reduce_sum3A_242 [1] : vector<2000x8xf32> to vector<2000xf32>
    %broadcast_in_dim3A_244 = vector.shape_cast %reduce_sum3A_243 : vector<2000xf32> to vector<2000x1xf32>
    %sqrt3A_245 = math.sqrt %broadcast_in_dim3A_244 : vector<2000x1xf32>
    %max3A = arith.constant 9.99999996E-13 : f32
    %max3A_246 = vector.broadcast %max3A : f32 to vector<2000x1xf32>
    %max3A_247 = arith.maximumf %sqrt3A_245, %max3A_246 : vector<2000x1xf32>
    %div3A_248 = vector.broadcast %max3A_247 : vector<2000x1xf32> to vector<2000x8xf32>
    %div3A_249 = arith.divf %add3A_240, %div3A_248 : vector<2000x8xf32>
    %swap3A = arith.constant 0 : index
    %swap3A_250 = arith.constant 0 : index
    %swap3A_251 = vector.load %arg12[%swap3A, %swap3A_250] : memref<2000x8xf32, #tpu.memory_space<vmem>>, vector<2000x8xf32>
    tpu.vector_store %arg12[%swap3A, %swap3A_250], %div3A_249 {strides = array<i32>} : memref<2000x8xf32, #tpu.memory_space<vmem>>, vector<2000x8xf32>,
    return
  }
  func.func @transform_0(%arg0: i32) -> (i32, i32) {
    %c0_i32 = arith.constant 0 : i32
    %c0_i32_0 = arith.constant 0 : i32
    return %arg0, %c0_i32 : i32, i32
  }
  func.func @transform_1(%arg0: i32) -> (i32, i32, i32) {
    %c0_i32 = arith.constant 0 : i32
    %c0_i32_0 = arith.constant 0 : i32
    %c0_i32_1 = arith.constant 0 : i32
    return %c0_i32, %arg0, %c0_i32_0 : i32, i32, i32
  }
  func.func @transform_2(%arg0: i32) -> (i32, i32, i32) {
    %c1_i32 = arith.constant 1 : i32
    %c0_i32 = arith.constant 0 : i32
    %c0_i32_0 = arith.constant 0 : i32
    return %c1_i32, %arg0, %c0_i32 : i32, i32, i32
  }
  func.func @transform_3(%arg0: i32) -> (i32, i32, i32) {
    %c0_i32 = arith.constant 0 : i32
    %c0_i32_0 = arith.constant 0 : i32
    %c0_i32_1 = arith.constant 0 : i32
    return %c0_i32, %arg0, %c0_i32_0 : i32, i32, i32
  }
  func.func @transform_4(%arg0: i32) -> (i32, i32, i32) {
    %c1_i32 = arith.constant 1 : i32
    %c0_i32 = arith.constant 0 : i32
    %c0_i32_0 = arith.constant 0 : i32
    return %c1_i32, %arg0, %c0_i32 : i32, i32, i32
  }
  func.func @transform_5(%arg0: i32) -> (i32, i32) {
    %c0_i32 = arith.constant 0 : i32
    %c0_i32_0 = arith.constant 0 : i32
    %c0_i32_1 = arith.constant 0 : i32
    return %c0_i32, %c0_i32_0 : i32, i32
  }
  func.func @transform_6(%arg0: i32) -> (i32, i32) {
    %c0_i32 = arith.constant 0 : i32
    %c0_i32_0 = arith.constant 0 : i32
    %c0_i32_1 = arith.constant 0 : i32
    return %c0_i32, %c0_i32_0 : i32, i32
  }
  func.func @transform_7(%arg0: i32) -> (i32, i32) {
    %c0_i32 = arith.constant 0 : i32
    %c0_i32_0 = arith.constant 0 : i32
    %c0_i32_1 = arith.constant 0 : i32
    return %c0_i32, %c0_i32_0 : i32, i32
  }
  func.func @transform_8(%arg0: i32) -> (i32, i32) {
    %c0_i32 = arith.constant 0 : i32
    %c0_i32_0 = arith.constant 0 : i32
    %c0_i32_1 = arith.constant 0 : i32
    return %c0_i32, %c0_i32_0 : i32, i32
  }
  func.func @transform_9(%arg0: i32) -> (i32, i32) {
    %c0_i32 = arith.constant 0 : i32
    %c0_i32_0 = arith.constant 0 : i32
    %c0_i32_1 = arith.constant 0 : i32
    return %c0_i32, %c0_i32_0 : i32, i32
  }
  func.func @transform_10(%arg0: i32) -> (i32, i32) {
    %c0_i32 = arith.constant 0 : i32
    %c0_i32_0 = arith.constant 0 : i32
    %c0_i32_1 = arith.constant 0 : i32
    return %c0_i32, %c0_i32_0 : i32, i32
  }
  func.func @transform_11(%arg0: i32) -> (i32, i32) {
    %c0_i32 = arith.constant 0 : i32
    %c0_i32_0 = arith.constant 0 : i32
    return %arg0, %c0_i32 : i32, i32
  }
}

</mosaic_0001>

<sc_bundles>
// kernel: kernel.17.cloned.1.call-start
scs
__scs_entry_jumppad:
0x0: {  	(pc) =	sbr.rel $0x88, $3  }
0x1: {  	(tag) =	ssettag $0x0;
	lr =	simm.s32 $0x1  }
0x2: {  	[smem:$0x3F7B] =	sst lr;
	_ =	strace $0xD0000000  }
0x3: {  	_ = 	snop  }
0x4: {  	_ = 	snop  }
0x5: {  	_ = 	snop  }
0x6: {  	_ = 	snop  }
0x7: {  	_ = 	snop  }
__scs_overlays_trampoline_lowered:
0x8: {  	[smem:$0x3F8A] =	sst s0  }
0x9: {  	[smem:$0x3F8B] =	sst s1  }
0xa: {  	[smem:$0x3F8C] =	sst s2  }
0xb: {  	[smem:$0x3F8D] =	sst s3  }
0xc: {  	[smem:$0x3F8E] =	sst s4  }
0xd: {  	[smem:$0x3F8F] =	sst s5  }
0xe: {  	[smem:$0x3F90] =	sst s6  }
0xf: {  	[smem:$0x3F91] =	sst s7  }
0x10: {  	[smem:$0x3F92] =	sst s8  }
0x11: {  	[smem:$0x3F93] =	sst s9;
	s0 =	simm.s32 @!p0 $0x0  }
0x12: {  	s1 =	sld [smem:$0x3F79];
	s0 =	simm.s32 @p0 $0x1  }
0x13: {  	[smem:$0x3F94] =	sst s0;
	s0 =	simm.s32 @!p1 $0x0  }
0x14: {  	s2 =	sld [smem:$0x3F78];
	s0 =	simm.s32 @p1 $0x1  }
0x15: {  	[smem:$0x3F95] =	sst s0;
	s0 =	simm.s32 @!p2 $0x0  }
0x16: {  	s3 =	sld [smem:$0x3FDB];
	s0 =	simm.s32 @p2 $0x1  }
0x17: {  	s4 =	simm.s32 $0x1BF5;
	[smem:$0x3F97] =	sst s0  }
0x18: {  	s0 =	sld [smem:$0x3F7A];
	_ =	swait.ge [sflag:s4], $0x0  }
0x19: {  	s7 =	sld [smem:$0x3F7B]  }
0x1a: {  	s8 =	sadd.s32 $0xFFFFE003, lr  }
0x1b: {  	s9 =	sadd.s32 $0xFFFFFEF7, lr;
	s5 =	simm.s32 $0xFFFFFFFF;
	p2 =	slt.u32 s8, $0xFFFFF086  }
0x1c: {  	p1 =	slt.u32 s9, $0xF7A;
	s5 =	simm.s32 @!p2 $0x0  }
0x1d: {  	s5 =	simm.s32 @p1 $0x1;
	p0 =	seq.s32 s7, s2  }
0x1e: {  	s7 =	smul.u32 @!p0 $0xF7A, s2;
	p2 =	seq.s32 @!p0 s5, $0x0  }
0x1f: {  	s9 =	smul.u32 $0xF7A, s1;
	s8 =	simm.s32 @!p0 $0x1BF5;
	p2 =	por !p2, p0  }
0x20: {  	[sflag:s8] =	ssyncset.s32 @!p0 $0xFFFFF086;
	s6 =	sadd.s32 @!p0 s3, s7;
	s7 =	simm.s32 @!p0 $0x108  }
0x21: {  	s3 =	sadd.s32 s3, s9;
	s6 =	sadd.s32 @!p0 $0x88, s6;
	s7 =	simm.s32 @p2 $0x1082  }
0x22: {  	[simem:s7], [sflag:s8] =	dma.local @!p0 [hbm:s6], $0xF7A  }
0x23: {  	s9 =	sor.u32 $0xD0000000, s2;
	s6 =	simm.s32 $0x108;
	_ =	swait.ge @!p0 [sflag:s8], $0x0  }
0x24: {  	s3 =	sadd.s32 $0x88, s3;
	s6 =	simm.s32 @!p1 $0x1082;
	[sflag:s4] =	ssyncset.s32 $0xFFFFF086  }
0x25: {  	[simem:s6], [sflag:s4] =	dma.local [hbm:s3], $0xF7A  }
0x26: {  	[smem:$0x3F7B] =	sst s1;
	(tag) =	ssettag s2;
	_ =	strace s9  }
0x27: {  	s1 =	sld [smem:$0x3F8B]  }
0x28: {  	s2 =	sld [smem:$0x3F8C]  }
0x29: {  	s4 =	sld [smem:$0x3F8E]  }
0x2a: {  	p0 =	seq.s32 s5, $0x0;
	s5 =	sld [smem:$0x3F8F]  }
0x2b: {  	s6 =	sld [smem:$0x3F90]  }
0x2c: {  	s7 =	sld [smem:$0x3F91]  }
0x2d: {  	s3 =	simm.s32 $0x108;
	s8 =	sld [smem:$0x3F92]  }
0x2e: {  	s3 =	simm.s32 @!p0 $0x1082;
	s9 =	sld [smem:$0x3F93]  }
0x2f: {  	lr =	sadd.s32 s0, s3;
	s0 =	sld [smem:$0x3F8A]  }
0x30: {  	s3 =	sld [smem:$0x3F8D]  }
0x31: {  	[smem:$0x3F96] =	sst s10  }
0x32: {  	s10 =	sld [smem:$0x3F94];
	_ =	sdelay $0x3  }
0x33: {  	p0 =	seq.s32 s10, $0x1;
	s10 =	sld [smem:$0x3F96];
	_ =	sdelay $0x3  }
0x34: {  	[smem:$0x3F96] =	sst s10  }
0x35: {  	s10 =	sld [smem:$0x3F95];
	_ =	sdelay $0x3  }
0x36: {  	p1 =	seq.s32 s10, $0x1;
	s10 =	sld [smem:$0x3F96];
	_ =	sdelay $0x3  }
0x37: {  	[smem:$0x3F96] =	sst s10  }
0x38: {  	s10 =	sld [smem:$0x3F97]  }
0x39: {  	_ = 	snop;
	(pc) =	sbr.ind lr, $3  }
0x3a: {  	_ = 	snop  }
0x3b: {  	_ = 	snop  }
0x3c: {  	p2 =	seq.s32 s10, $0x1;
	s10 =	sld [smem:$0x3F96]  }
0x3d: {  	_ =	shalt  }
0x3e: {  	_ =	shalt  }
0x3f: {  	_ =	shalt  }
0x40: {  	_ =	shalt  }
0x41: {  	_ =	shalt  }
0x42: {  	_ =	shalt  }
0x43: {  	_ =	shalt  }
0x44: {  	_ =	shalt  }
0x45: {  	_ =	shalt  }
0x46: {  	_ =	shalt  }
0x47: {  	_ =	shalt  }
0x48: {  	_ =	shalt  }
0x49: {  	_ =	shalt  }
0x4a: {  	_ =	shalt  }
0x4b: {  	_ =	shalt  }
0x4c: {  	_ =	shalt  }
0x4d: {  	_ =	shalt  }
0x4e: {  	_ =	shalt  }
0x4f: {  	_ =	shalt  }
0x50: {  	_ =	shalt  }
0x51: {  	_ =	shalt  }
0x52: {  	_ =	shalt  }
0x53: {  	_ =	shalt  }
0x54: {  	_ =	shalt  }
0x55: {  	_ =	shalt  }
0x56: {  	_ =	shalt  }
0x57: {  	_ =	shalt  }
0x58: {  	_ =	shalt  }
0x59: {  	_ =	shalt  }
0x5a: {  	_ =	shalt  }
0x5b: {  	_ =	shalt  }
0x5c: {  	_ =	shalt  }
0x5d: {  	_ =	shalt  }
0x5e: {  	_ =	shalt  }
0x5f: {  	_ =	shalt  }
0x60: {  	_ =	shalt  }
0x61: {  	_ =	shalt  }
0x62: {  	_ =	shalt  }
0x63: {  	_ =	shalt  }
0x64: {  	_ =	shalt  }
0x65: {  	_ =	shalt  }
0x66: {  	_ =	shalt  }
0x67: {  	_ =	shalt  }
0x68: {  	_ =	shalt  }
0x69: {  	_ =	shalt  }
0x6a: {  	_ =	shalt  }
0x6b: {  	_ =	shalt  }
0x6c: {  	_ =	shalt  }
0x6d: {  	_ =	shalt  }
0x6e: {  	_ =	shalt  }
0x6f: {  	_ =	shalt  }
0x70: {  	_ =	shalt  }
0x71: {  	_ =	shalt  }
0x72: {  	_ =	shalt  }
0x73: {  	_ =	shalt  }
0x74: {  	_ =	shalt  }
0x75: {  	_ =	shalt  }
0x76: {  	_ =	shalt  }
0x77: {  	_ =	shalt  }
0x78: {  	_ =	shalt  }
0x79: {  	_ =	shalt  }
0x7a: {  	_ =	shalt  }
0x7b: {  	_ =	shalt  }
0x7c: {  	_ =	shalt  }
0x7d: {  	_ =	shalt  }
0x7e: {  	_ =	shalt  }
0x7f: {  	_ =	shalt  }
0x80: {  	_ =	shalt  }
0x81: {  	_ =	shalt  }
0x82: {  	_ =	shalt  }
0x83: {  	_ =	shalt  }
0x84: {  	_ =	shalt  }
0x85: {  	_ =	shalt  }
0x86: {  	_ =	shalt  }
0x87: {  	_ =	shalt  }
.Lfunc_end0:
.L_simem_size_0:
called_computation_lowered:
.L_overlay_start_0:
0x88: {  	s2 =	sld [smem:$0x3FD9]  }
0x89: {  	s3 =	sld [smem:$0x3FFE];
	_ =	sdelay $0x1  }
0x8a: {  	s1 =	srdreg.scid  }
0x8b: {  	s0 =	sand.u32 $0x1, s1  }
0x8c: {  	s16 =	sshll.u32 s0, $0xA;
	s2 =	sadd.s32 s3, s2  }
0x8d: {  	s2 =	sadd.s32 s2, s16  }
0x8e: {  	[smem:$0x3FA2] =	sst s2  }
0x8f: {  	_ = 	snop  }
0x90: {  	(tm) =	ssettm $0x1  }
0x91: {  	s17 =	sld [smem:$0x3FFB];
	_ =	sdelay $0x3  }
0x92: {  	_ =	strace s17  }
0x93: {  	s2 =	sld [smem:$0x3FFC];
	_ =	sdelay $0x3  }
0x94: {  	_ =	strace s2  }
0x95: {  	s2 =	sld [smem:$0x3FFD];
	_ =	sdelay $0x3  }
0x96: {  	_ =	strace s2  }
0x97: {  	_ =	strace $0x8FFFFFFF  }
0x98: {  	s18 =	sld [smem:$0x3FDB];
	_ =	sdelay $0x1  }
0x99: {  	s19 =	simm.s32 $_scs_section_size  }
0x9a: {  	s4 =	simm.s32 $_size__tile_overlayer_lowered;
	s5 =	simm.s32 $_tile_overlayer_lowered  }
0x9b: {  	s22 =	simm.s32 $0x1BFF;
	s21 =	sshll.u32 s5, $0x1;
	s2 =	sadd.s32 s19, s18  }
0x9c: {  	s6 =	simm.s32 $0x0;
	s20 =	sshll.u32 s4, $0x1;
	s4 =	sadd.s32 s21, s2  }
0x9d: {  	[timem:s6], [sflag:s22] =	dma.local [hbm:s4], s20  }
0x9e: {  	_ =	swait.ge [sflag:s22], s20  }
0x9f: {  	s3 =	ssub.s32 $0x0, s20;
	[sflag:s22] =	ssyncset.done $0x0  }
0xa0: {  	[sflag:s22] =	ssyncadd.s32 s3;
	_ =	sdelay $0x1  }
0xa1: {  	s23 =	simm.s32 $0x1B8B  }
0xa2: {  	_ =	swait.ge [sflag:s23], $0x1  }
0xa3: {  	[sflag:s23] =	ssyncset.done $0x0  }
0xa4: {  	s25 =	simm.s32 $0x1B8E;
	s24 =	sld [smem:$0x3FFE];
	[sflag:s23] =	ssyncadd.s32 $0xFFFFFFFF  }
0xa5: {  	s26 =	simm.s32 $execute0_lowered;
	[smem:$0x3FD2] =	sst s25  }
0xa6: {  	s4 =	sshll.u32 s26, $0x1;
	_ =	strace $0x80000046;
	[dreg:$0x1] =	wrdreg $0xFFFFFFFF  }
0xa7: {  	s28 =	simm.s32 $_size_execute0_lowered;
	s2 =	sadd.s32 s2, s4;
	[dreg:$0x0] =	wrdreg $0x0  }
0xa8: {  	s4 =	sshll.u32 s28, $0x1;
	[dreg:$0x2] =	wrdreg s2  }
0xa9: {  	[dreg:$0x3] =	wrdreg s4  }
0xaa: {  	[dreg:$0x4] =	wrdreg $0xC0  }
0xab: {  	_ =	task [dreg:s6], $0x5FFFF  }
0xac: {  	[dreg:$0x1] =	wrdreg $0xFFFFFFFF  }
0xad: {  	[dreg:$0x0] =	wrdreg $0x60  }
0xae: {  	[dreg:$0x2] =	wrdreg s24  }
0xaf: {  	[dreg:$0x3] =	wrdreg $0x9  }
0xb0: {  	_ =	task.clear_ibuf [dreg:s6], $0x4FFFF;
	_ =	strace $0x90000046  }
0xb1: {  	s29 =	simm.s32 $0x9;
	_ =	strace $0x80000048  }
0xb2: {  	_ =	swait.ge [sflag:s29], $0x1  }
0xb3: {  	[sflag:s29] =	ssyncadd.s32 $0xFFFFFFFF  }
0xb4: {  	_ =	strace $0x90000048  }
0xb5: {  	_ =	sfence  }
0xb6: {  	s30 =	sld [smem:$0x0];
	_ =	sdelay $0x2  }
0xb7: {  	s31 =	sshll.u32 s1, $0xD;
	s1 =	sshrl.u32 s1, $0x2  }
0xb8: {  	s3 =	sand.u32 $0x4000, s31;
	s1 =	sadd.s32 s1, s30  }
0xb9: {  	s0 =	sor.u32 s3, s0;
	s1 =	sshll.u32 s1, $0x11  }
0xba: {  	s0 =	sor.u32 s1, s0  }
0xbb: {  	s0 =	sadd.s32 $0x8F2B, s0  }
0xbc: {  	[sflag:s0] =	ssyncadd.remote.s32 $0x1  }
0xbd: {  	_ =	sfence.sel $0xFFFF  }
0xbe: {  	[dreg:$0x0] =	wrdreg $0xFFFFFFFF;
	(pc) =	sbr.abs _section_cstart, $3  }
0xbf: {  	[dreg:$0x1] =	wrdreg $0xFFFFFFFF  }
0xc0: {  	_ =	task.clear_ibuf [dreg:s6], $0x2FFFF;
	_ =	strace $0x9FFFFFFF  }
0xc1: {  	(tm) =	ssettm $0x7FFFFFFF  }
tec
execute0_lowered:
.L_overlay_start_1:
0x0: {  	(tag) =	ssettag $0x1  }
0x1: {  	s4 =	rddreg [dreg:$0x0]  }
0x2: {  	s0 =	rddreg [dreg:$0x1]  }
0x3: {  	s3 =	srdreg.scid;
	s1 =	stileid.u32;
	s2 =	simm.s32 $0x0  }
0x4: {  	s10 =	simm.s32 $0x1000;
	s11 =	simm.s32 $0x9000;
	s12 =	simm.s32 $0x1  }
0x5: {  	s13 =	simm.s32 $0x2;
	s14 =	simm.s32 $0x0;
	s6 =	smul.u32 $0xD000, s1  }
0x6: {  	s5 =	sand.u32 $0x1, s3;
	[smem:$0x7FF] =	sst s2;
	s8 =	smul.u32 $0x1A000, s1  }
0x7: {  	s3 =	sadd.s32 $0x8A00, s4;
	s7 =	smul.u32 $0x6800, s5;
	s9 =	ssub.s32 $0x2, s5  }
0x8: {  	_ =	strace $0x80000047;
	s5 =	smul.u32 $0xD000, s5;
	s30 =	sshrl.u32 s9, $0x1  }
0x9: {  	s29 =	sadd.s32 s8, s4;
	s6 =	sadd.s32 s7, s6;
	s8 =	ssub.s32 s9, s30  }
0xa: {  	s5 =	sadd.s32 s5, s29;
	s9 =	simm.s32 $0x800;
	s6 =	sshrl.u32 s6, $0x3  }
0xb: {  	s5 =	sadd.s32 $0x32F600, s5;
	s31 =	sadd.s32 s6, s4;
	s4 =	smax.u32 s8, $0x1  }
0xc: {  	s8 =	simm.s32 $0x3;
	s6 =	sadd.s32 $0x3B200, s31;
	s7 =	sadd.s32 $0x21200, s31  }
.LBB2_1:
0xd: {  	s15 =	sadd.s32 $0x0, s7  }
0xe: {  	[tilespmem:s2], [sflag:$0x3] =	stream.linear.gather [hbm4b:s15+s2], $0x800, $0x38;
	[tilespmem:$0x11000] =	vst v63  }
0xf: {  	_ =	swait.ge [sflag:s8], $0x800  }
0x10: {  	[sflag:s8] =	ssyncset.done $0x0  }
0x11: {  	s30 =	sadd.s32 $0x0, s6;
	[sflag:s8] =	ssyncadd.s32 $0xFFFFF800  }
0x12: {  	[tilespmem:s9], [sflag:$0x3] =	stream.linear.gather [hbm4b:s30+s2], $0x800, $0x38;
	[tilespmem:$0x11000] =	vst v63  }
0x13: {  	_ =	swait.ge [sflag:s8], $0x800  }
0x14: {  	[sflag:s8] =	ssyncset.done $0x0  }
0x15: {  	[sflag:s8] =	ssyncadd.s32 $0xFFFFF800  }
0x16: {  	[tilespmem:s10], [sflag:$0x1] =	stream.indirect.gather [hbm4b:s3+s9], $0x10, s2, s9, $0xb8;
	[tilespmem:$0x11000] =	vst v63  }
0x17: {  	_ = 	snop  }
0x18: {  	[tilespmem:s11], [sflag:$0x2] =	stream.indirect.gather [hbm4b:s3+s9], $0x10, s9, s9, $0xb8;
	[tilespmem:$0x11000] =	vst v63  }
0x19: {  	_ =	swait.ge [sflag:s12], $0x8000  }
0x1a: {  	[sflag:s12] =	ssyncset.done $0x0  }
0x1b: {  	[sflag:s12] =	ssyncadd.s32 $0xFFFF8000  }
0x1c: {  	_ =	swait.ge [sflag:s13], $0x8000  }
0x1d: {  	[sflag:s13] =	ssyncset.done $0x0  }
0x1e: {  	s31 =	sadd.s32 $0xFFE60000, s5;
	[sflag:s13] =	ssyncadd.s32 $0xFFFF8000  }
0x1f: {  	[hbm4b:s31+s2] =	stream.linear.scatter [tilespmem:s10], [sflag:$0x3], $0x8000, $0x38;
	[tilespmem:$0x11000] =	vst v63  }
0x20: {  	_ =	swait.ge [sflag:s8], $0x8000  }
0x21: {  	[sflag:s8] =	ssyncset.done $0x0  }
0x22: {  	[sflag:s8] =	ssyncadd.s32 $0xFFFF8000  }
0x23: {  	[hbm4b:s5+s2] =	stream.linear.scatter [tilespmem:s11], [sflag:$0x3], $0x8000, $0x38;
	[tilespmem:$0x11000] =	vst v63  }
0x24: {  	s16 =	simm.s32 $0x100;
	_ =	swait.ge [sflag:s8], $0x8000  }
0x25: {  	s17 =	simm.s32 $0x200;
	s15 =	sadd.s32 $0x1000, s5;
	[sflag:s8] =	ssyncset.done $0x0  }
.LBB2_2:
0x26: {  	s18 =	sadd.s32 s16, s7  }
0x27: {  	[sflag:s8] =	ssyncadd.s32 $0xFFFF8000;
	s19 =	smov.u32 s17;
	s20 =	sadd.s32 $0x100, s17  }
0x28: {  	[tilespmem:s2], [sflag:$0x3] =	stream.linear.gather [hbm4b:s18+s2], $0x800, $0x38;
	[tilespmem:$0x11000] =	vst v63  }
0x29: {  	p0 =	sne.s32 s17, $0xC00;
	_ =	swait.ge [sflag:s8], $0x800  }
0x2a: {  	[sflag:s8] =	ssyncset.done $0x0  }
0x2b: {  	s17 =	sadd.s32 s16, s6;
	s16 =	smov.u32 s19;
	[sflag:s8] =	ssyncadd.s32 $0xFFFFF800  }
0x2c: {  	[tilespmem:s9], [sflag:$0x3] =	stream.linear.gather [hbm4b:s17+s2], $0x800, $0x38;
	[tilespmem:$0x11000] =	vst v63  }
0x2d: {  	_ =	swait.ge [sflag:s8], $0x800  }
0x2e: {  	[sflag:s8] =	ssyncset.done $0x0  }
0x2f: {  	[sflag:s8] =	ssyncadd.s32 $0xFFFFF800  }
0x30: {  	[tilespmem:s10], [sflag:$0x1] =	stream.indirect.gather [hbm4b:s3+s9], $0x10, s2, s9, $0xb8;
	[tilespmem:$0x11000] =	vst v63  }
0x31: {  	_ = 	snop  }
0x32: {  	[tilespmem:s11], [sflag:$0x2] =	stream.indirect.gather [hbm4b:s3+s9], $0x10, s9, s9, $0xb8;
	[tilespmem:$0x11000] =	vst v63  }
0x33: {  	_ =	swait.ge [sflag:s12], $0x8000  }
0x34: {  	[sflag:s12] =	ssyncset.done $0x0  }
0x35: {  	[sflag:s12] =	ssyncadd.s32 $0xFFFF8000  }
0x36: {  	_ =	swait.ge [sflag:s13], $0x8000  }
0x37: {  	[sflag:s13] =	ssyncset.done $0x0  }
0x38: {  	s17 =	sadd.s32 $0xFFE60000, s15;
	[sflag:s13] =	ssyncadd.s32 $0xFFFF8000  }
0x39: {  	[hbm4b:s17+s2] =	stream.linear.scatter [tilespmem:s10], [sflag:$0x3], $0x8000, $0x38;
	[tilespmem:$0x11000] =	vst v63  }
0x3a: {  	_ =	swait.ge [sflag:s8], $0x8000  }
.Ltmp0:
0x3b: {  	[sflag:s8] =	ssyncset.done $0x0;
	(pc) =	sbr.rel @p0 .LBB2_2-.Ltmp0, $4  }
0x3c: {  	[sflag:s8] =	ssyncadd.s32 $0xFFFF8000  }
0x3d: {  	[hbm4b:s15+s2] =	stream.linear.scatter [tilespmem:s11], [sflag:$0x3], $0x8000, $0x38;
	[tilespmem:$0x11000] =	vst v63  }
0x3e: {  	_ =	swait.ge [sflag:s8], $0x8000  }
0x3f: {  	s17 =	smov.u32 s20;
	s15 =	sadd.s32 $0x1000, s15;
	[sflag:s8] =	ssyncset.done $0x0  }
0x40: {  	s17 =	sadd.s32 s16, s7;
	[sflag:s8] =	ssyncadd.s32 $0xFFFF8000  }
0x41: {  	[tilespmem:s2], [sflag:$0x3] =	stream.linear.gather [hbm4b:s17+s2], $0x800, $0x38;
	[tilespmem:$0x11000] =	vst v63  }
0x42: {  	_ =	swait.ge [sflag:s8], $0x800  }
0x43: {  	[sflag:s8] =	ssyncset.done $0x0  }
0x44: {  	s30 =	sadd.s32 s16, s6;
	[sflag:s8] =	ssyncadd.s32 $0xFFFFF800  }
0x45: {  	[tilespmem:s9], [sflag:$0x3] =	stream.linear.gather [hbm4b:s30+s2], $0x800, $0x38;
	[tilespmem:$0x11000] =	vst v63  }
0x46: {  	_ =	swait.ge [sflag:s8], $0x800  }
0x47: {  	[sflag:s8] =	ssyncset.done $0x0  }
0x48: {  	[sflag:s8] =	ssyncadd.s32 $0xFFFFF800  }
0x49: {  	[tilespmem:s10], [sflag:$0x1] =	stream.indirect.gather [hbm4b:s3+s9], $0x10, s2, s9, $0xb8;
	[tilespmem:$0x11000] =	vst v63  }
0x4a: {  	_ = 	snop  }
0x4b: {  	[tilespmem:s11], [sflag:$0x2] =	stream.indirect.gather [hbm4b:s3+s9], $0x10, s9, s9, $0xb8;
	[tilespmem:$0x11000] =	vst v63  }
0x4c: {  	_ =	swait.ge [sflag:s12], $0x8000  }
0x4d: {  	[sflag:s12] =	ssyncset.done $0x0  }
0x4e: {  	[sflag:s12] =	ssyncadd.s32 $0xFFFF8000  }
0x4f: {  	_ =	swait.ge [sflag:s13], $0x8000  }
0x50: {  	[sflag:s13] =	ssyncset.done $0x0  }
0x51: {  	s31 =	sadd.s32 $0xFFE60000, s15;
	[sflag:s13] =	ssyncadd.s32 $0xFFFF8000  }
0x52: {  	[hbm4b:s31+s2] =	stream.linear.scatter [tilespmem:s10], [sflag:$0x3], $0x8000, $0x38;
	[tilespmem:$0x11000] =	vst v63  }
0x53: {  	s14 =	sadd.s32 $0x1, s14;
	_ =	swait.ge [sflag:s8], $0x8000  }
0x54: {  	p0 =	sne.s32 s14, s4;
	[sflag:s8] =	ssyncset.done $0x0  }
.Ltmp1:
0x55: {  	[sflag:s8] =	ssyncadd.s32 $0xFFFF8000;
	(pc) =	sbr.rel @p0 .LBB2_1-.Ltmp1, $4  }
0x56: {  	[hbm4b:s15+s2] =	stream.linear.scatter [tilespmem:s11], [sflag:$0x3], $0x8000, $0x38;
	[tilespmem:$0x11000] =	vst v63  }
0x57: {  	_ =	swait.ge [sflag:s8], $0x8000  }
0x58: {  	[sflag:s8] =	ssyncset.done $0x0  }
0x59: {  	[sflag:s8] =	ssyncadd.s32 $0xFFFF8000  }
0x5a: {  	_ =	sfence.sel $0x180000  }
0x5b: {  	[bflag:$0x0] =	sbarrier.arrive $0xFFFF  }
0x5c: {  	p0 =	sne.s32 s1, $0x0;
	_ =	strace $0x90000047  }
0x5d: {  	s0 =	sadd.s32 @!p0 $0x100000, s0;
	[bflag:$0x2] =	sbarrier.arrive $0xFFFF  }
0x5e: {  	[sflag:s0] =	ssyncadd.tile.s32 @!p0 $0x1;
	_ =	shalt  }
.Lfunc_end2:
_tile_overlayer_lowered:
.L_overlay_start_2:
0x5f: {  	(tag) =	ssettag $0x2  }
0x60: {  	s0 =	rddreg [dreg:$0x0];
	s2 =	stileid.u32  }
0x61: {  	s1 =	rddreg [dreg:$0x1];
	p0 =	sne.s32 s2, $0x0  }
0x62: {  	s3 =	rddreg [dreg:$0x2];
	[bflag:$0x3] =	sbarrier.arrive $0xFFFF;
	s2 =	simm.s32 @!p0 $0x1C03  }
0x63: {  	[timem:s3], [sflag:s2] =	dma.local @!p0 [hbm:s0], s1  }
0x64: {  	s0 =	simm.s32 @!p0 $0x3  }
0x65: {  	_ =	swait.ge @!p0 [sflag:s0], s1  }
0x66: {  	s1 =	ssub.s32 @!p0 $0x0, s1;
	[sflag:s0] =	ssyncset.done @!p0 $0x0  }
0x67: {  	[sflag:s0] =	ssyncadd.s32 @!p0 s1  }
0x68: {  	[bflag:$0x3] =	sbarrier.arrive $0xFFFF  }
0x69: {  	_ =	shalt  }

// kernel: kernel.20.cloned.1.call-start
scs
__scs_entry_jumppad:
0x0: {  	(pc) =	sbr.rel $0x88, $3  }
0x1: {  	(tag) =	ssettag $0x0;
	lr =	simm.s32 $0x1  }
0x2: {  	[smem:$0x3F7B] =	sst lr;
	_ =	strace $0xD0000000  }
0x3: {  	_ = 	snop  }
0x4: {  	_ = 	snop  }
0x5: {  	_ = 	snop  }
0x6: {  	_ = 	snop  }
0x7: {  	_ = 	snop  }
__scs_overlays_trampoline_lowered:
0x8: {  	[smem:$0x3F8A] =	sst s0  }
0x9: {  	[smem:$0x3F8B] =	sst s1  }
0xa: {  	[smem:$0x3F8C] =	sst s2  }
0xb: {  	[smem:$0x3F8D] =	sst s3  }
0xc: {  	[smem:$0x3F8E] =	sst s4  }
0xd: {  	[smem:$0x3F8F] =	sst s5  }
0xe: {  	[smem:$0x3F90] =	sst s6  }
0xf: {  	[smem:$0x3F91] =	sst s7  }
0x10: {  	[smem:$0x3F92] =	sst s8  }
0x11: {  	[smem:$0x3F93] =	sst s9;
	s0 =	simm.s32 @!p0 $0x0  }
0x12: {  	s1 =	sld [smem:$0x3F79];
	s0 =	simm.s32 @p0 $0x1  }
0x13: {  	[smem:$0x3F94] =	sst s0;
	s0 =	simm.s32 @!p1 $0x0  }
0x14: {  	s2 =	sld [smem:$0x3F78];
	s0 =	simm.s32 @p1 $0x1  }
0x15: {  	[smem:$0x3F95] =	sst s0;
	s0 =	simm.s32 @!p2 $0x0  }
0x16: {  	s3 =	sld [smem:$0x3FDB];
	s0 =	simm.s32 @p2 $0x1  }
0x17: {  	s4 =	simm.s32 $0x1BF5;
	[smem:$0x3F97] =	sst s0  }
0x18: {  	s0 =	sld [smem:$0x3F7A];
	_ =	swait.ge [sflag:s4], $0x0  }
0x19: {  	s7 =	sld [smem:$0x3F7B]  }
0x1a: {  	s8 =	sadd.s32 $0xFFFFE003, lr  }
0x1b: {  	s9 =	sadd.s32 $0xFFFFFEF7, lr;
	s5 =	simm.s32 $0xFFFFFFFF;
	p2 =	slt.u32 s8, $0xFFFFF086  }
0x1c: {  	p1 =	slt.u32 s9, $0xF7A;
	s5 =	simm.s32 @!p2 $0x0  }
0x1d: {  	s5 =	simm.s32 @p1 $0x1;
	p0 =	seq.s32 s7, s2  }
0x1e: {  	s7 =	smul.u32 @!p0 $0xF7A, s2;
	p2 =	seq.s32 @!p0 s5, $0x0  }
0x1f: {  	s9 =	smul.u32 $0xF7A, s1;
	s8 =	simm.s32 @!p0 $0x1BF5;
	p2 =	por !p2, p0  }
0x20: {  	[sflag:s8] =	ssyncset.s32 @!p0 $0xFFFFF086;
	s6 =	sadd.s32 @!p0 s3, s7;
	s7 =	simm.s32 @!p0 $0x108  }
0x21: {  	s3 =	sadd.s32 s3, s9;
	s6 =	sadd.s32 @!p0 $0x88, s6;
	s7 =	simm.s32 @p2 $0x1082  }
0x22: {  	[simem:s7], [sflag:s8] =	dma.local @!p0 [hbm:s6], $0xF7A  }
0x23: {  	s9 =	sor.u32 $0xD0000000, s2;
	s6 =	simm.s32 $0x108;
	_ =	swait.ge @!p0 [sflag:s8], $0x0  }
0x24: {  	s3 =	sadd.s32 $0x88, s3;
	s6 =	simm.s32 @!p1 $0x1082;
	[sflag:s4] =	ssyncset.s32 $0xFFFFF086  }
0x25: {  	[simem:s6], [sflag:s4] =	dma.local [hbm:s3], $0xF7A  }
0x26: {  	[smem:$0x3F7B] =	sst s1;
	(tag) =	ssettag s2;
	_ =	strace s9  }
0x27: {  	s1 =	sld [smem:$0x3F8B]  }
0x28: {  	s2 =	sld [smem:$0x3F8C]  }
0x29: {  	s4 =	sld [smem:$0x3F8E]  }
0x2a: {  	p0 =	seq.s32 s5, $0x0;
	s5 =	sld [smem:$0x3F8F]  }
0x2b: {  	s6 =	sld [smem:$0x3F90]  }
0x2c: {  	s7 =	sld [smem:$0x3F91]  }
0x2d: {  	s3 =	simm.s32 $0x108;
	s8 =	sld [smem:$0x3F92]  }
0x2e: {  	s3 =	simm.s32 @!p0 $0x1082;
	s9 =	sld [smem:$0x3F93]  }
0x2f: {  	lr =	sadd.s32 s0, s3;
	s0 =	sld [smem:$0x3F8A]  }
0x30: {  	s3 =	sld [smem:$0x3F8D]  }
0x31: {  	[smem:$0x3F96] =	sst s10  }
0x32: {  	s10 =	sld [smem:$0x3F94];
	_ =	sdelay $0x3  }
0x33: {  	p0 =	seq.s32 s10, $0x1;
	s10 =	sld [smem:$0x3F96];
	_ =	sdelay $0x3  }
0x34: {  	[smem:$0x3F96] =	sst s10  }
0x35: {  	s10 =	sld [smem:$0x3F95];
	_ =	sdelay $0x3  }
0x36: {  	p1 =	seq.s32 s10, $0x1;
	s10 =	sld [smem:$0x3F96];
	_ =	sdelay $0x3  }
0x37: {  	[smem:$0x3F96] =	sst s10  }
0x38: {  	s10 =	sld [smem:$0x3F97]  }
0x39: {  	_ = 	snop;
	(pc) =	sbr.ind lr, $3  }
0x3a: {  	_ = 	snop  }
0x3b: {  	_ = 	snop  }
0x3c: {  	p2 =	seq.s32 s10, $0x1;
	s10 =	sld [smem:$0x3F96]  }
0x3d: {  	_ =	shalt  }
0x3e: {  	_ =	shalt  }
0x3f: {  	_ =	shalt  }
0x40: {  	_ =	shalt  }
0x41: {  	_ =	shalt  }
0x42: {  	_ =	shalt  }
0x43: {  	_ =	shalt  }
0x44: {  	_ =	shalt  }
0x45: {  	_ =	shalt  }
0x46: {  	_ =	shalt  }
0x47: {  	_ =	shalt  }
0x48: {  	_ =	shalt  }
0x49: {  	_ =	shalt  }
0x4a: {  	_ =	shalt  }
0x4b: {  	_ =	shalt  }
0x4c: {  	_ =	shalt  }
0x4d: {  	_ =	shalt  }
0x4e: {  	_ =	shalt  }
0x4f: {  	_ =	shalt  }
0x50: {  	_ =	shalt  }
0x51: {  	_ =	shalt  }
0x52: {  	_ =	shalt  }
0x53: {  	_ =	shalt  }
0x54: {  	_ =	shalt  }
0x55: {  	_ =	shalt  }
0x56: {  	_ =	shalt  }
0x57: {  	_ =	shalt  }
0x58: {  	_ =	shalt  }
0x59: {  	_ =	shalt  }
0x5a: {  	_ =	shalt  }
0x5b: {  	_ =	shalt  }
0x5c: {  	_ =	shalt  }
0x5d: {  	_ =	shalt  }
0x5e: {  	_ =	shalt  }
0x5f: {  	_ =	shalt  }
0x60: {  	_ =	shalt  }
0x61: {  	_ =	shalt  }
0x62: {  	_ =	shalt  }
0x63: {  	_ =	shalt  }
0x64: {  	_ =	shalt  }
0x65: {  	_ =	shalt  }
0x66: {  	_ =	shalt  }
0x67: {  	_ =	shalt  }
0x68: {  	_ =	shalt  }
0x69: {  	_ =	shalt  }
0x6a: {  	_ =	shalt  }
0x6b: {  	_ =	shalt  }
0x6c: {  	_ =	shalt  }
0x6d: {  	_ =	shalt  }
0x6e: {  	_ =	shalt  }
0x6f: {  	_ =	shalt  }
0x70: {  	_ =	shalt  }
0x71: {  	_ =	shalt  }
0x72: {  	_ =	shalt  }
0x73: {  	_ =	shalt  }
0x74: {  	_ =	shalt  }
0x75: {  	_ =	shalt  }
0x76: {  	_ =	shalt  }
0x77: {  	_ =	shalt  }
0x78: {  	_ =	shalt  }
0x79: {  	_ =	shalt  }
0x7a: {  	_ =	shalt  }
0x7b: {  	_ =	shalt  }
0x7c: {  	_ =	shalt  }
0x7d: {  	_ =	shalt  }
0x7e: {  	_ =	shalt  }
0x7f: {  	_ =	shalt  }
0x80: {  	_ =	shalt  }
0x81: {  	_ =	shalt  }
0x82: {  	_ =	shalt  }
0x83: {  	_ =	shalt  }
0x84: {  	_ =	shalt  }
0x85: {  	_ =	shalt  }
0x86: {  	_ =	shalt  }
0x87: {  	_ =	shalt  }
.Lfunc_end0:
.L_simem_size_0:
called_computation.1_lowered:
.L_overlay_start_0:
0x88: {  	s2 =	sld [smem:$0x3FD9]  }
0x89: {  	s3 =	sld [smem:$0x3FFE];
	_ =	sdelay $0x1  }
0x8a: {  	s1 =	srdreg.scid  }
0x8b: {  	s0 =	sand.u32 $0x1, s1  }
0x8c: {  	s17 =	sshll.u32 s0, $0xA;
	s2 =	sadd.s32 s3, s2  }
0x8d: {  	s2 =	sadd.s32 s2, s17  }
0x8e: {  	[smem:$0x3FA2] =	sst s2  }
0x8f: {  	_ = 	snop  }
0x90: {  	(tm) =	ssettm $0x1  }
0x91: {  	s18 =	sld [smem:$0x3FFB];
	_ =	sdelay $0x3  }
0x92: {  	_ =	strace s18  }
0x93: {  	s2 =	sld [smem:$0x3FFC];
	_ =	sdelay $0x3  }
0x94: {  	_ =	strace s2  }
0x95: {  	s2 =	sld [smem:$0x3FFD];
	_ =	sdelay $0x3  }
0x96: {  	_ =	strace s2  }
0x97: {  	_ =	strace $0x8FFFFFFF  }
0x98: {  	s19 =	sld [smem:$0x3FDB];
	_ =	sdelay $0x1  }
0x99: {  	s20 =	simm.s32 $_scs_section_size  }
0x9a: {  	s4 =	simm.s32 $_size__tile_overlayer_lowered;
	s5 =	simm.s32 $_tile_overlayer_lowered  }
0x9b: {  	s6 =	simm.s32 $0x1BFF;
	s21 =	sshll.u32 s5, $0x1;
	s3 =	sadd.s32 s20, s19  }
0x9c: {  	s22 =	simm.s32 $0x0;
	s4 =	sshll.u32 s4, $0x1;
	s5 =	sadd.s32 s21, s3  }
0x9d: {  	[timem:s22], [sflag:s6] =	dma.local [hbm:s5], s4  }
0x9e: {  	_ =	swait.ge [sflag:s6], s4  }
0x9f: {  	s4 =	ssub.s32 $0x0, s4;
	[sflag:s6] =	ssyncset.done $0x0  }
0xa0: {  	[sflag:s6] =	ssyncadd.s32 s4;
	_ =	sdelay $0x1  }
0xa1: {  	s23 =	simm.s32 $0x1B8B  }
0xa2: {  	_ =	swait.ge [sflag:s23], $0x1  }
0xa3: {  	[sflag:s23] =	ssyncset.done $0x0  }
0xa4: {  	[sflag:s23] =	ssyncadd.s32 $0xFFFFFFFF  }
0xa5: {  	s4 =	sld [smem:$0x0]  }
0xa6: {  	s5 =	sand.u32 $0xFFFFFFFE, s1  }
0xa7: {  	p0 =	sne.s32 s1, s5  }
0xa8: {  	s5 =	sshll.u32 @p0 s5, $0xE  }
0xa9: {  	s5 =	sadd.s32 @p0 $0x11B8D, s5;
	s6 =	sshll.u32 @p0 s4, $0x11  }
0xaa: {  	s5 =	sor.u32 @p0 s6, s5  }
0xab: {  	[sflag:s5] =	ssyncadd.remote.s32 @p0 $0x1;
	_ =	sdelay $0x1  }
0xac: {  	s5 =	simm.s32 @p0 $0x1B8D  }
0xad: {  	_ =	swait.eq @p0 [sflag:s5], $0x1  }
0xae: {  	[sflag:s5] =	ssyncadd.s32 @p0 $0xFFFFFFFF  }
0xaf: {  	s6 =	sshll.u32 @!p0 s1, $0xE  }
0xb0: {  	s6 =	sor.u32 @!p0 $0x4000, s6;
	s5 =	simm.s32 @!p0 $0x1B8D  }
0xb1: {  	s4 =	sshll.u32 @!p0 s4, $0x11;
	s6 =	sadd.s32 @!p0 $0x11B8D, s6;
	_ =	swait.eq @!p0 [sflag:s5], $0x1  }
0xb2: {  	s4 =	sor.u32 @!p0 s4, s6;
	[sflag:s5] =	ssyncadd.s32 @!p0 $0xFFFFFFFF  }
0xb3: {  	s25 =	simm.s32 $0x1B8E;
	s24 =	sld [smem:$0x3FFE];
	[sflag:s4] =	ssyncadd.remote.s32 @!p0 $0x1  }
0xb4: {  	s26 =	simm.s32 $execute0_lowered;
	[smem:$0x3FD2] =	sst s25  }
0xb5: {  	s5 =	sshll.u32 s26, $0x1;
	_ =	strace $0x8000004C;
	[dreg:$0x1] =	wrdreg $0xFFFFFFFF  }
0xb6: {  	s28 =	simm.s32 $_size_execute0_lowered;
	s3 =	sadd.s32 s3, s5;
	[dreg:$0x0] =	wrdreg $0x0  }
0xb7: {  	s5 =	sshll.u32 s28, $0x1;
	[dreg:$0x2] =	wrdreg s3  }
0xb8: {  	[dreg:$0x3] =	wrdreg s5  }
0xb9: {  	[dreg:$0x4] =	wrdreg $0xC0  }
0xba: {  	_ =	task [dreg:s22], $0x5FFFF  }
0xbb: {  	[dreg:$0x1] =	wrdreg $0xFFFFFFFF  }
0xbc: {  	[dreg:$0x0] =	wrdreg $0x60  }
0xbd: {  	[dreg:$0x2] =	wrdreg s24  }
0xbe: {  	[dreg:$0x3] =	wrdreg $0x0  }
0xbf: {  	[dreg:$0x4] =	wrdreg $0x9  }
0xc0: {  	_ =	task.clear_ibuf [dreg:s22], $0x5FFFF;
	_ =	strace $0x9000004C  }
0xc1: {  	s29 =	simm.s32 $0x9;
	_ =	strace $0x8000004E  }
0xc2: {  	_ =	swait.ge [sflag:s29], $0x1  }
0xc3: {  	[sflag:s29] =	ssyncadd.s32 $0xFFFFFFFF  }
0xc4: {  	_ =	strace $0x9000004E  }
0xc5: {  	_ =	sfence  }
0xc6: {  	s30 =	sld [smem:$0x0];
	_ =	sdelay $0x2  }
0xc7: {  	s31 =	sshll.u32 s1, $0xD;
	s1 =	sshrl.u32 s1, $0x2  }
0xc8: {  	s4 =	sand.u32 $0x4000, s31;
	s1 =	sadd.s32 s1, s30  }
0xc9: {  	s0 =	sor.u32 s4, s0;
	s1 =	sshll.u32 s1, $0x11  }
0xca: {  	s0 =	sor.u32 s1, s0  }
0xcb: {  	s0 =	sadd.s32 $0x8F2B, s0  }
0xcc: {  	[sflag:s0] =	ssyncadd.remote.s32 $0x1  }
0xcd: {  	_ =	sfence.sel $0xFFFF  }
0xce: {  	[dreg:$0x0] =	wrdreg $0xFFFFFFFF;
	(pc) =	sbr.abs _section_cstart, $3  }
0xcf: {  	[dreg:$0x1] =	wrdreg $0xFFFFFFFF  }
0xd0: {  	_ =	task.clear_ibuf [dreg:s22], $0x2FFFF;
	_ =	strace $0x9FFFFFFF  }
0xd1: {  	(tm) =	ssettm $0x7FFFFFFF  }
tec
execute0_lowered:
.L_overlay_start_1:
0x0: {  	(tag) =	ssettag $0x1  }
0x1: {  	s0 =	stileid.u32  }
0x2: {  	s1 =	srdreg.scid;
	s4 =	rddreg [dreg:$0x0]  }
0x3: {  	s2 =	rddreg [dreg:$0x1];
	s3 =	simm.s32 $0x0;
	s6 =	smul.u32 $0xD000, s0  }
0x4: {  	s14 =	simm.s32 $0x200;
	s15 =	simm.s32 $0x0;
	s8 =	smul.u32 $0x34000, s0  }
0x5: {  	s5 =	sand.u32 $0x1, s1;
	s1 =	rddreg [dreg:$0x2];
	s28 =	smul.u32 $0x186A0, s0  }
0x6: {  	[smem:$0x7FF] =	sst s3;
	s31 =	sshll.u32 s0, $0x6;
	s7 =	smul.u32 $0x6800, s5  }
0x7: {  	s9 =	smul.u32 $0x186A00, s5;
	_ =	strace $0x8000004D;
	s11 =	ssub.s32 $0x2, s5  }
0x8: {  	s30 =	smul.u32 $0x1A000, s5;
	s5 =	sor.u32 $0x1C01, s31;
	s8 =	sadd.s32 s8, s4  }
0x9: {  	s29 =	sshrl.u32 s28, $0x3;
	s12 =	sshrl.u32 s11, $0x1;
	s13 =	sadd.s32 s28, s2  }
0xa: {  	s6 =	sadd.s32 s7, s6;
	s9 =	sadd.s32 s28, s9;
	s11 =	ssub.s32 s11, s12  }
0xb: {  	s8 =	sadd.s32 s30, s8;
	s12 =	simm.s32 $0x186A0;
	s6 =	sshrl.u32 s6, $0x3  }
0xc: {  	s9 =	sshrl.u32 s9, $0x3;
	s7 =	smax.u32 s11, $0x1;
	s8 =	sadd.s32 $0x7CF600, s8  }
0xd: {  	s10 =	sadd.s32 s6, s4;
	s6 =	sadd.s32 s29, s4;
	s9 =	sadd.s32 s9, s4  }
0xe: {  	s11 =	simm.s32 $0x1;
	s4 =	sadd.s32 $0x85200, s6;
	s6 =	sadd.s32 $0x18F600, s9  }
0xf: {  	s9 =	sadd.s32 $0x3B200, s10;
	s10 =	sshrl.u32 s13, $0x3;
	s13 =	simm.s32 $0x188A0  }
.LBB2_1:
0x10: {  	[spmem:s10], [sflag:s5] =	dma.local [hbm:s4], $0x30D4  }
0x11: {  	_ =	swait.ge [sflag:s11], $0x30D4  }
0x12: {  	[sflag:s11] =	ssyncset.done $0x0  }
0x13: {  	[sflag:s11] =	ssyncadd.s32 $0xFFFFCF2C  }
0x14: {  	s16 =	sadd.s32 $0x0, s9;
	[bflag:$0x0] =	sbarrier.arrive $0xFFFF  }
0x15: {  	[tilespmem:s12], [sflag:$0x1] =	stream.linear.gather [hbm4b:s16+s3], $0x200, $0x38;
	[tilespmem:$0x1C8A0] =	vst v63  }
0x16: {  	_ =	swait.ge [sflag:s11], $0x200  }
0x17: {  	[sflag:s11] =	ssyncset.done $0x0  }
0x18: {  	[sflag:s11] =	ssyncadd.s32 $0xFFFFFE00  }
0x19: {  	[tilespmem:s13], [sflag:$0x1] =	stream.linear.gather [hbm4b:s8+s3], $0x4000, $0x38;
	[tilespmem:$0x1C8A0] =	vst v63  }
0x1a: {  	_ =	swait.ge [sflag:s11], $0x4000  }
0x1b: {  	[sflag:s11] =	ssyncset.done $0x0  }
0x1c: {  	[sflag:s11] =	ssyncadd.s32 $0xFFFFC000  }
0x1d: {  	[spmem:s2] =	stream.indirect.scatter.add.f32 [tilespmem:s13], [sflag:$0x1], $0x20, s12, s14, $0xb8;
	[tilespmem:$0x1C8A0] =	vst v63  }
0x1e: {  	s17 =	simm.s32 $0x40;
	_ =	swait.ge [sflag:s11], $0x4000  }
0x1f: {  	s18 =	simm.s32 $0x80;
	s16 =	sadd.s32 $0x800, s8;
	[sflag:s11] =	ssyncset.done $0x0  }
.LBB2_2:
0x20: {  	s19 =	sadd.s32 s17, s9  }
0x21: {  	[sflag:s11] =	ssyncadd.s32 $0xFFFFC000;
	s17 =	smov.u32 s18;
	s20 =	sadd.s32 $0x40, s18  }
0x22: {  	[tilespmem:s12], [sflag:$0x1] =	stream.linear.gather [hbm4b:s19+s3], $0x200, $0x38;
	[tilespmem:$0x1C8A0] =	vst v63  }
0x23: {  	p0 =	sne.s32 s18, $0xCC0;
	_ =	swait.ge [sflag:s11], $0x200  }
0x24: {  	[sflag:s11] =	ssyncset.done $0x0  }
0x25: {  	[sflag:s11] =	ssyncadd.s32 $0xFFFFFE00  }
0x26: {  	[tilespmem:s13], [sflag:$0x1] =	stream.linear.gather [hbm4b:s16+s3], $0x4000, $0x38;
	[tilespmem:$0x1C8A0] =	vst v63  }
0x27: {  	_ =	swait.ge [sflag:s11], $0x4000  }
.Ltmp0:
0x28: {  	[sflag:s11] =	ssyncset.done $0x0;
	(pc) =	sbr.rel @p0 .LBB2_2-.Ltmp0, $4  }
0x29: {  	[sflag:s11] =	ssyncadd.s32 $0xFFFFC000  }
0x2a: {  	[spmem:s2] =	stream.indirect.scatter.add.f32 [tilespmem:s13], [sflag:$0x1], $0x20, s12, s14, $0xb8;
	[tilespmem:$0x1C8A0] =	vst v63  }
0x2b: {  	_ =	swait.ge [sflag:s11], $0x4000  }
0x2c: {  	s18 =	smov.u32 s20;
	s16 =	sadd.s32 $0x800, s16;
	[sflag:s11] =	ssyncset.done $0x0  }
0x2d: {  	s17 =	sadd.s32 s17, s9;
	[sflag:s11] =	ssyncadd.s32 $0xFFFFC000  }
0x2e: {  	[tilespmem:s12], [sflag:$0x1] =	stream.linear.gather [hbm4b:s17+s3], $0x200, $0x38;
	[tilespmem:$0x1C8A0] =	vst v63  }
0x2f: {  	_ =	swait.ge [sflag:s11], $0x200  }
0x30: {  	[sflag:s11] =	ssyncset.done $0x0  }
0x31: {  	[sflag:s11] =	ssyncadd.s32 $0xFFFFFE00  }
0x32: {  	[tilespmem:s13], [sflag:$0x1] =	stream.linear.gather [hbm4b:s16+s3], $0x4000, $0x38;
	[tilespmem:$0x1C8A0] =	vst v63  }
0x33: {  	_ =	swait.ge [sflag:s11], $0x4000  }
0x34: {  	[sflag:s11] =	ssyncset.done $0x0  }
0x35: {  	[sflag:s11] =	ssyncadd.s32 $0xFFFFC000  }
0x36: {  	[spmem:s2] =	stream.indirect.scatter.add.f32 [tilespmem:s13], [sflag:$0x1], $0x20, s12, s14, $0xb8;
	[tilespmem:$0x1C8A0] =	vst v63  }
0x37: {  	_ =	swait.ge [sflag:s11], $0x4000  }
0x38: {  	s15 =	sadd.s32 $0x1, s15;
	[sflag:s11] =	ssyncset.done $0x0  }
0x39: {  	p0 =	sne.s32 s15, s7;
	[sflag:s11] =	ssyncadd.s32 $0xFFFFC000  }
.Ltmp1:
0x3a: {  	[bflag:$0x0] =	sbarrier.arrive $0xFFFF;
	(pc) =	sbr.rel @p0 .LBB2_1-.Ltmp1, $4  }
0x3b: {  	[hbm:s6], [sflag:s5] =	dma.local [spmem:s10], $0x30D4  }
0x3c: {  	_ =	swait.ge [sflag:s11], $0x30D4  }
0x3d: {  	[sflag:s11] =	ssyncset.done $0x0  }
0x3e: {  	[sflag:s11] =	ssyncadd.s32 $0xFFFFCF2C  }
0x3f: {  	_ =	sfence.sel $0x180000  }
0x40: {  	[bflag:$0x0] =	sbarrier.arrive $0xFFFF  }
0x41: {  	p0 =	sne.s32 s0, $0x0;
	_ =	strace $0x9000004D  }
0x42: {  	s0 =	sadd.s32 @!p0 $0x100000, s1;
	[bflag:$0x2] =	sbarrier.arrive $0xFFFF  }
0x43: {  	[sflag:s0] =	ssyncadd.tile.s32 @!p0 $0x1;
	_ =	shalt  }
.Lfunc_end2:
_tile_overlayer_lowered:
.L_overlay_start_2:
0x44: {  	(tag) =	ssettag $0x2  }
0x45: {  	s0 =	rddreg [dreg:$0x0];
	s2 =	stileid.u32  }
0x46: {  	s1 =	rddreg [dreg:$0x1];
	p0 =	sne.s32 s2, $0x0  }
0x47: {  	s3 =	rddreg [dreg:$0x2];
	[bflag:$0x3] =	sbarrier.arrive $0xFFFF;
	s2 =	simm.s32 @!p0 $0x1C01  }
0x48: {  	[timem:s3], [sflag:s2] =	dma.local @!p0 [hbm:s0], s1  }
0x49: {  	s0 =	simm.s32 @!p0 $0x1  }
0x4a: {  	_ =	swait.ge @!p0 [sflag:s0], s1  }
0x4b: {  	s1 =	ssub.s32 @!p0 $0x0, s1;
	[sflag:s0] =	ssyncset.done @!p0 $0x0  }
0x4c: {  	[sflag:s0] =	ssyncadd.s32 @!p0 s1  }
0x4d: {  	[bflag:$0x3] =	sbarrier.arrive $0xFFFF  }
0x4e: {  	_ =	shalt  }

// kernel: kernel.23.cloned.1.call-start
scs
__scs_entry_jumppad:
0x0: {  	(pc) =	sbr.rel $0x88, $3  }
0x1: {  	(tag) =	ssettag $0x0;
	lr =	simm.s32 $0x1  }
0x2: {  	[smem:$0x3F7B] =	sst lr;
	_ =	strace $0xD0000000  }
0x3: {  	_ = 	snop  }
0x4: {  	_ = 	snop  }
0x5: {  	_ = 	snop  }
0x6: {  	_ = 	snop  }
0x7: {  	_ = 	snop  }
__scs_overlays_trampoline_lowered:
0x8: {  	[smem:$0x3F8A] =	sst s0  }
0x9: {  	[smem:$0x3F8B] =	sst s1  }
0xa: {  	[smem:$0x3F8C] =	sst s2  }
0xb: {  	[smem:$0x3F8D] =	sst s3  }
0xc: {  	[smem:$0x3F8E] =	sst s4  }
0xd: {  	[smem:$0x3F8F] =	sst s5  }
0xe: {  	[smem:$0x3F90] =	sst s6  }
0xf: {  	[smem:$0x3F91] =	sst s7  }
0x10: {  	[smem:$0x3F92] =	sst s8  }
0x11: {  	[smem:$0x3F93] =	sst s9;
	s0 =	simm.s32 @!p0 $0x0  }
0x12: {  	s1 =	sld [smem:$0x3F79];
	s0 =	simm.s32 @p0 $0x1  }
0x13: {  	[smem:$0x3F94] =	sst s0;
	s0 =	simm.s32 @!p1 $0x0  }
0x14: {  	s2 =	sld [smem:$0x3F78];
	s0 =	simm.s32 @p1 $0x1  }
0x15: {  	[smem:$0x3F95] =	sst s0;
	s0 =	simm.s32 @!p2 $0x0  }
0x16: {  	s3 =	sld [smem:$0x3FDB];
	s0 =	simm.s32 @p2 $0x1  }
0x17: {  	s4 =	simm.s32 $0x1BF5;
	[smem:$0x3F97] =	sst s0  }
0x18: {  	s0 =	sld [smem:$0x3F7A];
	_ =	swait.ge [sflag:s4], $0x0  }
0x19: {  	s7 =	sld [smem:$0x3F7B]  }
0x1a: {  	s8 =	sadd.s32 $0xFFFFE003, lr  }
0x1b: {  	s9 =	sadd.s32 $0xFFFFFEF7, lr;
	s5 =	simm.s32 $0xFFFFFFFF;
	p2 =	slt.u32 s8, $0xFFFFF086  }
0x1c: {  	p1 =	slt.u32 s9, $0xF7A;
	s5 =	simm.s32 @!p2 $0x0  }
0x1d: {  	s5 =	simm.s32 @p1 $0x1;
	p0 =	seq.s32 s7, s2  }
0x1e: {  	s7 =	smul.u32 @!p0 $0xF7A, s2;
	p2 =	seq.s32 @!p0 s5, $0x0  }
0x1f: {  	s9 =	smul.u32 $0xF7A, s1;
	s8 =	simm.s32 @!p0 $0x1BF5;
	p2 =	por !p2, p0  }
0x20: {  	[sflag:s8] =	ssyncset.s32 @!p0 $0xFFFFF086;
	s6 =	sadd.s32 @!p0 s3, s7;
	s7 =	simm.s32 @!p0 $0x108  }
0x21: {  	s3 =	sadd.s32 s3, s9;
	s6 =	sadd.s32 @!p0 $0x88, s6;
	s7 =	simm.s32 @p2 $0x1082  }
0x22: {  	[simem:s7], [sflag:s8] =	dma.local @!p0 [hbm:s6], $0xF7A  }
0x23: {  	s9 =	sor.u32 $0xD0000000, s2;
	s6 =	simm.s32 $0x108;
	_ =	swait.ge @!p0 [sflag:s8], $0x0  }
0x24: {  	s3 =	sadd.s32 $0x88, s3;
	s6 =	simm.s32 @!p1 $0x1082;
	[sflag:s4] =	ssyncset.s32 $0xFFFFF086  }
0x25: {  	[simem:s6], [sflag:s4] =	dma.local [hbm:s3], $0xF7A  }
0x26: {  	[smem:$0x3F7B] =	sst s1;
	(tag) =	ssettag s2;
	_ =	strace s9  }
0x27: {  	s1 =	sld [smem:$0x3F8B]  }
0x28: {  	s2 =	sld [smem:$0x3F8C]  }
0x29: {  	s4 =	sld [smem:$0x3F8E]  }
0x2a: {  	p0 =	seq.s32 s5, $0x0;
	s5 =	sld [smem:$0x3F8F]  }
0x2b: {  	s6 =	sld [smem:$0x3F90]  }
0x2c: {  	s7 =	sld [smem:$0x3F91]  }
0x2d: {  	s3 =	simm.s32 $0x108;
	s8 =	sld [smem:$0x3F92]  }
0x2e: {  	s3 =	simm.s32 @!p0 $0x1082;
	s9 =	sld [smem:$0x3F93]  }
0x2f: {  	lr =	sadd.s32 s0, s3;
	s0 =	sld [smem:$0x3F8A]  }
0x30: {  	s3 =	sld [smem:$0x3F8D]  }
0x31: {  	[smem:$0x3F96] =	sst s10  }
0x32: {  	s10 =	sld [smem:$0x3F94];
	_ =	sdelay $0x3  }
0x33: {  	p0 =	seq.s32 s10, $0x1;
	s10 =	sld [smem:$0x3F96];
	_ =	sdelay $0x3  }
0x34: {  	[smem:$0x3F96] =	sst s10  }
0x35: {  	s10 =	sld [smem:$0x3F95];
	_ =	sdelay $0x3  }
0x36: {  	p1 =	seq.s32 s10, $0x1;
	s10 =	sld [smem:$0x3F96];
	_ =	sdelay $0x3  }
0x37: {  	[smem:$0x3F96] =	sst s10  }
0x38: {  	s10 =	sld [smem:$0x3F97]  }
0x39: {  	_ = 	snop;
	(pc) =	sbr.ind lr, $3  }
0x3a: {  	_ = 	snop  }
0x3b: {  	_ = 	snop  }
0x3c: {  	p2 =	seq.s32 s10, $0x1;
	s10 =	sld [smem:$0x3F96]  }
0x3d: {  	_ =	shalt  }
0x3e: {  	_ =	shalt  }
0x3f: {  	_ =	shalt  }
0x40: {  	_ =	shalt  }
0x41: {  	_ =	shalt  }
0x42: {  	_ =	shalt  }
0x43: {  	_ =	shalt  }
0x44: {  	_ =	shalt  }
0x45: {  	_ =	shalt  }
0x46: {  	_ =	shalt  }
0x47: {  	_ =	shalt  }
0x48: {  	_ =	shalt  }
0x49: {  	_ =	shalt  }
0x4a: {  	_ =	shalt  }
0x4b: {  	_ =	shalt  }
0x4c: {  	_ =	shalt  }
0x4d: {  	_ =	shalt  }
0x4e: {  	_ =	shalt  }
0x4f: {  	_ =	shalt  }
0x50: {  	_ =	shalt  }
0x51: {  	_ =	shalt  }
0x52: {  	_ =	shalt  }
0x53: {  	_ =	shalt  }
0x54: {  	_ =	shalt  }
0x55: {  	_ =	shalt  }
0x56: {  	_ =	shalt  }
0x57: {  	_ =	shalt  }
0x58: {  	_ =	shalt  }
0x59: {  	_ =	shalt  }
0x5a: {  	_ =	shalt  }
0x5b: {  	_ =	shalt  }
0x5c: {  	_ =	shalt  }
0x5d: {  	_ =	shalt  }
0x5e: {  	_ =	shalt  }
0x5f: {  	_ =	shalt  }
0x60: {  	_ =	shalt  }
0x61: {  	_ =	shalt  }
0x62: {  	_ =	shalt  }
0x63: {  	_ =	shalt  }
0x64: {  	_ =	shalt  }
0x65: {  	_ =	shalt  }
0x66: {  	_ =	shalt  }
0x67: {  	_ =	shalt  }
0x68: {  	_ =	shalt  }
0x69: {  	_ =	shalt  }
0x6a: {  	_ =	shalt  }
0x6b: {  	_ =	shalt  }
0x6c: {  	_ =	shalt  }
0x6d: {  	_ =	shalt  }
0x6e: {  	_ =	shalt  }
0x6f: {  	_ =	shalt  }
0x70: {  	_ =	shalt  }
0x71: {  	_ =	shalt  }
0x72: {  	_ =	shalt  }
0x73: {  	_ =	shalt  }
0x74: {  	_ =	shalt  }
0x75: {  	_ =	shalt  }
0x76: {  	_ =	shalt  }
0x77: {  	_ =	shalt  }
0x78: {  	_ =	shalt  }
0x79: {  	_ =	shalt  }
0x7a: {  	_ =	shalt  }
0x7b: {  	_ =	shalt  }
0x7c: {  	_ =	shalt  }
0x7d: {  	_ =	shalt  }
0x7e: {  	_ =	shalt  }
0x7f: {  	_ =	shalt  }
0x80: {  	_ =	shalt  }
0x81: {  	_ =	shalt  }
0x82: {  	_ =	shalt  }
0x83: {  	_ =	shalt  }
0x84: {  	_ =	shalt  }
0x85: {  	_ =	shalt  }
0x86: {  	_ =	shalt  }
0x87: {  	_ =	shalt  }
.Lfunc_end0:
.L_simem_size_0:
called_computation.2_lowered:
.L_overlay_start_0:
0x88: {  	s2 =	sld [smem:$0x3FD9]  }
0x89: {  	s3 =	sld [smem:$0x3FFE];
	_ =	sdelay $0x1  }
0x8a: {  	s1 =	srdreg.scid  }
0x8b: {  	s0 =	sand.u32 $0x1, s1  }
0x8c: {  	s17 =	sshll.u32 s0, $0xA;
	s2 =	sadd.s32 s3, s2  }
0x8d: {  	s2 =	sadd.s32 s2, s17  }
0x8e: {  	[smem:$0x3FA2] =	sst s2  }
0x8f: {  	_ = 	snop  }
0x90: {  	(tm) =	ssettm $0x1  }
0x91: {  	s18 =	sld [smem:$0x3FFB];
	_ =	sdelay $0x3  }
0x92: {  	_ =	strace s18  }
0x93: {  	s2 =	sld [smem:$0x3FFC];
	_ =	sdelay $0x3  }
0x94: {  	_ =	strace s2  }
0x95: {  	s2 =	sld [smem:$0x3FFD];
	_ =	sdelay $0x3  }
0x96: {  	_ =	strace s2  }
0x97: {  	_ =	strace $0x8FFFFFFF  }
0x98: {  	s19 =	sld [smem:$0x3FDB];
	_ =	sdelay $0x1  }
0x99: {  	s20 =	simm.s32 $_scs_section_size  }
0x9a: {  	s4 =	simm.s32 $_size__tile_overlayer_lowered;
	s5 =	simm.s32 $_tile_overlayer_lowered  }
0x9b: {  	s6 =	simm.s32 $0x1BFF;
	s21 =	sshll.u32 s5, $0x1;
	s3 =	sadd.s32 s20, s19  }
0x9c: {  	s22 =	simm.s32 $0x0;
	s4 =	sshll.u32 s4, $0x1;
	s5 =	sadd.s32 s21, s3  }
0x9d: {  	[timem:s22], [sflag:s6] =	dma.local [hbm:s5], s4  }
0x9e: {  	_ =	swait.ge [sflag:s6], s4  }
0x9f: {  	s4 =	ssub.s32 $0x0, s4;
	[sflag:s6] =	ssyncset.done $0x0  }
0xa0: {  	[sflag:s6] =	ssyncadd.s32 s4;
	_ =	sdelay $0x1  }
0xa1: {  	s23 =	simm.s32 $0x1B8B  }
0xa2: {  	_ =	swait.ge [sflag:s23], $0x1  }
0xa3: {  	[sflag:s23] =	ssyncset.done $0x0  }
0xa4: {  	[sflag:s23] =	ssyncadd.s32 $0xFFFFFFFF  }
0xa5: {  	s4 =	sld [smem:$0x0]  }
0xa6: {  	s5 =	sand.u32 $0xFFFFFFFE, s1  }
0xa7: {  	p0 =	sne.s32 s1, s5  }
0xa8: {  	s5 =	sshll.u32 @p0 s5, $0xE  }
0xa9: {  	s5 =	sadd.s32 @p0 $0x11B8D, s5;
	s6 =	sshll.u32 @p0 s4, $0x11  }
0xaa: {  	s5 =	sor.u32 @p0 s6, s5  }
0xab: {  	[sflag:s5] =	ssyncadd.remote.s32 @p0 $0x1;
	_ =	sdelay $0x1  }
0xac: {  	s5 =	simm.s32 @p0 $0x1B8D  }
0xad: {  	_ =	swait.eq @p0 [sflag:s5], $0x1  }
0xae: {  	[sflag:s5] =	ssyncadd.s32 @p0 $0xFFFFFFFF  }
0xaf: {  	s6 =	sshll.u32 @!p0 s1, $0xE  }
0xb0: {  	s6 =	sor.u32 @!p0 $0x4000, s6;
	s5 =	simm.s32 @!p0 $0x1B8D  }
0xb1: {  	s4 =	sshll.u32 @!p0 s4, $0x11;
	s6 =	sadd.s32 @!p0 $0x11B8D, s6;
	_ =	swait.eq @!p0 [sflag:s5], $0x1  }
0xb2: {  	s4 =	sor.u32 @!p0 s4, s6;
	[sflag:s5] =	ssyncadd.s32 @!p0 $0xFFFFFFFF  }
0xb3: {  	s25 =	simm.s32 $0x1B8E;
	s24 =	sld [smem:$0x3FFE];
	[sflag:s4] =	ssyncadd.remote.s32 @!p0 $0x1  }
0xb4: {  	s26 =	simm.s32 $execute0_lowered;
	[smem:$0x3FD2] =	sst s25  }
0xb5: {  	s5 =	sshll.u32 s26, $0x1;
	_ =	strace $0x80000049;
	[dreg:$0x1] =	wrdreg $0xFFFFFFFF  }
0xb6: {  	s28 =	simm.s32 $_size_execute0_lowered;
	s3 =	sadd.s32 s3, s5;
	[dreg:$0x0] =	wrdreg $0x0  }
0xb7: {  	s5 =	sshll.u32 s28, $0x1;
	[dreg:$0x2] =	wrdreg s3  }
0xb8: {  	[dreg:$0x3] =	wrdreg s5  }
0xb9: {  	[dreg:$0x4] =	wrdreg $0xC0  }
0xba: {  	_ =	task [dreg:s22], $0x5FFFF  }
0xbb: {  	[dreg:$0x1] =	wrdreg $0xFFFFFFFF  }
0xbc: {  	[dreg:$0x0] =	wrdreg $0x60  }
0xbd: {  	[dreg:$0x2] =	wrdreg s24  }
0xbe: {  	[dreg:$0x3] =	wrdreg $0xA  }
0xbf: {  	_ =	task.clear_ibuf [dreg:s22], $0x4FFFF;
	_ =	strace $0x90000049  }
0xc0: {  	s29 =	simm.s32 $0xA;
	_ =	strace $0x8000004B  }
0xc1: {  	_ =	swait.ge [sflag:s29], $0x1  }
0xc2: {  	[sflag:s29] =	ssyncadd.s32 $0xFFFFFFFF  }
0xc3: {  	_ =	strace $0x9000004B  }
0xc4: {  	_ =	sfence  }
0xc5: {  	s30 =	sld [smem:$0x0];
	_ =	sdelay $0x2  }
0xc6: {  	s31 =	sshll.u32 s1, $0xD;
	s1 =	sshrl.u32 s1, $0x2  }
0xc7: {  	s4 =	sand.u32 $0x4000, s31;
	s1 =	sadd.s32 s1, s30  }
0xc8: {  	s0 =	sor.u32 s4, s0;
	s1 =	sshll.u32 s1, $0x11  }
0xc9: {  	s0 =	sor.u32 s1, s0  }
0xca: {  	s0 =	sadd.s32 $0x8F2B, s0  }
0xcb: {  	[sflag:s0] =	ssyncadd.remote.s32 $0x1  }
0xcc: {  	_ =	sfence.sel $0xFFFF  }
0xcd: {  	[dreg:$0x0] =	wrdreg $0xFFFFFFFF;
	(pc) =	sbr.abs _section_cstart, $3  }
0xce: {  	[dreg:$0x1] =	wrdreg $0xFFFFFFFF  }
0xcf: {  	_ =	task.clear_ibuf [dreg:s22], $0x2FFFF;
	_ =	strace $0x9FFFFFFF  }
0xd0: {  	(tm) =	ssettm $0x7FFFFFFF  }
0xd1: {  	_ =	shalt  }
tec
execute0_lowered:
.L_overlay_start_1:
0x0: {  	(tag) =	ssettag $0x1  }
0x1: {  	s4 =	rddreg [dreg:$0x0]  }
0x2: {  	s0 =	rddreg [dreg:$0x1]  }
0x3: {  	s3 =	srdreg.scid;
	s1 =	stileid.u32;
	s2 =	simm.s32 $0x0  }
0x4: {  	s10 =	simm.s32 $0x1000;
	s11 =	simm.s32 $0x9000;
	s12 =	simm.s32 $0x1  }
0x5: {  	s13 =	simm.s32 $0x2;
	s14 =	simm.s32 $0x0;
	s6 =	smul.u32 $0xC000, s1  }
0x6: {  	s5 =	sand.u32 $0x1, s3;
	[smem:$0x7FF] =	sst s2;
	s8 =	smul.u32 $0x18000, s1  }
0x7: {  	s3 =	sadd.s32 $0x8A00, s4;
	s7 =	smul.u32 $0x6000, s5;
	s9 =	ssub.s32 $0x2, s5  }
0x8: {  	_ =	strace $0x8000004A;
	s5 =	smul.u32 $0xC000, s5;
	s30 =	sshrl.u32 s9, $0x1  }
0x9: {  	s29 =	sadd.s32 s8, s4;
	s6 =	sadd.s32 s7, s6;
	s8 =	ssub.s32 s9, s30  }
0xa: {  	s5 =	sadd.s32 s5, s29;
	s9 =	simm.s32 $0x800;
	s6 =	sshrl.u32 s6, $0x3  }
0xb: {  	s5 =	sadd.s32 $0x64F600, s5;
	s31 =	sadd.s32 s6, s4;
	s4 =	smax.u32 s8, $0x1  }
0xc: {  	s8 =	simm.s32 $0x3;
	s6 =	sadd.s32 $0x6D200, s31;
	s7 =	sadd.s32 $0x55200, s31  }
.LBB2_1:
0xd: {  	s15 =	sadd.s32 $0x0, s7  }
0xe: {  	[tilespmem:s2], [sflag:$0x3] =	stream.linear.gather [hbm4b:s15+s2], $0x800, $0x38;
	[tilespmem:$0x11000] =	vst v63  }
0xf: {  	_ =	swait.ge [sflag:s8], $0x800  }
0x10: {  	[sflag:s8] =	ssyncset.done $0x0  }
0x11: {  	s30 =	sadd.s32 $0x0, s6;
	[sflag:s8] =	ssyncadd.s32 $0xFFFFF800  }
0x12: {  	[tilespmem:s9], [sflag:$0x3] =	stream.linear.gather [hbm4b:s30+s2], $0x800, $0x38;
	[tilespmem:$0x11000] =	vst v63  }
0x13: {  	_ =	swait.ge [sflag:s8], $0x800  }
0x14: {  	[sflag:s8] =	ssyncset.done $0x0  }
0x15: {  	[sflag:s8] =	ssyncadd.s32 $0xFFFFF800  }
0x16: {  	[tilespmem:s10], [sflag:$0x1] =	stream.indirect.gather [hbm4b:s3+s9], $0x10, s2, s9, $0xb8;
	[tilespmem:$0x11000] =	vst v63  }
0x17: {  	_ = 	snop  }
0x18: {  	[tilespmem:s11], [sflag:$0x2] =	stream.indirect.gather [hbm4b:s3+s9], $0x10, s9, s9, $0xb8;
	[tilespmem:$0x11000] =	vst v63  }
0x19: {  	_ =	swait.ge [sflag:s12], $0x8000  }
0x1a: {  	[sflag:s12] =	ssyncset.done $0x0  }
0x1b: {  	[sflag:s12] =	ssyncadd.s32 $0xFFFF8000  }
0x1c: {  	_ =	swait.ge [sflag:s13], $0x8000  }
0x1d: {  	[sflag:s13] =	ssyncset.done $0x0  }
0x1e: {  	s31 =	sadd.s32 $0xFFE80000, s5;
	[sflag:s13] =	ssyncadd.s32 $0xFFFF8000  }
0x1f: {  	[hbm4b:s31+s2] =	stream.linear.scatter [tilespmem:s10], [sflag:$0x3], $0x8000, $0x38;
	[tilespmem:$0x11000] =	vst v63  }
0x20: {  	_ =	swait.ge [sflag:s8], $0x8000  }
0x21: {  	[sflag:s8] =	ssyncset.done $0x0  }
0x22: {  	[sflag:s8] =	ssyncadd.s32 $0xFFFF8000  }
0x23: {  	[hbm4b:s5+s2] =	stream.linear.scatter [tilespmem:s11], [sflag:$0x3], $0x8000, $0x38;
	[tilespmem:$0x11000] =	vst v63  }
0x24: {  	s16 =	simm.s32 $0x100;
	_ =	swait.ge [sflag:s8], $0x8000  }
0x25: {  	s17 =	simm.s32 $0x200;
	s15 =	sadd.s32 $0x1000, s5;
	[sflag:s8] =	ssyncset.done $0x0  }
.LBB2_2:
0x26: {  	s18 =	sadd.s32 s16, s7  }
0x27: {  	[sflag:s8] =	ssyncadd.s32 $0xFFFF8000;
	s19 =	smov.u32 s17;
	s20 =	sadd.s32 $0x100, s17  }
0x28: {  	[tilespmem:s2], [sflag:$0x3] =	stream.linear.gather [hbm4b:s18+s2], $0x800, $0x38;
	[tilespmem:$0x11000] =	vst v63  }
0x29: {  	p0 =	sne.s32 s17, $0xB00;
	_ =	swait.ge [sflag:s8], $0x800  }
0x2a: {  	[sflag:s8] =	ssyncset.done $0x0  }
0x2b: {  	s17 =	sadd.s32 s16, s6;
	s16 =	smov.u32 s19;
	[sflag:s8] =	ssyncadd.s32 $0xFFFFF800  }
0x2c: {  	[tilespmem:s9], [sflag:$0x3] =	stream.linear.gather [hbm4b:s17+s2], $0x800, $0x38;
	[tilespmem:$0x11000] =	vst v63  }
0x2d: {  	_ =	swait.ge [sflag:s8], $0x800  }
0x2e: {  	[sflag:s8] =	ssyncset.done $0x0  }
0x2f: {  	[sflag:s8] =	ssyncadd.s32 $0xFFFFF800  }
0x30: {  	[tilespmem:s10], [sflag:$0x1] =	stream.indirect.gather [hbm4b:s3+s9], $0x10, s2, s9, $0xb8;
	[tilespmem:$0x11000] =	vst v63  }
0x31: {  	_ = 	snop  }
0x32: {  	[tilespmem:s11], [sflag:$0x2] =	stream.indirect.gather [hbm4b:s3+s9], $0x10, s9, s9, $0xb8;
	[tilespmem:$0x11000] =	vst v63  }
0x33: {  	_ =	swait.ge [sflag:s12], $0x8000  }
0x34: {  	[sflag:s12] =	ssyncset.done $0x0  }
0x35: {  	[sflag:s12] =	ssyncadd.s32 $0xFFFF8000  }
0x36: {  	_ =	swait.ge [sflag:s13], $0x8000  }
0x37: {  	[sflag:s13] =	ssyncset.done $0x0  }
0x38: {  	s17 =	sadd.s32 $0xFFE80000, s15;
	[sflag:s13] =	ssyncadd.s32 $0xFFFF8000  }
0x39: {  	[hbm4b:s17+s2] =	stream.linear.scatter [tilespmem:s10], [sflag:$0x3], $0x8000, $0x38;
	[tilespmem:$0x11000] =	vst v63  }
0x3a: {  	_ =	swait.ge [sflag:s8], $0x8000  }
.Ltmp0:
0x3b: {  	[sflag:s8] =	ssyncset.done $0x0;
	(pc) =	sbr.rel @p0 .LBB2_2-.Ltmp0, $4  }
0x3c: {  	[sflag:s8] =	ssyncadd.s32 $0xFFFF8000  }
0x3d: {  	[hbm4b:s15+s2] =	stream.linear.scatter [tilespmem:s11], [sflag:$0x3], $0x8000, $0x38;
	[tilespmem:$0x11000] =	vst v63  }
0x3e: {  	_ =	swait.ge [sflag:s8], $0x8000  }
0x3f: {  	s17 =	smov.u32 s20;
	s15 =	sadd.s32 $0x1000, s15;
	[sflag:s8] =	ssyncset.done $0x0  }
0x40: {  	s17 =	sadd.s32 s16, s7;
	[sflag:s8] =	ssyncadd.s32 $0xFFFF8000  }
0x41: {  	[tilespmem:s2], [sflag:$0x3] =	stream.linear.gather [hbm4b:s17+s2], $0x800, $0x38;
	[tilespmem:$0x11000] =	vst v63  }
0x42: {  	_ =	swait.ge [sflag:s8], $0x800  }
0x43: {  	[sflag:s8] =	ssyncset.done $0x0  }
0x44: {  	s30 =	sadd.s32 s16, s6;
	[sflag:s8] =	ssyncadd.s32 $0xFFFFF800  }
0x45: {  	[tilespmem:s9], [sflag:$0x3] =	stream.linear.gather [hbm4b:s30+s2], $0x800, $0x38;
	[tilespmem:$0x11000] =	vst v63  }
0x46: {  	_ =	swait.ge [sflag:s8], $0x800  }
0x47: {  	[sflag:s8] =	ssyncset.done $0x0  }
0x48: {  	[sflag:s8] =	ssyncadd.s32 $0xFFFFF800  }
0x49: {  	[tilespmem:s10], [sflag:$0x1] =	stream.indirect.gather [hbm4b:s3+s9], $0x10, s2, s9, $0xb8;
	[tilespmem:$0x11000] =	vst v63  }
0x4a: {  	_ = 	snop  }
0x4b: {  	[tilespmem:s11], [sflag:$0x2] =	stream.indirect.gather [hbm4b:s3+s9], $0x10, s9, s9, $0xb8;
	[tilespmem:$0x11000] =	vst v63  }
0x4c: {  	_ =	swait.ge [sflag:s12], $0x8000  }
0x4d: {  	[sflag:s12] =	ssyncset.done $0x0  }
0x4e: {  	[sflag:s12] =	ssyncadd.s32 $0xFFFF8000  }
0x4f: {  	_ =	swait.ge [sflag:s13], $0x8000  }
0x50: {  	[sflag:s13] =	ssyncset.done $0x0  }
0x51: {  	s31 =	sadd.s32 $0xFFE80000, s15;
	[sflag:s13] =	ssyncadd.s32 $0xFFFF8000  }
0x52: {  	[hbm4b:s31+s2] =	stream.linear.scatter [tilespmem:s10], [sflag:$0x3], $0x8000, $0x38;
	[tilespmem:$0x11000] =	vst v63  }
0x53: {  	s14 =	sadd.s32 $0x1, s14;
	_ =	swait.ge [sflag:s8], $0x8000  }
0x54: {  	p0 =	sne.s32 s14, s4;
	[sflag:s8] =	ssyncset.done $0x0  }
.Ltmp1:
0x55: {  	[sflag:s8] =	ssyncadd.s32 $0xFFFF8000;
	(pc) =	sbr.rel @p0 .LBB2_1-.Ltmp1, $4  }
0x56: {  	[hbm4b:s15+s2] =	stream.linear.scatter [tilespmem:s11], [sflag:$0x3], $0x8000, $0x38;
	[tilespmem:$0x11000] =	vst v63  }
0x57: {  	_ =	swait.ge [sflag:s8], $0x8000  }
0x58: {  	[sflag:s8] =	ssyncset.done $0x0  }
0x59: {  	[sflag:s8] =	ssyncadd.s32 $0xFFFF8000  }
0x5a: {  	_ =	sfence.sel $0x180000  }
0x5b: {  	[bflag:$0x0] =	sbarrier.arrive $0xFFFF  }
0x5c: {  	p0 =	sne.s32 s1, $0x0;
	_ =	strace $0x9000004A  }
0x5d: {  	s0 =	sadd.s32 @!p0 $0x100000, s0;
	[bflag:$0x2] =	sbarrier.arrive $0xFFFF  }
0x5e: {  	[sflag:s0] =	ssyncadd.tile.s32 @!p0 $0x1;
	_ =	shalt  }
.Lfunc_end2:
_tile_overlayer_lowered:
.L_overlay_start_2:
0x5f: {  	(tag) =	ssettag $0x2  }
0x60: {  	s0 =	rddreg [dreg:$0x0];
	s2 =	stileid.u32  }
0x61: {  	s1 =	rddreg [dreg:$0x1];
	p0 =	sne.s32 s2, $0x0  }
0x62: {  	s3 =	rddreg [dreg:$0x2];
	[bflag:$0x3] =	sbarrier.arrive $0xFFFF;
	s2 =	simm.s32 @!p0 $0x1C03  }
0x63: {  	[timem:s3], [sflag:s2] =	dma.local @!p0 [hbm:s0], s1  }
0x64: {  	s0 =	simm.s32 @!p0 $0x3  }
0x65: {  	_ =	swait.ge @!p0 [sflag:s0], s1  }
0x66: {  	s1 =	ssub.s32 @!p0 $0x0, s1;
	[sflag:s0] =	ssyncset.done @!p0 $0x0  }
0x67: {  	[sflag:s0] =	ssyncadd.s32 @!p0 s1  }
0x68: {  	[bflag:$0x3] =	sbarrier.arrive $0xFFFF  }
0x69: {  	_ =	shalt  }

// kernel: kernel.26.cloned.1.call-start
scs
__scs_entry_jumppad:
0x0: {  	(pc) =	sbr.rel $0x88, $3  }
0x1: {  	(tag) =	ssettag $0x0;
	lr =	simm.s32 $0x1  }
0x2: {  	[smem:$0x3F7B] =	sst lr;
	_ =	strace $0xD0000000  }
0x3: {  	_ = 	snop  }
0x4: {  	_ = 	snop  }
0x5: {  	_ = 	snop  }
0x6: {  	_ = 	snop  }
0x7: {  	_ = 	snop  }
__scs_overlays_trampoline_lowered:
0x8: {  	[smem:$0x3F8A] =	sst s0  }
0x9: {  	[smem:$0x3F8B] =	sst s1  }
0xa: {  	[smem:$0x3F8C] =	sst s2  }
0xb: {  	[smem:$0x3F8D] =	sst s3  }
0xc: {  	[smem:$0x3F8E] =	sst s4  }
0xd: {  	[smem:$0x3F8F] =	sst s5  }
0xe: {  	[smem:$0x3F90] =	sst s6  }
0xf: {  	[smem:$0x3F91] =	sst s7  }
0x10: {  	[smem:$0x3F92] =	sst s8  }
0x11: {  	[smem:$0x3F93] =	sst s9;
	s0 =	simm.s32 @!p0 $0x0  }
0x12: {  	s1 =	sld [smem:$0x3F79];
	s0 =	simm.s32 @p0 $0x1  }
0x13: {  	[smem:$0x3F94] =	sst s0;
	s0 =	simm.s32 @!p1 $0x0  }
0x14: {  	s2 =	sld [smem:$0x3F78];
	s0 =	simm.s32 @p1 $0x1  }
0x15: {  	[smem:$0x3F95] =	sst s0;
	s0 =	simm.s32 @!p2 $0x0  }
0x16: {  	s3 =	sld [smem:$0x3FDB];
	s0 =	simm.s32 @p2 $0x1  }
0x17: {  	s4 =	simm.s32 $0x1BF5;
	[smem:$0x3F97] =	sst s0  }
0x18: {  	s0 =	sld [smem:$0x3F7A];
	_ =	swait.ge [sflag:s4], $0x0  }
0x19: {  	s7 =	sld [smem:$0x3F7B]  }
0x1a: {  	s8 =	sadd.s32 $0xFFFFE003, lr  }
0x1b: {  	s9 =	sadd.s32 $0xFFFFFEF7, lr;
	s5 =	simm.s32 $0xFFFFFFFF;
	p2 =	slt.u32 s8, $0xFFFFF086  }
0x1c: {  	p1 =	slt.u32 s9, $0xF7A;
	s5 =	simm.s32 @!p2 $0x0  }
0x1d: {  	s5 =	simm.s32 @p1 $0x1;
	p0 =	seq.s32 s7, s2  }
0x1e: {  	s7 =	smul.u32 @!p0 $0xF7A, s2;
	p2 =	seq.s32 @!p0 s5, $0x0  }
0x1f: {  	s9 =	smul.u32 $0xF7A, s1;
	s8 =	simm.s32 @!p0 $0x1BF5;
	p2 =	por !p2, p0  }
0x20: {  	[sflag:s8] =	ssyncset.s32 @!p0 $0xFFFFF086;
	s6 =	sadd.s32 @!p0 s3, s7;
	s7 =	simm.s32 @!p0 $0x108  }
0x21: {  	s3 =	sadd.s32 s3, s9;
	s6 =	sadd.s32 @!p0 $0x88, s6;
	s7 =	simm.s32 @p2 $0x1082  }
0x22: {  	[simem:s7], [sflag:s8] =	dma.local @!p0 [hbm:s6], $0xF7A  }
0x23: {  	s9 =	sor.u32 $0xD0000000, s2;
	s6 =	simm.s32 $0x108;
	_ =	swait.ge @!p0 [sflag:s8], $0x0  }
0x24: {  	s3 =	sadd.s32 $0x88, s3;
	s6 =	simm.s32 @!p1 $0x1082;
	[sflag:s4] =	ssyncset.s32 $0xFFFFF086  }
0x25: {  	[simem:s6], [sflag:s4] =	dma.local [hbm:s3], $0xF7A  }
0x26: {  	[smem:$0x3F7B] =	sst s1;
	(tag) =	ssettag s2;
	_ =	strace s9  }
0x27: {  	s1 =	sld [smem:$0x3F8B]  }
0x28: {  	s2 =	sld [smem:$0x3F8C]  }
0x29: {  	s4 =	sld [smem:$0x3F8E]  }
0x2a: {  	p0 =	seq.s32 s5, $0x0;
	s5 =	sld [smem:$0x3F8F]  }
0x2b: {  	s6 =	sld [smem:$0x3F90]  }
0x2c: {  	s7 =	sld [smem:$0x3F91]  }
0x2d: {  	s3 =	simm.s32 $0x108;
	s8 =	sld [smem:$0x3F92]  }
0x2e: {  	s3 =	simm.s32 @!p0 $0x1082;
	s9 =	sld [smem:$0x3F93]  }
0x2f: {  	lr =	sadd.s32 s0, s3;
	s0 =	sld [smem:$0x3F8A]  }
0x30: {  	s3 =	sld [smem:$0x3F8D]  }
0x31: {  	[smem:$0x3F96] =	sst s10  }
0x32: {  	s10 =	sld [smem:$0x3F94];
	_ =	sdelay $0x3  }
0x33: {  	p0 =	seq.s32 s10, $0x1;
	s10 =	sld [smem:$0x3F96];
	_ =	sdelay $0x3  }
0x34: {  	[smem:$0x3F96] =	sst s10  }
0x35: {  	s10 =	sld [smem:$0x3F95];
	_ =	sdelay $0x3  }
0x36: {  	p1 =	seq.s32 s10, $0x1;
	s10 =	sld [smem:$0x3F96];
	_ =	sdelay $0x3  }
0x37: {  	[smem:$0x3F96] =	sst s10  }
0x38: {  	s10 =	sld [smem:$0x3F97]  }
0x39: {  	_ = 	snop;
	(pc) =	sbr.ind lr, $3  }
0x3a: {  	_ = 	snop  }
0x3b: {  	_ = 	snop  }
0x3c: {  	p2 =	seq.s32 s10, $0x1;
	s10 =	sld [smem:$0x3F96]  }
0x3d: {  	_ =	shalt  }
0x3e: {  	_ =	shalt  }
0x3f: {  	_ =	shalt  }
0x40: {  	_ =	shalt  }
0x41: {  	_ =	shalt  }
0x42: {  	_ =	shalt  }
0x43: {  	_ =	shalt  }
0x44: {  	_ =	shalt  }
0x45: {  	_ =	shalt  }
0x46: {  	_ =	shalt  }
0x47: {  	_ =	shalt  }
0x48: {  	_ =	shalt  }
0x49: {  	_ =	shalt  }
0x4a: {  	_ =	shalt  }
0x4b: {  	_ =	shalt  }
0x4c: {  	_ =	shalt  }
0x4d: {  	_ =	shalt  }
0x4e: {  	_ =	shalt  }
0x4f: {  	_ =	shalt  }
0x50: {  	_ =	shalt  }
0x51: {  	_ =	shalt  }
0x52: {  	_ =	shalt  }
0x53: {  	_ =	shalt  }
0x54: {  	_ =	shalt  }
0x55: {  	_ =	shalt  }
0x56: {  	_ =	shalt  }
0x57: {  	_ =	shalt  }
0x58: {  	_ =	shalt  }
0x59: {  	_ =	shalt  }
0x5a: {  	_ =	shalt  }
0x5b: {  	_ =	shalt  }
0x5c: {  	_ =	shalt  }
0x5d: {  	_ =	shalt  }
0x5e: {  	_ =	shalt  }
0x5f: {  	_ =	shalt  }
0x60: {  	_ =	shalt  }
0x61: {  	_ =	shalt  }
0x62: {  	_ =	shalt  }
0x63: {  	_ =	shalt  }
0x64: {  	_ =	shalt  }
0x65: {  	_ =	shalt  }
0x66: {  	_ =	shalt  }
0x67: {  	_ =	shalt  }
0x68: {  	_ =	shalt  }
0x69: {  	_ =	shalt  }
0x6a: {  	_ =	shalt  }
0x6b: {  	_ =	shalt  }
0x6c: {  	_ =	shalt  }
0x6d: {  	_ =	shalt  }
0x6e: {  	_ =	shalt  }
0x6f: {  	_ =	shalt  }
0x70: {  	_ =	shalt  }
0x71: {  	_ =	shalt  }
0x72: {  	_ =	shalt  }
0x73: {  	_ =	shalt  }
0x74: {  	_ =	shalt  }
0x75: {  	_ =	shalt  }
0x76: {  	_ =	shalt  }
0x77: {  	_ =	shalt  }
0x78: {  	_ =	shalt  }
0x79: {  	_ =	shalt  }
0x7a: {  	_ =	shalt  }
0x7b: {  	_ =	shalt  }
0x7c: {  	_ =	shalt  }
0x7d: {  	_ =	shalt  }
0x7e: {  	_ =	shalt  }
0x7f: {  	_ =	shalt  }
0x80: {  	_ =	shalt  }
0x81: {  	_ =	shalt  }
0x82: {  	_ =	shalt  }
0x83: {  	_ =	shalt  }
0x84: {  	_ =	shalt  }
0x85: {  	_ =	shalt  }
0x86: {  	_ =	shalt  }
0x87: {  	_ =	shalt  }
.Lfunc_end0:
.L_simem_size_0:
called_computation.3_lowered:
.L_overlay_start_0:
0x88: {  	s2 =	sld [smem:$0x3FD9]  }
0x89: {  	s3 =	sld [smem:$0x3FFE];
	_ =	sdelay $0x1  }
0x8a: {  	s1 =	srdreg.scid  }
0x8b: {  	s0 =	sand.u32 $0x1, s1  }
0x8c: {  	s17 =	sshll.u32 s0, $0xA;
	s2 =	sadd.s32 s3, s2  }
0x8d: {  	s2 =	sadd.s32 s2, s17  }
0x8e: {  	[smem:$0x3FA2] =	sst s2  }
0x8f: {  	_ = 	snop  }
0x90: {  	(tm) =	ssettm $0x1  }
0x91: {  	s18 =	sld [smem:$0x3FFB];
	_ =	sdelay $0x3  }
0x92: {  	_ =	strace s18  }
0x93: {  	s2 =	sld [smem:$0x3FFC];
	_ =	sdelay $0x3  }
0x94: {  	_ =	strace s2  }
0x95: {  	s2 =	sld [smem:$0x3FFD];
	_ =	sdelay $0x3  }
0x96: {  	_ =	strace s2  }
0x97: {  	_ =	strace $0x8FFFFFFF  }
0x98: {  	s19 =	sld [smem:$0x3FDB];
	_ =	sdelay $0x1  }
0x99: {  	s20 =	simm.s32 $_scs_section_size  }
0x9a: {  	s4 =	simm.s32 $_size__tile_overlayer_lowered;
	s5 =	simm.s32 $_tile_overlayer_lowered  }
0x9b: {  	s6 =	simm.s32 $0x1BFF;
	s21 =	sshll.u32 s5, $0x1;
	s3 =	sadd.s32 s20, s19  }
0x9c: {  	s22 =	simm.s32 $0x0;
	s4 =	sshll.u32 s4, $0x1;
	s5 =	sadd.s32 s21, s3  }
0x9d: {  	[timem:s22], [sflag:s6] =	dma.local [hbm:s5], s4  }
0x9e: {  	_ =	swait.ge [sflag:s6], s4  }
0x9f: {  	s4 =	ssub.s32 $0x0, s4;
	[sflag:s6] =	ssyncset.done $0x0  }
0xa0: {  	[sflag:s6] =	ssyncadd.s32 s4;
	_ =	sdelay $0x1  }
0xa1: {  	s23 =	simm.s32 $0x1B8B  }
0xa2: {  	_ =	swait.ge [sflag:s23], $0x1  }
0xa3: {  	[sflag:s23] =	ssyncset.done $0x0  }
0xa4: {  	[sflag:s23] =	ssyncadd.s32 $0xFFFFFFFF  }
0xa5: {  	s4 =	sld [smem:$0x0]  }
0xa6: {  	s5 =	sand.u32 $0xFFFFFFFE, s1  }
0xa7: {  	p0 =	sne.s32 s1, s5  }
0xa8: {  	s5 =	sshll.u32 @p0 s5, $0xE  }
0xa9: {  	s5 =	sadd.s32 @p0 $0x11B8D, s5;
	s6 =	sshll.u32 @p0 s4, $0x11  }
0xaa: {  	s5 =	sor.u32 @p0 s6, s5  }
0xab: {  	[sflag:s5] =	ssyncadd.remote.s32 @p0 $0x1;
	_ =	sdelay $0x1  }
0xac: {  	s5 =	simm.s32 @p0 $0x1B8D  }
0xad: {  	_ =	swait.eq @p0 [sflag:s5], $0x1  }
0xae: {  	[sflag:s5] =	ssyncadd.s32 @p0 $0xFFFFFFFF  }
0xaf: {  	s6 =	sshll.u32 @!p0 s1, $0xE  }
0xb0: {  	s6 =	sor.u32 @!p0 $0x4000, s6;
	s5 =	simm.s32 @!p0 $0x1B8D  }
0xb1: {  	s4 =	sshll.u32 @!p0 s4, $0x11;
	s6 =	sadd.s32 @!p0 $0x11B8D, s6;
	_ =	swait.eq @!p0 [sflag:s5], $0x1  }
0xb2: {  	s4 =	sor.u32 @!p0 s4, s6;
	[sflag:s5] =	ssyncadd.s32 @!p0 $0xFFFFFFFF  }
0xb3: {  	s25 =	simm.s32 $0x1B8E;
	s24 =	sld [smem:$0x3FFE];
	[sflag:s4] =	ssyncadd.remote.s32 @!p0 $0x1  }
0xb4: {  	s26 =	simm.s32 $execute0_lowered;
	[smem:$0x3FD2] =	sst s25  }
0xb5: {  	s5 =	sshll.u32 s26, $0x1;
	_ =	strace $0x8000004F;
	[dreg:$0x1] =	wrdreg $0xFFFFFFFF  }
0xb6: {  	s28 =	simm.s32 $_size_execute0_lowered;
	s3 =	sadd.s32 s3, s5;
	[dreg:$0x0] =	wrdreg $0x0  }
0xb7: {  	s5 =	sshll.u32 s28, $0x1;
	[dreg:$0x2] =	wrdreg s3  }
0xb8: {  	[dreg:$0x3] =	wrdreg s5  }
0xb9: {  	[dreg:$0x4] =	wrdreg $0xC0  }
0xba: {  	_ =	task [dreg:s22], $0x5FFFF  }
0xbb: {  	[dreg:$0x1] =	wrdreg $0xFFFFFFFF  }
0xbc: {  	[dreg:$0x0] =	wrdreg $0x60  }
0xbd: {  	[dreg:$0x2] =	wrdreg s24  }
0xbe: {  	[dreg:$0x3] =	wrdreg $0x0  }
0xbf: {  	[dreg:$0x4] =	wrdreg $0xA  }
0xc0: {  	_ =	task.clear_ibuf [dreg:s22], $0x5FFFF;
	_ =	strace $0x9000004F  }
0xc1: {  	s29 =	simm.s32 $0xA;
	_ =	strace $0x80000051  }
0xc2: {  	_ =	swait.ge [sflag:s29], $0x1  }
0xc3: {  	[sflag:s29] =	ssyncadd.s32 $0xFFFFFFFF  }
0xc4: {  	_ =	strace $0x90000051  }
0xc5: {  	_ =	sfence  }
0xc6: {  	s30 =	sld [smem:$0x0];
	_ =	sdelay $0x2  }
0xc7: {  	s31 =	sshll.u32 s1, $0xD;
	s1 =	sshrl.u32 s1, $0x2  }
0xc8: {  	s4 =	sand.u32 $0x4000, s31;
	s1 =	sadd.s32 s1, s30  }
0xc9: {  	s0 =	sor.u32 s4, s0;
	s1 =	sshll.u32 s1, $0x11  }
0xca: {  	s0 =	sor.u32 s1, s0  }
0xcb: {  	s0 =	sadd.s32 $0x8F2B, s0  }
0xcc: {  	[sflag:s0] =	ssyncadd.remote.s32 $0x1  }
0xcd: {  	_ =	sfence.sel $0xFFFF  }
0xce: {  	[dreg:$0x0] =	wrdreg $0xFFFFFFFF;
	(pc) =	sbr.abs _section_cstart, $3  }
0xcf: {  	[dreg:$0x1] =	wrdreg $0xFFFFFFFF  }
0xd0: {  	_ =	task.clear_ibuf [dreg:s22], $0x2FFFF;
	_ =	strace $0x9FFFFFFF  }
0xd1: {  	(tm) =	ssettm $0x7FFFFFFF  }
tec
execute0_lowered:
.L_overlay_start_1:
0x0: {  	(tag) =	ssettag $0x1  }
0x1: {  	s0 =	stileid.u32  }
0x2: {  	s1 =	srdreg.scid;
	s4 =	rddreg [dreg:$0x0]  }
0x3: {  	s2 =	rddreg [dreg:$0x1];
	s3 =	simm.s32 $0x0;
	s6 =	smul.u32 $0xC000, s0  }
0x4: {  	s14 =	simm.s32 $0x200;
	s15 =	simm.s32 $0x0;
	s8 =	smul.u32 $0x30000, s0  }
0x5: {  	s5 =	sand.u32 $0x1, s1;
	s1 =	rddreg [dreg:$0x2];
	s28 =	smul.u32 $0x186A0, s0  }
0x6: {  	[smem:$0x7FF] =	sst s3;
	s31 =	sshll.u32 s0, $0x6;
	s7 =	smul.u32 $0x6000, s5  }
0x7: {  	s9 =	smul.u32 $0x186A00, s5;
	_ =	strace $0x80000050;
	s11 =	ssub.s32 $0x2, s5  }
0x8: {  	s30 =	smul.u32 $0x18000, s5;
	s5 =	sor.u32 $0x1C01, s31;
	s8 =	sadd.s32 s8, s4  }
0x9: {  	s29 =	sshrl.u32 s28, $0x3;
	s12 =	sshrl.u32 s11, $0x1;
	s13 =	sadd.s32 s28, s2  }
0xa: {  	s6 =	sadd.s32 s7, s6;
	s9 =	sadd.s32 s28, s9;
	s11 =	ssub.s32 s11, s12  }
0xb: {  	s8 =	sadd.s32 s30, s8;
	s12 =	simm.s32 $0x186A0;
	s6 =	sshrl.u32 s6, $0x3  }
0xc: {  	s9 =	sshrl.u32 s9, $0x3;
	s7 =	smax.u32 s11, $0x1;
	s8 =	sadd.s32 $0xCAF600, s8  }
0xd: {  	s10 =	sadd.s32 s6, s4;
	s6 =	sadd.s32 s29, s4;
	s9 =	sadd.s32 s9, s4  }
0xe: {  	s11 =	simm.s32 $0x1;
	s4 =	sadd.s32 $0x85200, s6;
	s6 =	sadd.s32 $0x371200, s9  }
0xf: {  	s9 =	sadd.s32 $0x6D200, s10;
	s10 =	sshrl.u32 s13, $0x3;
	s13 =	simm.s32 $0x188A0  }
.LBB2_1:
0x10: {  	[spmem:s10], [sflag:s5] =	dma.local [hbm:s4], $0x30D4  }
0x11: {  	_ =	swait.ge [sflag:s11], $0x30D4  }
0x12: {  	[sflag:s11] =	ssyncset.done $0x0  }
0x13: {  	[sflag:s11] =	ssyncadd.s32 $0xFFFFCF2C  }
0x14: {  	s16 =	sadd.s32 $0x0, s9;
	[bflag:$0x0] =	sbarrier.arrive $0xFFFF  }
0x15: {  	[tilespmem:s12], [sflag:$0x1] =	stream.linear.gather [hbm4b:s16+s3], $0x200, $0x38;
	[tilespmem:$0x1C8A0] =	vst v63  }
0x16: {  	_ =	swait.ge [sflag:s11], $0x200  }
0x17: {  	[sflag:s11] =	ssyncset.done $0x0  }
0x18: {  	[sflag:s11] =	ssyncadd.s32 $0xFFFFFE00  }
0x19: {  	[tilespmem:s13], [sflag:$0x1] =	stream.linear.gather [hbm4b:s8+s3], $0x4000, $0x38;
	[tilespmem:$0x1C8A0] =	vst v63  }
0x1a: {  	_ =	swait.ge [sflag:s11], $0x4000  }
0x1b: {  	[sflag:s11] =	ssyncset.done $0x0  }
0x1c: {  	[sflag:s11] =	ssyncadd.s32 $0xFFFFC000  }
0x1d: {  	[spmem:s2] =	stream.indirect.scatter.add.f32 [tilespmem:s13], [sflag:$0x1], $0x20, s12, s14, $0xb8;
	[tilespmem:$0x1C8A0] =	vst v63  }
0x1e: {  	s17 =	simm.s32 $0x40;
	_ =	swait.ge [sflag:s11], $0x4000  }
0x1f: {  	s18 =	simm.s32 $0x80;
	s16 =	sadd.s32 $0x800, s8;
	[sflag:s11] =	ssyncset.done $0x0  }
.LBB2_2:
0x20: {  	s19 =	sadd.s32 s17, s9  }
0x21: {  	[sflag:s11] =	ssyncadd.s32 $0xFFFFC000;
	s17 =	smov.u32 s18;
	s20 =	sadd.s32 $0x40, s18  }
0x22: {  	[tilespmem:s12], [sflag:$0x1] =	stream.linear.gather [hbm4b:s19+s3], $0x200, $0x38;
	[tilespmem:$0x1C8A0] =	vst v63  }
0x23: {  	p0 =	sne.s32 s18, $0xBC0;
	_ =	swait.ge [sflag:s11], $0x200  }
0x24: {  	[sflag:s11] =	ssyncset.done $0x0  }
0x25: {  	[sflag:s11] =	ssyncadd.s32 $0xFFFFFE00  }
0x26: {  	[tilespmem:s13], [sflag:$0x1] =	stream.linear.gather [hbm4b:s16+s3], $0x4000, $0x38;
	[tilespmem:$0x1C8A0] =	vst v63  }
0x27: {  	_ =	swait.ge [sflag:s11], $0x4000  }
.Ltmp0:
0x28: {  	[sflag:s11] =	ssyncset.done $0x0;
	(pc) =	sbr.rel @p0 .LBB2_2-.Ltmp0, $4  }
0x29: {  	[sflag:s11] =	ssyncadd.s32 $0xFFFFC000  }
0x2a: {  	[spmem:s2] =	stream.indirect.scatter.add.f32 [tilespmem:s13], [sflag:$0x1], $0x20, s12, s14, $0xb8;
	[tilespmem:$0x1C8A0] =	vst v63  }
0x2b: {  	_ =	swait.ge [sflag:s11], $0x4000  }
0x2c: {  	s18 =	smov.u32 s20;
	s16 =	sadd.s32 $0x800, s16;
	[sflag:s11] =	ssyncset.done $0x0  }
0x2d: {  	s17 =	sadd.s32 s17, s9;
	[sflag:s11] =	ssyncadd.s32 $0xFFFFC000  }
0x2e: {  	[tilespmem:s12], [sflag:$0x1] =	stream.linear.gather [hbm4b:s17+s3], $0x200, $0x38;
	[tilespmem:$0x1C8A0] =	vst v63  }
0x2f: {  	_ =	swait.ge [sflag:s11], $0x200  }
0x30: {  	[sflag:s11] =	ssyncset.done $0x0  }
0x31: {  	[sflag:s11] =	ssyncadd.s32 $0xFFFFFE00  }
0x32: {  	[tilespmem:s13], [sflag:$0x1] =	stream.linear.gather [hbm4b:s16+s3], $0x4000, $0x38;
	[tilespmem:$0x1C8A0] =	vst v63  }
0x33: {  	_ =	swait.ge [sflag:s11], $0x4000  }
0x34: {  	[sflag:s11] =	ssyncset.done $0x0  }
0x35: {  	[sflag:s11] =	ssyncadd.s32 $0xFFFFC000  }
0x36: {  	[spmem:s2] =	stream.indirect.scatter.add.f32 [tilespmem:s13], [sflag:$0x1], $0x20, s12, s14, $0xb8;
	[tilespmem:$0x1C8A0] =	vst v63  }
0x37: {  	_ =	swait.ge [sflag:s11], $0x4000  }
0x38: {  	s15 =	sadd.s32 $0x1, s15;
	[sflag:s11] =	ssyncset.done $0x0  }
0x39: {  	p0 =	sne.s32 s15, s7;
	[sflag:s11] =	ssyncadd.s32 $0xFFFFC000  }
.Ltmp1:
0x3a: {  	[bflag:$0x0] =	sbarrier.arrive $0xFFFF;
	(pc) =	sbr.rel @p0 .LBB2_1-.Ltmp1, $4  }
0x3b: {  	[hbm:s6], [sflag:s5] =	dma.local [spmem:s10], $0x30D4  }
0x3c: {  	_ =	swait.ge [sflag:s11], $0x30D4  }
0x3d: {  	[sflag:s11] =	ssyncset.done $0x0  }
0x3e: {  	[sflag:s11] =	ssyncadd.s32 $0xFFFFCF2C  }
0x3f: {  	_ =	sfence.sel $0x180000  }
0x40: {  	[bflag:$0x0] =	sbarrier.arrive $0xFFFF  }
0x41: {  	p0 =	sne.s32 s0, $0x0;
	_ =	strace $0x90000050  }
0x42: {  	s0 =	sadd.s32 @!p0 $0x100000, s1;
	[bflag:$0x2] =	sbarrier.arrive $0xFFFF  }
0x43: {  	[sflag:s0] =	ssyncadd.tile.s32 @!p0 $0x1;
	_ =	shalt  }
.Lfunc_end2:
_tile_overlayer_lowered:
.L_overlay_start_2:
0x44: {  	(tag) =	ssettag $0x2  }
0x45: {  	s0 =	rddreg [dreg:$0x0];
	s2 =	stileid.u32  }
0x46: {  	s1 =	rddreg [dreg:$0x1];
	p0 =	sne.s32 s2, $0x0  }
0x47: {  	s3 =	rddreg [dreg:$0x2];
	[bflag:$0x3] =	sbarrier.arrive $0xFFFF;
	s2 =	simm.s32 @!p0 $0x1C01  }
0x48: {  	[timem:s3], [sflag:s2] =	dma.local @!p0 [hbm:s0], s1  }
0x49: {  	s0 =	simm.s32 @!p0 $0x1  }
0x4a: {  	_ =	swait.ge @!p0 [sflag:s0], s1  }
0x4b: {  	s1 =	ssub.s32 @!p0 $0x0, s1;
	[sflag:s0] =	ssyncset.done @!p0 $0x0  }
0x4c: {  	[sflag:s0] =	ssyncadd.s32 @!p0 s1  }
0x4d: {  	[bflag:$0x3] =	sbarrier.arrive $0xFFFF  }
0x4e: {  	_ =	shalt  }

// kernel: kernel.29.cloned.1.call-start
scs
__scs_entry_jumppad:
0x0: {  	(pc) =	sbr.rel $0x88, $3  }
0x1: {  	(tag) =	ssettag $0x0;
	lr =	simm.s32 $0x1  }
0x2: {  	[smem:$0x3F7B] =	sst lr;
	_ =	strace $0xD0000000  }
0x3: {  	_ = 	snop  }
0x4: {  	_ = 	snop  }
0x5: {  	_ = 	snop  }
0x6: {  	_ = 	snop  }
0x7: {  	_ = 	snop  }
__scs_overlays_trampoline_lowered:
0x8: {  	[smem:$0x3F8A] =	sst s0  }
0x9: {  	[smem:$0x3F8B] =	sst s1  }
0xa: {  	[smem:$0x3F8C] =	sst s2  }
0xb: {  	[smem:$0x3F8D] =	sst s3  }
0xc: {  	[smem:$0x3F8E] =	sst s4  }
0xd: {  	[smem:$0x3F8F] =	sst s5  }
0xe: {  	[smem:$0x3F90] =	sst s6  }
0xf: {  	[smem:$0x3F91] =	sst s7  }
0x10: {  	[smem:$0x3F92] =	sst s8  }
0x11: {  	[smem:$0x3F93] =	sst s9;
	s0 =	simm.s32 @!p0 $0x0  }
0x12: {  	s1 =	sld [smem:$0x3F79];
	s0 =	simm.s32 @p0 $0x1  }
0x13: {  	[smem:$0x3F94] =	sst s0;
	s0 =	simm.s32 @!p1 $0x0  }
0x14: {  	s2 =	sld [smem:$0x3F78];
	s0 =	simm.s32 @p1 $0x1  }
0x15: {  	[smem:$0x3F95] =	sst s0;
	s0 =	simm.s32 @!p2 $0x0  }
0x16: {  	s3 =	sld [smem:$0x3FDB];
	s0 =	simm.s32 @p2 $0x1  }
0x17: {  	s4 =	simm.s32 $0x1BF5;
	[smem:$0x3F97] =	sst s0  }
0x18: {  	s0 =	sld [smem:$0x3F7A];
	_ =	swait.ge [sflag:s4], $0x0  }
0x19: {  	s7 =	sld [smem:$0x3F7B]  }
0x1a: {  	s8 =	sadd.s32 $0xFFFFE003, lr  }
0x1b: {  	s9 =	sadd.s32 $0xFFFFFEF7, lr;
	s5 =	simm.s32 $0xFFFFFFFF;
	p2 =	slt.u32 s8, $0xFFFFF086  }
0x1c: {  	p1 =	slt.u32 s9, $0xF7A;
	s5 =	simm.s32 @!p2 $0x0  }
0x1d: {  	s5 =	simm.s32 @p1 $0x1;
	p0 =	seq.s32 s7, s2  }
0x1e: {  	s7 =	smul.u32 @!p0 $0xF7A, s2;
	p2 =	seq.s32 @!p0 s5, $0x0  }
0x1f: {  	s9 =	smul.u32 $0xF7A, s1;
	s8 =	simm.s32 @!p0 $0x1BF5;
	p2 =	por !p2, p0  }
0x20: {  	[sflag:s8] =	ssyncset.s32 @!p0 $0xFFFFF086;
	s6 =	sadd.s32 @!p0 s3, s7;
	s7 =	simm.s32 @!p0 $0x108  }
0x21: {  	s3 =	sadd.s32 s3, s9;
	s6 =	sadd.s32 @!p0 $0x88, s6;
	s7 =	simm.s32 @p2 $0x1082  }
0x22: {  	[simem:s7], [sflag:s8] =	dma.local @!p0 [hbm:s6], $0xF7A  }
0x23: {  	s9 =	sor.u32 $0xD0000000, s2;
	s6 =	simm.s32 $0x108;
	_ =	swait.ge @!p0 [sflag:s8], $0x0  }
0x24: {  	s3 =	sadd.s32 $0x88, s3;
	s6 =	simm.s32 @!p1 $0x1082;
	[sflag:s4] =	ssyncset.s32 $0xFFFFF086  }
0x25: {  	[simem:s6], [sflag:s4] =	dma.local [hbm:s3], $0xF7A  }
0x26: {  	[smem:$0x3F7B] =	sst s1;
	(tag) =	ssettag s2;
	_ =	strace s9  }
0x27: {  	s1 =	sld [smem:$0x3F8B]  }
0x28: {  	s2 =	sld [smem:$0x3F8C]  }
0x29: {  	s4 =	sld [smem:$0x3F8E]  }
0x2a: {  	p0 =	seq.s32 s5, $0x0;
	s5 =	sld [smem:$0x3F8F]  }
0x2b: {  	s6 =	sld [smem:$0x3F90]  }
0x2c: {  	s7 =	sld [smem:$0x3F91]  }
0x2d: {  	s3 =	simm.s32 $0x108;
	s8 =	sld [smem:$0x3F92]  }
0x2e: {  	s3 =	simm.s32 @!p0 $0x1082;
	s9 =	sld [smem:$0x3F93]  }
0x2f: {  	lr =	sadd.s32 s0, s3;
	s0 =	sld [smem:$0x3F8A]  }
0x30: {  	s3 =	sld [smem:$0x3F8D]  }
0x31: {  	[smem:$0x3F96] =	sst s10  }
0x32: {  	s10 =	sld [smem:$0x3F94];
	_ =	sdelay $0x3  }
0x33: {  	p0 =	seq.s32 s10, $0x1;
	s10 =	sld [smem:$0x3F96];
	_ =	sdelay $0x3  }
0x34: {  	[smem:$0x3F96] =	sst s10  }
0x35: {  	s10 =	sld [smem:$0x3F95];
	_ =	sdelay $0x3  }
0x36: {  	p1 =	seq.s32 s10, $0x1;
	s10 =	sld [smem:$0x3F96];
	_ =	sdelay $0x3  }
0x37: {  	[smem:$0x3F96] =	sst s10  }
0x38: {  	s10 =	sld [smem:$0x3F97]  }
0x39: {  	_ = 	snop;
	(pc) =	sbr.ind lr, $3  }
0x3a: {  	_ = 	snop  }
0x3b: {  	_ = 	snop  }
0x3c: {  	p2 =	seq.s32 s10, $0x1;
	s10 =	sld [smem:$0x3F96]  }
0x3d: {  	_ =	shalt  }
0x3e: {  	_ =	shalt  }
0x3f: {  	_ =	shalt  }
0x40: {  	_ =	shalt  }
0x41: {  	_ =	shalt  }
0x42: {  	_ =	shalt  }
0x43: {  	_ =	shalt  }
0x44: {  	_ =	shalt  }
0x45: {  	_ =	shalt  }
0x46: {  	_ =	shalt  }
0x47: {  	_ =	shalt  }
0x48: {  	_ =	shalt  }
0x49: {  	_ =	shalt  }
0x4a: {  	_ =	shalt  }
0x4b: {  	_ =	shalt  }
0x4c: {  	_ =	shalt  }
0x4d: {  	_ =	shalt  }
0x4e: {  	_ =	shalt  }
0x4f: {  	_ =	shalt  }
0x50: {  	_ =	shalt  }
0x51: {  	_ =	shalt  }
0x52: {  	_ =	shalt  }
0x53: {  	_ =	shalt  }
0x54: {  	_ =	shalt  }
0x55: {  	_ =	shalt  }
0x56: {  	_ =	shalt  }
0x57: {  	_ =	shalt  }
0x58: {  	_ =	shalt  }
0x59: {  	_ =	shalt  }
0x5a: {  	_ =	shalt  }
0x5b: {  	_ =	shalt  }
0x5c: {  	_ =	shalt  }
0x5d: {  	_ =	shalt  }
0x5e: {  	_ =	shalt  }
0x5f: {  	_ =	shalt  }
0x60: {  	_ =	shalt  }
0x61: {  	_ =	shalt  }
0x62: {  	_ =	shalt  }
0x63: {  	_ =	shalt  }
0x64: {  	_ =	shalt  }
0x65: {  	_ =	shalt  }
0x66: {  	_ =	shalt  }
0x67: {  	_ =	shalt  }
0x68: {  	_ =	shalt  }
0x69: {  	_ =	shalt  }
0x6a: {  	_ =	shalt  }
0x6b: {  	_ =	shalt  }
0x6c: {  	_ =	shalt  }
0x6d: {  	_ =	shalt  }
0x6e: {  	_ =	shalt  }
0x6f: {  	_ =	shalt  }
0x70: {  	_ =	shalt  }
0x71: {  	_ =	shalt  }
0x72: {  	_ =	shalt  }
0x73: {  	_ =	shalt  }
0x74: {  	_ =	shalt  }
0x75: {  	_ =	shalt  }
0x76: {  	_ =	shalt  }
0x77: {  	_ =	shalt  }
0x78: {  	_ =	shalt  }
0x79: {  	_ =	shalt  }
0x7a: {  	_ =	shalt  }
0x7b: {  	_ =	shalt  }
0x7c: {  	_ =	shalt  }
0x7d: {  	_ =	shalt  }
0x7e: {  	_ =	shalt  }
0x7f: {  	_ =	shalt  }
0x80: {  	_ =	shalt  }
0x81: {  	_ =	shalt  }
0x82: {  	_ =	shalt  }
0x83: {  	_ =	shalt  }
0x84: {  	_ =	shalt  }
0x85: {  	_ =	shalt  }
0x86: {  	_ =	shalt  }
0x87: {  	_ =	shalt  }
.Lfunc_end0:
.L_simem_size_0:
called_computation.4_lowered:
.L_overlay_start_0:
0x88: {  	s2 =	sld [smem:$0x3FD9]  }
0x89: {  	s3 =	sld [smem:$0x3FFE];
	_ =	sdelay $0x1  }
0x8a: {  	s1 =	srdreg.scid  }
0x8b: {  	s0 =	sand.u32 $0x1, s1  }
0x8c: {  	s16 =	sshll.u32 s0, $0xA;
	s2 =	sadd.s32 s3, s2  }
0x8d: {  	s2 =	sadd.s32 s2, s16  }
0x8e: {  	[smem:$0x3FA2] =	sst s2  }
0x8f: {  	_ = 	snop  }
0x90: {  	(tm) =	ssettm $0x1  }
0x91: {  	s17 =	sld [smem:$0x3FFB];
	_ =	sdelay $0x3  }
0x92: {  	_ =	strace s17  }
0x93: {  	s2 =	sld [smem:$0x3FFC];
	_ =	sdelay $0x3  }
0x94: {  	_ =	strace s2  }
0x95: {  	s2 =	sld [smem:$0x3FFD];
	_ =	sdelay $0x3  }
0x96: {  	_ =	strace s2  }
0x97: {  	_ =	strace $0x8FFFFFFF  }
0x98: {  	s18 =	sld [smem:$0x3FDB];
	_ =	sdelay $0x1  }
0x99: {  	s19 =	simm.s32 $_scs_section_size  }
0x9a: {  	s4 =	simm.s32 $_size__tile_overlayer_lowered;
	s5 =	simm.s32 $_tile_overlayer_lowered  }
0x9b: {  	s22 =	simm.s32 $0x1BFF;
	s21 =	sshll.u32 s5, $0x1;
	s2 =	sadd.s32 s19, s18  }
0x9c: {  	s6 =	simm.s32 $0x0;
	s20 =	sshll.u32 s4, $0x1;
	s4 =	sadd.s32 s21, s2  }
0x9d: {  	[timem:s6], [sflag:s22] =	dma.local [hbm:s4], s20  }
0x9e: {  	_ =	swait.ge [sflag:s22], s20  }
0x9f: {  	s3 =	ssub.s32 $0x0, s20;
	[sflag:s22] =	ssyncset.done $0x0  }
0xa0: {  	[sflag:s22] =	ssyncadd.s32 s3;
	_ =	sdelay $0x1  }
0xa1: {  	s23 =	simm.s32 $0x1B8B  }
0xa2: {  	_ =	swait.ge [sflag:s23], $0x1  }
0xa3: {  	[sflag:s23] =	ssyncset.done $0x0  }
0xa4: {  	s25 =	simm.s32 $0x1B8E;
	s24 =	sld [smem:$0x3FFE];
	[sflag:s23] =	ssyncadd.s32 $0xFFFFFFFF  }
0xa5: {  	s26 =	simm.s32 $execute0_lowered;
	[smem:$0x3FD2] =	sst s25  }
0xa6: {  	s4 =	sshll.u32 s26, $0x1;
	_ =	strace $0x80000052;
	[dreg:$0x1] =	wrdreg $0xFFFFFFFF  }
0xa7: {  	s28 =	simm.s32 $_size_execute0_lowered;
	s2 =	sadd.s32 s2, s4;
	[dreg:$0x0] =	wrdreg $0x0  }
0xa8: {  	s4 =	sshll.u32 s28, $0x1;
	[dreg:$0x2] =	wrdreg s2  }
0xa9: {  	[dreg:$0x3] =	wrdreg s4  }
0xaa: {  	[dreg:$0x4] =	wrdreg $0xC0  }
0xab: {  	_ =	task [dreg:s6], $0x5FFFF  }
0xac: {  	[dreg:$0x1] =	wrdreg $0xFFFFFFFF  }
0xad: {  	[dreg:$0x0] =	wrdreg $0x60  }
0xae: {  	[dreg:$0x2] =	wrdreg s24  }
0xaf: {  	[dreg:$0x3] =	wrdreg $0x9  }
0xb0: {  	_ =	task.clear_ibuf [dreg:s6], $0x4FFFF;
	_ =	strace $0x90000052  }
0xb1: {  	s29 =	simm.s32 $0x9;
	_ =	strace $0x80000054  }
0xb2: {  	_ =	swait.ge [sflag:s29], $0x1  }
0xb3: {  	[sflag:s29] =	ssyncadd.s32 $0xFFFFFFFF  }
0xb4: {  	_ =	strace $0x90000054  }
0xb5: {  	_ =	sfence  }
0xb6: {  	s30 =	sld [smem:$0x0];
	_ =	sdelay $0x2  }
0xb7: {  	s31 =	sshll.u32 s1, $0xD;
	s1 =	sshrl.u32 s1, $0x2  }
0xb8: {  	s3 =	sand.u32 $0x4000, s31;
	s1 =	sadd.s32 s1, s30  }
0xb9: {  	s0 =	sor.u32 s3, s0;
	s1 =	sshll.u32 s1, $0x11  }
0xba: {  	s0 =	sor.u32 s1, s0  }
0xbb: {  	s0 =	sadd.s32 $0x8F2B, s0  }
0xbc: {  	[sflag:s0] =	ssyncadd.remote.s32 $0x1  }
0xbd: {  	_ =	sfence.sel $0xFFFF  }
0xbe: {  	[dreg:$0x0] =	wrdreg $0xFFFFFFFF;
	(pc) =	sbr.abs _section_cstart, $3  }
0xbf: {  	[dreg:$0x1] =	wrdreg $0xFFFFFFFF  }
0xc0: {  	_ =	task.clear_ibuf [dreg:s6], $0x2FFFF;
	_ =	strace $0x9FFFFFFF  }
0xc1: {  	(tm) =	ssettm $0x7FFFFFFF  }
tec
execute0_lowered:
.L_overlay_start_1:
0x0: {  	(tag) =	ssettag $0x1  }
0x1: {  	s4 =	rddreg [dreg:$0x0]  }
0x2: {  	s0 =	rddreg [dreg:$0x1]  }
0x3: {  	s3 =	srdreg.scid;
	s1 =	stileid.u32;
	s2 =	simm.s32 $0x0  }
0x4: {  	s10 =	simm.s32 $0x1000;
	s11 =	simm.s32 $0x9000;
	s12 =	simm.s32 $0x1  }
0x5: {  	s13 =	simm.s32 $0x2;
	s14 =	simm.s32 $0x0;
	s6 =	smul.u32 $0xD000, s1  }
0x6: {  	s5 =	sand.u32 $0x1, s3;
	[smem:$0x7FF] =	sst s2;
	s8 =	smul.u32 $0x1A000, s1  }
0x7: {  	s3 =	sadd.s32 $0x8A00, s4;
	s7 =	smul.u32 $0x6800, s5;
	s9 =	ssub.s32 $0x2, s5  }
0x8: {  	_ =	strace $0x80000053;
	s5 =	smul.u32 $0xD000, s5;
	s30 =	sshrl.u32 s9, $0x1  }
0x9: {  	s29 =	sadd.s32 s8, s4;
	s6 =	sadd.s32 s7, s6;
	s8 =	ssub.s32 s9, s30  }
0xa: {  	s5 =	sadd.s32 s5, s29;
	s9 =	simm.s32 $0x800;
	s6 =	sshrl.u32 s6, $0x3  }
0xb: {  	s5 =	sadd.s32 $0x943800, s5;
	s31 =	sadd.s32 s6, s4;
	s4 =	smax.u32 s8, $0x1  }
0xc: {  	s8 =	simm.s32 $0x3;
	s6 =	sadd.s32 $0x3B200, s31;
	s7 =	sadd.s32 $0x21200, s31  }
.LBB2_1:
0xd: {  	s15 =	sadd.s32 $0x0, s7  }
0xe: {  	[tilespmem:s2], [sflag:$0x3] =	stream.linear.gather [hbm4b:s15+s2], $0x800, $0x38;
	[tilespmem:$0x11000] =	vst v63  }
0xf: {  	_ =	swait.ge [sflag:s8], $0x800  }
0x10: {  	[sflag:s8] =	ssyncset.done $0x0  }
0x11: {  	s30 =	sadd.s32 $0x0, s6;
	[sflag:s8] =	ssyncadd.s32 $0xFFFFF800  }
0x12: {  	[tilespmem:s9], [sflag:$0x3] =	stream.linear.gather [hbm4b:s30+s2], $0x800, $0x38;
	[tilespmem:$0x11000] =	vst v63  }
0x13: {  	_ =	swait.ge [sflag:s8], $0x800  }
0x14: {  	[sflag:s8] =	ssyncset.done $0x0  }
0x15: {  	[sflag:s8] =	ssyncadd.s32 $0xFFFFF800  }
0x16: {  	[tilespmem:s10], [sflag:$0x1] =	stream.indirect.gather [hbm4b:s3+s9], $0x10, s2, s9, $0xb8;
	[tilespmem:$0x11000] =	vst v63  }
0x17: {  	_ = 	snop  }
0x18: {  	[tilespmem:s11], [sflag:$0x2] =	stream.indirect.gather [hbm4b:s3+s9], $0x10, s9, s9, $0xb8;
	[tilespmem:$0x11000] =	vst v63  }
0x19: {  	_ =	swait.ge [sflag:s12], $0x8000  }
0x1a: {  	[sflag:s12] =	ssyncset.done $0x0  }
0x1b: {  	[sflag:s12] =	ssyncadd.s32 $0xFFFF8000  }
0x1c: {  	_ =	swait.ge [sflag:s13], $0x8000  }
0x1d: {  	[sflag:s13] =	ssyncset.done $0x0  }
0x1e: {  	s31 =	sadd.s32 $0xFFE60000, s5;
	[sflag:s13] =	ssyncadd.s32 $0xFFFF8000  }
0x1f: {  	[hbm4b:s31+s2] =	stream.linear.scatter [tilespmem:s10], [sflag:$0x3], $0x8000, $0x38;
	[tilespmem:$0x11000] =	vst v63  }
0x20: {  	_ =	swait.ge [sflag:s8], $0x8000  }
0x21: {  	[sflag:s8] =	ssyncset.done $0x0  }
0x22: {  	[sflag:s8] =	ssyncadd.s32 $0xFFFF8000  }
0x23: {  	[hbm4b:s5+s2] =	stream.linear.scatter [tilespmem:s11], [sflag:$0x3], $0x8000, $0x38;
	[tilespmem:$0x11000] =	vst v63  }
0x24: {  	s16 =	simm.s32 $0x100;
	_ =	swait.ge [sflag:s8], $0x8000  }
0x25: {  	s17 =	simm.s32 $0x200;
	s15 =	sadd.s32 $0x1000, s5;
	[sflag:s8] =	ssyncset.done $0x0  }
.LBB2_2:
0x26: {  	s18 =	sadd.s32 s16, s7  }
0x27: {  	[sflag:s8] =	ssyncadd.s32 $0xFFFF8000;
	s19 =	smov.u32 s17;
	s20 =	sadd.s32 $0x100, s17  }
0x28: {  	[tilespmem:s2], [sflag:$0x3] =	stream.linear.gather [hbm4b:s18+s2], $0x800, $0x38;
	[tilespmem:$0x11000] =	vst v63  }
0x29: {  	p0 =	sne.s32 s17, $0xC00;
	_ =	swait.ge [sflag:s8], $0x800  }
0x2a: {  	[sflag:s8] =	ssyncset.done $0x0  }
0x2b: {  	s17 =	sadd.s32 s16, s6;
	s16 =	smov.u32 s19;
	[sflag:s8] =	ssyncadd.s32 $0xFFFFF800  }
0x2c: {  	[tilespmem:s9], [sflag:$0x3] =	stream.linear.gather [hbm4b:s17+s2], $0x800, $0x38;
	[tilespmem:$0x11000] =	vst v63  }
0x2d: {  	_ =	swait.ge [sflag:s8], $0x800  }
0x2e: {  	[sflag:s8] =	ssyncset.done $0x0  }
0x2f: {  	[sflag:s8] =	ssyncadd.s32 $0xFFFFF800  }
0x30: {  	[tilespmem:s10], [sflag:$0x1] =	stream.indirect.gather [hbm4b:s3+s9], $0x10, s2, s9, $0xb8;
	[tilespmem:$0x11000] =	vst v63  }
0x31: {  	_ = 	snop  }
0x32: {  	[tilespmem:s11], [sflag:$0x2] =	stream.indirect.gather [hbm4b:s3+s9], $0x10, s9, s9, $0xb8;
	[tilespmem:$0x11000] =	vst v63  }
0x33: {  	_ =	swait.ge [sflag:s12], $0x8000  }
0x34: {  	[sflag:s12] =	ssyncset.done $0x0  }
0x35: {  	[sflag:s12] =	ssyncadd.s32 $0xFFFF8000  }
0x36: {  	_ =	swait.ge [sflag:s13], $0x8000  }
0x37: {  	[sflag:s13] =	ssyncset.done $0x0  }
0x38: {  	s17 =	sadd.s32 $0xFFE60000, s15;
	[sflag:s13] =	ssyncadd.s32 $0xFFFF8000  }
0x39: {  	[hbm4b:s17+s2] =	stream.linear.scatter [tilespmem:s10], [sflag:$0x3], $0x8000, $0x38;
	[tilespmem:$0x11000] =	vst v63  }
0x3a: {  	_ =	swait.ge [sflag:s8], $0x8000  }
.Ltmp0:
0x3b: {  	[sflag:s8] =	ssyncset.done $0x0;
	(pc) =	sbr.rel @p0 .LBB2_2-.Ltmp0, $4  }
0x3c: {  	[sflag:s8] =	ssyncadd.s32 $0xFFFF8000  }
0x3d: {  	[hbm4b:s15+s2] =	stream.linear.scatter [tilespmem:s11], [sflag:$0x3], $0x8000, $0x38;
	[tilespmem:$0x11000] =	vst v63  }
0x3e: {  	_ =	swait.ge [sflag:s8], $0x8000  }
0x3f: {  	s17 =	smov.u32 s20;
	s15 =	sadd.s32 $0x1000, s15;
	[sflag:s8] =	ssyncset.done $0x0  }
0x40: {  	s17 =	sadd.s32 s16, s7;
	[sflag:s8] =	ssyncadd.s32 $0xFFFF8000  }
0x41: {  	[tilespmem:s2], [sflag:$0x3] =	stream.linear.gather [hbm4b:s17+s2], $0x800, $0x38;
	[tilespmem:$0x11000] =	vst v63  }
0x42: {  	_ =	swait.ge [sflag:s8], $0x800  }
0x43: {  	[sflag:s8] =	ssyncset.done $0x0  }
0x44: {  	s30 =	sadd.s32 s16, s6;
	[sflag:s8] =	ssyncadd.s32 $0xFFFFF800  }
0x45: {  	[tilespmem:s9], [sflag:$0x3] =	stream.linear.gather [hbm4b:s30+s2], $0x800, $0x38;
	[tilespmem:$0x11000] =	vst v63  }
0x46: {  	_ =	swait.ge [sflag:s8], $0x800  }
0x47: {  	[sflag:s8] =	ssyncset.done $0x0  }
0x48: {  	[sflag:s8] =	ssyncadd.s32 $0xFFFFF800  }
0x49: {  	[tilespmem:s10], [sflag:$0x1] =	stream.indirect.gather [hbm4b:s3+s9], $0x10, s2, s9, $0xb8;
	[tilespmem:$0x11000] =	vst v63  }
0x4a: {  	_ = 	snop  }
0x4b: {  	[tilespmem:s11], [sflag:$0x2] =	stream.indirect.gather [hbm4b:s3+s9], $0x10, s9, s9, $0xb8;
	[tilespmem:$0x11000] =	vst v63  }
0x4c: {  	_ =	swait.ge [sflag:s12], $0x8000  }
0x4d: {  	[sflag:s12] =	ssyncset.done $0x0  }
0x4e: {  	[sflag:s12] =	ssyncadd.s32 $0xFFFF8000  }
0x4f: {  	_ =	swait.ge [sflag:s13], $0x8000  }
0x50: {  	[sflag:s13] =	ssyncset.done $0x0  }
0x51: {  	s31 =	sadd.s32 $0xFFE60000, s15;
	[sflag:s13] =	ssyncadd.s32 $0xFFFF8000  }
0x52: {  	[hbm4b:s31+s2] =	stream.linear.scatter [tilespmem:s10], [sflag:$0x3], $0x8000, $0x38;
	[tilespmem:$0x11000] =	vst v63  }
0x53: {  	s14 =	sadd.s32 $0x1, s14;
	_ =	swait.ge [sflag:s8], $0x8000  }
0x54: {  	p0 =	sne.s32 s14, s4;
	[sflag:s8] =	ssyncset.done $0x0  }
.Ltmp1:
0x55: {  	[sflag:s8] =	ssyncadd.s32 $0xFFFF8000;
	(pc) =	sbr.rel @p0 .LBB2_1-.Ltmp1, $4  }
0x56: {  	[hbm4b:s15+s2] =	stream.linear.scatter [tilespmem:s11], [sflag:$0x3], $0x8000, $0x38;
	[tilespmem:$0x11000] =	vst v63  }
0x57: {  	_ =	swait.ge [sflag:s8], $0x8000  }
0x58: {  	[sflag:s8] =	ssyncset.done $0x0  }
0x59: {  	[sflag:s8] =	ssyncadd.s32 $0xFFFF8000  }
0x5a: {  	_ =	sfence.sel $0x180000  }
0x5b: {  	[bflag:$0x0] =	sbarrier.arrive $0xFFFF  }
0x5c: {  	p0 =	sne.s32 s1, $0x0;
	_ =	strace $0x90000053  }
0x5d: {  	s0 =	sadd.s32 @!p0 $0x100000, s0;
	[bflag:$0x2] =	sbarrier.arrive $0xFFFF  }
0x5e: {  	[sflag:s0] =	ssyncadd.tile.s32 @!p0 $0x1;
	_ =	shalt  }
.Lfunc_end2:
_tile_overlayer_lowered:
.L_overlay_start_2:
0x5f: {  	(tag) =	ssettag $0x2  }
0x60: {  	s0 =	rddreg [dreg:$0x0];
	s2 =	stileid.u32  }
0x61: {  	s1 =	rddreg [dreg:$0x1];
	p0 =	sne.s32 s2, $0x0  }
0x62: {  	s3 =	rddreg [dreg:$0x2];
	[bflag:$0x3] =	sbarrier.arrive $0xFFFF;
	s2 =	simm.s32 @!p0 $0x1C03  }
0x63: {  	[timem:s3], [sflag:s2] =	dma.local @!p0 [hbm:s0], s1  }
0x64: {  	s0 =	simm.s32 @!p0 $0x3  }
0x65: {  	_ =	swait.ge @!p0 [sflag:s0], s1  }
0x66: {  	s1 =	ssub.s32 @!p0 $0x0, s1;
	[sflag:s0] =	ssyncset.done @!p0 $0x0  }
0x67: {  	[sflag:s0] =	ssyncadd.s32 @!p0 s1  }
0x68: {  	[bflag:$0x3] =	sbarrier.arrive $0xFFFF  }
0x69: {  	_ =	shalt  }

// kernel: kernel.32.cloned.1.call-start
scs
__scs_entry_jumppad:
0x0: {  	(pc) =	sbr.rel $0x88, $3  }
0x1: {  	(tag) =	ssettag $0x0;
	lr =	simm.s32 $0x1  }
0x2: {  	[smem:$0x3F7B] =	sst lr;
	_ =	strace $0xD0000000  }
0x3: {  	_ = 	snop  }
0x4: {  	_ = 	snop  }
0x5: {  	_ = 	snop  }
0x6: {  	_ = 	snop  }
0x7: {  	_ = 	snop  }
__scs_overlays_trampoline_lowered:
0x8: {  	[smem:$0x3F8A] =	sst s0  }
0x9: {  	[smem:$0x3F8B] =	sst s1  }
0xa: {  	[smem:$0x3F8C] =	sst s2  }
0xb: {  	[smem:$0x3F8D] =	sst s3  }
0xc: {  	[smem:$0x3F8E] =	sst s4  }
0xd: {  	[smem:$0x3F8F] =	sst s5  }
0xe: {  	[smem:$0x3F90] =	sst s6  }
0xf: {  	[smem:$0x3F91] =	sst s7  }
0x10: {  	[smem:$0x3F92] =	sst s8  }
0x11: {  	[smem:$0x3F93] =	sst s9;
	s0 =	simm.s32 @!p0 $0x0  }
0x12: {  	s1 =	sld [smem:$0x3F79];
	s0 =	simm.s32 @p0 $0x1  }
0x13: {  	[smem:$0x3F94] =	sst s0;
	s0 =	simm.s32 @!p1 $0x0  }
0x14: {  	s2 =	sld [smem:$0x3F78];
	s0 =	simm.s32 @p1 $0x1  }
0x15: {  	[smem:$0x3F95] =	sst s0;
	s0 =	simm.s32 @!p2 $0x0  }
0x16: {  	s3 =	sld [smem:$0x3FDB];
	s0 =	simm.s32 @p2 $0x1  }
0x17: {  	s4 =	simm.s32 $0x1BF5;
	[smem:$0x3F97] =	sst s0  }
0x18: {  	s0 =	sld [smem:$0x3F7A];
	_ =	swait.ge [sflag:s4], $0x0  }
0x19: {  	s7 =	sld [smem:$0x3F7B]  }
0x1a: {  	s8 =	sadd.s32 $0xFFFFE003, lr  }
0x1b: {  	s9 =	sadd.s32 $0xFFFFFEF7, lr;
	s5 =	simm.s32 $0xFFFFFFFF;
	p2 =	slt.u32 s8, $0xFFFFF086  }
0x1c: {  	p1 =	slt.u32 s9, $0xF7A;
	s5 =	simm.s32 @!p2 $0x0  }
0x1d: {  	s5 =	simm.s32 @p1 $0x1;
	p0 =	seq.s32 s7, s2  }
0x1e: {  	s7 =	smul.u32 @!p0 $0xF7A, s2;
	p2 =	seq.s32 @!p0 s5, $0x0  }
0x1f: {  	s9 =	smul.u32 $0xF7A, s1;
	s8 =	simm.s32 @!p0 $0x1BF5;
	p2 =	por !p2, p0  }
0x20: {  	[sflag:s8] =	ssyncset.s32 @!p0 $0xFFFFF086;
	s6 =	sadd.s32 @!p0 s3, s7;
	s7 =	simm.s32 @!p0 $0x108  }
0x21: {  	s3 =	sadd.s32 s3, s9;
	s6 =	sadd.s32 @!p0 $0x88, s6;
	s7 =	simm.s32 @p2 $0x1082  }
0x22: {  	[simem:s7], [sflag:s8] =	dma.local @!p0 [hbm:s6], $0xF7A  }
0x23: {  	s9 =	sor.u32 $0xD0000000, s2;
	s6 =	simm.s32 $0x108;
	_ =	swait.ge @!p0 [sflag:s8], $0x0  }
0x24: {  	s3 =	sadd.s32 $0x88, s3;
	s6 =	simm.s32 @!p1 $0x1082;
	[sflag:s4] =	ssyncset.s32 $0xFFFFF086  }
0x25: {  	[simem:s6], [sflag:s4] =	dma.local [hbm:s3], $0xF7A  }
0x26: {  	[smem:$0x3F7B] =	sst s1;
	(tag) =	ssettag s2;
	_ =	strace s9  }
0x27: {  	s1 =	sld [smem:$0x3F8B]  }
0x28: {  	s2 =	sld [smem:$0x3F8C]  }
0x29: {  	s4 =	sld [smem:$0x3F8E]  }
0x2a: {  	p0 =	seq.s32 s5, $0x0;
	s5 =	sld [smem:$0x3F8F]  }
0x2b: {  	s6 =	sld [smem:$0x3F90]  }
0x2c: {  	s7 =	sld [smem:$0x3F91]  }
0x2d: {  	s3 =	simm.s32 $0x108;
	s8 =	sld [smem:$0x3F92]  }
0x2e: {  	s3 =	simm.s32 @!p0 $0x1082;
	s9 =	sld [smem:$0x3F93]  }
0x2f: {  	lr =	sadd.s32 s0, s3;
	s0 =	sld [smem:$0x3F8A]  }
0x30: {  	s3 =	sld [smem:$0x3F8D]  }
0x31: {  	[smem:$0x3F96] =	sst s10  }
0x32: {  	s10 =	sld [smem:$0x3F94];
	_ =	sdelay $0x3  }
0x33: {  	p0 =	seq.s32 s10, $0x1;
	s10 =	sld [smem:$0x3F96];
	_ =	sdelay $0x3  }
0x34: {  	[smem:$0x3F96] =	sst s10  }
0x35: {  	s10 =	sld [smem:$0x3F95];
	_ =	sdelay $0x3  }
0x36: {  	p1 =	seq.s32 s10, $0x1;
	s10 =	sld [smem:$0x3F96];
	_ =	sdelay $0x3  }
0x37: {  	[smem:$0x3F96] =	sst s10  }
0x38: {  	s10 =	sld [smem:$0x3F97]  }
0x39: {  	_ = 	snop;
	(pc) =	sbr.ind lr, $3  }
0x3a: {  	_ = 	snop  }
0x3b: {  	_ = 	snop  }
0x3c: {  	p2 =	seq.s32 s10, $0x1;
	s10 =	sld [smem:$0x3F96]  }
0x3d: {  	_ =	shalt  }
0x3e: {  	_ =	shalt  }
0x3f: {  	_ =	shalt  }
0x40: {  	_ =	shalt  }
0x41: {  	_ =	shalt  }
0x42: {  	_ =	shalt  }
0x43: {  	_ =	shalt  }
0x44: {  	_ =	shalt  }
0x45: {  	_ =	shalt  }
0x46: {  	_ =	shalt  }
0x47: {  	_ =	shalt  }
0x48: {  	_ =	shalt  }
0x49: {  	_ =	shalt  }
0x4a: {  	_ =	shalt  }
0x4b: {  	_ =	shalt  }
0x4c: {  	_ =	shalt  }
0x4d: {  	_ =	shalt  }
0x4e: {  	_ =	shalt  }
0x4f: {  	_ =	shalt  }
0x50: {  	_ =	shalt  }
0x51: {  	_ =	shalt  }
0x52: {  	_ =	shalt  }
0x53: {  	_ =	shalt  }
0x54: {  	_ =	shalt  }
0x55: {  	_ =	shalt  }
0x56: {  	_ =	shalt  }
0x57: {  	_ =	shalt  }
0x58: {  	_ =	shalt  }
0x59: {  	_ =	shalt  }
0x5a: {  	_ =	shalt  }
0x5b: {  	_ =	shalt  }
0x5c: {  	_ =	shalt  }
0x5d: {  	_ =	shalt  }
0x5e: {  	_ =	shalt  }
0x5f: {  	_ =	shalt  }
0x60: {  	_ =	shalt  }
0x61: {  	_ =	shalt  }
0x62: {  	_ =	shalt  }
0x63: {  	_ =	shalt  }
0x64: {  	_ =	shalt  }
0x65: {  	_ =	shalt  }
0x66: {  	_ =	shalt  }
0x67: {  	_ =	shalt  }
0x68: {  	_ =	shalt  }
0x69: {  	_ =	shalt  }
0x6a: {  	_ =	shalt  }
0x6b: {  	_ =	shalt  }
0x6c: {  	_ =	shalt  }
0x6d: {  	_ =	shalt  }
0x6e: {  	_ =	shalt  }
0x6f: {  	_ =	shalt  }
0x70: {  	_ =	shalt  }
0x71: {  	_ =	shalt  }
0x72: {  	_ =	shalt  }
0x73: {  	_ =	shalt  }
0x74: {  	_ =	shalt  }
0x75: {  	_ =	shalt  }
0x76: {  	_ =	shalt  }
0x77: {  	_ =	shalt  }
0x78: {  	_ =	shalt  }
0x79: {  	_ =	shalt  }
0x7a: {  	_ =	shalt  }
0x7b: {  	_ =	shalt  }
0x7c: {  	_ =	shalt  }
0x7d: {  	_ =	shalt  }
0x7e: {  	_ =	shalt  }
0x7f: {  	_ =	shalt  }
0x80: {  	_ =	shalt  }
0x81: {  	_ =	shalt  }
0x82: {  	_ =	shalt  }
0x83: {  	_ =	shalt  }
0x84: {  	_ =	shalt  }
0x85: {  	_ =	shalt  }
0x86: {  	_ =	shalt  }
0x87: {  	_ =	shalt  }
.Lfunc_end0:
.L_simem_size_0:
called_computation.5_lowered:
.L_overlay_start_0:
0x88: {  	s2 =	sld [smem:$0x3FD9]  }
0x89: {  	s3 =	sld [smem:$0x3FFE];
	_ =	sdelay $0x1  }
0x8a: {  	s1 =	srdreg.scid  }
0x8b: {  	s0 =	sand.u32 $0x1, s1  }
0x8c: {  	s17 =	sshll.u32 s0, $0xA;
	s2 =	sadd.s32 s3, s2  }
0x8d: {  	s2 =	sadd.s32 s2, s17  }
0x8e: {  	[smem:$0x3FA2] =	sst s2  }
0x8f: {  	_ = 	snop  }
0x90: {  	(tm) =	ssettm $0x1  }
0x91: {  	s18 =	sld [smem:$0x3FFB];
	_ =	sdelay $0x3  }
0x92: {  	_ =	strace s18  }
0x93: {  	s2 =	sld [smem:$0x3FFC];
	_ =	sdelay $0x3  }
0x94: {  	_ =	strace s2  }
0x95: {  	s2 =	sld [smem:$0x3FFD];
	_ =	sdelay $0x3  }
0x96: {  	_ =	strace s2  }
0x97: {  	_ =	strace $0x8FFFFFFF  }
0x98: {  	s19 =	sld [smem:$0x3FDB];
	_ =	sdelay $0x1  }
0x99: {  	s20 =	simm.s32 $_scs_section_size  }
0x9a: {  	s4 =	simm.s32 $_size__tile_overlayer_lowered;
	s5 =	simm.s32 $_tile_overlayer_lowered  }
0x9b: {  	s6 =	simm.s32 $0x1BFF;
	s21 =	sshll.u32 s5, $0x1;
	s3 =	sadd.s32 s20, s19  }
0x9c: {  	s22 =	simm.s32 $0x0;
	s4 =	sshll.u32 s4, $0x1;
	s5 =	sadd.s32 s21, s3  }
0x9d: {  	[timem:s22], [sflag:s6] =	dma.local [hbm:s5], s4  }
0x9e: {  	_ =	swait.ge [sflag:s6], s4  }
0x9f: {  	s4 =	ssub.s32 $0x0, s4;
	[sflag:s6] =	ssyncset.done $0x0  }
0xa0: {  	[sflag:s6] =	ssyncadd.s32 s4;
	_ =	sdelay $0x1  }
0xa1: {  	s23 =	simm.s32 $0x1B8B  }
0xa2: {  	_ =	swait.ge [sflag:s23], $0x1  }
0xa3: {  	[sflag:s23] =	ssyncset.done $0x0  }
0xa4: {  	[sflag:s23] =	ssyncadd.s32 $0xFFFFFFFF  }
0xa5: {  	s4 =	sld [smem:$0x0]  }
0xa6: {  	s5 =	sand.u32 $0xFFFFFFFE, s1  }
0xa7: {  	p0 =	sne.s32 s1, s5  }
0xa8: {  	s5 =	sshll.u32 @p0 s5, $0xE  }
0xa9: {  	s5 =	sadd.s32 @p0 $0x11B8D, s5;
	s6 =	sshll.u32 @p0 s4, $0x11  }
0xaa: {  	s5 =	sor.u32 @p0 s6, s5  }
0xab: {  	[sflag:s5] =	ssyncadd.remote.s32 @p0 $0x1;
	_ =	sdelay $0x1  }
0xac: {  	s5 =	simm.s32 @p0 $0x1B8D  }
0xad: {  	_ =	swait.eq @p0 [sflag:s5], $0x1  }
0xae: {  	[sflag:s5] =	ssyncadd.s32 @p0 $0xFFFFFFFF  }
0xaf: {  	s6 =	sshll.u32 @!p0 s1, $0xE  }
0xb0: {  	s6 =	sor.u32 @!p0 $0x4000, s6;
	s5 =	simm.s32 @!p0 $0x1B8D  }
0xb1: {  	s4 =	sshll.u32 @!p0 s4, $0x11;
	s6 =	sadd.s32 @!p0 $0x11B8D, s6;
	_ =	swait.eq @!p0 [sflag:s5], $0x1  }
0xb2: {  	s4 =	sor.u32 @!p0 s4, s6;
	[sflag:s5] =	ssyncadd.s32 @!p0 $0xFFFFFFFF  }
0xb3: {  	s25 =	simm.s32 $0x1B8E;
	s24 =	sld [smem:$0x3FFE];
	[sflag:s4] =	ssyncadd.remote.s32 @!p0 $0x1  }
0xb4: {  	s26 =	simm.s32 $execute0_lowered;
	[smem:$0x3FD2] =	sst s25  }
0xb5: {  	s5 =	sshll.u32 s26, $0x1;
	_ =	strace $0x80000058;
	[dreg:$0x1] =	wrdreg $0xFFFFFFFF  }
0xb6: {  	s28 =	simm.s32 $_size_execute0_lowered;
	s3 =	sadd.s32 s3, s5;
	[dreg:$0x0] =	wrdreg $0x0  }
0xb7: {  	s5 =	sshll.u32 s28, $0x1;
	[dreg:$0x2] =	wrdreg s3  }
0xb8: {  	[dreg:$0x3] =	wrdreg s5  }
0xb9: {  	[dreg:$0x4] =	wrdreg $0xC0  }
0xba: {  	_ =	task [dreg:s22], $0x5FFFF  }
0xbb: {  	[dreg:$0x1] =	wrdreg $0xFFFFFFFF  }
0xbc: {  	[dreg:$0x0] =	wrdreg $0x60  }
0xbd: {  	[dreg:$0x2] =	wrdreg s24  }
0xbe: {  	[dreg:$0x3] =	wrdreg $0x0  }
0xbf: {  	[dreg:$0x4] =	wrdreg $0x9  }
0xc0: {  	_ =	task.clear_ibuf [dreg:s22], $0x5FFFF;
	_ =	strace $0x90000058  }
0xc1: {  	s29 =	simm.s32 $0x9;
	_ =	strace $0x8000005A  }
0xc2: {  	_ =	swait.ge [sflag:s29], $0x1  }
0xc3: {  	[sflag:s29] =	ssyncadd.s32 $0xFFFFFFFF  }
0xc4: {  	_ =	strace $0x9000005A  }
0xc5: {  	_ =	sfence  }
0xc6: {  	s30 =	sld [smem:$0x0];
	_ =	sdelay $0x2  }
0xc7: {  	s31 =	sshll.u32 s1, $0xD;
	s1 =	sshrl.u32 s1, $0x2  }
0xc8: {  	s4 =	sand.u32 $0x4000, s31;
	s1 =	sadd.s32 s1, s30  }
0xc9: {  	s0 =	sor.u32 s4, s0;
	s1 =	sshll.u32 s1, $0x11  }
0xca: {  	s0 =	sor.u32 s1, s0  }
0xcb: {  	s0 =	sadd.s32 $0x8F2B, s0  }
0xcc: {  	[sflag:s0] =	ssyncadd.remote.s32 $0x1  }
0xcd: {  	_ =	sfence.sel $0xFFFF  }
0xce: {  	[dreg:$0x0] =	wrdreg $0xFFFFFFFF;
	(pc) =	sbr.abs _section_cstart, $3  }
0xcf: {  	[dreg:$0x1] =	wrdreg $0xFFFFFFFF  }
0xd0: {  	_ =	task.clear_ibuf [dreg:s22], $0x2FFFF;
	_ =	strace $0x9FFFFFFF  }
0xd1: {  	(tm) =	ssettm $0x7FFFFFFF  }
tec
execute0_lowered:
.L_overlay_start_1:
0x0: {  	(tag) =	ssettag $0x1  }
0x1: {  	s0 =	stileid.u32  }
0x2: {  	s1 =	srdreg.scid;
	s4 =	rddreg [dreg:$0x0]  }
0x3: {  	s2 =	rddreg [dreg:$0x1];
	s3 =	simm.s32 $0x0;
	s6 =	smul.u32 $0xD000, s0  }
0x4: {  	s14 =	simm.s32 $0x200;
	s15 =	simm.s32 $0x0;
	s8 =	smul.u32 $0x34000, s0  }
0x5: {  	s5 =	sand.u32 $0x1, s1;
	s1 =	rddreg [dreg:$0x2];
	s28 =	smul.u32 $0x186A0, s0  }
0x6: {  	[smem:$0x7FF] =	sst s3;
	s31 =	sshll.u32 s0, $0x6;
	s7 =	smul.u32 $0x6800, s5  }
0x7: {  	s9 =	smul.u32 $0x186A00, s5;
	_ =	strace $0x80000059;
	s11 =	ssub.s32 $0x2, s5  }
0x8: {  	s30 =	smul.u32 $0x1A000, s5;
	s5 =	sor.u32 $0x1C01, s31;
	s8 =	sadd.s32 s8, s4  }
0x9: {  	s29 =	sshrl.u32 s28, $0x3;
	s12 =	sshrl.u32 s11, $0x1;
	s13 =	sadd.s32 s28, s2  }
0xa: {  	s6 =	sadd.s32 s7, s6;
	s9 =	sadd.s32 s28, s9;
	s11 =	ssub.s32 s11, s12  }
0xb: {  	s8 =	sadd.s32 s30, s8;
	s12 =	simm.s32 $0x186A0;
	s6 =	sshrl.u32 s6, $0x3  }
0xc: {  	s9 =	sshrl.u32 s9, $0x3;
	s7 =	smax.u32 s11, $0x1;
	s8 =	sadd.s32 $0xCAF600, s8  }
0xd: {  	s10 =	sadd.s32 s6, s4;
	s6 =	sadd.s32 s29, s4;
	s9 =	sadd.s32 s9, s4  }
0xe: {  	s11 =	simm.s32 $0x1;
	s4 =	sadd.s32 $0x85200, s6;
	s6 =	sadd.s32 $0x671200, s9  }
0xf: {  	s9 =	sadd.s32 $0x3B200, s10;
	s10 =	sshrl.u32 s13, $0x3;
	s13 =	simm.s32 $0x188A0  }
.LBB2_1:
0x10: {  	[spmem:s10], [sflag:s5] =	dma.local [hbm:s4], $0x30D4  }
0x11: {  	_ =	swait.ge [sflag:s11], $0x30D4  }
0x12: {  	[sflag:s11] =	ssyncset.done $0x0  }
0x13: {  	[sflag:s11] =	ssyncadd.s32 $0xFFFFCF2C  }
0x14: {  	s16 =	sadd.s32 $0x0, s9;
	[bflag:$0x0] =	sbarrier.arrive $0xFFFF  }
0x15: {  	[tilespmem:s12], [sflag:$0x1] =	stream.linear.gather [hbm4b:s16+s3], $0x200, $0x38;
	[tilespmem:$0x1C8A0] =	vst v63  }
0x16: {  	_ =	swait.ge [sflag:s11], $0x200  }
0x17: {  	[sflag:s11] =	ssyncset.done $0x0  }
0x18: {  	[sflag:s11] =	ssyncadd.s32 $0xFFFFFE00  }
0x19: {  	[tilespmem:s13], [sflag:$0x1] =	stream.linear.gather [hbm4b:s8+s3], $0x4000, $0x38;
	[tilespmem:$0x1C8A0] =	vst v63  }
0x1a: {  	_ =	swait.ge [sflag:s11], $0x4000  }
0x1b: {  	[sflag:s11] =	ssyncset.done $0x0  }
0x1c: {  	[sflag:s11] =	ssyncadd.s32 $0xFFFFC000  }
0x1d: {  	[spmem:s2] =	stream.indirect.scatter.add.f32 [tilespmem:s13], [sflag:$0x1], $0x20, s12, s14, $0xb8;
	[tilespmem:$0x1C8A0] =	vst v63  }
0x1e: {  	s17 =	simm.s32 $0x40;
	_ =	swait.ge [sflag:s11], $0x4000  }
0x1f: {  	s18 =	simm.s32 $0x80;
	s16 =	sadd.s32 $0x800, s8;
	[sflag:s11] =	ssyncset.done $0x0  }
.LBB2_2:
0x20: {  	s19 =	sadd.s32 s17, s9  }
0x21: {  	[sflag:s11] =	ssyncadd.s32 $0xFFFFC000;
	s17 =	smov.u32 s18;
	s20 =	sadd.s32 $0x40, s18  }
0x22: {  	[tilespmem:s12], [sflag:$0x1] =	stream.linear.gather [hbm4b:s19+s3], $0x200, $0x38;
	[tilespmem:$0x1C8A0] =	vst v63  }
0x23: {  	p0 =	sne.s32 s18, $0xCC0;
	_ =	swait.ge [sflag:s11], $0x200  }
0x24: {  	[sflag:s11] =	ssyncset.done $0x0  }
0x25: {  	[sflag:s11] =	ssyncadd.s32 $0xFFFFFE00  }
0x26: {  	[tilespmem:s13], [sflag:$0x1] =	stream.linear.gather [hbm4b:s16+s3], $0x4000, $0x38;
	[tilespmem:$0x1C8A0] =	vst v63  }
0x27: {  	_ =	swait.ge [sflag:s11], $0x4000  }
.Ltmp0:
0x28: {  	[sflag:s11] =	ssyncset.done $0x0;
	(pc) =	sbr.rel @p0 .LBB2_2-.Ltmp0, $4  }
0x29: {  	[sflag:s11] =	ssyncadd.s32 $0xFFFFC000  }
0x2a: {  	[spmem:s2] =	stream.indirect.scatter.add.f32 [tilespmem:s13], [sflag:$0x1], $0x20, s12, s14, $0xb8;
	[tilespmem:$0x1C8A0] =	vst v63  }
0x2b: {  	_ =	swait.ge [sflag:s11], $0x4000  }
0x2c: {  	s18 =	smov.u32 s20;
	s16 =	sadd.s32 $0x800, s16;
	[sflag:s11] =	ssyncset.done $0x0  }
0x2d: {  	s17 =	sadd.s32 s17, s9;
	[sflag:s11] =	ssyncadd.s32 $0xFFFFC000  }
0x2e: {  	[tilespmem:s12], [sflag:$0x1] =	stream.linear.gather [hbm4b:s17+s3], $0x200, $0x38;
	[tilespmem:$0x1C8A0] =	vst v63  }
0x2f: {  	_ =	swait.ge [sflag:s11], $0x200  }
0x30: {  	[sflag:s11] =	ssyncset.done $0x0  }
0x31: {  	[sflag:s11] =	ssyncadd.s32 $0xFFFFFE00  }
0x32: {  	[tilespmem:s13], [sflag:$0x1] =	stream.linear.gather [hbm4b:s16+s3], $0x4000, $0x38;
	[tilespmem:$0x1C8A0] =	vst v63  }
0x33: {  	_ =	swait.ge [sflag:s11], $0x4000  }
0x34: {  	[sflag:s11] =	ssyncset.done $0x0  }
0x35: {  	[sflag:s11] =	ssyncadd.s32 $0xFFFFC000  }
0x36: {  	[spmem:s2] =	stream.indirect.scatter.add.f32 [tilespmem:s13], [sflag:$0x1], $0x20, s12, s14, $0xb8;
	[tilespmem:$0x1C8A0] =	vst v63  }
0x37: {  	_ =	swait.ge [sflag:s11], $0x4000  }
0x38: {  	s15 =	sadd.s32 $0x1, s15;
	[sflag:s11] =	ssyncset.done $0x0  }
0x39: {  	p0 =	sne.s32 s15, s7;
	[sflag:s11] =	ssyncadd.s32 $0xFFFFC000  }
.Ltmp1:
0x3a: {  	[bflag:$0x0] =	sbarrier.arrive $0xFFFF;
	(pc) =	sbr.rel @p0 .LBB2_1-.Ltmp1, $4  }
0x3b: {  	[hbm:s6], [sflag:s5] =	dma.local [spmem:s10], $0x30D4  }
0x3c: {  	_ =	swait.ge [sflag:s11], $0x30D4  }
0x3d: {  	[sflag:s11] =	ssyncset.done $0x0  }
0x3e: {  	[sflag:s11] =	ssyncadd.s32 $0xFFFFCF2C  }
0x3f: {  	_ =	sfence.sel $0x180000  }
0x40: {  	[bflag:$0x0] =	sbarrier.arrive $0xFFFF  }
0x41: {  	p0 =	sne.s32 s0, $0x0;
	_ =	strace $0x90000059  }
0x42: {  	s0 =	sadd.s32 @!p0 $0x100000, s1;
	[bflag:$0x2] =	sbarrier.arrive $0xFFFF  }
0x43: {  	[sflag:s0] =	ssyncadd.tile.s32 @!p0 $0x1;
	_ =	shalt  }
.Lfunc_end2:
_tile_overlayer_lowered:
.L_overlay_start_2:
0x44: {  	(tag) =	ssettag $0x2  }
0x45: {  	s0 =	rddreg [dreg:$0x0];
	s2 =	stileid.u32  }
0x46: {  	s1 =	rddreg [dreg:$0x1];
	p0 =	sne.s32 s2, $0x0  }
0x47: {  	s3 =	rddreg [dreg:$0x2];
	[bflag:$0x3] =	sbarrier.arrive $0xFFFF;
	s2 =	simm.s32 @!p0 $0x1C01  }
0x48: {  	[timem:s3], [sflag:s2] =	dma.local @!p0 [hbm:s0], s1  }
0x49: {  	s0 =	simm.s32 @!p0 $0x1  }
0x4a: {  	_ =	swait.ge @!p0 [sflag:s0], s1  }
0x4b: {  	s1 =	ssub.s32 @!p0 $0x0, s1;
	[sflag:s0] =	ssyncset.done @!p0 $0x0  }
0x4c: {  	[sflag:s0] =	ssyncadd.s32 @!p0 s1  }
0x4d: {  	[bflag:$0x3] =	sbarrier.arrive $0xFFFF  }
0x4e: {  	_ =	shalt  }

// kernel: kernel.35.cloned.1.call-start
scs
__scs_entry_jumppad:
0x0: {  	(pc) =	sbr.rel $0x88, $3  }
0x1: {  	(tag) =	ssettag $0x0;
	lr =	simm.s32 $0x1  }
0x2: {  	[smem:$0x3F7B] =	sst lr;
	_ =	strace $0xD0000000  }
0x3: {  	_ = 	snop  }
0x4: {  	_ = 	snop  }
0x5: {  	_ = 	snop  }
0x6: {  	_ = 	snop  }
0x7: {  	_ = 	snop  }
__scs_overlays_trampoline_lowered:
0x8: {  	[smem:$0x3F8A] =	sst s0  }
0x9: {  	[smem:$0x3F8B] =	sst s1  }
0xa: {  	[smem:$0x3F8C] =	sst s2  }
0xb: {  	[smem:$0x3F8D] =	sst s3  }
0xc: {  	[smem:$0x3F8E] =	sst s4  }
0xd: {  	[smem:$0x3F8F] =	sst s5  }
0xe: {  	[smem:$0x3F90] =	sst s6  }
0xf: {  	[smem:$0x3F91] =	sst s7  }
0x10: {  	[smem:$0x3F92] =	sst s8  }
0x11: {  	[smem:$0x3F93] =	sst s9;
	s0 =	simm.s32 @!p0 $0x0  }
0x12: {  	s1 =	sld [smem:$0x3F79];
	s0 =	simm.s32 @p0 $0x1  }
0x13: {  	[smem:$0x3F94] =	sst s0;
	s0 =	simm.s32 @!p1 $0x0  }
0x14: {  	s2 =	sld [smem:$0x3F78];
	s0 =	simm.s32 @p1 $0x1  }
0x15: {  	[smem:$0x3F95] =	sst s0;
	s0 =	simm.s32 @!p2 $0x0  }
0x16: {  	s3 =	sld [smem:$0x3FDB];
	s0 =	simm.s32 @p2 $0x1  }
0x17: {  	s4 =	simm.s32 $0x1BF5;
	[smem:$0x3F97] =	sst s0  }
0x18: {  	s0 =	sld [smem:$0x3F7A];
	_ =	swait.ge [sflag:s4], $0x0  }
0x19: {  	s7 =	sld [smem:$0x3F7B]  }
0x1a: {  	s8 =	sadd.s32 $0xFFFFE003, lr  }
0x1b: {  	s9 =	sadd.s32 $0xFFFFFEF7, lr;
	s5 =	simm.s32 $0xFFFFFFFF;
	p2 =	slt.u32 s8, $0xFFFFF086  }
0x1c: {  	p1 =	slt.u32 s9, $0xF7A;
	s5 =	simm.s32 @!p2 $0x0  }
0x1d: {  	s5 =	simm.s32 @p1 $0x1;
	p0 =	seq.s32 s7, s2  }
0x1e: {  	s7 =	smul.u32 @!p0 $0xF7A, s2;
	p2 =	seq.s32 @!p0 s5, $0x0  }
0x1f: {  	s9 =	smul.u32 $0xF7A, s1;
	s8 =	simm.s32 @!p0 $0x1BF5;
	p2 =	por !p2, p0  }
0x20: {  	[sflag:s8] =	ssyncset.s32 @!p0 $0xFFFFF086;
	s6 =	sadd.s32 @!p0 s3, s7;
	s7 =	simm.s32 @!p0 $0x108  }
0x21: {  	s3 =	sadd.s32 s3, s9;
	s6 =	sadd.s32 @!p0 $0x88, s6;
	s7 =	simm.s32 @p2 $0x1082  }
0x22: {  	[simem:s7], [sflag:s8] =	dma.local @!p0 [hbm:s6], $0xF7A  }
0x23: {  	s9 =	sor.u32 $0xD0000000, s2;
	s6 =	simm.s32 $0x108;
	_ =	swait.ge @!p0 [sflag:s8], $0x0  }
0x24: {  	s3 =	sadd.s32 $0x88, s3;
	s6 =	simm.s32 @!p1 $0x1082;
	[sflag:s4] =	ssyncset.s32 $0xFFFFF086  }
0x25: {  	[simem:s6], [sflag:s4] =	dma.local [hbm:s3], $0xF7A  }
0x26: {  	[smem:$0x3F7B] =	sst s1;
	(tag) =	ssettag s2;
	_ =	strace s9  }
0x27: {  	s1 =	sld [smem:$0x3F8B]  }
0x28: {  	s2 =	sld [smem:$0x3F8C]  }
0x29: {  	s4 =	sld [smem:$0x3F8E]  }
0x2a: {  	p0 =	seq.s32 s5, $0x0;
	s5 =	sld [smem:$0x3F8F]  }
0x2b: {  	s6 =	sld [smem:$0x3F90]  }
0x2c: {  	s7 =	sld [smem:$0x3F91]  }
0x2d: {  	s3 =	simm.s32 $0x108;
	s8 =	sld [smem:$0x3F92]  }
0x2e: {  	s3 =	simm.s32 @!p0 $0x1082;
	s9 =	sld [smem:$0x3F93]  }
0x2f: {  	lr =	sadd.s32 s0, s3;
	s0 =	sld [smem:$0x3F8A]  }
0x30: {  	s3 =	sld [smem:$0x3F8D]  }
0x31: {  	[smem:$0x3F96] =	sst s10  }
0x32: {  	s10 =	sld [smem:$0x3F94];
	_ =	sdelay $0x3  }
0x33: {  	p0 =	seq.s32 s10, $0x1;
	s10 =	sld [smem:$0x3F96];
	_ =	sdelay $0x3  }
0x34: {  	[smem:$0x3F96] =	sst s10  }
0x35: {  	s10 =	sld [smem:$0x3F95];
	_ =	sdelay $0x3  }
0x36: {  	p1 =	seq.s32 s10, $0x1;
	s10 =	sld [smem:$0x3F96];
	_ =	sdelay $0x3  }
0x37: {  	[smem:$0x3F96] =	sst s10  }
0x38: {  	s10 =	sld [smem:$0x3F97]  }
0x39: {  	_ = 	snop;
	(pc) =	sbr.ind lr, $3  }
0x3a: {  	_ = 	snop  }
0x3b: {  	_ = 	snop  }
0x3c: {  	p2 =	seq.s32 s10, $0x1;
	s10 =	sld [smem:$0x3F96]  }
0x3d: {  	_ =	shalt  }
0x3e: {  	_ =	shalt  }
0x3f: {  	_ =	shalt  }
0x40: {  	_ =	shalt  }
0x41: {  	_ =	shalt  }
0x42: {  	_ =	shalt  }
0x43: {  	_ =	shalt  }
0x44: {  	_ =	shalt  }
0x45: {  	_ =	shalt  }
0x46: {  	_ =	shalt  }
0x47: {  	_ =	shalt  }
0x48: {  	_ =	shalt  }
0x49: {  	_ =	shalt  }
0x4a: {  	_ =	shalt  }
0x4b: {  	_ =	shalt  }
0x4c: {  	_ =	shalt  }
0x4d: {  	_ =	shalt  }
0x4e: {  	_ =	shalt  }
0x4f: {  	_ =	shalt  }
0x50: {  	_ =	shalt  }
0x51: {  	_ =	shalt  }
0x52: {  	_ =	shalt  }
0x53: {  	_ =	shalt  }
0x54: {  	_ =	shalt  }
0x55: {  	_ =	shalt  }
0x56: {  	_ =	shalt  }
0x57: {  	_ =	shalt  }
0x58: {  	_ =	shalt  }
0x59: {  	_ =	shalt  }
0x5a: {  	_ =	shalt  }
0x5b: {  	_ =	shalt  }
0x5c: {  	_ =	shalt  }
0x5d: {  	_ =	shalt  }
0x5e: {  	_ =	shalt  }
0x5f: {  	_ =	shalt  }
0x60: {  	_ =	shalt  }
0x61: {  	_ =	shalt  }
0x62: {  	_ =	shalt  }
0x63: {  	_ =	shalt  }
0x64: {  	_ =	shalt  }
0x65: {  	_ =	shalt  }
0x66: {  	_ =	shalt  }
0x67: {  	_ =	shalt  }
0x68: {  	_ =	shalt  }
0x69: {  	_ =	shalt  }
0x6a: {  	_ =	shalt  }
0x6b: {  	_ =	shalt  }
0x6c: {  	_ =	shalt  }
0x6d: {  	_ =	shalt  }
0x6e: {  	_ =	shalt  }
0x6f: {  	_ =	shalt  }
0x70: {  	_ =	shalt  }
0x71: {  	_ =	shalt  }
0x72: {  	_ =	shalt  }
0x73: {  	_ =	shalt  }
0x74: {  	_ =	shalt  }
0x75: {  	_ =	shalt  }
0x76: {  	_ =	shalt  }
0x77: {  	_ =	shalt  }
0x78: {  	_ =	shalt  }
0x79: {  	_ =	shalt  }
0x7a: {  	_ =	shalt  }
0x7b: {  	_ =	shalt  }
0x7c: {  	_ =	shalt  }
0x7d: {  	_ =	shalt  }
0x7e: {  	_ =	shalt  }
0x7f: {  	_ =	shalt  }
0x80: {  	_ =	shalt  }
0x81: {  	_ =	shalt  }
0x82: {  	_ =	shalt  }
0x83: {  	_ =	shalt  }
0x84: {  	_ =	shalt  }
0x85: {  	_ =	shalt  }
0x86: {  	_ =	shalt  }
0x87: {  	_ =	shalt  }
.Lfunc_end0:
.L_simem_size_0:
called_computation.6_lowered:
.L_overlay_start_0:
0x88: {  	s2 =	sld [smem:$0x3FD9]  }
0x89: {  	s3 =	sld [smem:$0x3FFE];
	_ =	sdelay $0x1  }
0x8a: {  	s1 =	srdreg.scid  }
0x8b: {  	s0 =	sand.u32 $0x1, s1  }
0x8c: {  	s17 =	sshll.u32 s0, $0xA;
	s2 =	sadd.s32 s3, s2  }
0x8d: {  	s2 =	sadd.s32 s2, s17  }
0x8e: {  	[smem:$0x3FA2] =	sst s2  }
0x8f: {  	_ = 	snop  }
0x90: {  	(tm) =	ssettm $0x1  }
0x91: {  	s18 =	sld [smem:$0x3FFB];
	_ =	sdelay $0x3  }
0x92: {  	_ =	strace s18  }
0x93: {  	s2 =	sld [smem:$0x3FFC];
	_ =	sdelay $0x3  }
0x94: {  	_ =	strace s2  }
0x95: {  	s2 =	sld [smem:$0x3FFD];
	_ =	sdelay $0x3  }
0x96: {  	_ =	strace s2  }
0x97: {  	_ =	strace $0x8FFFFFFF  }
0x98: {  	s19 =	sld [smem:$0x3FDB];
	_ =	sdelay $0x1  }
0x99: {  	s20 =	simm.s32 $_scs_section_size  }
0x9a: {  	s4 =	simm.s32 $_size__tile_overlayer_lowered;
	s5 =	simm.s32 $_tile_overlayer_lowered  }
0x9b: {  	s6 =	simm.s32 $0x1BFF;
	s21 =	sshll.u32 s5, $0x1;
	s3 =	sadd.s32 s20, s19  }
0x9c: {  	s22 =	simm.s32 $0x0;
	s4 =	sshll.u32 s4, $0x1;
	s5 =	sadd.s32 s21, s3  }
0x9d: {  	[timem:s22], [sflag:s6] =	dma.local [hbm:s5], s4  }
0x9e: {  	_ =	swait.ge [sflag:s6], s4  }
0x9f: {  	s4 =	ssub.s32 $0x0, s4;
	[sflag:s6] =	ssyncset.done $0x0  }
0xa0: {  	[sflag:s6] =	ssyncadd.s32 s4;
	_ =	sdelay $0x1  }
0xa1: {  	s23 =	simm.s32 $0x1B8B  }
0xa2: {  	_ =	swait.ge [sflag:s23], $0x1  }
0xa3: {  	[sflag:s23] =	ssyncset.done $0x0  }
0xa4: {  	[sflag:s23] =	ssyncadd.s32 $0xFFFFFFFF  }
0xa5: {  	s4 =	sld [smem:$0x0]  }
0xa6: {  	s5 =	sand.u32 $0xFFFFFFFE, s1  }
0xa7: {  	p0 =	sne.s32 s1, s5  }
0xa8: {  	s5 =	sshll.u32 @p0 s5, $0xE  }
0xa9: {  	s5 =	sadd.s32 @p0 $0x11B8D, s5;
	s6 =	sshll.u32 @p0 s4, $0x11  }
0xaa: {  	s5 =	sor.u32 @p0 s6, s5  }
0xab: {  	[sflag:s5] =	ssyncadd.remote.s32 @p0 $0x1;
	_ =	sdelay $0x1  }
0xac: {  	s5 =	simm.s32 @p0 $0x1B8D  }
0xad: {  	_ =	swait.eq @p0 [sflag:s5], $0x1  }
0xae: {  	[sflag:s5] =	ssyncadd.s32 @p0 $0xFFFFFFFF  }
0xaf: {  	s6 =	sshll.u32 @!p0 s1, $0xE  }
0xb0: {  	s6 =	sor.u32 @!p0 $0x4000, s6;
	s5 =	simm.s32 @!p0 $0x1B8D  }
0xb1: {  	s4 =	sshll.u32 @!p0 s4, $0x11;
	s6 =	sadd.s32 @!p0 $0x11B8D, s6;
	_ =	swait.eq @!p0 [sflag:s5], $0x1  }
0xb2: {  	s4 =	sor.u32 @!p0 s4, s6;
	[sflag:s5] =	ssyncadd.s32 @!p0 $0xFFFFFFFF  }
0xb3: {  	s25 =	simm.s32 $0x1B8E;
	s24 =	sld [smem:$0x3FFE];
	[sflag:s4] =	ssyncadd.remote.s32 @!p0 $0x1  }
0xb4: {  	s26 =	simm.s32 $execute0_lowered;
	[smem:$0x3FD2] =	sst s25  }
0xb5: {  	s5 =	sshll.u32 s26, $0x1;
	_ =	strace $0x80000055;
	[dreg:$0x1] =	wrdreg $0xFFFFFFFF  }
0xb6: {  	s28 =	simm.s32 $_size_execute0_lowered;
	s3 =	sadd.s32 s3, s5;
	[dreg:$0x0] =	wrdreg $0x0  }
0xb7: {  	s5 =	sshll.u32 s28, $0x1;
	[dreg:$0x2] =	wrdreg s3  }
0xb8: {  	[dreg:$0x3] =	wrdreg s5  }
0xb9: {  	[dreg:$0x4] =	wrdreg $0xC0  }
0xba: {  	_ =	task [dreg:s22], $0x5FFFF  }
0xbb: {  	[dreg:$0x1] =	wrdreg $0xFFFFFFFF  }
0xbc: {  	[dreg:$0x0] =	wrdreg $0x60  }
0xbd: {  	[dreg:$0x2] =	wrdreg s24  }
0xbe: {  	[dreg:$0x3] =	wrdreg $0xA  }
0xbf: {  	_ =	task.clear_ibuf [dreg:s22], $0x4FFFF;
	_ =	strace $0x90000055  }
0xc0: {  	s29 =	simm.s32 $0xA;
	_ =	strace $0x80000057  }
0xc1: {  	_ =	swait.ge [sflag:s29], $0x1  }
0xc2: {  	[sflag:s29] =	ssyncadd.s32 $0xFFFFFFFF  }
0xc3: {  	_ =	strace $0x90000057  }
0xc4: {  	_ =	sfence  }
0xc5: {  	s30 =	sld [smem:$0x0];
	_ =	sdelay $0x2  }
0xc6: {  	s31 =	sshll.u32 s1, $0xD;
	s1 =	sshrl.u32 s1, $0x2  }
0xc7: {  	s4 =	sand.u32 $0x4000, s31;
	s1 =	sadd.s32 s1, s30  }
0xc8: {  	s0 =	sor.u32 s4, s0;
	s1 =	sshll.u32 s1, $0x11  }
0xc9: {  	s0 =	sor.u32 s1, s0  }
0xca: {  	s0 =	sadd.s32 $0x8F2B, s0  }
0xcb: {  	[sflag:s0] =	ssyncadd.remote.s32 $0x1  }
0xcc: {  	_ =	sfence.sel $0xFFFF  }
0xcd: {  	[dreg:$0x0] =	wrdreg $0xFFFFFFFF;
	(pc) =	sbr.abs _section_cstart, $3  }
0xce: {  	[dreg:$0x1] =	wrdreg $0xFFFFFFFF  }
0xcf: {  	_ =	task.clear_ibuf [dreg:s22], $0x2FFFF;
	_ =	strace $0x9FFFFFFF  }
0xd0: {  	(tm) =	ssettm $0x7FFFFFFF  }
0xd1: {  	_ =	shalt  }
tec
execute0_lowered:
.L_overlay_start_1:
0x0: {  	(tag) =	ssettag $0x1  }
0x1: {  	s4 =	rddreg [dreg:$0x0]  }
0x2: {  	s0 =	rddreg [dreg:$0x1]  }
0x3: {  	s3 =	srdreg.scid;
	s1 =	stileid.u32;
	s2 =	simm.s32 $0x0  }
0x4: {  	s10 =	simm.s32 $0x1000;
	s11 =	simm.s32 $0x9000;
	s12 =	simm.s32 $0x1  }
0x5: {  	s13 =	simm.s32 $0x2;
	s14 =	simm.s32 $0x0;
	s6 =	smul.u32 $0xC000, s1  }
0x6: {  	s5 =	sand.u32 $0x1, s3;
	[smem:$0x7FF] =	sst s2;
	s8 =	smul.u32 $0x18000, s1  }
0x7: {  	s3 =	sadd.s32 $0x8A00, s4;
	s7 =	smul.u32 $0x6000, s5;
	s9 =	ssub.s32 $0x2, s5  }
0x8: {  	_ =	strace $0x80000056;
	s5 =	smul.u32 $0xC000, s5;
	s30 =	sshrl.u32 s9, $0x1  }
0x9: {  	s29 =	sadd.s32 s8, s4;
	s6 =	sadd.s32 s7, s6;
	s8 =	ssub.s32 s9, s30  }
0xa: {  	s5 =	sadd.s32 s5, s29;
	s9 =	simm.s32 $0x800;
	s6 =	sshrl.u32 s6, $0x3  }
0xb: {  	s5 =	sadd.s32 $0x4F1200, s5;
	s31 =	sadd.s32 s6, s4;
	s4 =	smax.u32 s8, $0x1  }
0xc: {  	s8 =	simm.s32 $0x3;
	s6 =	sadd.s32 $0x6D200, s31;
	s7 =	sadd.s32 $0x55200, s31  }
.LBB2_1:
0xd: {  	s15 =	sadd.s32 $0x0, s7  }
0xe: {  	[tilespmem:s2], [sflag:$0x3] =	stream.linear.gather [hbm4b:s15+s2], $0x800, $0x38;
	[tilespmem:$0x11000] =	vst v63  }
0xf: {  	_ =	swait.ge [sflag:s8], $0x800  }
0x10: {  	[sflag:s8] =	ssyncset.done $0x0  }
0x11: {  	s30 =	sadd.s32 $0x0, s6;
	[sflag:s8] =	ssyncadd.s32 $0xFFFFF800  }
0x12: {  	[tilespmem:s9], [sflag:$0x3] =	stream.linear.gather [hbm4b:s30+s2], $0x800, $0x38;
	[tilespmem:$0x11000] =	vst v63  }
0x13: {  	_ =	swait.ge [sflag:s8], $0x800  }
0x14: {  	[sflag:s8] =	ssyncset.done $0x0  }
0x15: {  	[sflag:s8] =	ssyncadd.s32 $0xFFFFF800  }
0x16: {  	[tilespmem:s10], [sflag:$0x1] =	stream.indirect.gather [hbm4b:s3+s9], $0x10, s2, s9, $0xb8;
	[tilespmem:$0x11000] =	vst v63  }
0x17: {  	_ = 	snop  }
0x18: {  	[tilespmem:s11], [sflag:$0x2] =	stream.indirect.gather [hbm4b:s3+s9], $0x10, s9, s9, $0xb8;
	[tilespmem:$0x11000] =	vst v63  }
0x19: {  	_ =	swait.ge [sflag:s12], $0x8000  }
0x1a: {  	[sflag:s12] =	ssyncset.done $0x0  }
0x1b: {  	[sflag:s12] =	ssyncadd.s32 $0xFFFF8000  }
0x1c: {  	_ =	swait.ge [sflag:s13], $0x8000  }
0x1d: {  	[sflag:s13] =	ssyncset.done $0x0  }
0x1e: {  	s31 =	sadd.s32 $0xFFE80000, s5;
	[sflag:s13] =	ssyncadd.s32 $0xFFFF8000  }
0x1f: {  	[hbm4b:s31+s2] =	stream.linear.scatter [tilespmem:s10], [sflag:$0x3], $0x8000, $0x38;
	[tilespmem:$0x11000] =	vst v63  }
0x20: {  	_ =	swait.ge [sflag:s8], $0x8000  }
0x21: {  	[sflag:s8] =	ssyncset.done $0x0  }
0x22: {  	[sflag:s8] =	ssyncadd.s32 $0xFFFF8000  }
0x23: {  	[hbm4b:s5+s2] =	stream.linear.scatter [tilespmem:s11], [sflag:$0x3], $0x8000, $0x38;
	[tilespmem:$0x11000] =	vst v63  }
0x24: {  	s16 =	simm.s32 $0x100;
	_ =	swait.ge [sflag:s8], $0x8000  }
0x25: {  	s17 =	simm.s32 $0x200;
	s15 =	sadd.s32 $0x1000, s5;
	[sflag:s8] =	ssyncset.done $0x0  }
.LBB2_2:
0x26: {  	s18 =	sadd.s32 s16, s7  }
0x27: {  	[sflag:s8] =	ssyncadd.s32 $0xFFFF8000;
	s19 =	smov.u32 s17;
	s20 =	sadd.s32 $0x100, s17  }
0x28: {  	[tilespmem:s2], [sflag:$0x3] =	stream.linear.gather [hbm4b:s18+s2], $0x800, $0x38;
	[tilespmem:$0x11000] =	vst v63  }
0x29: {  	p0 =	sne.s32 s17, $0xB00;
	_ =	swait.ge [sflag:s8], $0x800  }
0x2a: {  	[sflag:s8] =	ssyncset.done $0x0  }
0x2b: {  	s17 =	sadd.s32 s16, s6;
	s16 =	smov.u32 s19;
	[sflag:s8] =	ssyncadd.s32 $0xFFFFF800  }
0x2c: {  	[tilespmem:s9], [sflag:$0x3] =	stream.linear.gather [hbm4b:s17+s2], $0x800, $0x38;
	[tilespmem:$0x11000] =	vst v63  }
0x2d: {  	_ =	swait.ge [sflag:s8], $0x800  }
0x2e: {  	[sflag:s8] =	ssyncset.done $0x0  }
0x2f: {  	[sflag:s8] =	ssyncadd.s32 $0xFFFFF800  }
0x30: {  	[tilespmem:s10], [sflag:$0x1] =	stream.indirect.gather [hbm4b:s3+s9], $0x10, s2, s9, $0xb8;
	[tilespmem:$0x11000] =	vst v63  }
0x31: {  	_ = 	snop  }
0x32: {  	[tilespmem:s11], [sflag:$0x2] =	stream.indirect.gather [hbm4b:s3+s9], $0x10, s9, s9, $0xb8;
	[tilespmem:$0x11000] =	vst v63  }
0x33: {  	_ =	swait.ge [sflag:s12], $0x8000  }
0x34: {  	[sflag:s12] =	ssyncset.done $0x0  }
0x35: {  	[sflag:s12] =	ssyncadd.s32 $0xFFFF8000  }
0x36: {  	_ =	swait.ge [sflag:s13], $0x8000  }
0x37: {  	[sflag:s13] =	ssyncset.done $0x0  }
0x38: {  	s17 =	sadd.s32 $0xFFE80000, s15;
	[sflag:s13] =	ssyncadd.s32 $0xFFFF8000  }
0x39: {  	[hbm4b:s17+s2] =	stream.linear.scatter [tilespmem:s10], [sflag:$0x3], $0x8000, $0x38;
	[tilespmem:$0x11000] =	vst v63  }
0x3a: {  	_ =	swait.ge [sflag:s8], $0x8000  }
.Ltmp0:
0x3b: {  	[sflag:s8] =	ssyncset.done $0x0;
	(pc) =	sbr.rel @p0 .LBB2_2-.Ltmp0, $4  }
0x3c: {  	[sflag:s8] =	ssyncadd.s32 $0xFFFF8000  }
0x3d: {  	[hbm4b:s15+s2] =	stream.linear.scatter [tilespmem:s11], [sflag:$0x3], $0x8000, $0x38;
	[tilespmem:$0x11000] =	vst v63  }
0x3e: {  	_ =	swait.ge [sflag:s8], $0x8000  }
0x3f: {  	s17 =	smov.u32 s20;
	s15 =	sadd.s32 $0x1000, s15;
	[sflag:s8] =	ssyncset.done $0x0  }
0x40: {  	s17 =	sadd.s32 s16, s7;
	[sflag:s8] =	ssyncadd.s32 $0xFFFF8000  }
0x41: {  	[tilespmem:s2], [sflag:$0x3] =	stream.linear.gather [hbm4b:s17+s2], $0x800, $0x38;
	[tilespmem:$0x11000] =	vst v63  }
0x42: {  	_ =	swait.ge [sflag:s8], $0x800  }
0x43: {  	[sflag:s8] =	ssyncset.done $0x0  }
0x44: {  	s30 =	sadd.s32 s16, s6;
	[sflag:s8] =	ssyncadd.s32 $0xFFFFF800  }
0x45: {  	[tilespmem:s9], [sflag:$0x3] =	stream.linear.gather [hbm4b:s30+s2], $0x800, $0x38;
	[tilespmem:$0x11000] =	vst v63  }
0x46: {  	_ =	swait.ge [sflag:s8], $0x800  }
0x47: {  	[sflag:s8] =	ssyncset.done $0x0  }
0x48: {  	[sflag:s8] =	ssyncadd.s32 $0xFFFFF800  }
0x49: {  	[tilespmem:s10], [sflag:$0x1] =	stream.indirect.gather [hbm4b:s3+s9], $0x10, s2, s9, $0xb8;
	[tilespmem:$0x11000] =	vst v63  }
0x4a: {  	_ = 	snop  }
0x4b: {  	[tilespmem:s11], [sflag:$0x2] =	stream.indirect.gather [hbm4b:s3+s9], $0x10, s9, s9, $0xb8;
	[tilespmem:$0x11000] =	vst v63  }
0x4c: {  	_ =	swait.ge [sflag:s12], $0x8000  }
0x4d: {  	[sflag:s12] =	ssyncset.done $0x0  }
0x4e: {  	[sflag:s12] =	ssyncadd.s32 $0xFFFF8000  }
0x4f: {  	_ =	swait.ge [sflag:s13], $0x8000  }
0x50: {  	[sflag:s13] =	ssyncset.done $0x0  }
0x51: {  	s31 =	sadd.s32 $0xFFE80000, s15;
	[sflag:s13] =	ssyncadd.s32 $0xFFFF8000  }
0x52: {  	[hbm4b:s31+s2] =	stream.linear.scatter [tilespmem:s10], [sflag:$0x3], $0x8000, $0x38;
	[tilespmem:$0x11000] =	vst v63  }
0x53: {  	s14 =	sadd.s32 $0x1, s14;
	_ =	swait.ge [sflag:s8], $0x8000  }
0x54: {  	p0 =	sne.s32 s14, s4;
	[sflag:s8] =	ssyncset.done $0x0  }
.Ltmp1:
0x55: {  	[sflag:s8] =	ssyncadd.s32 $0xFFFF8000;
	(pc) =	sbr.rel @p0 .LBB2_1-.Ltmp1, $4  }
0x56: {  	[hbm4b:s15+s2] =	stream.linear.scatter [tilespmem:s11], [sflag:$0x3], $0x8000, $0x38;
	[tilespmem:$0x11000] =	vst v63  }
0x57: {  	_ =	swait.ge [sflag:s8], $0x8000  }
0x58: {  	[sflag:s8] =	ssyncset.done $0x0  }
0x59: {  	[sflag:s8] =	ssyncadd.s32 $0xFFFF8000  }
0x5a: {  	_ =	sfence.sel $0x180000  }
0x5b: {  	[bflag:$0x0] =	sbarrier.arrive $0xFFFF  }
0x5c: {  	p0 =	sne.s32 s1, $0x0;
	_ =	strace $0x90000056  }
0x5d: {  	s0 =	sadd.s32 @!p0 $0x100000, s0;
	[bflag:$0x2] =	sbarrier.arrive $0xFFFF  }
0x5e: {  	[sflag:s0] =	ssyncadd.tile.s32 @!p0 $0x1;
	_ =	shalt  }
.Lfunc_end2:
_tile_overlayer_lowered:
.L_overlay_start_2:
0x5f: {  	(tag) =	ssettag $0x2  }
0x60: {  	s0 =	rddreg [dreg:$0x0];
	s2 =	stileid.u32  }
0x61: {  	s1 =	rddreg [dreg:$0x1];
	p0 =	sne.s32 s2, $0x0  }
0x62: {  	s3 =	rddreg [dreg:$0x2];
	[bflag:$0x3] =	sbarrier.arrive $0xFFFF;
	s2 =	simm.s32 @!p0 $0x1C03  }
0x63: {  	[timem:s3], [sflag:s2] =	dma.local @!p0 [hbm:s0], s1  }
0x64: {  	s0 =	simm.s32 @!p0 $0x3  }
0x65: {  	_ =	swait.ge @!p0 [sflag:s0], s1  }
0x66: {  	s1 =	ssub.s32 @!p0 $0x0, s1;
	[sflag:s0] =	ssyncset.done @!p0 $0x0  }
0x67: {  	[sflag:s0] =	ssyncadd.s32 @!p0 s1  }
0x68: {  	[bflag:$0x3] =	sbarrier.arrive $0xFFFF  }
0x69: {  	_ =	shalt  }

// kernel: kernel.38.cloned.1.call-start
scs
__scs_entry_jumppad:
0x0: {  	(pc) =	sbr.rel $0x88, $3  }
0x1: {  	(tag) =	ssettag $0x0;
	lr =	simm.s32 $0x1  }
0x2: {  	[smem:$0x3F7B] =	sst lr;
	_ =	strace $0xD0000000  }
0x3: {  	_ = 	snop  }
0x4: {  	_ = 	snop  }
0x5: {  	_ = 	snop  }
0x6: {  	_ = 	snop  }
0x7: {  	_ = 	snop  }
__scs_overlays_trampoline_lowered:
0x8: {  	[smem:$0x3F8A] =	sst s0  }
0x9: {  	[smem:$0x3F8B] =	sst s1  }
0xa: {  	[smem:$0x3F8C] =	sst s2  }
0xb: {  	[smem:$0x3F8D] =	sst s3  }
0xc: {  	[smem:$0x3F8E] =	sst s4  }
0xd: {  	[smem:$0x3F8F] =	sst s5  }
0xe: {  	[smem:$0x3F90] =	sst s6  }
0xf: {  	[smem:$0x3F91] =	sst s7  }
0x10: {  	[smem:$0x3F92] =	sst s8  }
0x11: {  	[smem:$0x3F93] =	sst s9;
	s0 =	simm.s32 @!p0 $0x0  }
0x12: {  	s1 =	sld [smem:$0x3F79];
	s0 =	simm.s32 @p0 $0x1  }
0x13: {  	[smem:$0x3F94] =	sst s0;
	s0 =	simm.s32 @!p1 $0x0  }
0x14: {  	s2 =	sld [smem:$0x3F78];
	s0 =	simm.s32 @p1 $0x1  }
0x15: {  	[smem:$0x3F95] =	sst s0;
	s0 =	simm.s32 @!p2 $0x0  }
0x16: {  	s3 =	sld [smem:$0x3FDB];
	s0 =	simm.s32 @p2 $0x1  }
0x17: {  	s4 =	simm.s32 $0x1BF5;
	[smem:$0x3F97] =	sst s0  }
0x18: {  	s0 =	sld [smem:$0x3F7A];
	_ =	swait.ge [sflag:s4], $0x0  }
0x19: {  	s7 =	sld [smem:$0x3F7B]  }
0x1a: {  	s8 =	sadd.s32 $0xFFFFE003, lr  }
0x1b: {  	s9 =	sadd.s32 $0xFFFFFEF7, lr;
	s5 =	simm.s32 $0xFFFFFFFF;
	p2 =	slt.u32 s8, $0xFFFFF086  }
0x1c: {  	p1 =	slt.u32 s9, $0xF7A;
	s5 =	simm.s32 @!p2 $0x0  }
0x1d: {  	s5 =	simm.s32 @p1 $0x1;
	p0 =	seq.s32 s7, s2  }
0x1e: {  	s7 =	smul.u32 @!p0 $0xF7A, s2;
	p2 =	seq.s32 @!p0 s5, $0x0  }
0x1f: {  	s9 =	smul.u32 $0xF7A, s1;
	s8 =	simm.s32 @!p0 $0x1BF5;
	p2 =	por !p2, p0  }
0x20: {  	[sflag:s8] =	ssyncset.s32 @!p0 $0xFFFFF086;
	s6 =	sadd.s32 @!p0 s3, s7;
	s7 =	simm.s32 @!p0 $0x108  }
0x21: {  	s3 =	sadd.s32 s3, s9;
	s6 =	sadd.s32 @!p0 $0x88, s6;
	s7 =	simm.s32 @p2 $0x1082  }
0x22: {  	[simem:s7], [sflag:s8] =	dma.local @!p0 [hbm:s6], $0xF7A  }
0x23: {  	s9 =	sor.u32 $0xD0000000, s2;
	s6 =	simm.s32 $0x108;
	_ =	swait.ge @!p0 [sflag:s8], $0x0  }
0x24: {  	s3 =	sadd.s32 $0x88, s3;
	s6 =	simm.s32 @!p1 $0x1082;
	[sflag:s4] =	ssyncset.s32 $0xFFFFF086  }
0x25: {  	[simem:s6], [sflag:s4] =	dma.local [hbm:s3], $0xF7A  }
0x26: {  	[smem:$0x3F7B] =	sst s1;
	(tag) =	ssettag s2;
	_ =	strace s9  }
0x27: {  	s1 =	sld [smem:$0x3F8B]  }
0x28: {  	s2 =	sld [smem:$0x3F8C]  }
0x29: {  	s4 =	sld [smem:$0x3F8E]  }
0x2a: {  	p0 =	seq.s32 s5, $0x0;
	s5 =	sld [smem:$0x3F8F]  }
0x2b: {  	s6 =	sld [smem:$0x3F90]  }
0x2c: {  	s7 =	sld [smem:$0x3F91]  }
0x2d: {  	s3 =	simm.s32 $0x108;
	s8 =	sld [smem:$0x3F92]  }
0x2e: {  	s3 =	simm.s32 @!p0 $0x1082;
	s9 =	sld [smem:$0x3F93]  }
0x2f: {  	lr =	sadd.s32 s0, s3;
	s0 =	sld [smem:$0x3F8A]  }
0x30: {  	s3 =	sld [smem:$0x3F8D]  }
0x31: {  	[smem:$0x3F96] =	sst s10  }
0x32: {  	s10 =	sld [smem:$0x3F94];
	_ =	sdelay $0x3  }
0x33: {  	p0 =	seq.s32 s10, $0x1;
	s10 =	sld [smem:$0x3F96];
	_ =	sdelay $0x3  }
0x34: {  	[smem:$0x3F96] =	sst s10  }
0x35: {  	s10 =	sld [smem:$0x3F95];
	_ =	sdelay $0x3  }
0x36: {  	p1 =	seq.s32 s10, $0x1;
	s10 =	sld [smem:$0x3F96];
	_ =	sdelay $0x3  }
0x37: {  	[smem:$0x3F96] =	sst s10  }
0x38: {  	s10 =	sld [smem:$0x3F97]  }
0x39: {  	_ = 	snop;
	(pc) =	sbr.ind lr, $3  }
0x3a: {  	_ = 	snop  }
0x3b: {  	_ = 	snop  }
0x3c: {  	p2 =	seq.s32 s10, $0x1;
	s10 =	sld [smem:$0x3F96]  }
0x3d: {  	_ =	shalt  }
0x3e: {  	_ =	shalt  }
0x3f: {  	_ =	shalt  }
0x40: {  	_ =	shalt  }
0x41: {  	_ =	shalt  }
0x42: {  	_ =	shalt  }
0x43: {  	_ =	shalt  }
0x44: {  	_ =	shalt  }
0x45: {  	_ =	shalt  }
0x46: {  	_ =	shalt  }
0x47: {  	_ =	shalt  }
0x48: {  	_ =	shalt  }
0x49: {  	_ =	shalt  }
0x4a: {  	_ =	shalt  }
0x4b: {  	_ =	shalt  }
0x4c: {  	_ =	shalt  }
0x4d: {  	_ =	shalt  }
0x4e: {  	_ =	shalt  }
0x4f: {  	_ =	shalt  }
0x50: {  	_ =	shalt  }
0x51: {  	_ =	shalt  }
0x52: {  	_ =	shalt  }
0x53: {  	_ =	shalt  }
0x54: {  	_ =	shalt  }
0x55: {  	_ =	shalt  }
0x56: {  	_ =	shalt  }
0x57: {  	_ =	shalt  }
0x58: {  	_ =	shalt  }
0x59: {  	_ =	shalt  }
0x5a: {  	_ =	shalt  }
0x5b: {  	_ =	shalt  }
0x5c: {  	_ =	shalt  }
0x5d: {  	_ =	shalt  }
0x5e: {  	_ =	shalt  }
0x5f: {  	_ =	shalt  }
0x60: {  	_ =	shalt  }
0x61: {  	_ =	shalt  }
0x62: {  	_ =	shalt  }
0x63: {  	_ =	shalt  }
0x64: {  	_ =	shalt  }
0x65: {  	_ =	shalt  }
0x66: {  	_ =	shalt  }
0x67: {  	_ =	shalt  }
0x68: {  	_ =	shalt  }
0x69: {  	_ =	shalt  }
0x6a: {  	_ =	shalt  }
0x6b: {  	_ =	shalt  }
0x6c: {  	_ =	shalt  }
0x6d: {  	_ =	shalt  }
0x6e: {  	_ =	shalt  }
0x6f: {  	_ =	shalt  }
0x70: {  	_ =	shalt  }
0x71: {  	_ =	shalt  }
0x72: {  	_ =	shalt  }
0x73: {  	_ =	shalt  }
0x74: {  	_ =	shalt  }
0x75: {  	_ =	shalt  }
0x76: {  	_ =	shalt  }
0x77: {  	_ =	shalt  }
0x78: {  	_ =	shalt  }
0x79: {  	_ =	shalt  }
0x7a: {  	_ =	shalt  }
0x7b: {  	_ =	shalt  }
0x7c: {  	_ =	shalt  }
0x7d: {  	_ =	shalt  }
0x7e: {  	_ =	shalt  }
0x7f: {  	_ =	shalt  }
0x80: {  	_ =	shalt  }
0x81: {  	_ =	shalt  }
0x82: {  	_ =	shalt  }
0x83: {  	_ =	shalt  }
0x84: {  	_ =	shalt  }
0x85: {  	_ =	shalt  }
0x86: {  	_ =	shalt  }
0x87: {  	_ =	shalt  }
.Lfunc_end0:
.L_simem_size_0:
called_computation.7_lowered:
.L_overlay_start_0:
0x88: {  	s2 =	sld [smem:$0x3FD9]  }
0x89: {  	s3 =	sld [smem:$0x3FFE];
	_ =	sdelay $0x1  }
0x8a: {  	s1 =	srdreg.scid  }
0x8b: {  	s0 =	sand.u32 $0x1, s1  }
0x8c: {  	s17 =	sshll.u32 s0, $0xA;
	s2 =	sadd.s32 s3, s2  }
0x8d: {  	s2 =	sadd.s32 s2, s17  }
0x8e: {  	[smem:$0x3FA2] =	sst s2  }
0x8f: {  	_ = 	snop  }
0x90: {  	(tm) =	ssettm $0x1  }
0x91: {  	s18 =	sld [smem:$0x3FFB];
	_ =	sdelay $0x3  }
0x92: {  	_ =	strace s18  }
0x93: {  	s2 =	sld [smem:$0x3FFC];
	_ =	sdelay $0x3  }
0x94: {  	_ =	strace s2  }
0x95: {  	s2 =	sld [smem:$0x3FFD];
	_ =	sdelay $0x3  }
0x96: {  	_ =	strace s2  }
0x97: {  	_ =	strace $0x8FFFFFFF  }
0x98: {  	s19 =	sld [smem:$0x3FDB];
	_ =	sdelay $0x1  }
0x99: {  	s20 =	simm.s32 $_scs_section_size  }
0x9a: {  	s4 =	simm.s32 $_size__tile_overlayer_lowered;
	s5 =	simm.s32 $_tile_overlayer_lowered  }
0x9b: {  	s6 =	simm.s32 $0x1BFF;
	s21 =	sshll.u32 s5, $0x1;
	s3 =	sadd.s32 s20, s19  }
0x9c: {  	s22 =	simm.s32 $0x0;
	s4 =	sshll.u32 s4, $0x1;
	s5 =	sadd.s32 s21, s3  }
0x9d: {  	[timem:s22], [sflag:s6] =	dma.local [hbm:s5], s4  }
0x9e: {  	_ =	swait.ge [sflag:s6], s4  }
0x9f: {  	s4 =	ssub.s32 $0x0, s4;
	[sflag:s6] =	ssyncset.done $0x0  }
0xa0: {  	[sflag:s6] =	ssyncadd.s32 s4;
	_ =	sdelay $0x1  }
0xa1: {  	s23 =	simm.s32 $0x1B8B  }
0xa2: {  	_ =	swait.ge [sflag:s23], $0x1  }
0xa3: {  	[sflag:s23] =	ssyncset.done $0x0  }
0xa4: {  	[sflag:s23] =	ssyncadd.s32 $0xFFFFFFFF  }
0xa5: {  	s4 =	sld [smem:$0x0]  }
0xa6: {  	s5 =	sand.u32 $0xFFFFFFFE, s1  }
0xa7: {  	p0 =	sne.s32 s1, s5  }
0xa8: {  	s5 =	sshll.u32 @p0 s5, $0xE  }
0xa9: {  	s5 =	sadd.s32 @p0 $0x11B8D, s5;
	s6 =	sshll.u32 @p0 s4, $0x11  }
0xaa: {  	s5 =	sor.u32 @p0 s6, s5  }
0xab: {  	[sflag:s5] =	ssyncadd.remote.s32 @p0 $0x1;
	_ =	sdelay $0x1  }
0xac: {  	s5 =	simm.s32 @p0 $0x1B8D  }
0xad: {  	_ =	swait.eq @p0 [sflag:s5], $0x1  }
0xae: {  	[sflag:s5] =	ssyncadd.s32 @p0 $0xFFFFFFFF  }
0xaf: {  	s6 =	sshll.u32 @!p0 s1, $0xE  }
0xb0: {  	s6 =	sor.u32 @!p0 $0x4000, s6;
	s5 =	simm.s32 @!p0 $0x1B8D  }
0xb1: {  	s4 =	sshll.u32 @!p0 s4, $0x11;
	s6 =	sadd.s32 @!p0 $0x11B8D, s6;
	_ =	swait.eq @!p0 [sflag:s5], $0x1  }
0xb2: {  	s4 =	sor.u32 @!p0 s4, s6;
	[sflag:s5] =	ssyncadd.s32 @!p0 $0xFFFFFFFF  }
0xb3: {  	s25 =	simm.s32 $0x1B8E;
	s24 =	sld [smem:$0x3FFE];
	[sflag:s4] =	ssyncadd.remote.s32 @!p0 $0x1  }
0xb4: {  	s26 =	simm.s32 $execute0_lowered;
	[smem:$0x3FD2] =	sst s25  }
0xb5: {  	s5 =	sshll.u32 s26, $0x1;
	_ =	strace $0x8000005B;
	[dreg:$0x1] =	wrdreg $0xFFFFFFFF  }
0xb6: {  	s28 =	simm.s32 $_size_execute0_lowered;
	s3 =	sadd.s32 s3, s5;
	[dreg:$0x0] =	wrdreg $0x0  }
0xb7: {  	s5 =	sshll.u32 s28, $0x1;
	[dreg:$0x2] =	wrdreg s3  }
0xb8: {  	[dreg:$0x3] =	wrdreg s5  }
0xb9: {  	[dreg:$0x4] =	wrdreg $0xC0  }
0xba: {  	_ =	task [dreg:s22], $0x5FFFF  }
0xbb: {  	[dreg:$0x1] =	wrdreg $0xFFFFFFFF  }
0xbc: {  	[dreg:$0x0] =	wrdreg $0x60  }
0xbd: {  	[dreg:$0x2] =	wrdreg s24  }
0xbe: {  	[dreg:$0x3] =	wrdreg $0x0  }
0xbf: {  	[dreg:$0x4] =	wrdreg $0xA  }
0xc0: {  	_ =	task.clear_ibuf [dreg:s22], $0x5FFFF;
	_ =	strace $0x9000005B  }
0xc1: {  	s29 =	simm.s32 $0xA;
	_ =	strace $0x8000005D  }
0xc2: {  	_ =	swait.ge [sflag:s29], $0x1  }
0xc3: {  	[sflag:s29] =	ssyncadd.s32 $0xFFFFFFFF  }
0xc4: {  	_ =	strace $0x9000005D  }
0xc5: {  	_ =	sfence  }
0xc6: {  	s30 =	sld [smem:$0x0];
	_ =	sdelay $0x2  }
0xc7: {  	s31 =	sshll.u32 s1, $0xD;
	s1 =	sshrl.u32 s1, $0x2  }
0xc8: {  	s4 =	sand.u32 $0x4000, s31;
	s1 =	sadd.s32 s1, s30  }
0xc9: {  	s0 =	sor.u32 s4, s0;
	s1 =	sshll.u32 s1, $0x11  }
0xca: {  	s0 =	sor.u32 s1, s0  }
0xcb: {  	s0 =	sadd.s32 $0x8F2B, s0  }
0xcc: {  	[sflag:s0] =	ssyncadd.remote.s32 $0x1  }
0xcd: {  	_ =	sfence.sel $0xFFFF  }
0xce: {  	[dreg:$0x0] =	wrdreg $0xFFFFFFFF;
	(pc) =	sbr.abs _section_cstart, $3  }
0xcf: {  	[dreg:$0x1] =	wrdreg $0xFFFFFFFF  }
0xd0: {  	_ =	task.clear_ibuf [dreg:s22], $0x2FFFF;
	_ =	strace $0x9FFFFFFF  }
0xd1: {  	(tm) =	ssettm $0x7FFFFFFF  }
tec
execute0_lowered:
.L_overlay_start_1:
0x0: {  	(tag) =	ssettag $0x1  }
0x1: {  	s0 =	stileid.u32  }
0x2: {  	s1 =	srdreg.scid;
	s4 =	rddreg [dreg:$0x0]  }
0x3: {  	s2 =	rddreg [dreg:$0x1];
	s3 =	simm.s32 $0x0;
	s6 =	smul.u32 $0xC000, s0  }
0x4: {  	s14 =	simm.s32 $0x200;
	s15 =	simm.s32 $0x0;
	s8 =	smul.u32 $0x30000, s0  }
0x5: {  	s5 =	sand.u32 $0x1, s1;
	s1 =	rddreg [dreg:$0x2];
	s28 =	smul.u32 $0x186A0, s0  }
0x6: {  	[smem:$0x7FF] =	sst s3;
	s31 =	sshll.u32 s0, $0x6;
	s7 =	smul.u32 $0x6000, s5  }
0x7: {  	s9 =	smul.u32 $0x186A00, s5;
	_ =	strace $0x8000005C;
	s11 =	ssub.s32 $0x2, s5  }
0x8: {  	s30 =	smul.u32 $0x18000, s5;
	s5 =	sor.u32 $0x1C01, s31;
	s8 =	sadd.s32 s8, s4  }
0x9: {  	s29 =	sshrl.u32 s28, $0x3;
	s12 =	sshrl.u32 s11, $0x1;
	s13 =	sadd.s32 s28, s2  }
0xa: {  	s6 =	sadd.s32 s7, s6;
	s9 =	sadd.s32 s28, s9;
	s11 =	ssub.s32 s11, s12  }
0xb: {  	s8 =	sadd.s32 s30, s8;
	s12 =	simm.s32 $0x186A0;
	s6 =	sshrl.u32 s6, $0x3  }
0xc: {  	s9 =	sshrl.u32 s9, $0x3;
	s7 =	smax.u32 s11, $0x1;
	s8 =	sadd.s32 $0x7A3800, s8  }
0xd: {  	s10 =	sadd.s32 s6, s4;
	s6 =	sadd.s32 s29, s4;
	s9 =	sadd.s32 s9, s4  }
0xe: {  	s11 =	simm.s32 $0x1;
	s4 =	sadd.s32 $0x85200, s6;
	s6 =	sadd.s32 $0xAA3800, s9  }
0xf: {  	s9 =	sadd.s32 $0x6D200, s10;
	s10 =	sshrl.u32 s13, $0x3;
	s13 =	simm.s32 $0x188A0  }
.LBB2_1:
0x10: {  	[spmem:s10], [sflag:s5] =	dma.local [hbm:s4], $0x30D4  }
0x11: {  	_ =	swait.ge [sflag:s11], $0x30D4  }
0x12: {  	[sflag:s11] =	ssyncset.done $0x0  }
0x13: {  	[sflag:s11] =	ssyncadd.s32 $0xFFFFCF2C  }
0x14: {  	s16 =	sadd.s32 $0x0, s9;
	[bflag:$0x0] =	sbarrier.arrive $0xFFFF  }
0x15: {  	[tilespmem:s12], [sflag:$0x1] =	stream.linear.gather [hbm4b:s16+s3], $0x200, $0x38;
	[tilespmem:$0x1C8A0] =	vst v63  }
0x16: {  	_ =	swait.ge [sflag:s11], $0x200  }
0x17: {  	[sflag:s11] =	ssyncset.done $0x0  }
0x18: {  	[sflag:s11] =	ssyncadd.s32 $0xFFFFFE00  }
0x19: {  	[tilespmem:s13], [sflag:$0x1] =	stream.linear.gather [hbm4b:s8+s3], $0x4000, $0x38;
	[tilespmem:$0x1C8A0] =	vst v63  }
0x1a: {  	_ =	swait.ge [sflag:s11], $0x4000  }
0x1b: {  	[sflag:s11] =	ssyncset.done $0x0  }
0x1c: {  	[sflag:s11] =	ssyncadd.s32 $0xFFFFC000  }
0x1d: {  	[spmem:s2] =	stream.indirect.scatter.add.f32 [tilespmem:s13], [sflag:$0x1], $0x20, s12, s14, $0xb8;
	[tilespmem:$0x1C8A0] =	vst v63  }
0x1e: {  	s17 =	simm.s32 $0x40;
	_ =	swait.ge [sflag:s11], $0x4000  }
0x1f: {  	s18 =	simm.s32 $0x80;
	s16 =	sadd.s32 $0x800, s8;
	[sflag:s11] =	ssyncset.done $0x0  }
.LBB2_2:
0x20: {  	s19 =	sadd.s32 s17, s9  }
0x21: {  	[sflag:s11] =	ssyncadd.s32 $0xFFFFC000;
	s17 =	smov.u32 s18;
	s20 =	sadd.s32 $0x40, s18  }
0x22: {  	[tilespmem:s12], [sflag:$0x1] =	stream.linear.gather [hbm4b:s19+s3], $0x200, $0x38;
	[tilespmem:$0x1C8A0] =	vst v63  }
0x23: {  	p0 =	sne.s32 s18, $0xBC0;
	_ =	swait.ge [sflag:s11], $0x200  }
0x24: {  	[sflag:s11] =	ssyncset.done $0x0  }
0x25: {  	[sflag:s11] =	ssyncadd.s32 $0xFFFFFE00  }
0x26: {  	[tilespmem:s13], [sflag:$0x1] =	stream.linear.gather [hbm4b:s16+s3], $0x4000, $0x38;
	[tilespmem:$0x1C8A0] =	vst v63  }
0x27: {  	_ =	swait.ge [sflag:s11], $0x4000  }
.Ltmp0:
0x28: {  	[sflag:s11] =	ssyncset.done $0x0;
	(pc) =	sbr.rel @p0 .LBB2_2-.Ltmp0, $4  }
0x29: {  	[sflag:s11] =	ssyncadd.s32 $0xFFFFC000  }
0x2a: {  	[spmem:s2] =	stream.indirect.scatter.add.f32 [tilespmem:s13], [sflag:$0x1], $0x20, s12, s14, $0xb8;
	[tilespmem:$0x1C8A0] =	vst v63  }
0x2b: {  	_ =	swait.ge [sflag:s11], $0x4000  }
0x2c: {  	s18 =	smov.u32 s20;
	s16 =	sadd.s32 $0x800, s16;
	[sflag:s11] =	ssyncset.done $0x0  }
0x2d: {  	s17 =	sadd.s32 s17, s9;
	[sflag:s11] =	ssyncadd.s32 $0xFFFFC000  }
0x2e: {  	[tilespmem:s12], [sflag:$0x1] =	stream.linear.gather [hbm4b:s17+s3], $0x200, $0x38;
	[tilespmem:$0x1C8A0] =	vst v63  }
0x2f: {  	_ =	swait.ge [sflag:s11], $0x200  }
0x30: {  	[sflag:s11] =	ssyncset.done $0x0  }
0x31: {  	[sflag:s11] =	ssyncadd.s32 $0xFFFFFE00  }
0x32: {  	[tilespmem:s13], [sflag:$0x1] =	stream.linear.gather [hbm4b:s16+s3], $0x4000, $0x38;
	[tilespmem:$0x1C8A0] =	vst v63  }
0x33: {  	_ =	swait.ge [sflag:s11], $0x4000  }
0x34: {  	[sflag:s11] =	ssyncset.done $0x0  }
0x35: {  	[sflag:s11] =	ssyncadd.s32 $0xFFFFC000  }
0x36: {  	[spmem:s2] =	stream.indirect.scatter.add.f32 [tilespmem:s13], [sflag:$0x1], $0x20, s12, s14, $0xb8;
	[tilespmem:$0x1C8A0] =	vst v63  }
0x37: {  	_ =	swait.ge [sflag:s11], $0x4000  }
0x38: {  	s15 =	sadd.s32 $0x1, s15;
	[sflag:s11] =	ssyncset.done $0x0  }
0x39: {  	p0 =	sne.s32 s15, s7;
	[sflag:s11] =	ssyncadd.s32 $0xFFFFC000  }
.Ltmp1:
0x3a: {  	[bflag:$0x0] =	sbarrier.arrive $0xFFFF;
	(pc) =	sbr.rel @p0 .LBB2_1-.Ltmp1, $4  }
0x3b: {  	[hbm:s6], [sflag:s5] =	dma.local [spmem:s10], $0x30D4  }
0x3c: {  	_ =	swait.ge [sflag:s11], $0x30D4  }
0x3d: {  	[sflag:s11] =	ssyncset.done $0x0  }
0x3e: {  	[sflag:s11] =	ssyncadd.s32 $0xFFFFCF2C  }
0x3f: {  	_ =	sfence.sel $0x180000  }
0x40: {  	[bflag:$0x0] =	sbarrier.arrive $0xFFFF  }
0x41: {  	p0 =	sne.s32 s0, $0x0;
	_ =	strace $0x9000005C  }
0x42: {  	s0 =	sadd.s32 @!p0 $0x100000, s1;
	[bflag:$0x2] =	sbarrier.arrive $0xFFFF  }
0x43: {  	[sflag:s0] =	ssyncadd.tile.s32 @!p0 $0x1;
	_ =	shalt  }
.Lfunc_end2:
_tile_overlayer_lowered:
.L_overlay_start_2:
0x44: {  	(tag) =	ssettag $0x2  }
0x45: {  	s0 =	rddreg [dreg:$0x0];
	s2 =	stileid.u32  }
0x46: {  	s1 =	rddreg [dreg:$0x1];
	p0 =	sne.s32 s2, $0x0  }
0x47: {  	s3 =	rddreg [dreg:$0x2];
	[bflag:$0x3] =	sbarrier.arrive $0xFFFF;
	s2 =	simm.s32 @!p0 $0x1C01  }
0x48: {  	[timem:s3], [sflag:s2] =	dma.local @!p0 [hbm:s0], s1  }
0x49: {  	s0 =	simm.s32 @!p0 $0x1  }
0x4a: {  	_ =	swait.ge @!p0 [sflag:s0], s1  }
0x4b: {  	s1 =	ssub.s32 @!p0 $0x0, s1;
	[sflag:s0] =	ssyncset.done @!p0 $0x0  }
0x4c: {  	[sflag:s0] =	ssyncadd.s32 @!p0 s1  }
0x4d: {  	[bflag:$0x3] =	sbarrier.arrive $0xFFFF  }
0x4e: {  	_ =	shalt  }

</sc_bundles>
